<compile_context>
chip_gen: v7x
topology: tpu7x:2x2x1
jax: 0.10.2.dev20260603
libtpu: 0.0.44.dev20260713+nightly
codegen_flags: <defaults>
</compile_context>

<pallas_src>
import functools

import jax
import jax.numpy as jnp
from jax import lax
from jax.experimental import pallas as pl
from jax.experimental.pallas import tpu as pltpu
from jax.experimental.pallas import tpu_sc as plsc

VOCAB = 1000000
EMB = 64
PAD_EMB = 128
BATCH = 4096
SEQ = 200
NTOK = BATCH * SEQ

NC = 2
NS = 16
NW = NC * NS
ROWS_W = BATCH // NW
PER_W = NTOK // NW

GDMA = 128
CHUNK = 256
N_GATH = CHUNK // GDMA
N_CHUNKS = PER_W // CHUNK
LANES = 16
HALF = CHUNK // 2


@functools.partial(
    pl.kernel,
    mesh=plsc.VectorSubcoreMesh(core_axis_name="c", subcore_axis_name="s"),
    compiler_params=pltpu.CompilerParams(needs_layout_passes=False),
    out_type=jax.ShapeDtypeStruct((NTOK, EMB), jnp.float32),
    scratch_types=[
        pltpu.VMEM((ROWS_W // 2, SEQ), jnp.int32),
        pltpu.VMEM((2, CHUNK), jnp.int32),
        pltpu.VMEM((2, CHUNK, PAD_EMB), jnp.float32),
        pltpu.VMEM((2, HALF, EMB), jnp.float32),
        pltpu.SemaphoreType.DMA,
        pltpu.SemaphoreType.DMA,
        pltpu.SemaphoreType.DMA,
        pltpu.SemaphoreType.DMA,
    ],
)
def _emb_lookup(x_hbm, table_hbm, out_hbm, x_v, idx_v, rows_v, rows64_v,
                sem0, sem1, osem0, osem1):
    wid = lax.axis_index("s") * NC + lax.axis_index("c")
    tok_base = wid * PER_W
    sems = (sem0, sem1)
    osems = (osem0, osem1)
    x_half_rows = ROWS_W // 2
    switch_chunk = N_CHUNKS // 2

    pltpu.sync_copy(x_hbm.at[pl.ds(wid * ROWS_W, x_half_rows)], x_v)

    def stage_and_fire(g, b):
        g_t = jnp.int32(g)

        @pl.when(g_t == switch_chunk)
        def _():
            pltpu.sync_copy(
                x_hbm.at[pl.ds(wid * ROWS_W + x_half_rows, x_half_rows)], x_v)

        row_off = jnp.where(g_t >= switch_chunk, x_half_rows, 0)
        for k in range(CHUNK // LANES):
            u = g * CHUNK + k * LANES + lax.iota(jnp.int32, LANES)
            ids = plsc.load_gather(
                x_v, [lax.div(u, SEQ) - row_off, lax.rem(u, SEQ)])
            idx_v[b, pl.ds(k * LANES, LANES)] = ids
        for j in range(N_GATH):
            pltpu.async_copy(table_hbm.at[idx_v.at[b].at[pl.ds(j * GDMA, GDMA)]],
                             rows_v.at[b].at[pl.ds(j * GDMA, GDMA)], sems[b])

    def drain_gathers(b):
        for j in range(N_GATH):
            pltpu.make_async_copy(
                table_hbm.at[idx_v.at[b].at[pl.ds(j * GDMA, GDMA)]],
                rows_v.at[b].at[pl.ds(j * GDMA, GDMA)], sems[b]).wait()

    def wait_store(h):
        pltpu.make_async_copy(rows64_v.at[h],
                              out_hbm.at[pl.ds(tok_base, HALF)],
                              osems[h]).wait()

    def compact_and_store(g, b):
        g_t = jnp.int32(g)
        for h in range(2):
            @pl.when(g_t > 0)
            def _():
                wait_store(h)

            def row_body(q, carry):
                for r in range(4):
                    t = q * 4 + r
                    for k in range(EMB // LANES):
                        rows64_v[h, t, pl.ds(k * LANES, LANES)] = (
                            rows_v.at[b][h * HALF + t,
                                         pl.ds(k * LANES, LANES)])
                return carry

            lax.fori_loop(0, HALF // 4, row_body, 0)
            pltpu.async_copy(
                rows64_v.at[h],
                out_hbm.at[pl.ds(tok_base + g * CHUNK + h * HALF, HALF)],
                osems[h])

    stage_and_fire(0, 0)
    stage_and_fire(1, 1)

    def body(p, carry):
        for b in range(2):
            g = 2 * p + b
            drain_gathers(b)
            compact_and_store(g, b)
            stage_and_fire(g + 2, b)
        return carry

    lax.fori_loop(0, N_CHUNKS // 2 - 1, body, 0)

    for b in range(2):
        g = N_CHUNKS - 2 + b
        drain_gathers(b)
        compact_and_store(g, b)
    for h in range(2):
        wait_store(h)


def kernel(x, table):
    table_padded = jnp.pad(table, ((0, 0), (0, PAD_EMB - EMB)))
    out = _emb_lookup(x.astype(jnp.int32), table_padded)
    return out.reshape(BATCH, SEQ, EMB)

# --- scband reference (transcript-rebuilt; emitter-appended) ---
"""Pipeline reference for scband-text-embeddings-10307921510761 (READ-ONLY COPY).

The authoritative reference and input builder live on the scoring server;
editing this copy changes nothing except your own understanding.
"""

import jax, jax.numpy as jnp
import numpy as np

VOCAB = 1000000
EMB = 64
B = 4096
L = 200

def setup_inputs(seed: int = 0) -> dict:
    key = jax.random.key(seed)
    k1, k2 = jax.random.split(key)
    x = jax.random.randint(k1, (B, L), 0, VOCAB, dtype=jnp.int64)
    table = jax.random.normal(k2, (VOCAB, EMB), dtype=jnp.float32) * 0.02
    return {"x": x, "table": table}

def reference(x, table):
    # nn.Embedding forward: gather rows of the embedding table by token index
    return jnp.take(table, x, axis=0)

if __name__ == "__main__":
    import jax
    _d = setup_inputs()
    print(jax.jit(kernel)(*tuple(_d.values())))

</pallas_src>

<mosaic_0001>
#map = affine_map<(d0, d1) -> (0, 0)>
module attributes {stable_mosaic.version = 14 : i64} {
  func.func @_emb_lookup(%arg0: i32, %arg1: i32, %arg2: memref<4096x200xi32, #tpu.memory_space<hbm>>, %arg3: memref<1000000x128xf32, #tpu.memory_space<hbm>>, %arg4: memref<819200x64xf32, #tpu.memory_space<hbm>>, %arg5: memref<64x200xi32, #tpu.memory_space<vmem>>, %arg6: memref<2x256xi32, #tpu.memory_space<vmem>>, %arg7: memref<2x256x128xf32, #tpu.memory_space<vmem>>, %arg8: memref<2x128x64xf32, #tpu.memory_space<vmem>>, %arg9: memref<!tpu.dma_semaphore, #tpu.memory_space<semaphore_mem>>, %arg10: memref<!tpu.dma_semaphore, #tpu.memory_space<semaphore_mem>>, %arg11: memref<!tpu.dma_semaphore, #tpu.memory_space<semaphore_mem>>, %arg12: memref<!tpu.dma_semaphore, #tpu.memory_space<semaphore_mem>>) attributes {dimension_semantics = [#tpu.dimension_semantics<core_parallel>, #tpu.dimension_semantics<subcore_parallel>], iteration_bounds = array<i64: 2, 16>, scalar_prefetch = 0 : i64, scratch_operands = 8 : i64, tpu.core_type = #tpu.core_type<sc_vector_subcore>, window_params = [{transform_indices = #map}, {transform_indices = #map}, {transform_indices = #map}]} {
    %mul3A = arith.constant 2 : i32
    %mul3A_0 = arith.muli %arg1, %mul3A : i32
    %add3A = arith.addi %mul3A_0, %arg0 : i32
    %mul3A_1 = arith.constant 25600 : i32
    %mul3A_2 = arith.muli %add3A, %mul3A_1 : i32
    %mul3A_3 = arith.constant 128 : i32
    %mul3A_4 = arith.muli %add3A, %mul3A_3 : i32
    "tpu.region"() ({
      %run_scoped3A = tpu.sem_alloc : memref<!tpu.dma_semaphore, #tpu.memory_space<semaphore_mem>>
      %dma_start3A_841 = arith.constant 0 : i32
      %dma_start3A_842 = tpu.memref_slice %arg2[%mul3A_4, %dma_start3A_841] : memref<4096x200xi32, #tpu.memory_space<hbm>> -> memref<64x200xi32, #tpu.memory_space<hbm>>
      %dma_start3A_843 = arith.constant 0 : i32
      %dma_start3A_844 = tpu.memref_slice %arg2[%mul3A_4, %dma_start3A_843] : memref<4096x200xi32, #tpu.memory_space<hbm>> -> memref<64x200xi32, #tpu.memory_space<hbm>>
      tpu.enqueue_dma source(%dma_start3A_844 : memref<64x200xi32, #tpu.memory_space<hbm>>) target(%arg5 : memref<64x200xi32, #tpu.memory_space<vmem>>) target_semaphore(%run_scoped3A : memref<!tpu.dma_semaphore, #tpu.memory_space<semaphore_mem>>)
      %dma_wait3A_845 = arith.constant 0 : i32
      %dma_wait3A_846 = tpu.memref_slice %arg2[%mul3A_4, %dma_wait3A_845] : memref<4096x200xi32, #tpu.memory_space<hbm>> -> memref<64x200xi32, #tpu.memory_space<hbm>>
      %dma_wait3A_847 = arith.constant 0 : i32
      %dma_wait3A_848 = tpu.memref_slice %arg2[%mul3A_4, %dma_wait3A_847] : memref<4096x200xi32, #tpu.memory_space<hbm>> -> memref<64x200xi32, #tpu.memory_space<hbm>>
      tpu.wait_dma2 semaphore(%run_scoped3A : memref<!tpu.dma_semaphore, #tpu.memory_space<semaphore_mem>>) src(%dma_wait3A_848 : memref<64x200xi32, #tpu.memory_space<hbm>>) dst(%arg5 : memref<64x200xi32, #tpu.memory_space<vmem>>)
      tpu.yield
    }) : () -> ()
    %eq3A = arith.constant 0 : i32
    %eq3A_5 = arith.constant 50 : i32
    %eq3A_6 = arith.cmpi eq, %eq3A, %eq3A_5 : i32
    %convert_element_type3A = arith.extui %eq3A_6 : i1 to i32
    %cond3A = arith.constant 0 : i32
    %cond3A_7 = arith.cmpi ne, %convert_element_type3A, %cond3A : i32
    scf.if %cond3A_7 {
      %mul3A_841 = arith.constant 128 : i32
      %mul3A_842 = arith.muli %add3A, %mul3A_841 : i32
      %add3A_843 = arith.constant 64 : i32
      %add3A_844 = arith.addi %mul3A_842, %add3A_843 : i32
      "tpu.region"() ({
        %run_scoped3A = tpu.sem_alloc : memref<!tpu.dma_semaphore, #tpu.memory_space<semaphore_mem>>
        %dma_start3A_845 = arith.constant 0 : i32
        %dma_start3A_846 = tpu.memref_slice %arg2[%add3A_844, %dma_start3A_845] : memref<4096x200xi32, #tpu.memory_space<hbm>> -> memref<64x200xi32, #tpu.memory_space<hbm>>
        %dma_start3A_847 = arith.constant 0 : i32
        %dma_start3A_848 = tpu.memref_slice %arg2[%add3A_844, %dma_start3A_847] : memref<4096x200xi32, #tpu.memory_space<hbm>> -> memref<64x200xi32, #tpu.memory_space<hbm>>
        tpu.enqueue_dma source(%dma_start3A_848 : memref<64x200xi32, #tpu.memory_space<hbm>>) target(%arg5 : memref<64x200xi32, #tpu.memory_space<vmem>>) target_semaphore(%run_scoped3A : memref<!tpu.dma_semaphore, #tpu.memory_space<semaphore_mem>>)
        %dma_wait3A_849 = arith.constant 0 : i32
        %dma_wait3A_850 = tpu.memref_slice %arg2[%add3A_844, %dma_wait3A_849] : memref<4096x200xi32, #tpu.memory_space<hbm>> -> memref<64x200xi32, #tpu.memory_space<hbm>>
        %dma_wait3A_851 = arith.constant 0 : i32
        %dma_wait3A_852 = tpu.memref_slice %arg2[%add3A_844, %dma_wait3A_851] : memref<4096x200xi32, #tpu.memory_space<hbm>> -> memref<64x200xi32, #tpu.memory_space<hbm>>
        tpu.wait_dma2 semaphore(%run_scoped3A : memref<!tpu.dma_semaphore, #tpu.memory_space<semaphore_mem>>) src(%dma_wait3A_852 : memref<64x200xi32, #tpu.memory_space<hbm>>) dst(%arg5 : memref<64x200xi32, #tpu.memory_space<vmem>>)
        tpu.yield
      }) : () -> ()
    } else {
    }
    %ge3A = arith.constant 0 : i32
    %ge3A_8 = arith.constant 50 : i32
    %ge3A_9 = arith.cmpi sge, %ge3A, %ge3A_8 : i32
    %jit3A = arith.constant 64 : i32
    %jit3A_10 = arith.constant 0 : i32
    %select_n3A = arith.select %ge3A_9, %jit3A, %jit3A_10 : i32
    %iota3A = tpu.iota {dimensions = array<i32: 0>} : vector<16xi32>
    %add3A_11 = arith.constant 0 : i32
    %add3A_12 = vector.broadcast %add3A_11 : i32 to vector<16xi32>
    %add3A_13 = arith.addi %add3A_12, %iota3A : vector<16xi32>
    %div3A = arith.constant 200 : i32
    %div3A_14 = vector.broadcast %div3A : i32 to vector<16xi32>
    %div3A_15 = arith.divsi %add3A_13, %div3A_14 : vector<16xi32>
    %sub3A = vector.broadcast %select_n3A : i32 to vector<16xi32>
    %sub3A_16 = arith.subi %div3A_15, %sub3A : vector<16xi32>
    %rem3A = arith.constant 200 : i32
    %rem3A_17 = vector.broadcast %rem3A : i32 to vector<16xi32>
    %rem3A_18 = arith.remsi %add3A_13, %rem3A_17 : vector<16xi32>
    %gather3A = tpu.vector_load_idx %arg5[%sub3A_16, %rem3A_18] : memref<64x200xi32, #tpu.memory_space<vmem>>[vector<16xi32>, vector<16xi32>], vector<16xi32>,
    %swap3A = arith.constant 0 : i32
    %swap3A_19 = arith.index_cast %swap3A : i32 to index
    %swap3A_20 = arith.constant 0 : index
    %swap3A_21 = tpu.vector_load %arg6[%swap3A_19, %swap3A_20] {strides = array<i32>} : memref<2x256xi32, #tpu.memory_space<vmem>>, vector<16xi32>,
    tpu.vector_store %arg6[%swap3A_19, %swap3A_20], %gather3A {strides = array<i32>} : memref<2x256xi32, #tpu.memory_space<vmem>>, vector<16xi32>,
    %iota3A_22 = tpu.iota {dimensions = array<i32: 0>} : vector<16xi32>
    %add3A_23 = arith.constant 16 : i32
    %add3A_24 = vector.broadcast %add3A_23 : i32 to vector<16xi32>
    %add3A_25 = arith.addi %add3A_24, %iota3A_22 : vector<16xi32>
    %div3A_26 = arith.constant 200 : i32
    %div3A_27 = vector.broadcast %div3A_26 : i32 to vector<16xi32>
    %div3A_28 = arith.divsi %add3A_25, %div3A_27 : vector<16xi32>
    %sub3A_29 = vector.broadcast %select_n3A : i32 to vector<16xi32>
    %sub3A_30 = arith.subi %div3A_28, %sub3A_29 : vector<16xi32>
    %rem3A_31 = arith.constant 200 : i32
    %rem3A_32 = vector.broadcast %rem3A_31 : i32 to vector<16xi32>
    %rem3A_33 = arith.remsi %add3A_25, %rem3A_32 : vector<16xi32>
    %gather3A_34 = tpu.vector_load_idx %arg5[%sub3A_30, %rem3A_33] : memref<64x200xi32, #tpu.memory_space<vmem>>[vector<16xi32>, vector<16xi32>], vector<16xi32>,
    %swap3A_35 = arith.constant 0 : i32
    %swap3A_36 = arith.index_cast %swap3A_35 : i32 to index
    %swap3A_37 = arith.constant 16 : index
    %swap3A_38 = tpu.vector_load %arg6[%swap3A_36, %swap3A_37] {strides = array<i32>} : memref<2x256xi32, #tpu.memory_space<vmem>>, vector<16xi32>,
    tpu.vector_store %arg6[%swap3A_36, %swap3A_37], %gather3A_34 {strides = array<i32>} : memref<2x256xi32, #tpu.memory_space<vmem>>, vector<16xi32>,
    %iota3A_39 = tpu.iota {dimensions = array<i32: 0>} : vector<16xi32>
    %add3A_40 = arith.constant 32 : i32
    %add3A_41 = vector.broadcast %add3A_40 : i32 to vector<16xi32>
    %add3A_42 = arith.addi %add3A_41, %iota3A_39 : vector<16xi32>
    %div3A_43 = arith.constant 200 : i32
    %div3A_44 = vector.broadcast %div3A_43 : i32 to vector<16xi32>
    %div3A_45 = arith.divsi %add3A_42, %div3A_44 : vector<16xi32>
    %sub3A_46 = vector.broadcast %select_n3A : i32 to vector<16xi32>
    %sub3A_47 = arith.subi %div3A_45, %sub3A_46 : vector<16xi32>
    %rem3A_48 = arith.constant 200 : i32
    %rem3A_49 = vector.broadcast %rem3A_48 : i32 to vector<16xi32>
    %rem3A_50 = arith.remsi %add3A_42, %rem3A_49 : vector<16xi32>
    %gather3A_51 = tpu.vector_load_idx %arg5[%sub3A_47, %rem3A_50] : memref<64x200xi32, #tpu.memory_space<vmem>>[vector<16xi32>, vector<16xi32>], vector<16xi32>,
    %swap3A_52 = arith.constant 0 : i32
    %swap3A_53 = arith.index_cast %swap3A_52 : i32 to index
    %swap3A_54 = arith.constant 32 : index
    %swap3A_55 = tpu.vector_load %arg6[%swap3A_53, %swap3A_54] {strides = array<i32>} : memref<2x256xi32, #tpu.memory_space<vmem>>, vector<16xi32>,
    tpu.vector_store %arg6[%swap3A_53, %swap3A_54], %gather3A_51 {strides = array<i32>} : memref<2x256xi32, #tpu.memory_space<vmem>>, vector<16xi32>,
    %iota3A_56 = tpu.iota {dimensions = array<i32: 0>} : vector<16xi32>
    %add3A_57 = arith.constant 48 : i32
    %add3A_58 = vector.broadcast %add3A_57 : i32 to vector<16xi32>
    %add3A_59 = arith.addi %add3A_58, %iota3A_56 : vector<16xi32>
    %div3A_60 = arith.constant 200 : i32
    %div3A_61 = vector.broadcast %div3A_60 : i32 to vector<16xi32>
    %div3A_62 = arith.divsi %add3A_59, %div3A_61 : vector<16xi32>
    %sub3A_63 = vector.broadcast %select_n3A : i32 to vector<16xi32>
    %sub3A_64 = arith.subi %div3A_62, %sub3A_63 : vector<16xi32>
    %rem3A_65 = arith.constant 200 : i32
    %rem3A_66 = vector.broadcast %rem3A_65 : i32 to vector<16xi32>
    %rem3A_67 = arith.remsi %add3A_59, %rem3A_66 : vector<16xi32>
    %gather3A_68 = tpu.vector_load_idx %arg5[%sub3A_64, %rem3A_67] : memref<64x200xi32, #tpu.memory_space<vmem>>[vector<16xi32>, vector<16xi32>], vector<16xi32>,
    %swap3A_69 = arith.constant 0 : i32
    %swap3A_70 = arith.index_cast %swap3A_69 : i32 to index
    %swap3A_71 = arith.constant 48 : index
    %swap3A_72 = tpu.vector_load %arg6[%swap3A_70, %swap3A_71] {strides = array<i32>} : memref<2x256xi32, #tpu.memory_space<vmem>>, vector<16xi32>,
    tpu.vector_store %arg6[%swap3A_70, %swap3A_71], %gather3A_68 {strides = array<i32>} : memref<2x256xi32, #tpu.memory_space<vmem>>, vector<16xi32>,
    %iota3A_73 = tpu.iota {dimensions = array<i32: 0>} : vector<16xi32>
    %add3A_74 = arith.constant 64 : i32
    %add3A_75 = vector.broadcast %add3A_74 : i32 to vector<16xi32>
    %add3A_76 = arith.addi %add3A_75, %iota3A_73 : vector<16xi32>
    %div3A_77 = arith.constant 200 : i32
    %div3A_78 = vector.broadcast %div3A_77 : i32 to vector<16xi32>
    %div3A_79 = arith.divsi %add3A_76, %div3A_78 : vector<16xi32>
    %sub3A_80 = vector.broadcast %select_n3A : i32 to vector<16xi32>
    %sub3A_81 = arith.subi %div3A_79, %sub3A_80 : vector<16xi32>
    %rem3A_82 = arith.constant 200 : i32
    %rem3A_83 = vector.broadcast %rem3A_82 : i32 to vector<16xi32>
    %rem3A_84 = arith.remsi %add3A_76, %rem3A_83 : vector<16xi32>
    %gather3A_85 = tpu.vector_load_idx %arg5[%sub3A_81, %rem3A_84] : memref<64x200xi32, #tpu.memory_space<vmem>>[vector<16xi32>, vector<16xi32>], vector<16xi32>,
    %swap3A_86 = arith.constant 0 : i32
    %swap3A_87 = arith.index_cast %swap3A_86 : i32 to index
    %swap3A_88 = arith.constant 64 : index
    %swap3A_89 = tpu.vector_load %arg6[%swap3A_87, %swap3A_88] {strides = array<i32>} : memref<2x256xi32, #tpu.memory_space<vmem>>, vector<16xi32>,
    tpu.vector_store %arg6[%swap3A_87, %swap3A_88], %gather3A_85 {strides = array<i32>} : memref<2x256xi32, #tpu.memory_space<vmem>>, vector<16xi32>,
    %iota3A_90 = tpu.iota {dimensions = array<i32: 0>} : vector<16xi32>
    %add3A_91 = arith.constant 80 : i32
    %add3A_92 = vector.broadcast %add3A_91 : i32 to vector<16xi32>
    %add3A_93 = arith.addi %add3A_92, %iota3A_90 : vector<16xi32>
    %div3A_94 = arith.constant 200 : i32
    %div3A_95 = vector.broadcast %div3A_94 : i32 to vector<16xi32>
    %div3A_96 = arith.divsi %add3A_93, %div3A_95 : vector<16xi32>
    %sub3A_97 = vector.broadcast %select_n3A : i32 to vector<16xi32>
    %sub3A_98 = arith.subi %div3A_96, %sub3A_97 : vector<16xi32>
    %rem3A_99 = arith.constant 200 : i32
    %rem3A_100 = vector.broadcast %rem3A_99 : i32 to vector<16xi32>
    %rem3A_101 = arith.remsi %add3A_93, %rem3A_100 : vector<16xi32>
    %gather3A_102 = tpu.vector_load_idx %arg5[%sub3A_98, %rem3A_101] : memref<64x200xi32, #tpu.memory_space<vmem>>[vector<16xi32>, vector<16xi32>], vector<16xi32>,
    %swap3A_103 = arith.constant 0 : i32
    %swap3A_104 = arith.index_cast %swap3A_103 : i32 to index
    %swap3A_105 = arith.constant 80 : index
    %swap3A_106 = tpu.vector_load %arg6[%swap3A_104, %swap3A_105] {strides = array<i32>} : memref<2x256xi32, #tpu.memory_space<vmem>>, vector<16xi32>,
    tpu.vector_store %arg6[%swap3A_104, %swap3A_105], %gather3A_102 {strides = array<i32>} : memref<2x256xi32, #tpu.memory_space<vmem>>, vector<16xi32>,
    %iota3A_107 = tpu.iota {dimensions = array<i32: 0>} : vector<16xi32>
    %add3A_108 = arith.constant 96 : i32
    %add3A_109 = vector.broadcast %add3A_108 : i32 to vector<16xi32>
    %add3A_110 = arith.addi %add3A_109, %iota3A_107 : vector<16xi32>
    %div3A_111 = arith.constant 200 : i32
    %div3A_112 = vector.broadcast %div3A_111 : i32 to vector<16xi32>
    %div3A_113 = arith.divsi %add3A_110, %div3A_112 : vector<16xi32>
    %sub3A_114 = vector.broadcast %select_n3A : i32 to vector<16xi32>
    %sub3A_115 = arith.subi %div3A_113, %sub3A_114 : vector<16xi32>
    %rem3A_116 = arith.constant 200 : i32
    %rem3A_117 = vector.broadcast %rem3A_116 : i32 to vector<16xi32>
    %rem3A_118 = arith.remsi %add3A_110, %rem3A_117 : vector<16xi32>
    %gather3A_119 = tpu.vector_load_idx %arg5[%sub3A_115, %rem3A_118] : memref<64x200xi32, #tpu.memory_space<vmem>>[vector<16xi32>, vector<16xi32>], vector<16xi32>,
    %swap3A_120 = arith.constant 0 : i32
    %swap3A_121 = arith.index_cast %swap3A_120 : i32 to index
    %swap3A_122 = arith.constant 96 : index
    %swap3A_123 = tpu.vector_load %arg6[%swap3A_121, %swap3A_122] {strides = array<i32>} : memref<2x256xi32, #tpu.memory_space<vmem>>, vector<16xi32>,
    tpu.vector_store %arg6[%swap3A_121, %swap3A_122], %gather3A_119 {strides = array<i32>} : memref<2x256xi32, #tpu.memory_space<vmem>>, vector<16xi32>,
    %iota3A_124 = tpu.iota {dimensions = array<i32: 0>} : vector<16xi32>
    %add3A_125 = arith.constant 112 : i32
    %add3A_126 = vector.broadcast %add3A_125 : i32 to vector<16xi32>
    %add3A_127 = arith.addi %add3A_126, %iota3A_124 : vector<16xi32>
    %div3A_128 = arith.constant 200 : i32
    %div3A_129 = vector.broadcast %div3A_128 : i32 to vector<16xi32>
    %div3A_130 = arith.divsi %add3A_127, %div3A_129 : vector<16xi32>
    %sub3A_131 = vector.broadcast %select_n3A : i32 to vector<16xi32>
    %sub3A_132 = arith.subi %div3A_130, %sub3A_131 : vector<16xi32>
    %rem3A_133 = arith.constant 200 : i32
    %rem3A_134 = vector.broadcast %rem3A_133 : i32 to vector<16xi32>
    %rem3A_135 = arith.remsi %add3A_127, %rem3A_134 : vector<16xi32>
    %gather3A_136 = tpu.vector_load_idx %arg5[%sub3A_132, %rem3A_135] : memref<64x200xi32, #tpu.memory_space<vmem>>[vector<16xi32>, vector<16xi32>], vector<16xi32>,
    %swap3A_137 = arith.constant 0 : i32
    %swap3A_138 = arith.index_cast %swap3A_137 : i32 to index
    %swap3A_139 = arith.constant 112 : index
    %swap3A_140 = tpu.vector_load %arg6[%swap3A_138, %swap3A_139] {strides = array<i32>} : memref<2x256xi32, #tpu.memory_space<vmem>>, vector<16xi32>,
    tpu.vector_store %arg6[%swap3A_138, %swap3A_139], %gather3A_136 {strides = array<i32>} : memref<2x256xi32, #tpu.memory_space<vmem>>, vector<16xi32>,
    %iota3A_141 = tpu.iota {dimensions = array<i32: 0>} : vector<16xi32>
    %add3A_142 = arith.constant 128 : i32
    %add3A_143 = vector.broadcast %add3A_142 : i32 to vector<16xi32>
    %add3A_144 = arith.addi %add3A_143, %iota3A_141 : vector<16xi32>
    %div3A_145 = arith.constant 200 : i32
    %div3A_146 = vector.broadcast %div3A_145 : i32 to vector<16xi32>
    %div3A_147 = arith.divsi %add3A_144, %div3A_146 : vector<16xi32>
    %sub3A_148 = vector.broadcast %select_n3A : i32 to vector<16xi32>
    %sub3A_149 = arith.subi %div3A_147, %sub3A_148 : vector<16xi32>
    %rem3A_150 = arith.constant 200 : i32
    %rem3A_151 = vector.broadcast %rem3A_150 : i32 to vector<16xi32>
    %rem3A_152 = arith.remsi %add3A_144, %rem3A_151 : vector<16xi32>
    %gather3A_153 = tpu.vector_load_idx %arg5[%sub3A_149, %rem3A_152] : memref<64x200xi32, #tpu.memory_space<vmem>>[vector<16xi32>, vector<16xi32>], vector<16xi32>,
    %swap3A_154 = arith.constant 0 : i32
    %swap3A_155 = arith.index_cast %swap3A_154 : i32 to index
    %swap3A_156 = arith.constant 128 : index
    %swap3A_157 = tpu.vector_load %arg6[%swap3A_155, %swap3A_156] {strides = array<i32>} : memref<2x256xi32, #tpu.memory_space<vmem>>, vector<16xi32>,
    tpu.vector_store %arg6[%swap3A_155, %swap3A_156], %gather3A_153 {strides = array<i32>} : memref<2x256xi32, #tpu.memory_space<vmem>>, vector<16xi32>,
    %iota3A_158 = tpu.iota {dimensions = array<i32: 0>} : vector<16xi32>
    %add3A_159 = arith.constant 144 : i32
    %add3A_160 = vector.broadcast %add3A_159 : i32 to vector<16xi32>
    %add3A_161 = arith.addi %add3A_160, %iota3A_158 : vector<16xi32>
    %div3A_162 = arith.constant 200 : i32
    %div3A_163 = vector.broadcast %div3A_162 : i32 to vector<16xi32>
    %div3A_164 = arith.divsi %add3A_161, %div3A_163 : vector<16xi32>
    %sub3A_165 = vector.broadcast %select_n3A : i32 to vector<16xi32>
    %sub3A_166 = arith.subi %div3A_164, %sub3A_165 : vector<16xi32>
    %rem3A_167 = arith.constant 200 : i32
    %rem3A_168 = vector.broadcast %rem3A_167 : i32 to vector<16xi32>
    %rem3A_169 = arith.remsi %add3A_161, %rem3A_168 : vector<16xi32>
    %gather3A_170 = tpu.vector_load_idx %arg5[%sub3A_166, %rem3A_169] : memref<64x200xi32, #tpu.memory_space<vmem>>[vector<16xi32>, vector<16xi32>], vector<16xi32>,
    %swap3A_171 = arith.constant 0 : i32
    %swap3A_172 = arith.index_cast %swap3A_171 : i32 to index
    %swap3A_173 = arith.constant 144 : index
    %swap3A_174 = tpu.vector_load %arg6[%swap3A_172, %swap3A_173] {strides = array<i32>} : memref<2x256xi32, #tpu.memory_space<vmem>>, vector<16xi32>,
    tpu.vector_store %arg6[%swap3A_172, %swap3A_173], %gather3A_170 {strides = array<i32>} : memref<2x256xi32, #tpu.memory_space<vmem>>, vector<16xi32>,
    %iota3A_175 = tpu.iota {dimensions = array<i32: 0>} : vector<16xi32>
    %add3A_176 = arith.constant 160 : i32
    %add3A_177 = vector.broadcast %add3A_176 : i32 to vector<16xi32>
    %add3A_178 = arith.addi %add3A_177, %iota3A_175 : vector<16xi32>
    %div3A_179 = arith.constant 200 : i32
    %div3A_180 = vector.broadcast %div3A_179 : i32 to vector<16xi32>
    %div3A_181 = arith.divsi %add3A_178, %div3A_180 : vector<16xi32>
    %sub3A_182 = vector.broadcast %select_n3A : i32 to vector<16xi32>
    %sub3A_183 = arith.subi %div3A_181, %sub3A_182 : vector<16xi32>
    %rem3A_184 = arith.constant 200 : i32
    %rem3A_185 = vector.broadcast %rem3A_184 : i32 to vector<16xi32>
    %rem3A_186 = arith.remsi %add3A_178, %rem3A_185 : vector<16xi32>
    %gather3A_187 = tpu.vector_load_idx %arg5[%sub3A_183, %rem3A_186] : memref<64x200xi32, #tpu.memory_space<vmem>>[vector<16xi32>, vector<16xi32>], vector<16xi32>,
    %swap3A_188 = arith.constant 0 : i32
    %swap3A_189 = arith.index_cast %swap3A_188 : i32 to index
    %swap3A_190 = arith.constant 160 : index
    %swap3A_191 = tpu.vector_load %arg6[%swap3A_189, %swap3A_190] {strides = array<i32>} : memref<2x256xi32, #tpu.memory_space<vmem>>, vector<16xi32>,
    tpu.vector_store %arg6[%swap3A_189, %swap3A_190], %gather3A_187 {strides = array<i32>} : memref<2x256xi32, #tpu.memory_space<vmem>>, vector<16xi32>,
    %iota3A_192 = tpu.iota {dimensions = array<i32: 0>} : vector<16xi32>
    %add3A_193 = arith.constant 176 : i32
    %add3A_194 = vector.broadcast %add3A_193 : i32 to vector<16xi32>
    %add3A_195 = arith.addi %add3A_194, %iota3A_192 : vector<16xi32>
    %div3A_196 = arith.constant 200 : i32
    %div3A_197 = vector.broadcast %div3A_196 : i32 to vector<16xi32>
    %div3A_198 = arith.divsi %add3A_195, %div3A_197 : vector<16xi32>
    %sub3A_199 = vector.broadcast %select_n3A : i32 to vector<16xi32>
    %sub3A_200 = arith.subi %div3A_198, %sub3A_199 : vector<16xi32>
    %rem3A_201 = arith.constant 200 : i32
    %rem3A_202 = vector.broadcast %rem3A_201 : i32 to vector<16xi32>
    %rem3A_203 = arith.remsi %add3A_195, %rem3A_202 : vector<16xi32>
    %gather3A_204 = tpu.vector_load_idx %arg5[%sub3A_200, %rem3A_203] : memref<64x200xi32, #tpu.memory_space<vmem>>[vector<16xi32>, vector<16xi32>], vector<16xi32>,
    %swap3A_205 = arith.constant 0 : i32
    %swap3A_206 = arith.index_cast %swap3A_205 : i32 to index
    %swap3A_207 = arith.constant 176 : index
    %swap3A_208 = tpu.vector_load %arg6[%swap3A_206, %swap3A_207] {strides = array<i32>} : memref<2x256xi32, #tpu.memory_space<vmem>>, vector<16xi32>,
    tpu.vector_store %arg6[%swap3A_206, %swap3A_207], %gather3A_204 {strides = array<i32>} : memref<2x256xi32, #tpu.memory_space<vmem>>, vector<16xi32>,
    %iota3A_209 = tpu.iota {dimensions = array<i32: 0>} : vector<16xi32>
    %add3A_210 = arith.constant 192 : i32
    %add3A_211 = vector.broadcast %add3A_210 : i32 to vector<16xi32>
    %add3A_212 = arith.addi %add3A_211, %iota3A_209 : vector<16xi32>
    %div3A_213 = arith.constant 200 : i32
    %div3A_214 = vector.broadcast %div3A_213 : i32 to vector<16xi32>
    %div3A_215 = arith.divsi %add3A_212, %div3A_214 : vector<16xi32>
    %sub3A_216 = vector.broadcast %select_n3A : i32 to vector<16xi32>
    %sub3A_217 = arith.subi %div3A_215, %sub3A_216 : vector<16xi32>
    %rem3A_218 = arith.constant 200 : i32
    %rem3A_219 = vector.broadcast %rem3A_218 : i32 to vector<16xi32>
    %rem3A_220 = arith.remsi %add3A_212, %rem3A_219 : vector<16xi32>
    %gather3A_221 = tpu.vector_load_idx %arg5[%sub3A_217, %rem3A_220] : memref<64x200xi32, #tpu.memory_space<vmem>>[vector<16xi32>, vector<16xi32>], vector<16xi32>,
    %swap3A_222 = arith.constant 0 : i32
    %swap3A_223 = arith.index_cast %swap3A_222 : i32 to index
    %swap3A_224 = arith.constant 192 : index
    %swap3A_225 = tpu.vector_load %arg6[%swap3A_223, %swap3A_224] {strides = array<i32>} : memref<2x256xi32, #tpu.memory_space<vmem>>, vector<16xi32>,
    tpu.vector_store %arg6[%swap3A_223, %swap3A_224], %gather3A_221 {strides = array<i32>} : memref<2x256xi32, #tpu.memory_space<vmem>>, vector<16xi32>,
    %iota3A_226 = tpu.iota {dimensions = array<i32: 0>} : vector<16xi32>
    %add3A_227 = arith.constant 208 : i32
    %add3A_228 = vector.broadcast %add3A_227 : i32 to vector<16xi32>
    %add3A_229 = arith.addi %add3A_228, %iota3A_226 : vector<16xi32>
    %div3A_230 = arith.constant 200 : i32
    %div3A_231 = vector.broadcast %div3A_230 : i32 to vector<16xi32>
    %div3A_232 = arith.divsi %add3A_229, %div3A_231 : vector<16xi32>
    %sub3A_233 = vector.broadcast %select_n3A : i32 to vector<16xi32>
    %sub3A_234 = arith.subi %div3A_232, %sub3A_233 : vector<16xi32>
    %rem3A_235 = arith.constant 200 : i32
    %rem3A_236 = vector.broadcast %rem3A_235 : i32 to vector<16xi32>
    %rem3A_237 = arith.remsi %add3A_229, %rem3A_236 : vector<16xi32>
    %gather3A_238 = tpu.vector_load_idx %arg5[%sub3A_234, %rem3A_237] : memref<64x200xi32, #tpu.memory_space<vmem>>[vector<16xi32>, vector<16xi32>], vector<16xi32>,
    %swap3A_239 = arith.constant 0 : i32
    %swap3A_240 = arith.index_cast %swap3A_239 : i32 to index
    %swap3A_241 = arith.constant 208 : index
    %swap3A_242 = tpu.vector_load %arg6[%swap3A_240, %swap3A_241] {strides = array<i32>} : memref<2x256xi32, #tpu.memory_space<vmem>>, vector<16xi32>,
    tpu.vector_store %arg6[%swap3A_240, %swap3A_241], %gather3A_238 {strides = array<i32>} : memref<2x256xi32, #tpu.memory_space<vmem>>, vector<16xi32>,
    %iota3A_243 = tpu.iota {dimensions = array<i32: 0>} : vector<16xi32>
    %add3A_244 = arith.constant 224 : i32
    %add3A_245 = vector.broadcast %add3A_244 : i32 to vector<16xi32>
    %add3A_246 = arith.addi %add3A_245, %iota3A_243 : vector<16xi32>
    %div3A_247 = arith.constant 200 : i32
    %div3A_248 = vector.broadcast %div3A_247 : i32 to vector<16xi32>
    %div3A_249 = arith.divsi %add3A_246, %div3A_248 : vector<16xi32>
    %sub3A_250 = vector.broadcast %select_n3A : i32 to vector<16xi32>
    %sub3A_251 = arith.subi %div3A_249, %sub3A_250 : vector<16xi32>
    %rem3A_252 = arith.constant 200 : i32
    %rem3A_253 = vector.broadcast %rem3A_252 : i32 to vector<16xi32>
    %rem3A_254 = arith.remsi %add3A_246, %rem3A_253 : vector<16xi32>
    %gather3A_255 = tpu.vector_load_idx %arg5[%sub3A_251, %rem3A_254] : memref<64x200xi32, #tpu.memory_space<vmem>>[vector<16xi32>, vector<16xi32>], vector<16xi32>,
    %swap3A_256 = arith.constant 0 : i32
    %swap3A_257 = arith.index_cast %swap3A_256 : i32 to index
    %swap3A_258 = arith.constant 224 : index
    %swap3A_259 = tpu.vector_load %arg6[%swap3A_257, %swap3A_258] {strides = array<i32>} : memref<2x256xi32, #tpu.memory_space<vmem>>, vector<16xi32>,
    tpu.vector_store %arg6[%swap3A_257, %swap3A_258], %gather3A_255 {strides = array<i32>} : memref<2x256xi32, #tpu.memory_space<vmem>>, vector<16xi32>,
    %iota3A_260 = tpu.iota {dimensions = array<i32: 0>} : vector<16xi32>
    %add3A_261 = arith.constant 240 : i32
    %add3A_262 = vector.broadcast %add3A_261 : i32 to vector<16xi32>
    %add3A_263 = arith.addi %add3A_262, %iota3A_260 : vector<16xi32>
    %div3A_264 = arith.constant 200 : i32
    %div3A_265 = vector.broadcast %div3A_264 : i32 to vector<16xi32>
    %div3A_266 = arith.divsi %add3A_263, %div3A_265 : vector<16xi32>
    %sub3A_267 = vector.broadcast %select_n3A : i32 to vector<16xi32>
    %sub3A_268 = arith.subi %div3A_266, %sub3A_267 : vector<16xi32>
    %rem3A_269 = arith.constant 200 : i32
    %rem3A_270 = vector.broadcast %rem3A_269 : i32 to vector<16xi32>
    %rem3A_271 = arith.remsi %add3A_263, %rem3A_270 : vector<16xi32>
    %gather3A_272 = tpu.vector_load_idx %arg5[%sub3A_268, %rem3A_271] : memref<64x200xi32, #tpu.memory_space<vmem>>[vector<16xi32>, vector<16xi32>], vector<16xi32>,
    %swap3A_273 = arith.constant 0 : i32
    %swap3A_274 = arith.index_cast %swap3A_273 : i32 to index
    %swap3A_275 = arith.constant 240 : index
    %swap3A_276 = tpu.vector_load %arg6[%swap3A_274, %swap3A_275] {strides = array<i32>} : memref<2x256xi32, #tpu.memory_space<vmem>>, vector<16xi32>,
    tpu.vector_store %arg6[%swap3A_274, %swap3A_275], %gather3A_272 {strides = array<i32>} : memref<2x256xi32, #tpu.memory_space<vmem>>, vector<16xi32>,
    %dma_start3A = arith.constant 0 : i32
    %dma_start3A_277 = arith.constant 0 : i32
    %dma_start3A_278 = arith.constant 0 : i32
    %dma_start3A_279 = arith.constant 0 : i32
    %dma_start3A_280 = tpu.memref_slice %arg7[%dma_start3A_277, %dma_start3A_278, %dma_start3A_279] : memref<2x256x128xf32, #tpu.memory_space<vmem>> -> memref<1x256x128xf32, #tpu.memory_space<vmem>>
    %dma_start3A_281 = tpu.memref_squeeze %dma_start3A_280 : memref<1x256x128xf32, #tpu.memory_space<vmem>> -> memref<256x128xf32, #tpu.memory_space<vmem>>
    %dma_start3A_282 = arith.constant 0 : i32
    %dma_start3A_283 = arith.constant 0 : i32
    %dma_start3A_284 = tpu.memref_slice %dma_start3A_281[%dma_start3A_282, %dma_start3A_283] : memref<256x128xf32, #tpu.memory_space<vmem>> -> memref<128x128xf32, #tpu.memory_space<vmem>>
    %dma_start3A_285 = arith.constant 0 : i32
    %dma_start3A_286 = tpu.memref_slice %arg6[%dma_start3A, %dma_start3A_285] : memref<2x256xi32, #tpu.memory_space<vmem>> -> memref<1x256xi32, #tpu.memory_space<vmem>>
    %dma_start3A_287 = tpu.memref_squeeze %dma_start3A_286 : memref<1x256xi32, #tpu.memory_space<vmem>> -> memref<256xi32, #tpu.memory_space<vmem>>
    %dma_start3A_288 = arith.constant 0 : i32
    %dma_start3A_289 = tpu.memref_slice %dma_start3A_287[%dma_start3A_288] : memref<256xi32, #tpu.memory_space<vmem>> -> memref<128xi32, #tpu.memory_space<vmem>>
    %dma_start3A_290 = arith.constant 0 : i32
    %dma_start3A_291 = arith.constant 0 : i32
    %dma_start3A_292 = tpu.memref_slice %arg3[%dma_start3A_290, %dma_start3A_291] : memref<1000000x128xf32, #tpu.memory_space<hbm>> -> memref<1000000x128xf32, #tpu.memory_space<hbm>>
    tpu.enqueue_indirect_dma source(%dma_start3A_292 : memref<1000000x128xf32, #tpu.memory_space<hbm>>) target(%dma_start3A_284 : memref<128x128xf32, #tpu.memory_space<vmem>>) offsets(%dma_start3A_289 : memref<128xi32, #tpu.memory_space<vmem>>) semaphore(%arg9 : memref<!tpu.dma_semaphore, #tpu.memory_space<semaphore_mem>>)
    %dma_start3A_293 = arith.constant 0 : i32
    %dma_start3A_294 = arith.constant 0 : i32
    %dma_start3A_295 = arith.constant 0 : i32
    %dma_start3A_296 = arith.constant 0 : i32
    %dma_start3A_297 = tpu.memref_slice %arg7[%dma_start3A_294, %dma_start3A_295, %dma_start3A_296] : memref<2x256x128xf32, #tpu.memory_space<vmem>> -> memref<1x256x128xf32, #tpu.memory_space<vmem>>
    %dma_start3A_298 = tpu.memref_squeeze %dma_start3A_297 : memref<1x256x128xf32, #tpu.memory_space<vmem>> -> memref<256x128xf32, #tpu.memory_space<vmem>>
    %dma_start3A_299 = arith.constant 128 : i32
    %dma_start3A_300 = arith.constant 0 : i32
    %dma_start3A_301 = tpu.memref_slice %dma_start3A_298[%dma_start3A_299, %dma_start3A_300] : memref<256x128xf32, #tpu.memory_space<vmem>> -> memref<128x128xf32, #tpu.memory_space<vmem>>
    %dma_start3A_302 = arith.constant 0 : i32
    %dma_start3A_303 = tpu.memref_slice %arg6[%dma_start3A_293, %dma_start3A_302] : memref<2x256xi32, #tpu.memory_space<vmem>> -> memref<1x256xi32, #tpu.memory_space<vmem>>
    %dma_start3A_304 = tpu.memref_squeeze %dma_start3A_303 : memref<1x256xi32, #tpu.memory_space<vmem>> -> memref<256xi32, #tpu.memory_space<vmem>>
    %dma_start3A_305 = arith.constant 128 : i32
    %dma_start3A_306 = tpu.memref_slice %dma_start3A_304[%dma_start3A_305] : memref<256xi32, #tpu.memory_space<vmem>> -> memref<128xi32, #tpu.memory_space<vmem>>
    %dma_start3A_307 = arith.constant 0 : i32
    %dma_start3A_308 = arith.constant 0 : i32
    %dma_start3A_309 = tpu.memref_slice %arg3[%dma_start3A_307, %dma_start3A_308] : memref<1000000x128xf32, #tpu.memory_space<hbm>> -> memref<1000000x128xf32, #tpu.memory_space<hbm>>
    tpu.enqueue_indirect_dma source(%dma_start3A_309 : memref<1000000x128xf32, #tpu.memory_space<hbm>>) target(%dma_start3A_301 : memref<128x128xf32, #tpu.memory_space<vmem>>) offsets(%dma_start3A_306 : memref<128xi32, #tpu.memory_space<vmem>>) semaphore(%arg9 : memref<!tpu.dma_semaphore, #tpu.memory_space<semaphore_mem>>)
    %eq3A_310 = arith.constant 1 : i32
    %eq3A_311 = arith.constant 50 : i32
    %eq3A_312 = arith.cmpi eq, %eq3A_310, %eq3A_311 : i32
    %convert_element_type3A_313 = arith.extui %eq3A_312 : i1 to i32
    %cond3A_314 = arith.constant 0 : i32
    %cond3A_315 = arith.cmpi ne, %convert_element_type3A_313, %cond3A_314 : i32
    scf.if %cond3A_315 {
      %mul3A_841 = arith.constant 128 : i32
      %mul3A_842 = arith.muli %add3A, %mul3A_841 : i32
      %add3A_843 = arith.constant 64 : i32
      %add3A_844 = arith.addi %mul3A_842, %add3A_843 : i32
      "tpu.region"() ({
        %run_scoped3A = tpu.sem_alloc : memref<!tpu.dma_semaphore, #tpu.memory_space<semaphore_mem>>
        %dma_start3A_845 = arith.constant 0 : i32
        %dma_start3A_846 = tpu.memref_slice %arg2[%add3A_844, %dma_start3A_845] : memref<4096x200xi32, #tpu.memory_space<hbm>> -> memref<64x200xi32, #tpu.memory_space<hbm>>
        %dma_start3A_847 = arith.constant 0 : i32
        %dma_start3A_848 = tpu.memref_slice %arg2[%add3A_844, %dma_start3A_847] : memref<4096x200xi32, #tpu.memory_space<hbm>> -> memref<64x200xi32, #tpu.memory_space<hbm>>
        tpu.enqueue_dma source(%dma_start3A_848 : memref<64x200xi32, #tpu.memory_space<hbm>>) target(%arg5 : memref<64x200xi32, #tpu.memory_space<vmem>>) target_semaphore(%run_scoped3A : memref<!tpu.dma_semaphore, #tpu.memory_space<semaphore_mem>>)
        %dma_wait3A_849 = arith.constant 0 : i32
        %dma_wait3A_850 = tpu.memref_slice %arg2[%add3A_844, %dma_wait3A_849] : memref<4096x200xi32, #tpu.memory_space<hbm>> -> memref<64x200xi32, #tpu.memory_space<hbm>>
        %dma_wait3A_851 = arith.constant 0 : i32
        %dma_wait3A_852 = tpu.memref_slice %arg2[%add3A_844, %dma_wait3A_851] : memref<4096x200xi32, #tpu.memory_space<hbm>> -> memref<64x200xi32, #tpu.memory_space<hbm>>
        tpu.wait_dma2 semaphore(%run_scoped3A : memref<!tpu.dma_semaphore, #tpu.memory_space<semaphore_mem>>) src(%dma_wait3A_852 : memref<64x200xi32, #tpu.memory_space<hbm>>) dst(%arg5 : memref<64x200xi32, #tpu.memory_space<vmem>>)
        tpu.yield
      }) : () -> ()
    } else {
    }
    %ge3A_316 = arith.constant 1 : i32
    %ge3A_317 = arith.constant 50 : i32
    %ge3A_318 = arith.cmpi sge, %ge3A_316, %ge3A_317 : i32
    %jit3A_319 = arith.constant 64 : i32
    %jit3A_320 = arith.constant 0 : i32
    %select_n3A_321 = arith.select %ge3A_318, %jit3A_319, %jit3A_320 : i32
    %iota3A_322 = tpu.iota {dimensions = array<i32: 0>} : vector<16xi32>
    %add3A_323 = arith.constant 256 : i32
    %add3A_324 = vector.broadcast %add3A_323 : i32 to vector<16xi32>
    %add3A_325 = arith.addi %add3A_324, %iota3A_322 : vector<16xi32>
    %div3A_326 = arith.constant 200 : i32
    %div3A_327 = vector.broadcast %div3A_326 : i32 to vector<16xi32>
    %div3A_328 = arith.divsi %add3A_325, %div3A_327 : vector<16xi32>
    %sub3A_329 = vector.broadcast %select_n3A_321 : i32 to vector<16xi32>
    %sub3A_330 = arith.subi %div3A_328, %sub3A_329 : vector<16xi32>
    %rem3A_331 = arith.constant 200 : i32
    %rem3A_332 = vector.broadcast %rem3A_331 : i32 to vector<16xi32>
    %rem3A_333 = arith.remsi %add3A_325, %rem3A_332 : vector<16xi32>
    %gather3A_334 = tpu.vector_load_idx %arg5[%sub3A_330, %rem3A_333] : memref<64x200xi32, #tpu.memory_space<vmem>>[vector<16xi32>, vector<16xi32>], vector<16xi32>,
    %swap3A_335 = arith.constant 1 : i32
    %swap3A_336 = arith.index_cast %swap3A_335 : i32 to index
    %swap3A_337 = arith.constant 0 : index
    %swap3A_338 = tpu.vector_load %arg6[%swap3A_336, %swap3A_337] {strides = array<i32>} : memref<2x256xi32, #tpu.memory_space<vmem>>, vector<16xi32>,
    tpu.vector_store %arg6[%swap3A_336, %swap3A_337], %gather3A_334 {strides = array<i32>} : memref<2x256xi32, #tpu.memory_space<vmem>>, vector<16xi32>,
    %iota3A_339 = tpu.iota {dimensions = array<i32: 0>} : vector<16xi32>
    %add3A_340 = arith.constant 272 : i32
    %add3A_341 = vector.broadcast %add3A_340 : i32 to vector<16xi32>
    %add3A_342 = arith.addi %add3A_341, %iota3A_339 : vector<16xi32>
    %div3A_343 = arith.constant 200 : i32
    %div3A_344 = vector.broadcast %div3A_343 : i32 to vector<16xi32>
    %div3A_345 = arith.divsi %add3A_342, %div3A_344 : vector<16xi32>
    %sub3A_346 = vector.broadcast %select_n3A_321 : i32 to vector<16xi32>
    %sub3A_347 = arith.subi %div3A_345, %sub3A_346 : vector<16xi32>
    %rem3A_348 = arith.constant 200 : i32
    %rem3A_349 = vector.broadcast %rem3A_348 : i32 to vector<16xi32>
    %rem3A_350 = arith.remsi %add3A_342, %rem3A_349 : vector<16xi32>
    %gather3A_351 = tpu.vector_load_idx %arg5[%sub3A_347, %rem3A_350] : memref<64x200xi32, #tpu.memory_space<vmem>>[vector<16xi32>, vector<16xi32>], vector<16xi32>,
    %swap3A_352 = arith.constant 1 : i32
    %swap3A_353 = arith.index_cast %swap3A_352 : i32 to index
    %swap3A_354 = arith.constant 16 : index
    %swap3A_355 = tpu.vector_load %arg6[%swap3A_353, %swap3A_354] {strides = array<i32>} : memref<2x256xi32, #tpu.memory_space<vmem>>, vector<16xi32>,
    tpu.vector_store %arg6[%swap3A_353, %swap3A_354], %gather3A_351 {strides = array<i32>} : memref<2x256xi32, #tpu.memory_space<vmem>>, vector<16xi32>,
    %iota3A_356 = tpu.iota {dimensions = array<i32: 0>} : vector<16xi32>
    %add3A_357 = arith.constant 288 : i32
    %add3A_358 = vector.broadcast %add3A_357 : i32 to vector<16xi32>
    %add3A_359 = arith.addi %add3A_358, %iota3A_356 : vector<16xi32>
    %div3A_360 = arith.constant 200 : i32
    %div3A_361 = vector.broadcast %div3A_360 : i32 to vector<16xi32>
    %div3A_362 = arith.divsi %add3A_359, %div3A_361 : vector<16xi32>
    %sub3A_363 = vector.broadcast %select_n3A_321 : i32 to vector<16xi32>
    %sub3A_364 = arith.subi %div3A_362, %sub3A_363 : vector<16xi32>
    %rem3A_365 = arith.constant 200 : i32
    %rem3A_366 = vector.broadcast %rem3A_365 : i32 to vector<16xi32>
    %rem3A_367 = arith.remsi %add3A_359, %rem3A_366 : vector<16xi32>
    %gather3A_368 = tpu.vector_load_idx %arg5[%sub3A_364, %rem3A_367] : memref<64x200xi32, #tpu.memory_space<vmem>>[vector<16xi32>, vector<16xi32>], vector<16xi32>,
    %swap3A_369 = arith.constant 1 : i32
    %swap3A_370 = arith.index_cast %swap3A_369 : i32 to index
    %swap3A_371 = arith.constant 32 : index
    %swap3A_372 = tpu.vector_load %arg6[%swap3A_370, %swap3A_371] {strides = array<i32>} : memref<2x256xi32, #tpu.memory_space<vmem>>, vector<16xi32>,
    tpu.vector_store %arg6[%swap3A_370, %swap3A_371], %gather3A_368 {strides = array<i32>} : memref<2x256xi32, #tpu.memory_space<vmem>>, vector<16xi32>,
    %iota3A_373 = tpu.iota {dimensions = array<i32: 0>} : vector<16xi32>
    %add3A_374 = arith.constant 304 : i32
    %add3A_375 = vector.broadcast %add3A_374 : i32 to vector<16xi32>
    %add3A_376 = arith.addi %add3A_375, %iota3A_373 : vector<16xi32>
    %div3A_377 = arith.constant 200 : i32
    %div3A_378 = vector.broadcast %div3A_377 : i32 to vector<16xi32>
    %div3A_379 = arith.divsi %add3A_376, %div3A_378 : vector<16xi32>
    %sub3A_380 = vector.broadcast %select_n3A_321 : i32 to vector<16xi32>
    %sub3A_381 = arith.subi %div3A_379, %sub3A_380 : vector<16xi32>
    %rem3A_382 = arith.constant 200 : i32
    %rem3A_383 = vector.broadcast %rem3A_382 : i32 to vector<16xi32>
    %rem3A_384 = arith.remsi %add3A_376, %rem3A_383 : vector<16xi32>
    %gather3A_385 = tpu.vector_load_idx %arg5[%sub3A_381, %rem3A_384] : memref<64x200xi32, #tpu.memory_space<vmem>>[vector<16xi32>, vector<16xi32>], vector<16xi32>,
    %swap3A_386 = arith.constant 1 : i32
    %swap3A_387 = arith.index_cast %swap3A_386 : i32 to index
    %swap3A_388 = arith.constant 48 : index
    %swap3A_389 = tpu.vector_load %arg6[%swap3A_387, %swap3A_388] {strides = array<i32>} : memref<2x256xi32, #tpu.memory_space<vmem>>, vector<16xi32>,
    tpu.vector_store %arg6[%swap3A_387, %swap3A_388], %gather3A_385 {strides = array<i32>} : memref<2x256xi32, #tpu.memory_space<vmem>>, vector<16xi32>,
    %iota3A_390 = tpu.iota {dimensions = array<i32: 0>} : vector<16xi32>
    %add3A_391 = arith.constant 320 : i32
    %add3A_392 = vector.broadcast %add3A_391 : i32 to vector<16xi32>
    %add3A_393 = arith.addi %add3A_392, %iota3A_390 : vector<16xi32>
    %div3A_394 = arith.constant 200 : i32
    %div3A_395 = vector.broadcast %div3A_394 : i32 to vector<16xi32>
    %div3A_396 = arith.divsi %add3A_393, %div3A_395 : vector<16xi32>
    %sub3A_397 = vector.broadcast %select_n3A_321 : i32 to vector<16xi32>
    %sub3A_398 = arith.subi %div3A_396, %sub3A_397 : vector<16xi32>
    %rem3A_399 = arith.constant 200 : i32
    %rem3A_400 = vector.broadcast %rem3A_399 : i32 to vector<16xi32>
    %rem3A_401 = arith.remsi %add3A_393, %rem3A_400 : vector<16xi32>
    %gather3A_402 = tpu.vector_load_idx %arg5[%sub3A_398, %rem3A_401] : memref<64x200xi32, #tpu.memory_space<vmem>>[vector<16xi32>, vector<16xi32>], vector<16xi32>,
    %swap3A_403 = arith.constant 1 : i32
    %swap3A_404 = arith.index_cast %swap3A_403 : i32 to index
    %swap3A_405 = arith.constant 64 : index
    %swap3A_406 = tpu.vector_load %arg6[%swap3A_404, %swap3A_405] {strides = array<i32>} : memref<2x256xi32, #tpu.memory_space<vmem>>, vector<16xi32>,
    tpu.vector_store %arg6[%swap3A_404, %swap3A_405], %gather3A_402 {strides = array<i32>} : memref<2x256xi32, #tpu.memory_space<vmem>>, vector<16xi32>,
    %iota3A_407 = tpu.iota {dimensions = array<i32: 0>} : vector<16xi32>
    %add3A_408 = arith.constant 336 : i32
    %add3A_409 = vector.broadcast %add3A_408 : i32 to vector<16xi32>
    %add3A_410 = arith.addi %add3A_409, %iota3A_407 : vector<16xi32>
    %div3A_411 = arith.constant 200 : i32
    %div3A_412 = vector.broadcast %div3A_411 : i32 to vector<16xi32>
    %div3A_413 = arith.divsi %add3A_410, %div3A_412 : vector<16xi32>
    %sub3A_414 = vector.broadcast %select_n3A_321 : i32 to vector<16xi32>
    %sub3A_415 = arith.subi %div3A_413, %sub3A_414 : vector<16xi32>
    %rem3A_416 = arith.constant 200 : i32
    %rem3A_417 = vector.broadcast %rem3A_416 : i32 to vector<16xi32>
    %rem3A_418 = arith.remsi %add3A_410, %rem3A_417 : vector<16xi32>
    %gather3A_419 = tpu.vector_load_idx %arg5[%sub3A_415, %rem3A_418] : memref<64x200xi32, #tpu.memory_space<vmem>>[vector<16xi32>, vector<16xi32>], vector<16xi32>,
    %swap3A_420 = arith.constant 1 : i32
    %swap3A_421 = arith.index_cast %swap3A_420 : i32 to index
    %swap3A_422 = arith.constant 80 : index
    %swap3A_423 = tpu.vector_load %arg6[%swap3A_421, %swap3A_422] {strides = array<i32>} : memref<2x256xi32, #tpu.memory_space<vmem>>, vector<16xi32>,
    tpu.vector_store %arg6[%swap3A_421, %swap3A_422], %gather3A_419 {strides = array<i32>} : memref<2x256xi32, #tpu.memory_space<vmem>>, vector<16xi32>,
    %iota3A_424 = tpu.iota {dimensions = array<i32: 0>} : vector<16xi32>
    %add3A_425 = arith.constant 352 : i32
    %add3A_426 = vector.broadcast %add3A_425 : i32 to vector<16xi32>
    %add3A_427 = arith.addi %add3A_426, %iota3A_424 : vector<16xi32>
    %div3A_428 = arith.constant 200 : i32
    %div3A_429 = vector.broadcast %div3A_428 : i32 to vector<16xi32>
    %div3A_430 = arith.divsi %add3A_427, %div3A_429 : vector<16xi32>
    %sub3A_431 = vector.broadcast %select_n3A_321 : i32 to vector<16xi32>
    %sub3A_432 = arith.subi %div3A_430, %sub3A_431 : vector<16xi32>
    %rem3A_433 = arith.constant 200 : i32
    %rem3A_434 = vector.broadcast %rem3A_433 : i32 to vector<16xi32>
    %rem3A_435 = arith.remsi %add3A_427, %rem3A_434 : vector<16xi32>
    %gather3A_436 = tpu.vector_load_idx %arg5[%sub3A_432, %rem3A_435] : memref<64x200xi32, #tpu.memory_space<vmem>>[vector<16xi32>, vector<16xi32>], vector<16xi32>,
    %swap3A_437 = arith.constant 1 : i32
    %swap3A_438 = arith.index_cast %swap3A_437 : i32 to index
    %swap3A_439 = arith.constant 96 : index
    %swap3A_440 = tpu.vector_load %arg6[%swap3A_438, %swap3A_439] {strides = array<i32>} : memref<2x256xi32, #tpu.memory_space<vmem>>, vector<16xi32>,
    tpu.vector_store %arg6[%swap3A_438, %swap3A_439], %gather3A_436 {strides = array<i32>} : memref<2x256xi32, #tpu.memory_space<vmem>>, vector<16xi32>,
    %iota3A_441 = tpu.iota {dimensions = array<i32: 0>} : vector<16xi32>
    %add3A_442 = arith.constant 368 : i32
    %add3A_443 = vector.broadcast %add3A_442 : i32 to vector<16xi32>
    %add3A_444 = arith.addi %add3A_443, %iota3A_441 : vector<16xi32>
    %div3A_445 = arith.constant 200 : i32
    %div3A_446 = vector.broadcast %div3A_445 : i32 to vector<16xi32>
    %div3A_447 = arith.divsi %add3A_444, %div3A_446 : vector<16xi32>
    %sub3A_448 = vector.broadcast %select_n3A_321 : i32 to vector<16xi32>
    %sub3A_449 = arith.subi %div3A_447, %sub3A_448 : vector<16xi32>
    %rem3A_450 = arith.constant 200 : i32
    %rem3A_451 = vector.broadcast %rem3A_450 : i32 to vector<16xi32>
    %rem3A_452 = arith.remsi %add3A_444, %rem3A_451 : vector<16xi32>
    %gather3A_453 = tpu.vector_load_idx %arg5[%sub3A_449, %rem3A_452] : memref<64x200xi32, #tpu.memory_space<vmem>>[vector<16xi32>, vector<16xi32>], vector<16xi32>,
    %swap3A_454 = arith.constant 1 : i32
    %swap3A_455 = arith.index_cast %swap3A_454 : i32 to index
    %swap3A_456 = arith.constant 112 : index
    %swap3A_457 = tpu.vector_load %arg6[%swap3A_455, %swap3A_456] {strides = array<i32>} : memref<2x256xi32, #tpu.memory_space<vmem>>, vector<16xi32>,
    tpu.vector_store %arg6[%swap3A_455, %swap3A_456], %gather3A_453 {strides = array<i32>} : memref<2x256xi32, #tpu.memory_space<vmem>>, vector<16xi32>,
    %iota3A_458 = tpu.iota {dimensions = array<i32: 0>} : vector<16xi32>
    %add3A_459 = arith.constant 384 : i32
    %add3A_460 = vector.broadcast %add3A_459 : i32 to vector<16xi32>
    %add3A_461 = arith.addi %add3A_460, %iota3A_458 : vector<16xi32>
    %div3A_462 = arith.constant 200 : i32
    %div3A_463 = vector.broadcast %div3A_462 : i32 to vector<16xi32>
    %div3A_464 = arith.divsi %add3A_461, %div3A_463 : vector<16xi32>
    %sub3A_465 = vector.broadcast %select_n3A_321 : i32 to vector<16xi32>
    %sub3A_466 = arith.subi %div3A_464, %sub3A_465 : vector<16xi32>
    %rem3A_467 = arith.constant 200 : i32
    %rem3A_468 = vector.broadcast %rem3A_467 : i32 to vector<16xi32>
    %rem3A_469 = arith.remsi %add3A_461, %rem3A_468 : vector<16xi32>
    %gather3A_470 = tpu.vector_load_idx %arg5[%sub3A_466, %rem3A_469] : memref<64x200xi32, #tpu.memory_space<vmem>>[vector<16xi32>, vector<16xi32>], vector<16xi32>,
    %swap3A_471 = arith.constant 1 : i32
    %swap3A_472 = arith.index_cast %swap3A_471 : i32 to index
    %swap3A_473 = arith.constant 128 : index
    %swap3A_474 = tpu.vector_load %arg6[%swap3A_472, %swap3A_473] {strides = array<i32>} : memref<2x256xi32, #tpu.memory_space<vmem>>, vector<16xi32>,
    tpu.vector_store %arg6[%swap3A_472, %swap3A_473], %gather3A_470 {strides = array<i32>} : memref<2x256xi32, #tpu.memory_space<vmem>>, vector<16xi32>,
    %iota3A_475 = tpu.iota {dimensions = array<i32: 0>} : vector<16xi32>
    %add3A_476 = arith.constant 400 : i32
    %add3A_477 = vector.broadcast %add3A_476 : i32 to vector<16xi32>
    %add3A_478 = arith.addi %add3A_477, %iota3A_475 : vector<16xi32>
    %div3A_479 = arith.constant 200 : i32
    %div3A_480 = vector.broadcast %div3A_479 : i32 to vector<16xi32>
    %div3A_481 = arith.divsi %add3A_478, %div3A_480 : vector<16xi32>
    %sub3A_482 = vector.broadcast %select_n3A_321 : i32 to vector<16xi32>
    %sub3A_483 = arith.subi %div3A_481, %sub3A_482 : vector<16xi32>
    %rem3A_484 = arith.constant 200 : i32
    %rem3A_485 = vector.broadcast %rem3A_484 : i32 to vector<16xi32>
    %rem3A_486 = arith.remsi %add3A_478, %rem3A_485 : vector<16xi32>
    %gather3A_487 = tpu.vector_load_idx %arg5[%sub3A_483, %rem3A_486] : memref<64x200xi32, #tpu.memory_space<vmem>>[vector<16xi32>, vector<16xi32>], vector<16xi32>,
    %swap3A_488 = arith.constant 1 : i32
    %swap3A_489 = arith.index_cast %swap3A_488 : i32 to index
    %swap3A_490 = arith.constant 144 : index
    %swap3A_491 = tpu.vector_load %arg6[%swap3A_489, %swap3A_490] {strides = array<i32>} : memref<2x256xi32, #tpu.memory_space<vmem>>, vector<16xi32>,
    tpu.vector_store %arg6[%swap3A_489, %swap3A_490], %gather3A_487 {strides = array<i32>} : memref<2x256xi32, #tpu.memory_space<vmem>>, vector<16xi32>,
    %iota3A_492 = tpu.iota {dimensions = array<i32: 0>} : vector<16xi32>
    %add3A_493 = arith.constant 416 : i32
    %add3A_494 = vector.broadcast %add3A_493 : i32 to vector<16xi32>
    %add3A_495 = arith.addi %add3A_494, %iota3A_492 : vector<16xi32>
    %div3A_496 = arith.constant 200 : i32
    %div3A_497 = vector.broadcast %div3A_496 : i32 to vector<16xi32>
    %div3A_498 = arith.divsi %add3A_495, %div3A_497 : vector<16xi32>
    %sub3A_499 = vector.broadcast %select_n3A_321 : i32 to vector<16xi32>
    %sub3A_500 = arith.subi %div3A_498, %sub3A_499 : vector<16xi32>
    %rem3A_501 = arith.constant 200 : i32
    %rem3A_502 = vector.broadcast %rem3A_501 : i32 to vector<16xi32>
    %rem3A_503 = arith.remsi %add3A_495, %rem3A_502 : vector<16xi32>
    %gather3A_504 = tpu.vector_load_idx %arg5[%sub3A_500, %rem3A_503] : memref<64x200xi32, #tpu.memory_space<vmem>>[vector<16xi32>, vector<16xi32>], vector<16xi32>,
    %swap3A_505 = arith.constant 1 : i32
    %swap3A_506 = arith.index_cast %swap3A_505 : i32 to index
    %swap3A_507 = arith.constant 160 : index
    %swap3A_508 = tpu.vector_load %arg6[%swap3A_506, %swap3A_507] {strides = array<i32>} : memref<2x256xi32, #tpu.memory_space<vmem>>, vector<16xi32>,
    tpu.vector_store %arg6[%swap3A_506, %swap3A_507], %gather3A_504 {strides = array<i32>} : memref<2x256xi32, #tpu.memory_space<vmem>>, vector<16xi32>,
    %iota3A_509 = tpu.iota {dimensions = array<i32: 0>} : vector<16xi32>
    %add3A_510 = arith.constant 432 : i32
    %add3A_511 = vector.broadcast %add3A_510 : i32 to vector<16xi32>
    %add3A_512 = arith.addi %add3A_511, %iota3A_509 : vector<16xi32>
    %div3A_513 = arith.constant 200 : i32
    %div3A_514 = vector.broadcast %div3A_513 : i32 to vector<16xi32>
    %div3A_515 = arith.divsi %add3A_512, %div3A_514 : vector<16xi32>
    %sub3A_516 = vector.broadcast %select_n3A_321 : i32 to vector<16xi32>
    %sub3A_517 = arith.subi %div3A_515, %sub3A_516 : vector<16xi32>
    %rem3A_518 = arith.constant 200 : i32
    %rem3A_519 = vector.broadcast %rem3A_518 : i32 to vector<16xi32>
    %rem3A_520 = arith.remsi %add3A_512, %rem3A_519 : vector<16xi32>
    %gather3A_521 = tpu.vector_load_idx %arg5[%sub3A_517, %rem3A_520] : memref<64x200xi32, #tpu.memory_space<vmem>>[vector<16xi32>, vector<16xi32>], vector<16xi32>,
    %swap3A_522 = arith.constant 1 : i32
    %swap3A_523 = arith.index_cast %swap3A_522 : i32 to index
    %swap3A_524 = arith.constant 176 : index
    %swap3A_525 = tpu.vector_load %arg6[%swap3A_523, %swap3A_524] {strides = array<i32>} : memref<2x256xi32, #tpu.memory_space<vmem>>, vector<16xi32>,
    tpu.vector_store %arg6[%swap3A_523, %swap3A_524], %gather3A_521 {strides = array<i32>} : memref<2x256xi32, #tpu.memory_space<vmem>>, vector<16xi32>,
    %iota3A_526 = tpu.iota {dimensions = array<i32: 0>} : vector<16xi32>
    %add3A_527 = arith.constant 448 : i32
    %add3A_528 = vector.broadcast %add3A_527 : i32 to vector<16xi32>
    %add3A_529 = arith.addi %add3A_528, %iota3A_526 : vector<16xi32>
    %div3A_530 = arith.constant 200 : i32
    %div3A_531 = vector.broadcast %div3A_530 : i32 to vector<16xi32>
    %div3A_532 = arith.divsi %add3A_529, %div3A_531 : vector<16xi32>
    %sub3A_533 = vector.broadcast %select_n3A_321 : i32 to vector<16xi32>
    %sub3A_534 = arith.subi %div3A_532, %sub3A_533 : vector<16xi32>
    %rem3A_535 = arith.constant 200 : i32
    %rem3A_536 = vector.broadcast %rem3A_535 : i32 to vector<16xi32>
    %rem3A_537 = arith.remsi %add3A_529, %rem3A_536 : vector<16xi32>
    %gather3A_538 = tpu.vector_load_idx %arg5[%sub3A_534, %rem3A_537] : memref<64x200xi32, #tpu.memory_space<vmem>>[vector<16xi32>, vector<16xi32>], vector<16xi32>,
    %swap3A_539 = arith.constant 1 : i32
    %swap3A_540 = arith.index_cast %swap3A_539 : i32 to index
    %swap3A_541 = arith.constant 192 : index
    %swap3A_542 = tpu.vector_load %arg6[%swap3A_540, %swap3A_541] {strides = array<i32>} : memref<2x256xi32, #tpu.memory_space<vmem>>, vector<16xi32>,
    tpu.vector_store %arg6[%swap3A_540, %swap3A_541], %gather3A_538 {strides = array<i32>} : memref<2x256xi32, #tpu.memory_space<vmem>>, vector<16xi32>,
    %iota3A_543 = tpu.iota {dimensions = array<i32: 0>} : vector<16xi32>
    %add3A_544 = arith.constant 464 : i32
    %add3A_545 = vector.broadcast %add3A_544 : i32 to vector<16xi32>
    %add3A_546 = arith.addi %add3A_545, %iota3A_543 : vector<16xi32>
    %div3A_547 = arith.constant 200 : i32
    %div3A_548 = vector.broadcast %div3A_547 : i32 to vector<16xi32>
    %div3A_549 = arith.divsi %add3A_546, %div3A_548 : vector<16xi32>
    %sub3A_550 = vector.broadcast %select_n3A_321 : i32 to vector<16xi32>
    %sub3A_551 = arith.subi %div3A_549, %sub3A_550 : vector<16xi32>
    %rem3A_552 = arith.constant 200 : i32
    %rem3A_553 = vector.broadcast %rem3A_552 : i32 to vector<16xi32>
    %rem3A_554 = arith.remsi %add3A_546, %rem3A_553 : vector<16xi32>
    %gather3A_555 = tpu.vector_load_idx %arg5[%sub3A_551, %rem3A_554] : memref<64x200xi32, #tpu.memory_space<vmem>>[vector<16xi32>, vector<16xi32>], vector<16xi32>,
    %swap3A_556 = arith.constant 1 : i32
    %swap3A_557 = arith.index_cast %swap3A_556 : i32 to index
    %swap3A_558 = arith.constant 208 : index
    %swap3A_559 = tpu.vector_load %arg6[%swap3A_557, %swap3A_558] {strides = array<i32>} : memref<2x256xi32, #tpu.memory_space<vmem>>, vector<16xi32>,
    tpu.vector_store %arg6[%swap3A_557, %swap3A_558], %gather3A_555 {strides = array<i32>} : memref<2x256xi32, #tpu.memory_space<vmem>>, vector<16xi32>,
    %iota3A_560 = tpu.iota {dimensions = array<i32: 0>} : vector<16xi32>
    %add3A_561 = arith.constant 480 : i32
    %add3A_562 = vector.broadcast %add3A_561 : i32 to vector<16xi32>
    %add3A_563 = arith.addi %add3A_562, %iota3A_560 : vector<16xi32>
    %div3A_564 = arith.constant 200 : i32
    %div3A_565 = vector.broadcast %div3A_564 : i32 to vector<16xi32>
    %div3A_566 = arith.divsi %add3A_563, %div3A_565 : vector<16xi32>
    %sub3A_567 = vector.broadcast %select_n3A_321 : i32 to vector<16xi32>
    %sub3A_568 = arith.subi %div3A_566, %sub3A_567 : vector<16xi32>
    %rem3A_569 = arith.constant 200 : i32
    %rem3A_570 = vector.broadcast %rem3A_569 : i32 to vector<16xi32>
    %rem3A_571 = arith.remsi %add3A_563, %rem3A_570 : vector<16xi32>
    %gather3A_572 = tpu.vector_load_idx %arg5[%sub3A_568, %rem3A_571] : memref<64x200xi32, #tpu.memory_space<vmem>>[vector<16xi32>, vector<16xi32>], vector<16xi32>,
    %swap3A_573 = arith.constant 1 : i32
    %swap3A_574 = arith.index_cast %swap3A_573 : i32 to index
    %swap3A_575 = arith.constant 224 : index
    %swap3A_576 = tpu.vector_load %arg6[%swap3A_574, %swap3A_575] {strides = array<i32>} : memref<2x256xi32, #tpu.memory_space<vmem>>, vector<16xi32>,
    tpu.vector_store %arg6[%swap3A_574, %swap3A_575], %gather3A_572 {strides = array<i32>} : memref<2x256xi32, #tpu.memory_space<vmem>>, vector<16xi32>,
    %iota3A_577 = tpu.iota {dimensions = array<i32: 0>} : vector<16xi32>
    %add3A_578 = arith.constant 496 : i32
    %add3A_579 = vector.broadcast %add3A_578 : i32 to vector<16xi32>
    %add3A_580 = arith.addi %add3A_579, %iota3A_577 : vector<16xi32>
    %div3A_581 = arith.constant 200 : i32
    %div3A_582 = vector.broadcast %div3A_581 : i32 to vector<16xi32>
    %div3A_583 = arith.divsi %add3A_580, %div3A_582 : vector<16xi32>
    %sub3A_584 = vector.broadcast %select_n3A_321 : i32 to vector<16xi32>
    %sub3A_585 = arith.subi %div3A_583, %sub3A_584 : vector<16xi32>
    %rem3A_586 = arith.constant 200 : i32
    %rem3A_587 = vector.broadcast %rem3A_586 : i32 to vector<16xi32>
    %rem3A_588 = arith.remsi %add3A_580, %rem3A_587 : vector<16xi32>
    %gather3A_589 = tpu.vector_load_idx %arg5[%sub3A_585, %rem3A_588] : memref<64x200xi32, #tpu.memory_space<vmem>>[vector<16xi32>, vector<16xi32>], vector<16xi32>,
    %swap3A_590 = arith.constant 1 : i32
    %swap3A_591 = arith.index_cast %swap3A_590 : i32 to index
    %swap3A_592 = arith.constant 240 : index
    %swap3A_593 = tpu.vector_load %arg6[%swap3A_591, %swap3A_592] {strides = array<i32>} : memref<2x256xi32, #tpu.memory_space<vmem>>, vector<16xi32>,
    tpu.vector_store %arg6[%swap3A_591, %swap3A_592], %gather3A_589 {strides = array<i32>} : memref<2x256xi32, #tpu.memory_space<vmem>>, vector<16xi32>,
    %dma_start3A_594 = arith.constant 1 : i32
    %dma_start3A_595 = arith.constant 1 : i32
    %dma_start3A_596 = arith.constant 0 : i32
    %dma_start3A_597 = arith.constant 0 : i32
    %dma_start3A_598 = tpu.memref_slice %arg7[%dma_start3A_595, %dma_start3A_596, %dma_start3A_597] : memref<2x256x128xf32, #tpu.memory_space<vmem>> -> memref<1x256x128xf32, #tpu.memory_space<vmem>>
    %dma_start3A_599 = tpu.memref_squeeze %dma_start3A_598 : memref<1x256x128xf32, #tpu.memory_space<vmem>> -> memref<256x128xf32, #tpu.memory_space<vmem>>
    %dma_start3A_600 = arith.constant 0 : i32
    %dma_start3A_601 = arith.constant 0 : i32
    %dma_start3A_602 = tpu.memref_slice %dma_start3A_599[%dma_start3A_600, %dma_start3A_601] : memref<256x128xf32, #tpu.memory_space<vmem>> -> memref<128x128xf32, #tpu.memory_space<vmem>>
    %dma_start3A_603 = arith.constant 0 : i32
    %dma_start3A_604 = tpu.memref_slice %arg6[%dma_start3A_594, %dma_start3A_603] : memref<2x256xi32, #tpu.memory_space<vmem>> -> memref<1x256xi32, #tpu.memory_space<vmem>>
    %dma_start3A_605 = tpu.memref_squeeze %dma_start3A_604 : memref<1x256xi32, #tpu.memory_space<vmem>> -> memref<256xi32, #tpu.memory_space<vmem>>
    %dma_start3A_606 = arith.constant 0 : i32
    %dma_start3A_607 = tpu.memref_slice %dma_start3A_605[%dma_start3A_606] : memref<256xi32, #tpu.memory_space<vmem>> -> memref<128xi32, #tpu.memory_space<vmem>>
    %dma_start3A_608 = arith.constant 0 : i32
    %dma_start3A_609 = arith.constant 0 : i32
    %dma_start3A_610 = tpu.memref_slice %arg3[%dma_start3A_608, %dma_start3A_609] : memref<1000000x128xf32, #tpu.memory_space<hbm>> -> memref<1000000x128xf32, #tpu.memory_space<hbm>>
    tpu.enqueue_indirect_dma source(%dma_start3A_610 : memref<1000000x128xf32, #tpu.memory_space<hbm>>) target(%dma_start3A_602 : memref<128x128xf32, #tpu.memory_space<vmem>>) offsets(%dma_start3A_607 : memref<128xi32, #tpu.memory_space<vmem>>) semaphore(%arg10 : memref<!tpu.dma_semaphore, #tpu.memory_space<semaphore_mem>>)
    %dma_start3A_611 = arith.constant 1 : i32
    %dma_start3A_612 = arith.constant 1 : i32
    %dma_start3A_613 = arith.constant 0 : i32
    %dma_start3A_614 = arith.constant 0 : i32
    %dma_start3A_615 = tpu.memref_slice %arg7[%dma_start3A_612, %dma_start3A_613, %dma_start3A_614] : memref<2x256x128xf32, #tpu.memory_space<vmem>> -> memref<1x256x128xf32, #tpu.memory_space<vmem>>
    %dma_start3A_616 = tpu.memref_squeeze %dma_start3A_615 : memref<1x256x128xf32, #tpu.memory_space<vmem>> -> memref<256x128xf32, #tpu.memory_space<vmem>>
    %dma_start3A_617 = arith.constant 128 : i32
    %dma_start3A_618 = arith.constant 0 : i32
    %dma_start3A_619 = tpu.memref_slice %dma_start3A_616[%dma_start3A_617, %dma_start3A_618] : memref<256x128xf32, #tpu.memory_space<vmem>> -> memref<128x128xf32, #tpu.memory_space<vmem>>
    %dma_start3A_620 = arith.constant 0 : i32
    %dma_start3A_621 = tpu.memref_slice %arg6[%dma_start3A_611, %dma_start3A_620] : memref<2x256xi32, #tpu.memory_space<vmem>> -> memref<1x256xi32, #tpu.memory_space<vmem>>
    %dma_start3A_622 = tpu.memref_squeeze %dma_start3A_621 : memref<1x256xi32, #tpu.memory_space<vmem>> -> memref<256xi32, #tpu.memory_space<vmem>>
    %dma_start3A_623 = arith.constant 128 : i32
    %dma_start3A_624 = tpu.memref_slice %dma_start3A_622[%dma_start3A_623] : memref<256xi32, #tpu.memory_space<vmem>> -> memref<128xi32, #tpu.memory_space<vmem>>
    %dma_start3A_625 = arith.constant 0 : i32
    %dma_start3A_626 = arith.constant 0 : i32
    %dma_start3A_627 = tpu.memref_slice %arg3[%dma_start3A_625, %dma_start3A_626] : memref<1000000x128xf32, #tpu.memory_space<hbm>> -> memref<1000000x128xf32, #tpu.memory_space<hbm>>
    tpu.enqueue_indirect_dma source(%dma_start3A_627 : memref<1000000x128xf32, #tpu.memory_space<hbm>>) target(%dma_start3A_619 : memref<128x128xf32, #tpu.memory_space<vmem>>) offsets(%dma_start3A_624 : memref<128xi32, #tpu.memory_space<vmem>>) semaphore(%arg10 : memref<!tpu.dma_semaphore, #tpu.memory_space<semaphore_mem>>)
    %scan3A = arith.constant 0 : i32
    %scan3A_628 = arith.constant 0 : i32
    %scan3A_629 = arith.constant 49 : i32
    %scan3A_630 = arith.addi %scan3A_628, %scan3A_629 : i32
    %scan3A_631 = arith.constant 1 : i32
    scf.for %scan3A_841 = %scan3A_628 to %scan3A_630 step %scan3A_631  : i32 {
      %mul3A_842 = arith.constant 2 : i32
      %mul3A_843 = arith.muli %mul3A_842, %scan3A_841 : i32
      %add3A_844 = arith.constant 0 : i32
      %add3A_845 = arith.addi %mul3A_843, %add3A_844 : i32
      %dma_wait3A_846 = arith.constant 0 : i32
      %dma_wait3A_847 = arith.constant 0 : i32
      %dma_wait3A_848 = arith.constant 0 : i32
      %dma_wait3A_849 = arith.constant 0 : i32
      %dma_wait3A_850 = tpu.memref_slice %arg7[%dma_wait3A_847, %dma_wait3A_848, %dma_wait3A_849] : memref<2x256x128xf32, #tpu.memory_space<vmem>> -> memref<1x256x128xf32, #tpu.memory_space<vmem>>
      %dma_wait3A_851 = tpu.memref_squeeze %dma_wait3A_850 : memref<1x256x128xf32, #tpu.memory_space<vmem>> -> memref<256x128xf32, #tpu.memory_space<vmem>>
      %dma_wait3A_852 = arith.constant 0 : i32
      %dma_wait3A_853 = arith.constant 0 : i32
      %dma_wait3A_854 = tpu.memref_slice %dma_wait3A_851[%dma_wait3A_852, %dma_wait3A_853] : memref<256x128xf32, #tpu.memory_space<vmem>> -> memref<128x128xf32, #tpu.memory_space<vmem>>
      %dma_wait3A_855 = arith.constant 0 : i32
      %dma_wait3A_856 = tpu.memref_slice %arg6[%dma_wait3A_846, %dma_wait3A_855] : memref<2x256xi32, #tpu.memory_space<vmem>> -> memref<1x256xi32, #tpu.memory_space<vmem>>
      %dma_wait3A_857 = tpu.memref_squeeze %dma_wait3A_856 : memref<1x256xi32, #tpu.memory_space<vmem>> -> memref<256xi32, #tpu.memory_space<vmem>>
      %dma_wait3A_858 = arith.constant 0 : i32
      %dma_wait3A_859 = tpu.memref_slice %dma_wait3A_857[%dma_wait3A_858] : memref<256xi32, #tpu.memory_space<vmem>> -> memref<128xi32, #tpu.memory_space<vmem>>
      %dma_wait3A_860 = arith.constant 0 : i32
      %dma_wait3A_861 = arith.constant 0 : i32
      %dma_wait3A_862 = tpu.memref_slice %arg3[%dma_wait3A_860, %dma_wait3A_861] : memref<1000000x128xf32, #tpu.memory_space<hbm>> -> memref<1000000x128xf32, #tpu.memory_space<hbm>>
      tpu.wait_indirect_dma semaphore(%arg9 : memref<!tpu.dma_semaphore, #tpu.memory_space<semaphore_mem>>) src(%dma_wait3A_862 : memref<1000000x128xf32, #tpu.memory_space<hbm>>) dst(%dma_wait3A_854 : memref<128x128xf32, #tpu.memory_space<vmem>>)
      %dma_wait3A_863 = arith.constant 0 : i32
      %dma_wait3A_864 = arith.constant 0 : i32
      %dma_wait3A_865 = arith.constant 0 : i32
      %dma_wait3A_866 = arith.constant 0 : i32
      %dma_wait3A_867 = tpu.memref_slice %arg7[%dma_wait3A_864, %dma_wait3A_865, %dma_wait3A_866] : memref<2x256x128xf32, #tpu.memory_space<vmem>> -> memref<1x256x128xf32, #tpu.memory_space<vmem>>
      %dma_wait3A_868 = tpu.memref_squeeze %dma_wait3A_867 : memref<1x256x128xf32, #tpu.memory_space<vmem>> -> memref<256x128xf32, #tpu.memory_space<vmem>>
      %dma_wait3A_869 = arith.constant 128 : i32
      %dma_wait3A_870 = arith.constant 0 : i32
      %dma_wait3A_871 = tpu.memref_slice %dma_wait3A_868[%dma_wait3A_869, %dma_wait3A_870] : memref<256x128xf32, #tpu.memory_space<vmem>> -> memref<128x128xf32, #tpu.memory_space<vmem>>
      %dma_wait3A_872 = arith.constant 0 : i32
      %dma_wait3A_873 = tpu.memref_slice %arg6[%dma_wait3A_863, %dma_wait3A_872] : memref<2x256xi32, #tpu.memory_space<vmem>> -> memref<1x256xi32, #tpu.memory_space<vmem>>
      %dma_wait3A_874 = tpu.memref_squeeze %dma_wait3A_873 : memref<1x256xi32, #tpu.memory_space<vmem>> -> memref<256xi32, #tpu.memory_space<vmem>>
      %dma_wait3A_875 = arith.constant 128 : i32
      %dma_wait3A_876 = tpu.memref_slice %dma_wait3A_874[%dma_wait3A_875] : memref<256xi32, #tpu.memory_space<vmem>> -> memref<128xi32, #tpu.memory_space<vmem>>
      %dma_wait3A_877 = arith.constant 0 : i32
      %dma_wait3A_878 = arith.constant 0 : i32
      %dma_wait3A_879 = tpu.memref_slice %arg3[%dma_wait3A_877, %dma_wait3A_878] : memref<1000000x128xf32, #tpu.memory_space<hbm>> -> memref<1000000x128xf32, #tpu.memory_space<hbm>>
      tpu.wait_indirect_dma semaphore(%arg9 : memref<!tpu.dma_semaphore, #tpu.memory_space<semaphore_mem>>) src(%dma_wait3A_879 : memref<1000000x128xf32, #tpu.memory_space<hbm>>) dst(%dma_wait3A_871 : memref<128x128xf32, #tpu.memory_space<vmem>>)
      %gt3A_880 = arith.constant 0 : i32
      %gt3A_881 = arith.cmpi sgt, %add3A_845, %gt3A_880 : i32
      %convert_element_type3A_882 = arith.extui %gt3A_881 : i1 to i32
      %cond3A_883 = arith.constant 0 : i32
      %cond3A_884 = arith.cmpi ne, %convert_element_type3A_882, %cond3A_883 : i32
      scf.if %cond3A_884 {
        %dma_wait3A_1766 = arith.constant 0 : i32
        %dma_wait3A_1767 = arith.constant 0 : i32
        %dma_wait3A_1768 = arith.constant 0 : i32
        %dma_wait3A_1769 = tpu.memref_slice %arg8[%dma_wait3A_1766, %dma_wait3A_1767, %dma_wait3A_1768] : memref<2x128x64xf32, #tpu.memory_space<vmem>> -> memref<1x128x64xf32, #tpu.memory_space<vmem>>
        %dma_wait3A_1770 = tpu.memref_squeeze %dma_wait3A_1769 : memref<1x128x64xf32, #tpu.memory_space<vmem>> -> memref<128x64xf32, #tpu.memory_space<vmem>>
        %dma_wait3A_1771 = arith.constant 0 : i32
        %dma_wait3A_1772 = tpu.memref_slice %arg4[%mul3A_2, %dma_wait3A_1771] : memref<819200x64xf32, #tpu.memory_space<hbm>> -> memref<128x64xf32, #tpu.memory_space<hbm>>
        %dma_wait3A_1773 = arith.constant 0 : i32
        %dma_wait3A_1774 = tpu.memref_slice %arg4[%mul3A_2, %dma_wait3A_1773] : memref<819200x64xf32, #tpu.memory_space<hbm>> -> memref<128x64xf32, #tpu.memory_space<hbm>>
        %dma_wait3A_1775 = arith.constant 0 : i32
        %dma_wait3A_1776 = arith.constant 0 : i32
        %dma_wait3A_1777 = tpu.memref_slice %arg8[%dma_wait3A_1766, %dma_wait3A_1775, %dma_wait3A_1776] : memref<2x128x64xf32, #tpu.memory_space<vmem>> -> memref<1x128x64xf32, #tpu.memory_space<vmem>>
        %dma_wait3A_1778 = tpu.memref_squeeze %dma_wait3A_1777 : memref<1x128x64xf32, #tpu.memory_space<vmem>> -> memref<128x64xf32, #tpu.memory_space<vmem>>
        tpu.wait_dma2 semaphore(%arg11 : memref<!tpu.dma_semaphore, #tpu.memory_space<semaphore_mem>>) src(%dma_wait3A_1778 : memref<128x64xf32, #tpu.memory_space<vmem>>) dst(%dma_wait3A_1774 : memref<128x64xf32, #tpu.memory_space<hbm>>)
      } else {
      }
      %scan3A_885 = arith.constant 0 : i32
      %scan3A_886 = arith.constant 0 : i32
      %scan3A_887 = arith.constant 32 : i32
      %scan3A_888 = arith.addi %scan3A_886, %scan3A_887 : i32
      %scan3A_889 = arith.constant 1 : i32
      scf.for %scan3A_1766 = %scan3A_886 to %scan3A_888 step %scan3A_889  : i32 {
        %mul3A_1767 = arith.constant 4 : i32
        %mul3A_1768 = arith.muli %scan3A_1766, %mul3A_1767 : i32
        %add3A_1769 = arith.constant 0 : i32
        %add3A_1770 = arith.addi %mul3A_1768, %add3A_1769 : i32
        %add3A_1771 = arith.constant 0 : i32
        %add3A_1772 = arith.addi %add3A_1771, %add3A_1770 : i32
        %get3A = arith.constant 0 : i32
        %get3A_1773 = arith.constant 0 : i32
        %get3A_1774 = arith.constant 0 : i32
        %get3A_1775 = tpu.memref_slice %arg7[%get3A, %get3A_1773, %get3A_1774] : memref<2x256x128xf32, #tpu.memory_space<vmem>> -> memref<1x256x128xf32, #tpu.memory_space<vmem>>
        %get3A_1776 = tpu.memref_squeeze %get3A_1775 : memref<1x256x128xf32, #tpu.memory_space<vmem>> -> memref<256x128xf32, #tpu.memory_space<vmem>>
        %get3A_1777 = arith.index_cast %add3A_1772 : i32 to index
        %get3A_1778 = arith.constant 0 : index
        %get3A_1779 = tpu.vector_load %get3A_1776[%get3A_1777, %get3A_1778] {strides = array<i32>} : memref<256x128xf32, #tpu.memory_space<vmem>>, vector<16xf32>,
        %swap3A_1780 = arith.constant 0 : i32
        %swap3A_1781 = arith.index_cast %swap3A_1780 : i32 to index
        %swap3A_1782 = arith.index_cast %add3A_1770 : i32 to index
        %swap3A_1783 = arith.constant 0 : index
        %swap3A_1784 = tpu.vector_load %arg8[%swap3A_1781, %swap3A_1782, %swap3A_1783] {strides = array<i32>} : memref<2x128x64xf32, #tpu.memory_space<vmem>>, vector<16xf32>,
        tpu.vector_store %arg8[%swap3A_1781, %swap3A_1782, %swap3A_1783], %get3A_1779 {strides = array<i32>} : memref<2x128x64xf32, #tpu.memory_space<vmem>>, vector<16xf32>,
        %add3A_1785 = arith.constant 0 : i32
        %add3A_1786 = arith.addi %add3A_1785, %add3A_1770 : i32
        %get3A_1787 = arith.constant 0 : i32
        %get3A_1788 = arith.constant 0 : i32
        %get3A_1789 = arith.constant 0 : i32
        %get3A_1790 = tpu.memref_slice %arg7[%get3A_1787, %get3A_1788, %get3A_1789] : memref<2x256x128xf32, #tpu.memory_space<vmem>> -> memref<1x256x128xf32, #tpu.memory_space<vmem>>
        %get3A_1791 = tpu.memref_squeeze %get3A_1790 : memref<1x256x128xf32, #tpu.memory_space<vmem>> -> memref<256x128xf32, #tpu.memory_space<vmem>>
        %get3A_1792 = arith.index_cast %add3A_1786 : i32 to index
        %get3A_1793 = arith.constant 16 : index
        %get3A_1794 = tpu.vector_load %get3A_1791[%get3A_1792, %get3A_1793] {strides = array<i32>} : memref<256x128xf32, #tpu.memory_space<vmem>>, vector<16xf32>,
        %swap3A_1795 = arith.constant 0 : i32
        %swap3A_1796 = arith.index_cast %swap3A_1795 : i32 to index
        %swap3A_1797 = arith.index_cast %add3A_1770 : i32 to index
        %swap3A_1798 = arith.constant 16 : index
        %swap3A_1799 = tpu.vector_load %arg8[%swap3A_1796, %swap3A_1797, %swap3A_1798] {strides = array<i32>} : memref<2x128x64xf32, #tpu.memory_space<vmem>>, vector<16xf32>,
        tpu.vector_store %arg8[%swap3A_1796, %swap3A_1797, %swap3A_1798], %get3A_1794 {strides = array<i32>} : memref<2x128x64xf32, #tpu.memory_space<vmem>>, vector<16xf32>,
        %add3A_1800 = arith.constant 0 : i32
        %add3A_1801 = arith.addi %add3A_1800, %add3A_1770 : i32
        %get3A_1802 = arith.constant 0 : i32
        %get3A_1803 = arith.constant 0 : i32
        %get3A_1804 = arith.constant 0 : i32
        %get3A_1805 = tpu.memref_slice %arg7[%get3A_1802, %get3A_1803, %get3A_1804] : memref<2x256x128xf32, #tpu.memory_space<vmem>> -> memref<1x256x128xf32, #tpu.memory_space<vmem>>
        %get3A_1806 = tpu.memref_squeeze %get3A_1805 : memref<1x256x128xf32, #tpu.memory_space<vmem>> -> memref<256x128xf32, #tpu.memory_space<vmem>>
        %get3A_1807 = arith.index_cast %add3A_1801 : i32 to index
        %get3A_1808 = arith.constant 32 : index
        %get3A_1809 = tpu.vector_load %get3A_1806[%get3A_1807, %get3A_1808] {strides = array<i32>} : memref<256x128xf32, #tpu.memory_space<vmem>>, vector<16xf32>,
        %swap3A_1810 = arith.constant 0 : i32
        %swap3A_1811 = arith.index_cast %swap3A_1810 : i32 to index
        %swap3A_1812 = arith.index_cast %add3A_1770 : i32 to index
        %swap3A_1813 = arith.constant 32 : index
        %swap3A_1814 = tpu.vector_load %arg8[%swap3A_1811, %swap3A_1812, %swap3A_1813] {strides = array<i32>} : memref<2x128x64xf32, #tpu.memory_space<vmem>>, vector<16xf32>,
        tpu.vector_store %arg8[%swap3A_1811, %swap3A_1812, %swap3A_1813], %get3A_1809 {strides = array<i32>} : memref<2x128x64xf32, #tpu.memory_space<vmem>>, vector<16xf32>,
        %add3A_1815 = arith.constant 0 : i32
        %add3A_1816 = arith.addi %add3A_1815, %add3A_1770 : i32
        %get3A_1817 = arith.constant 0 : i32
        %get3A_1818 = arith.constant 0 : i32
        %get3A_1819 = arith.constant 0 : i32
        %get3A_1820 = tpu.memref_slice %arg7[%get3A_1817, %get3A_1818, %get3A_1819] : memref<2x256x128xf32, #tpu.memory_space<vmem>> -> memref<1x256x128xf32, #tpu.memory_space<vmem>>
        %get3A_1821 = tpu.memref_squeeze %get3A_1820 : memref<1x256x128xf32, #tpu.memory_space<vmem>> -> memref<256x128xf32, #tpu.memory_space<vmem>>
        %get3A_1822 = arith.index_cast %add3A_1816 : i32 to index
        %get3A_1823 = arith.constant 48 : index
        %get3A_1824 = tpu.vector_load %get3A_1821[%get3A_1822, %get3A_1823] {strides = array<i32>} : memref<256x128xf32, #tpu.memory_space<vmem>>, vector<16xf32>,
        %swap3A_1825 = arith.constant 0 : i32
        %swap3A_1826 = arith.index_cast %swap3A_1825 : i32 to index
        %swap3A_1827 = arith.index_cast %add3A_1770 : i32 to index
        %swap3A_1828 = arith.constant 48 : index
        %swap3A_1829 = tpu.vector_load %arg8[%swap3A_1826, %swap3A_1827, %swap3A_1828] {strides = array<i32>} : memref<2x128x64xf32, #tpu.memory_space<vmem>>, vector<16xf32>,
        tpu.vector_store %arg8[%swap3A_1826, %swap3A_1827, %swap3A_1828], %get3A_1824 {strides = array<i32>} : memref<2x128x64xf32, #tpu.memory_space<vmem>>, vector<16xf32>,
        %mul3A_1830 = arith.constant 4 : i32
        %mul3A_1831 = arith.muli %scan3A_1766, %mul3A_1830 : i32
        %add3A_1832 = arith.constant 1 : i32
        %add3A_1833 = arith.addi %mul3A_1831, %add3A_1832 : i32
        %add3A_1834 = arith.constant 0 : i32
        %add3A_1835 = arith.addi %add3A_1834, %add3A_1833 : i32
        %get3A_1836 = arith.constant 0 : i32
        %get3A_1837 = arith.constant 0 : i32
        %get3A_1838 = arith.constant 0 : i32
        %get3A_1839 = tpu.memref_slice %arg7[%get3A_1836, %get3A_1837, %get3A_1838] : memref<2x256x128xf32, #tpu.memory_space<vmem>> -> memref<1x256x128xf32, #tpu.memory_space<vmem>>
        %get3A_1840 = tpu.memref_squeeze %get3A_1839 : memref<1x256x128xf32, #tpu.memory_space<vmem>> -> memref<256x128xf32, #tpu.memory_space<vmem>>
        %get3A_1841 = arith.index_cast %add3A_1835 : i32 to index
        %get3A_1842 = arith.constant 0 : index
        %get3A_1843 = tpu.vector_load %get3A_1840[%get3A_1841, %get3A_1842] {strides = array<i32>} : memref<256x128xf32, #tpu.memory_space<vmem>>, vector<16xf32>,
        %swap3A_1844 = arith.constant 0 : i32
        %swap3A_1845 = arith.index_cast %swap3A_1844 : i32 to index
        %swap3A_1846 = arith.index_cast %add3A_1833 : i32 to index
        %swap3A_1847 = arith.constant 0 : index
        %swap3A_1848 = tpu.vector_load %arg8[%swap3A_1845, %swap3A_1846, %swap3A_1847] {strides = array<i32>} : memref<2x128x64xf32, #tpu.memory_space<vmem>>, vector<16xf32>,
        tpu.vector_store %arg8[%swap3A_1845, %swap3A_1846, %swap3A_1847], %get3A_1843 {strides = array<i32>} : memref<2x128x64xf32, #tpu.memory_space<vmem>>, vector<16xf32>,
        %add3A_1849 = arith.constant 0 : i32
        %add3A_1850 = arith.addi %add3A_1849, %add3A_1833 : i32
        %get3A_1851 = arith.constant 0 : i32
        %get3A_1852 = arith.constant 0 : i32
        %get3A_1853 = arith.constant 0 : i32
        %get3A_1854 = tpu.memref_slice %arg7[%get3A_1851, %get3A_1852, %get3A_1853] : memref<2x256x128xf32, #tpu.memory_space<vmem>> -> memref<1x256x128xf32, #tpu.memory_space<vmem>>
        %get3A_1855 = tpu.memref_squeeze %get3A_1854 : memref<1x256x128xf32, #tpu.memory_space<vmem>> -> memref<256x128xf32, #tpu.memory_space<vmem>>
        %get3A_1856 = arith.index_cast %add3A_1850 : i32 to index
        %get3A_1857 = arith.constant 16 : index
        %get3A_1858 = tpu.vector_load %get3A_1855[%get3A_1856, %get3A_1857] {strides = array<i32>} : memref<256x128xf32, #tpu.memory_space<vmem>>, vector<16xf32>,
        %swap3A_1859 = arith.constant 0 : i32
        %swap3A_1860 = arith.index_cast %swap3A_1859 : i32 to index
        %swap3A_1861 = arith.index_cast %add3A_1833 : i32 to index
        %swap3A_1862 = arith.constant 16 : index
        %swap3A_1863 = tpu.vector_load %arg8[%swap3A_1860, %swap3A_1861, %swap3A_1862] {strides = array<i32>} : memref<2x128x64xf32, #tpu.memory_space<vmem>>, vector<16xf32>,
        tpu.vector_store %arg8[%swap3A_1860, %swap3A_1861, %swap3A_1862], %get3A_1858 {strides = array<i32>} : memref<2x128x64xf32, #tpu.memory_space<vmem>>, vector<16xf32>,
        %add3A_1864 = arith.constant 0 : i32
        %add3A_1865 = arith.addi %add3A_1864, %add3A_1833 : i32
        %get3A_1866 = arith.constant 0 : i32
        %get3A_1867 = arith.constant 0 : i32
        %get3A_1868 = arith.constant 0 : i32
        %get3A_1869 = tpu.memref_slice %arg7[%get3A_1866, %get3A_1867, %get3A_1868] : memref<2x256x128xf32, #tpu.memory_space<vmem>> -> memref<1x256x128xf32, #tpu.memory_space<vmem>>
        %get3A_1870 = tpu.memref_squeeze %get3A_1869 : memref<1x256x128xf32, #tpu.memory_space<vmem>> -> memref<256x128xf32, #tpu.memory_space<vmem>>
        %get3A_1871 = arith.index_cast %add3A_1865 : i32 to index
        %get3A_1872 = arith.constant 32 : index
        %get3A_1873 = tpu.vector_load %get3A_1870[%get3A_1871, %get3A_1872] {strides = array<i32>} : memref<256x128xf32, #tpu.memory_space<vmem>>, vector<16xf32>,
        %swap3A_1874 = arith.constant 0 : i32
        %swap3A_1875 = arith.index_cast %swap3A_1874 : i32 to index
        %swap3A_1876 = arith.index_cast %add3A_1833 : i32 to index
        %swap3A_1877 = arith.constant 32 : index
        %swap3A_1878 = tpu.vector_load %arg8[%swap3A_1875, %swap3A_1876, %swap3A_1877] {strides = array<i32>} : memref<2x128x64xf32, #tpu.memory_space<vmem>>, vector<16xf32>,
        tpu.vector_store %arg8[%swap3A_1875, %swap3A_1876, %swap3A_1877], %get3A_1873 {strides = array<i32>} : memref<2x128x64xf32, #tpu.memory_space<vmem>>, vector<16xf32>,
        %add3A_1879 = arith.constant 0 : i32
        %add3A_1880 = arith.addi %add3A_1879, %add3A_1833 : i32
        %get3A_1881 = arith.constant 0 : i32
        %get3A_1882 = arith.constant 0 : i32
        %get3A_1883 = arith.constant 0 : i32
        %get3A_1884 = tpu.memref_slice %arg7[%get3A_1881, %get3A_1882, %get3A_1883] : memref<2x256x128xf32, #tpu.memory_space<vmem>> -> memref<1x256x128xf32, #tpu.memory_space<vmem>>
        %get3A_1885 = tpu.memref_squeeze %get3A_1884 : memref<1x256x128xf32, #tpu.memory_space<vmem>> -> memref<256x128xf32, #tpu.memory_space<vmem>>
        %get3A_1886 = arith.index_cast %add3A_1880 : i32 to index
        %get3A_1887 = arith.constant 48 : index
        %get3A_1888 = tpu.vector_load %get3A_1885[%get3A_1886, %get3A_1887] {strides = array<i32>} : memref<256x128xf32, #tpu.memory_space<vmem>>, vector<16xf32>,
        %swap3A_1889 = arith.constant 0 : i32
        %swap3A_1890 = arith.index_cast %swap3A_1889 : i32 to index
        %swap3A_1891 = arith.index_cast %add3A_1833 : i32 to index
        %swap3A_1892 = arith.constant 48 : index
        %swap3A_1893 = tpu.vector_load %arg8[%swap3A_1890, %swap3A_1891, %swap3A_1892] {strides = array<i32>} : memref<2x128x64xf32, #tpu.memory_space<vmem>>, vector<16xf32>,
        tpu.vector_store %arg8[%swap3A_1890, %swap3A_1891, %swap3A_1892], %get3A_1888 {strides = array<i32>} : memref<2x128x64xf32, #tpu.memory_space<vmem>>, vector<16xf32>,
        %mul3A_1894 = arith.constant 4 : i32
        %mul3A_1895 = arith.muli %scan3A_1766, %mul3A_1894 : i32
        %add3A_1896 = arith.constant 2 : i32
        %add3A_1897 = arith.addi %mul3A_1895, %add3A_1896 : i32
        %add3A_1898 = arith.constant 0 : i32
        %add3A_1899 = arith.addi %add3A_1898, %add3A_1897 : i32
        %get3A_1900 = arith.constant 0 : i32
        %get3A_1901 = arith.constant 0 : i32
        %get3A_1902 = arith.constant 0 : i32
        %get3A_1903 = tpu.memref_slice %arg7[%get3A_1900, %get3A_1901, %get3A_1902] : memref<2x256x128xf32, #tpu.memory_space<vmem>> -> memref<1x256x128xf32, #tpu.memory_space<vmem>>
        %get3A_1904 = tpu.memref_squeeze %get3A_1903 : memref<1x256x128xf32, #tpu.memory_space<vmem>> -> memref<256x128xf32, #tpu.memory_space<vmem>>
        %get3A_1905 = arith.index_cast %add3A_1899 : i32 to index
        %get3A_1906 = arith.constant 0 : index
        %get3A_1907 = tpu.vector_load %get3A_1904[%get3A_1905, %get3A_1906] {strides = array<i32>} : memref<256x128xf32, #tpu.memory_space<vmem>>, vector<16xf32>,
        %swap3A_1908 = arith.constant 0 : i32
        %swap3A_1909 = arith.index_cast %swap3A_1908 : i32 to index
        %swap3A_1910 = arith.index_cast %add3A_1897 : i32 to index
        %swap3A_1911 = arith.constant 0 : index
        %swap3A_1912 = tpu.vector_load %arg8[%swap3A_1909, %swap3A_1910, %swap3A_1911] {strides = array<i32>} : memref<2x128x64xf32, #tpu.memory_space<vmem>>, vector<16xf32>,
        tpu.vector_store %arg8[%swap3A_1909, %swap3A_1910, %swap3A_1911], %get3A_1907 {strides = array<i32>} : memref<2x128x64xf32, #tpu.memory_space<vmem>>, vector<16xf32>,
        %add3A_1913 = arith.constant 0 : i32
        %add3A_1914 = arith.addi %add3A_1913, %add3A_1897 : i32
        %get3A_1915 = arith.constant 0 : i32
        %get3A_1916 = arith.constant 0 : i32
        %get3A_1917 = arith.constant 0 : i32
        %get3A_1918 = tpu.memref_slice %arg7[%get3A_1915, %get3A_1916, %get3A_1917] : memref<2x256x128xf32, #tpu.memory_space<vmem>> -> memref<1x256x128xf32, #tpu.memory_space<vmem>>
        %get3A_1919 = tpu.memref_squeeze %get3A_1918 : memref<1x256x128xf32, #tpu.memory_space<vmem>> -> memref<256x128xf32, #tpu.memory_space<vmem>>
        %get3A_1920 = arith.index_cast %add3A_1914 : i32 to index
        %get3A_1921 = arith.constant 16 : index
        %get3A_1922 = tpu.vector_load %get3A_1919[%get3A_1920, %get3A_1921] {strides = array<i32>} : memref<256x128xf32, #tpu.memory_space<vmem>>, vector<16xf32>,
        %swap3A_1923 = arith.constant 0 : i32
        %swap3A_1924 = arith.index_cast %swap3A_1923 : i32 to index
        %swap3A_1925 = arith.index_cast %add3A_1897 : i32 to index
        %swap3A_1926 = arith.constant 16 : index
        %swap3A_1927 = tpu.vector_load %arg8[%swap3A_1924, %swap3A_1925, %swap3A_1926] {strides = array<i32>} : memref<2x128x64xf32, #tpu.memory_space<vmem>>, vector<16xf32>,
        tpu.vector_store %arg8[%swap3A_1924, %swap3A_1925, %swap3A_1926], %get3A_1922 {strides = array<i32>} : memref<2x128x64xf32, #tpu.memory_space<vmem>>, vector<16xf32>,
        %add3A_1928 = arith.constant 0 : i32
        %add3A_1929 = arith.addi %add3A_1928, %add3A_1897 : i32
        %get3A_1930 = arith.constant 0 : i32
        %get3A_1931 = arith.constant 0 : i32
        %get3A_1932 = arith.constant 0 : i32
        %get3A_1933 = tpu.memref_slice %arg7[%get3A_1930, %get3A_1931, %get3A_1932] : memref<2x256x128xf32, #tpu.memory_space<vmem>> -> memref<1x256x128xf32, #tpu.memory_space<vmem>>
        %get3A_1934 = tpu.memref_squeeze %get3A_1933 : memref<1x256x128xf32, #tpu.memory_space<vmem>> -> memref<256x128xf32, #tpu.memory_space<vmem>>
        %get3A_1935 = arith.index_cast %add3A_1929 : i32 to index
        %get3A_1936 = arith.constant 32 : index
        %get3A_1937 = tpu.vector_load %get3A_1934[%get3A_1935, %get3A_1936] {strides = array<i32>} : memref<256x128xf32, #tpu.memory_space<vmem>>, vector<16xf32>,
        %swap3A_1938 = arith.constant 0 : i32
        %swap3A_1939 = arith.index_cast %swap3A_1938 : i32 to index
        %swap3A_1940 = arith.index_cast %add3A_1897 : i32 to index
        %swap3A_1941 = arith.constant 32 : index
        %swap3A_1942 = tpu.vector_load %arg8[%swap3A_1939, %swap3A_1940, %swap3A_1941] {strides = array<i32>} : memref<2x128x64xf32, #tpu.memory_space<vmem>>, vector<16xf32>,
        tpu.vector_store %arg8[%swap3A_1939, %swap3A_1940, %swap3A_1941], %get3A_1937 {strides = array<i32>} : memref<2x128x64xf32, #tpu.memory_space<vmem>>, vector<16xf32>,
        %add3A_1943 = arith.constant 0 : i32
        %add3A_1944 = arith.addi %add3A_1943, %add3A_1897 : i32
        %get3A_1945 = arith.constant 0 : i32
        %get3A_1946 = arith.constant 0 : i32
        %get3A_1947 = arith.constant 0 : i32
        %get3A_1948 = tpu.memref_slice %arg7[%get3A_1945, %get3A_1946, %get3A_1947] : memref<2x256x128xf32, #tpu.memory_space<vmem>> -> memref<1x256x128xf32, #tpu.memory_space<vmem>>
        %get3A_1949 = tpu.memref_squeeze %get3A_1948 : memref<1x256x128xf32, #tpu.memory_space<vmem>> -> memref<256x128xf32, #tpu.memory_space<vmem>>
        %get3A_1950 = arith.index_cast %add3A_1944 : i32 to index
        %get3A_1951 = arith.constant 48 : index
        %get3A_1952 = tpu.vector_load %get3A_1949[%get3A_1950, %get3A_1951] {strides = array<i32>} : memref<256x128xf32, #tpu.memory_space<vmem>>, vector<16xf32>,
        %swap3A_1953 = arith.constant 0 : i32
        %swap3A_1954 = arith.index_cast %swap3A_1953 : i32 to index
        %swap3A_1955 = arith.index_cast %add3A_1897 : i32 to index
        %swap3A_1956 = arith.constant 48 : index
        %swap3A_1957 = tpu.vector_load %arg8[%swap3A_1954, %swap3A_1955, %swap3A_1956] {strides = array<i32>} : memref<2x128x64xf32, #tpu.memory_space<vmem>>, vector<16xf32>,
        tpu.vector_store %arg8[%swap3A_1954, %swap3A_1955, %swap3A_1956], %get3A_1952 {strides = array<i32>} : memref<2x128x64xf32, #tpu.memory_space<vmem>>, vector<16xf32>,
        %mul3A_1958 = arith.constant 4 : i32
        %mul3A_1959 = arith.muli %scan3A_1766, %mul3A_1958 : i32
        %add3A_1960 = arith.constant 3 : i32
        %add3A_1961 = arith.addi %mul3A_1959, %add3A_1960 : i32
        %add3A_1962 = arith.constant 0 : i32
        %add3A_1963 = arith.addi %add3A_1962, %add3A_1961 : i32
        %get3A_1964 = arith.constant 0 : i32
        %get3A_1965 = arith.constant 0 : i32
        %get3A_1966 = arith.constant 0 : i32
        %get3A_1967 = tpu.memref_slice %arg7[%get3A_1964, %get3A_1965, %get3A_1966] : memref<2x256x128xf32, #tpu.memory_space<vmem>> -> memref<1x256x128xf32, #tpu.memory_space<vmem>>
        %get3A_1968 = tpu.memref_squeeze %get3A_1967 : memref<1x256x128xf32, #tpu.memory_space<vmem>> -> memref<256x128xf32, #tpu.memory_space<vmem>>
        %get3A_1969 = arith.index_cast %add3A_1963 : i32 to index
        %get3A_1970 = arith.constant 0 : index
        %get3A_1971 = tpu.vector_load %get3A_1968[%get3A_1969, %get3A_1970] {strides = array<i32>} : memref<256x128xf32, #tpu.memory_space<vmem>>, vector<16xf32>,
        %swap3A_1972 = arith.constant 0 : i32
        %swap3A_1973 = arith.index_cast %swap3A_1972 : i32 to index
        %swap3A_1974 = arith.index_cast %add3A_1961 : i32 to index
        %swap3A_1975 = arith.constant 0 : index
        %swap3A_1976 = tpu.vector_load %arg8[%swap3A_1973, %swap3A_1974, %swap3A_1975] {strides = array<i32>} : memref<2x128x64xf32, #tpu.memory_space<vmem>>, vector<16xf32>,
        tpu.vector_store %arg8[%swap3A_1973, %swap3A_1974, %swap3A_1975], %get3A_1971 {strides = array<i32>} : memref<2x128x64xf32, #tpu.memory_space<vmem>>, vector<16xf32>,
        %add3A_1977 = arith.constant 0 : i32
        %add3A_1978 = arith.addi %add3A_1977, %add3A_1961 : i32
        %get3A_1979 = arith.constant 0 : i32
        %get3A_1980 = arith.constant 0 : i32
        %get3A_1981 = arith.constant 0 : i32
        %get3A_1982 = tpu.memref_slice %arg7[%get3A_1979, %get3A_1980, %get3A_1981] : memref<2x256x128xf32, #tpu.memory_space<vmem>> -> memref<1x256x128xf32, #tpu.memory_space<vmem>>
        %get3A_1983 = tpu.memref_squeeze %get3A_1982 : memref<1x256x128xf32, #tpu.memory_space<vmem>> -> memref<256x128xf32, #tpu.memory_space<vmem>>
        %get3A_1984 = arith.index_cast %add3A_1978 : i32 to index
        %get3A_1985 = arith.constant 16 : index
        %get3A_1986 = tpu.vector_load %get3A_1983[%get3A_1984, %get3A_1985] {strides = array<i32>} : memref<256x128xf32, #tpu.memory_space<vmem>>, vector<16xf32>,
        %swap3A_1987 = arith.constant 0 : i32
        %swap3A_1988 = arith.index_cast %swap3A_1987 : i32 to index
        %swap3A_1989 = arith.index_cast %add3A_1961 : i32 to index
        %swap3A_1990 = arith.constant 16 : index
        %swap3A_1991 = tpu.vector_load %arg8[%swap3A_1988, %swap3A_1989, %swap3A_1990] {strides = array<i32>} : memref<2x128x64xf32, #tpu.memory_space<vmem>>, vector<16xf32>,
        tpu.vector_store %arg8[%swap3A_1988, %swap3A_1989, %swap3A_1990], %get3A_1986 {strides = array<i32>} : memref<2x128x64xf32, #tpu.memory_space<vmem>>, vector<16xf32>,
        %add3A_1992 = arith.constant 0 : i32
        %add3A_1993 = arith.addi %add3A_1992, %add3A_1961 : i32
        %get3A_1994 = arith.constant 0 : i32
        %get3A_1995 = arith.constant 0 : i32
        %get3A_1996 = arith.constant 0 : i32
        %get3A_1997 = tpu.memref_slice %arg7[%get3A_1994, %get3A_1995, %get3A_1996] : memref<2x256x128xf32, #tpu.memory_space<vmem>> -> memref<1x256x128xf32, #tpu.memory_space<vmem>>
        %get3A_1998 = tpu.memref_squeeze %get3A_1997 : memref<1x256x128xf32, #tpu.memory_space<vmem>> -> memref<256x128xf32, #tpu.memory_space<vmem>>
        %get3A_1999 = arith.index_cast %add3A_1993 : i32 to index
        %get3A_2000 = arith.constant 32 : index
        %get3A_2001 = tpu.vector_load %get3A_1998[%get3A_1999, %get3A_2000] {strides = array<i32>} : memref<256x128xf32, #tpu.memory_space<vmem>>, vector<16xf32>,
        %swap3A_2002 = arith.constant 0 : i32
        %swap3A_2003 = arith.index_cast %swap3A_2002 : i32 to index
        %swap3A_2004 = arith.index_cast %add3A_1961 : i32 to index
        %swap3A_2005 = arith.constant 32 : index
        %swap3A_2006 = tpu.vector_load %arg8[%swap3A_2003, %swap3A_2004, %swap3A_2005] {strides = array<i32>} : memref<2x128x64xf32, #tpu.memory_space<vmem>>, vector<16xf32>,
        tpu.vector_store %arg8[%swap3A_2003, %swap3A_2004, %swap3A_2005], %get3A_2001 {strides = array<i32>} : memref<2x128x64xf32, #tpu.memory_space<vmem>>, vector<16xf32>,
        %add3A_2007 = arith.constant 0 : i32
        %add3A_2008 = arith.addi %add3A_2007, %add3A_1961 : i32
        %get3A_2009 = arith.constant 0 : i32
        %get3A_2010 = arith.constant 0 : i32
        %get3A_2011 = arith.constant 0 : i32
        %get3A_2012 = tpu.memref_slice %arg7[%get3A_2009, %get3A_2010, %get3A_2011] : memref<2x256x128xf32, #tpu.memory_space<vmem>> -> memref<1x256x128xf32, #tpu.memory_space<vmem>>
        %get3A_2013 = tpu.memref_squeeze %get3A_2012 : memref<1x256x128xf32, #tpu.memory_space<vmem>> -> memref<256x128xf32, #tpu.memory_space<vmem>>
        %get3A_2014 = arith.index_cast %add3A_2008 : i32 to index
        %get3A_2015 = arith.constant 48 : index
        %get3A_2016 = tpu.vector_load %get3A_2013[%get3A_2014, %get3A_2015] {strides = array<i32>} : memref<256x128xf32, #tpu.memory_space<vmem>>, vector<16xf32>,
        %swap3A_2017 = arith.constant 0 : i32
        %swap3A_2018 = arith.index_cast %swap3A_2017 : i32 to index
        %swap3A_2019 = arith.index_cast %add3A_1961 : i32 to index
        %swap3A_2020 = arith.constant 48 : index
        %swap3A_2021 = tpu.vector_load %arg8[%swap3A_2018, %swap3A_2019, %swap3A_2020] {strides = array<i32>} : memref<2x128x64xf32, #tpu.memory_space<vmem>>, vector<16xf32>,
        tpu.vector_store %arg8[%swap3A_2018, %swap3A_2019, %swap3A_2020], %get3A_2016 {strides = array<i32>} : memref<2x128x64xf32, #tpu.memory_space<vmem>>, vector<16xf32>,
      }
      %scan3A_890 = arith.constant 32 : i32
      %mul3A_891 = arith.constant 256 : i32
      %mul3A_892 = arith.muli %add3A_845, %mul3A_891 : i32
      %add3A_893 = arith.addi %mul3A_2, %mul3A_892 : i32
      %add3A_894 = arith.constant 0 : i32
      %add3A_895 = arith.addi %add3A_893, %add3A_894 : i32
      %dma_start3A_896 = arith.constant 0 : i32
      %dma_start3A_897 = arith.constant 0 : i32
      %dma_start3A_898 = arith.constant 0 : i32
      %dma_start3A_899 = tpu.memref_slice %arg8[%dma_start3A_896, %dma_start3A_897, %dma_start3A_898] : memref<2x128x64xf32, #tpu.memory_space<vmem>> -> memref<1x128x64xf32, #tpu.memory_space<vmem>>
      %dma_start3A_900 = tpu.memref_squeeze %dma_start3A_899 : memref<1x128x64xf32, #tpu.memory_space<vmem>> -> memref<128x64xf32, #tpu.memory_space<vmem>>
      %dma_start3A_901 = arith.constant 0 : i32
      %dma_start3A_902 = tpu.memref_slice %arg4[%add3A_895, %dma_start3A_901] : memref<819200x64xf32, #tpu.memory_space<hbm>> -> memref<128x64xf32, #tpu.memory_space<hbm>>
      %dma_start3A_903 = arith.constant 0 : i32
      %dma_start3A_904 = tpu.memref_slice %arg4[%add3A_895, %dma_start3A_903] : memref<819200x64xf32, #tpu.memory_space<hbm>> -> memref<128x64xf32, #tpu.memory_space<hbm>>
      %dma_start3A_905 = arith.constant 0 : i32
      %dma_start3A_906 = arith.constant 0 : i32
      %dma_start3A_907 = tpu.memref_slice %arg8[%dma_start3A_896, %dma_start3A_905, %dma_start3A_906] : memref<2x128x64xf32, #tpu.memory_space<vmem>> -> memref<1x128x64xf32, #tpu.memory_space<vmem>>
      %dma_start3A_908 = tpu.memref_squeeze %dma_start3A_907 : memref<1x128x64xf32, #tpu.memory_space<vmem>> -> memref<128x64xf32, #tpu.memory_space<vmem>>
      tpu.enqueue_dma source(%dma_start3A_908 : memref<128x64xf32, #tpu.memory_space<vmem>>) target(%dma_start3A_904 : memref<128x64xf32, #tpu.memory_space<hbm>>) target_semaphore(%arg11 : memref<!tpu.dma_semaphore, #tpu.memory_space<semaphore_mem>>)
      %gt3A_909 = arith.constant 0 : i32
      %gt3A_910 = arith.cmpi sgt, %add3A_845, %gt3A_909 : i32
      %convert_element_type3A_911 = arith.extui %gt3A_910 : i1 to i32
      %cond3A_912 = arith.constant 0 : i32
      %cond3A_913 = arith.cmpi ne, %convert_element_type3A_911, %cond3A_912 : i32
      scf.if %cond3A_913 {
        %dma_wait3A_1766 = arith.constant 1 : i32
        %dma_wait3A_1767 = arith.constant 0 : i32
        %dma_wait3A_1768 = arith.constant 0 : i32
        %dma_wait3A_1769 = tpu.memref_slice %arg8[%dma_wait3A_1766, %dma_wait3A_1767, %dma_wait3A_1768] : memref<2x128x64xf32, #tpu.memory_space<vmem>> -> memref<1x128x64xf32, #tpu.memory_space<vmem>>
        %dma_wait3A_1770 = tpu.memref_squeeze %dma_wait3A_1769 : memref<1x128x64xf32, #tpu.memory_space<vmem>> -> memref<128x64xf32, #tpu.memory_space<vmem>>
        %dma_wait3A_1771 = arith.constant 0 : i32
        %dma_wait3A_1772 = tpu.memref_slice %arg4[%mul3A_2, %dma_wait3A_1771] : memref<819200x64xf32, #tpu.memory_space<hbm>> -> memref<128x64xf32, #tpu.memory_space<hbm>>
        %dma_wait3A_1773 = arith.constant 0 : i32
        %dma_wait3A_1774 = tpu.memref_slice %arg4[%mul3A_2, %dma_wait3A_1773] : memref<819200x64xf32, #tpu.memory_space<hbm>> -> memref<128x64xf32, #tpu.memory_space<hbm>>
        %dma_wait3A_1775 = arith.constant 0 : i32
        %dma_wait3A_1776 = arith.constant 0 : i32
        %dma_wait3A_1777 = tpu.memref_slice %arg8[%dma_wait3A_1766, %dma_wait3A_1775, %dma_wait3A_1776] : memref<2x128x64xf32, #tpu.memory_space<vmem>> -> memref<1x128x64xf32, #tpu.memory_space<vmem>>
        %dma_wait3A_1778 = tpu.memref_squeeze %dma_wait3A_1777 : memref<1x128x64xf32, #tpu.memory_space<vmem>> -> memref<128x64xf32, #tpu.memory_space<vmem>>
        tpu.wait_dma2 semaphore(%arg12 : memref<!tpu.dma_semaphore, #tpu.memory_space<semaphore_mem>>) src(%dma_wait3A_1778 : memref<128x64xf32, #tpu.memory_space<vmem>>) dst(%dma_wait3A_1774 : memref<128x64xf32, #tpu.memory_space<hbm>>)
      } else {
      }
      %scan3A_914 = arith.constant 0 : i32
      %scan3A_915 = arith.constant 0 : i32
      %scan3A_916 = arith.constant 32 : i32
      %scan3A_917 = arith.addi %scan3A_915, %scan3A_916 : i32
      %scan3A_918 = arith.constant 1 : i32
      scf.for %scan3A_1766 = %scan3A_915 to %scan3A_917 step %scan3A_918  : i32 {
        %mul3A_1767 = arith.constant 4 : i32
        %mul3A_1768 = arith.muli %scan3A_1766, %mul3A_1767 : i32
        %add3A_1769 = arith.constant 0 : i32
        %add3A_1770 = arith.addi %mul3A_1768, %add3A_1769 : i32
        %add3A_1771 = arith.constant 128 : i32
        %add3A_1772 = arith.addi %add3A_1771, %add3A_1770 : i32
        %get3A = arith.constant 0 : i32
        %get3A_1773 = arith.constant 0 : i32
        %get3A_1774 = arith.constant 0 : i32
        %get3A_1775 = tpu.memref_slice %arg7[%get3A, %get3A_1773, %get3A_1774] : memref<2x256x128xf32, #tpu.memory_space<vmem>> -> memref<1x256x128xf32, #tpu.memory_space<vmem>>
        %get3A_1776 = tpu.memref_squeeze %get3A_1775 : memref<1x256x128xf32, #tpu.memory_space<vmem>> -> memref<256x128xf32, #tpu.memory_space<vmem>>
        %get3A_1777 = arith.index_cast %add3A_1772 : i32 to index
        %get3A_1778 = arith.constant 0 : index
        %get3A_1779 = tpu.vector_load %get3A_1776[%get3A_1777, %get3A_1778] {strides = array<i32>} : memref<256x128xf32, #tpu.memory_space<vmem>>, vector<16xf32>,
        %swap3A_1780 = arith.constant 1 : i32
        %swap3A_1781 = arith.index_cast %swap3A_1780 : i32 to index
        %swap3A_1782 = arith.index_cast %add3A_1770 : i32 to index
        %swap3A_1783 = arith.constant 0 : index
        %swap3A_1784 = tpu.vector_load %arg8[%swap3A_1781, %swap3A_1782, %swap3A_1783] {strides = array<i32>} : memref<2x128x64xf32, #tpu.memory_space<vmem>>, vector<16xf32>,
        tpu.vector_store %arg8[%swap3A_1781, %swap3A_1782, %swap3A_1783], %get3A_1779 {strides = array<i32>} : memref<2x128x64xf32, #tpu.memory_space<vmem>>, vector<16xf32>,
        %add3A_1785 = arith.constant 128 : i32
        %add3A_1786 = arith.addi %add3A_1785, %add3A_1770 : i32
        %get3A_1787 = arith.constant 0 : i32
        %get3A_1788 = arith.constant 0 : i32
        %get3A_1789 = arith.constant 0 : i32
        %get3A_1790 = tpu.memref_slice %arg7[%get3A_1787, %get3A_1788, %get3A_1789] : memref<2x256x128xf32, #tpu.memory_space<vmem>> -> memref<1x256x128xf32, #tpu.memory_space<vmem>>
        %get3A_1791 = tpu.memref_squeeze %get3A_1790 : memref<1x256x128xf32, #tpu.memory_space<vmem>> -> memref<256x128xf32, #tpu.memory_space<vmem>>
        %get3A_1792 = arith.index_cast %add3A_1786 : i32 to index
        %get3A_1793 = arith.constant 16 : index
        %get3A_1794 = tpu.vector_load %get3A_1791[%get3A_1792, %get3A_1793] {strides = array<i32>} : memref<256x128xf32, #tpu.memory_space<vmem>>, vector<16xf32>,
        %swap3A_1795 = arith.constant 1 : i32
        %swap3A_1796 = arith.index_cast %swap3A_1795 : i32 to index
        %swap3A_1797 = arith.index_cast %add3A_1770 : i32 to index
        %swap3A_1798 = arith.constant 16 : index
        %swap3A_1799 = tpu.vector_load %arg8[%swap3A_1796, %swap3A_1797, %swap3A_1798] {strides = array<i32>} : memref<2x128x64xf32, #tpu.memory_space<vmem>>, vector<16xf32>,
        tpu.vector_store %arg8[%swap3A_1796, %swap3A_1797, %swap3A_1798], %get3A_1794 {strides = array<i32>} : memref<2x128x64xf32, #tpu.memory_space<vmem>>, vector<16xf32>,
        %add3A_1800 = arith.constant 128 : i32
        %add3A_1801 = arith.addi %add3A_1800, %add3A_1770 : i32
        %get3A_1802 = arith.constant 0 : i32
        %get3A_1803 = arith.constant 0 : i32
        %get3A_1804 = arith.constant 0 : i32
        %get3A_1805 = tpu.memref_slice %arg7[%get3A_1802, %get3A_1803, %get3A_1804] : memref<2x256x128xf32, #tpu.memory_space<vmem>> -> memref<1x256x128xf32, #tpu.memory_space<vmem>>
        %get3A_1806 = tpu.memref_squeeze %get3A_1805 : memref<1x256x128xf32, #tpu.memory_space<vmem>> -> memref<256x128xf32, #tpu.memory_space<vmem>>
        %get3A_1807 = arith.index_cast %add3A_1801 : i32 to index
        %get3A_1808 = arith.constant 32 : index
        %get3A_1809 = tpu.vector_load %get3A_1806[%get3A_1807, %get3A_1808] {strides = array<i32>} : memref<256x128xf32, #tpu.memory_space<vmem>>, vector<16xf32>,
        %swap3A_1810 = arith.constant 1 : i32
        %swap3A_1811 = arith.index_cast %swap3A_1810 : i32 to index
        %swap3A_1812 = arith.index_cast %add3A_1770 : i32 to index
        %swap3A_1813 = arith.constant 32 : index
        %swap3A_1814 = tpu.vector_load %arg8[%swap3A_1811, %swap3A_1812, %swap3A_1813] {strides = array<i32>} : memref<2x128x64xf32, #tpu.memory_space<vmem>>, vector<16xf32>,
        tpu.vector_store %arg8[%swap3A_1811, %swap3A_1812, %swap3A_1813], %get3A_1809 {strides = array<i32>} : memref<2x128x64xf32, #tpu.memory_space<vmem>>, vector<16xf32>,
        %add3A_1815 = arith.constant 128 : i32
        %add3A_1816 = arith.addi %add3A_1815, %add3A_1770 : i32
        %get3A_1817 = arith.constant 0 : i32
        %get3A_1818 = arith.constant 0 : i32
        %get3A_1819 = arith.constant 0 : i32
        %get3A_1820 = tpu.memref_slice %arg7[%get3A_1817, %get3A_1818, %get3A_1819] : memref<2x256x128xf32, #tpu.memory_space<vmem>> -> memref<1x256x128xf32, #tpu.memory_space<vmem>>
        %get3A_1821 = tpu.memref_squeeze %get3A_1820 : memref<1x256x128xf32, #tpu.memory_space<vmem>> -> memref<256x128xf32, #tpu.memory_space<vmem>>
        %get3A_1822 = arith.index_cast %add3A_1816 : i32 to index
        %get3A_1823 = arith.constant 48 : index
        %get3A_1824 = tpu.vector_load %get3A_1821[%get3A_1822, %get3A_1823] {strides = array<i32>} : memref<256x128xf32, #tpu.memory_space<vmem>>, vector<16xf32>,
        %swap3A_1825 = arith.constant 1 : i32
        %swap3A_1826 = arith.index_cast %swap3A_1825 : i32 to index
        %swap3A_1827 = arith.index_cast %add3A_1770 : i32 to index
        %swap3A_1828 = arith.constant 48 : index
        %swap3A_1829 = tpu.vector_load %arg8[%swap3A_1826, %swap3A_1827, %swap3A_1828] {strides = array<i32>} : memref<2x128x64xf32, #tpu.memory_space<vmem>>, vector<16xf32>,
        tpu.vector_store %arg8[%swap3A_1826, %swap3A_1827, %swap3A_1828], %get3A_1824 {strides = array<i32>} : memref<2x128x64xf32, #tpu.memory_space<vmem>>, vector<16xf32>,
        %mul3A_1830 = arith.constant 4 : i32
        %mul3A_1831 = arith.muli %scan3A_1766, %mul3A_1830 : i32
        %add3A_1832 = arith.constant 1 : i32
        %add3A_1833 = arith.addi %mul3A_1831, %add3A_1832 : i32
        %add3A_1834 = arith.constant 128 : i32
        %add3A_1835 = arith.addi %add3A_1834, %add3A_1833 : i32
        %get3A_1836 = arith.constant 0 : i32
        %get3A_1837 = arith.constant 0 : i32
        %get3A_1838 = arith.constant 0 : i32
        %get3A_1839 = tpu.memref_slice %arg7[%get3A_1836, %get3A_1837, %get3A_1838] : memref<2x256x128xf32, #tpu.memory_space<vmem>> -> memref<1x256x128xf32, #tpu.memory_space<vmem>>
        %get3A_1840 = tpu.memref_squeeze %get3A_1839 : memref<1x256x128xf32, #tpu.memory_space<vmem>> -> memref<256x128xf32, #tpu.memory_space<vmem>>
        %get3A_1841 = arith.index_cast %add3A_1835 : i32 to index
        %get3A_1842 = arith.constant 0 : index
        %get3A_1843 = tpu.vector_load %get3A_1840[%get3A_1841, %get3A_1842] {strides = array<i32>} : memref<256x128xf32, #tpu.memory_space<vmem>>, vector<16xf32>,
        %swap3A_1844 = arith.constant 1 : i32
        %swap3A_1845 = arith.index_cast %swap3A_1844 : i32 to index
        %swap3A_1846 = arith.index_cast %add3A_1833 : i32 to index
        %swap3A_1847 = arith.constant 0 : index
        %swap3A_1848 = tpu.vector_load %arg8[%swap3A_1845, %swap3A_1846, %swap3A_1847] {strides = array<i32>} : memref<2x128x64xf32, #tpu.memory_space<vmem>>, vector<16xf32>,
        tpu.vector_store %arg8[%swap3A_1845, %swap3A_1846, %swap3A_1847], %get3A_1843 {strides = array<i32>} : memref<2x128x64xf32, #tpu.memory_space<vmem>>, vector<16xf32>,
        %add3A_1849 = arith.constant 128 : i32
        %add3A_1850 = arith.addi %add3A_1849, %add3A_1833 : i32
        %get3A_1851 = arith.constant 0 : i32
        %get3A_1852 = arith.constant 0 : i32
        %get3A_1853 = arith.constant 0 : i32
        %get3A_1854 = tpu.memref_slice %arg7[%get3A_1851, %get3A_1852, %get3A_1853] : memref<2x256x128xf32, #tpu.memory_space<vmem>> -> memref<1x256x128xf32, #tpu.memory_space<vmem>>
        %get3A_1855 = tpu.memref_squeeze %get3A_1854 : memref<1x256x128xf32, #tpu.memory_space<vmem>> -> memref<256x128xf32, #tpu.memory_space<vmem>>
        %get3A_1856 = arith.index_cast %add3A_1850 : i32 to index
        %get3A_1857 = arith.constant 16 : index
        %get3A_1858 = tpu.vector_load %get3A_1855[%get3A_1856, %get3A_1857] {strides = array<i32>} : memref<256x128xf32, #tpu.memory_space<vmem>>, vector<16xf32>,
        %swap3A_1859 = arith.constant 1 : i32
        %swap3A_1860 = arith.index_cast %swap3A_1859 : i32 to index
        %swap3A_1861 = arith.index_cast %add3A_1833 : i32 to index
        %swap3A_1862 = arith.constant 16 : index
        %swap3A_1863 = tpu.vector_load %arg8[%swap3A_1860, %swap3A_1861, %swap3A_1862] {strides = array<i32>} : memref<2x128x64xf32, #tpu.memory_space<vmem>>, vector<16xf32>,
        tpu.vector_store %arg8[%swap3A_1860, %swap3A_1861, %swap3A_1862], %get3A_1858 {strides = array<i32>} : memref<2x128x64xf32, #tpu.memory_space<vmem>>, vector<16xf32>,
        %add3A_1864 = arith.constant 128 : i32
        %add3A_1865 = arith.addi %add3A_1864, %add3A_1833 : i32
        %get3A_1866 = arith.constant 0 : i32
        %get3A_1867 = arith.constant 0 : i32
        %get3A_1868 = arith.constant 0 : i32
        %get3A_1869 = tpu.memref_slice %arg7[%get3A_1866, %get3A_1867, %get3A_1868] : memref<2x256x128xf32, #tpu.memory_space<vmem>> -> memref<1x256x128xf32, #tpu.memory_space<vmem>>
        %get3A_1870 = tpu.memref_squeeze %get3A_1869 : memref<1x256x128xf32, #tpu.memory_space<vmem>> -> memref<256x128xf32, #tpu.memory_space<vmem>>
        %get3A_1871 = arith.index_cast %add3A_1865 : i32 to index
        %get3A_1872 = arith.constant 32 : index
        %get3A_1873 = tpu.vector_load %get3A_1870[%get3A_1871, %get3A_1872] {strides = array<i32>} : memref<256x128xf32, #tpu.memory_space<vmem>>, vector<16xf32>,
        %swap3A_1874 = arith.constant 1 : i32
        %swap3A_1875 = arith.index_cast %swap3A_1874 : i32 to index
        %swap3A_1876 = arith.index_cast %add3A_1833 : i32 to index
        %swap3A_1877 = arith.constant 32 : index
        %swap3A_1878 = tpu.vector_load %arg8[%swap3A_1875, %swap3A_1876, %swap3A_1877] {strides = array<i32>} : memref<2x128x64xf32, #tpu.memory_space<vmem>>, vector<16xf32>,
        tpu.vector_store %arg8[%swap3A_1875, %swap3A_1876, %swap3A_1877], %get3A_1873 {strides = array<i32>} : memref<2x128x64xf32, #tpu.memory_space<vmem>>, vector<16xf32>,
        %add3A_1879 = arith.constant 128 : i32
        %add3A_1880 = arith.addi %add3A_1879, %add3A_1833 : i32
        %get3A_1881 = arith.constant 0 : i32
        %get3A_1882 = arith.constant 0 : i32
        %get3A_1883 = arith.constant 0 : i32
        %get3A_1884 = tpu.memref_slice %arg7[%get3A_1881, %get3A_1882, %get3A_1883] : memref<2x256x128xf32, #tpu.memory_space<vmem>> -> memref<1x256x128xf32, #tpu.memory_space<vmem>>
        %get3A_1885 = tpu.memref_squeeze %get3A_1884 : memref<1x256x128xf32, #tpu.memory_space<vmem>> -> memref<256x128xf32, #tpu.memory_space<vmem>>
        %get3A_1886 = arith.index_cast %add3A_1880 : i32 to index
        %get3A_1887 = arith.constant 48 : index
        %get3A_1888 = tpu.vector_load %get3A_1885[%get3A_1886, %get3A_1887] {strides = array<i32>} : memref<256x128xf32, #tpu.memory_space<vmem>>, vector<16xf32>,
        %swap3A_1889 = arith.constant 1 : i32
        %swap3A_1890 = arith.index_cast %swap3A_1889 : i32 to index
        %swap3A_1891 = arith.index_cast %add3A_1833 : i32 to index
        %swap3A_1892 = arith.constant 48 : index
        %swap3A_1893 = tpu.vector_load %arg8[%swap3A_1890, %swap3A_1891, %swap3A_1892] {strides = array<i32>} : memref<2x128x64xf32, #tpu.memory_space<vmem>>, vector<16xf32>,
        tpu.vector_store %arg8[%swap3A_1890, %swap3A_1891, %swap3A_1892], %get3A_1888 {strides = array<i32>} : memref<2x128x64xf32, #tpu.memory_space<vmem>>, vector<16xf32>,
        %mul3A_1894 = arith.constant 4 : i32
        %mul3A_1895 = arith.muli %scan3A_1766, %mul3A_1894 : i32
        %add3A_1896 = arith.constant 2 : i32
        %add3A_1897 = arith.addi %mul3A_1895, %add3A_1896 : i32
        %add3A_1898 = arith.constant 128 : i32
        %add3A_1899 = arith.addi %add3A_1898, %add3A_1897 : i32
        %get3A_1900 = arith.constant 0 : i32
        %get3A_1901 = arith.constant 0 : i32
        %get3A_1902 = arith.constant 0 : i32
        %get3A_1903 = tpu.memref_slice %arg7[%get3A_1900, %get3A_1901, %get3A_1902] : memref<2x256x128xf32, #tpu.memory_space<vmem>> -> memref<1x256x128xf32, #tpu.memory_space<vmem>>
        %get3A_1904 = tpu.memref_squeeze %get3A_1903 : memref<1x256x128xf32, #tpu.memory_space<vmem>> -> memref<256x128xf32, #tpu.memory_space<vmem>>
        %get3A_1905 = arith.index_cast %add3A_1899 : i32 to index
        %get3A_1906 = arith.constant 0 : index
        %get3A_1907 = tpu.vector_load %get3A_1904[%get3A_1905, %get3A_1906] {strides = array<i32>} : memref<256x128xf32, #tpu.memory_space<vmem>>, vector<16xf32>,
        %swap3A_1908 = arith.constant 1 : i32
        %swap3A_1909 = arith.index_cast %swap3A_1908 : i32 to index
        %swap3A_1910 = arith.index_cast %add3A_1897 : i32 to index
        %swap3A_1911 = arith.constant 0 : index
        %swap3A_1912 = tpu.vector_load %arg8[%swap3A_1909, %swap3A_1910, %swap3A_1911] {strides = array<i32>} : memref<2x128x64xf32, #tpu.memory_space<vmem>>, vector<16xf32>,
        tpu.vector_store %arg8[%swap3A_1909, %swap3A_1910, %swap3A_1911], %get3A_1907 {strides = array<i32>} : memref<2x128x64xf32, #tpu.memory_space<vmem>>, vector<16xf32>,
        %add3A_1913 = arith.constant 128 : i32
        %add3A_1914 = arith.addi %add3A_1913, %add3A_1897 : i32
        %get3A_1915 = arith.constant 0 : i32
        %get3A_1916 = arith.constant 0 : i32
        %get3A_1917 = arith.constant 0 : i32
        %get3A_1918 = tpu.memref_slice %arg7[%get3A_1915, %get3A_1916, %get3A_1917] : memref<2x256x128xf32, #tpu.memory_space<vmem>> -> memref<1x256x128xf32, #tpu.memory_space<vmem>>
        %get3A_1919 = tpu.memref_squeeze %get3A_1918 : memref<1x256x128xf32, #tpu.memory_space<vmem>> -> memref<256x128xf32, #tpu.memory_space<vmem>>
        %get3A_1920 = arith.index_cast %add3A_1914 : i32 to index
        %get3A_1921 = arith.constant 16 : index
        %get3A_1922 = tpu.vector_load %get3A_1919[%get3A_1920, %get3A_1921] {strides = array<i32>} : memref<256x128xf32, #tpu.memory_space<vmem>>, vector<16xf32>,
        %swap3A_1923 = arith.constant 1 : i32
        %swap3A_1924 = arith.index_cast %swap3A_1923 : i32 to index
        %swap3A_1925 = arith.index_cast %add3A_1897 : i32 to index
        %swap3A_1926 = arith.constant 16 : index
        %swap3A_1927 = tpu.vector_load %arg8[%swap3A_1924, %swap3A_1925, %swap3A_1926] {strides = array<i32>} : memref<2x128x64xf32, #tpu.memory_space<vmem>>, vector<16xf32>,
        tpu.vector_store %arg8[%swap3A_1924, %swap3A_1925, %swap3A_1926], %get3A_1922 {strides = array<i32>} : memref<2x128x64xf32, #tpu.memory_space<vmem>>, vector<16xf32>,
        %add3A_1928 = arith.constant 128 : i32
        %add3A_1929 = arith.addi %add3A_1928, %add3A_1897 : i32
        %get3A_1930 = arith.constant 0 : i32
        %get3A_1931 = arith.constant 0 : i32
        %get3A_1932 = arith.constant 0 : i32
        %get3A_1933 = tpu.memref_slice %arg7[%get3A_1930, %get3A_1931, %get3A_1932] : memref<2x256x128xf32, #tpu.memory_space<vmem>> -> memref<1x256x128xf32, #tpu.memory_space<vmem>>
        %get3A_1934 = tpu.memref_squeeze %get3A_1933 : memref<1x256x128xf32, #tpu.memory_space<vmem>> -> memref<256x128xf32, #tpu.memory_space<vmem>>
        %get3A_1935 = arith.index_cast %add3A_1929 : i32 to index
        %get3A_1936 = arith.constant 32 : index
        %get3A_1937 = tpu.vector_load %get3A_1934[%get3A_1935, %get3A_1936] {strides = array<i32>} : memref<256x128xf32, #tpu.memory_space<vmem>>, vector<16xf32>,
        %swap3A_1938 = arith.constant 1 : i32
        %swap3A_1939 = arith.index_cast %swap3A_1938 : i32 to index
        %swap3A_1940 = arith.index_cast %add3A_1897 : i32 to index
        %swap3A_1941 = arith.constant 32 : index
        %swap3A_1942 = tpu.vector_load %arg8[%swap3A_1939, %swap3A_1940, %swap3A_1941] {strides = array<i32>} : memref<2x128x64xf32, #tpu.memory_space<vmem>>, vector<16xf32>,
        tpu.vector_store %arg8[%swap3A_1939, %swap3A_1940, %swap3A_1941], %get3A_1937 {strides = array<i32>} : memref<2x128x64xf32, #tpu.memory_space<vmem>>, vector<16xf32>,
        %add3A_1943 = arith.constant 128 : i32
        %add3A_1944 = arith.addi %add3A_1943, %add3A_1897 : i32
        %get3A_1945 = arith.constant 0 : i32
        %get3A_1946 = arith.constant 0 : i32
        %get3A_1947 = arith.constant 0 : i32
        %get3A_1948 = tpu.memref_slice %arg7[%get3A_1945, %get3A_1946, %get3A_1947] : memref<2x256x128xf32, #tpu.memory_space<vmem>> -> memref<1x256x128xf32, #tpu.memory_space<vmem>>
        %get3A_1949 = tpu.memref_squeeze %get3A_1948 : memref<1x256x128xf32, #tpu.memory_space<vmem>> -> memref<256x128xf32, #tpu.memory_space<vmem>>
        %get3A_1950 = arith.index_cast %add3A_1944 : i32 to index
        %get3A_1951 = arith.constant 48 : index
        %get3A_1952 = tpu.vector_load %get3A_1949[%get3A_1950, %get3A_1951] {strides = array<i32>} : memref<256x128xf32, #tpu.memory_space<vmem>>, vector<16xf32>,
        %swap3A_1953 = arith.constant 1 : i32
        %swap3A_1954 = arith.index_cast %swap3A_1953 : i32 to index
        %swap3A_1955 = arith.index_cast %add3A_1897 : i32 to index
        %swap3A_1956 = arith.constant 48 : index
        %swap3A_1957 = tpu.vector_load %arg8[%swap3A_1954, %swap3A_1955, %swap3A_1956] {strides = array<i32>} : memref<2x128x64xf32, #tpu.memory_space<vmem>>, vector<16xf32>,
        tpu.vector_store %arg8[%swap3A_1954, %swap3A_1955, %swap3A_1956], %get3A_1952 {strides = array<i32>} : memref<2x128x64xf32, #tpu.memory_space<vmem>>, vector<16xf32>,
        %mul3A_1958 = arith.constant 4 : i32
        %mul3A_1959 = arith.muli %scan3A_1766, %mul3A_1958 : i32
        %add3A_1960 = arith.constant 3 : i32
        %add3A_1961 = arith.addi %mul3A_1959, %add3A_1960 : i32
        %add3A_1962 = arith.constant 128 : i32
        %add3A_1963 = arith.addi %add3A_1962, %add3A_1961 : i32
        %get3A_1964 = arith.constant 0 : i32
        %get3A_1965 = arith.constant 0 : i32
        %get3A_1966 = arith.constant 0 : i32
        %get3A_1967 = tpu.memref_slice %arg7[%get3A_1964, %get3A_1965, %get3A_1966] : memref<2x256x128xf32, #tpu.memory_space<vmem>> -> memref<1x256x128xf32, #tpu.memory_space<vmem>>
        %get3A_1968 = tpu.memref_squeeze %get3A_1967 : memref<1x256x128xf32, #tpu.memory_space<vmem>> -> memref<256x128xf32, #tpu.memory_space<vmem>>
        %get3A_1969 = arith.index_cast %add3A_1963 : i32 to index
        %get3A_1970 = arith.constant 0 : index
        %get3A_1971 = tpu.vector_load %get3A_1968[%get3A_1969, %get3A_1970] {strides = array<i32>} : memref<256x128xf32, #tpu.memory_space<vmem>>, vector<16xf32>,
        %swap3A_1972 = arith.constant 1 : i32
        %swap3A_1973 = arith.index_cast %swap3A_1972 : i32 to index
        %swap3A_1974 = arith.index_cast %add3A_1961 : i32 to index
        %swap3A_1975 = arith.constant 0 : index
        %swap3A_1976 = tpu.vector_load %arg8[%swap3A_1973, %swap3A_1974, %swap3A_1975] {strides = array<i32>} : memref<2x128x64xf32, #tpu.memory_space<vmem>>, vector<16xf32>,
        tpu.vector_store %arg8[%swap3A_1973, %swap3A_1974, %swap3A_1975], %get3A_1971 {strides = array<i32>} : memref<2x128x64xf32, #tpu.memory_space<vmem>>, vector<16xf32>,
        %add3A_1977 = arith.constant 128 : i32
        %add3A_1978 = arith.addi %add3A_1977, %add3A_1961 : i32
        %get3A_1979 = arith.constant 0 : i32
        %get3A_1980 = arith.constant 0 : i32
        %get3A_1981 = arith.constant 0 : i32
        %get3A_1982 = tpu.memref_slice %arg7[%get3A_1979, %get3A_1980, %get3A_1981] : memref<2x256x128xf32, #tpu.memory_space<vmem>> -> memref<1x256x128xf32, #tpu.memory_space<vmem>>
        %get3A_1983 = tpu.memref_squeeze %get3A_1982 : memref<1x256x128xf32, #tpu.memory_space<vmem>> -> memref<256x128xf32, #tpu.memory_space<vmem>>
        %get3A_1984 = arith.index_cast %add3A_1978 : i32 to index
        %get3A_1985 = arith.constant 16 : index
        %get3A_1986 = tpu.vector_load %get3A_1983[%get3A_1984, %get3A_1985] {strides = array<i32>} : memref<256x128xf32, #tpu.memory_space<vmem>>, vector<16xf32>,
        %swap3A_1987 = arith.constant 1 : i32
        %swap3A_1988 = arith.index_cast %swap3A_1987 : i32 to index
        %swap3A_1989 = arith.index_cast %add3A_1961 : i32 to index
        %swap3A_1990 = arith.constant 16 : index
        %swap3A_1991 = tpu.vector_load %arg8[%swap3A_1988, %swap3A_1989, %swap3A_1990] {strides = array<i32>} : memref<2x128x64xf32, #tpu.memory_space<vmem>>, vector<16xf32>,
        tpu.vector_store %arg8[%swap3A_1988, %swap3A_1989, %swap3A_1990], %get3A_1986 {strides = array<i32>} : memref<2x128x64xf32, #tpu.memory_space<vmem>>, vector<16xf32>,
        %add3A_1992 = arith.constant 128 : i32
        %add3A_1993 = arith.addi %add3A_1992, %add3A_1961 : i32
        %get3A_1994 = arith.constant 0 : i32
        %get3A_1995 = arith.constant 0 : i32
        %get3A_1996 = arith.constant 0 : i32
        %get3A_1997 = tpu.memref_slice %arg7[%get3A_1994, %get3A_1995, %get3A_1996] : memref<2x256x128xf32, #tpu.memory_space<vmem>> -> memref<1x256x128xf32, #tpu.memory_space<vmem>>
        %get3A_1998 = tpu.memref_squeeze %get3A_1997 : memref<1x256x128xf32, #tpu.memory_space<vmem>> -> memref<256x128xf32, #tpu.memory_space<vmem>>
        %get3A_1999 = arith.index_cast %add3A_1993 : i32 to index
        %get3A_2000 = arith.constant 32 : index
        %get3A_2001 = tpu.vector_load %get3A_1998[%get3A_1999, %get3A_2000] {strides = array<i32>} : memref<256x128xf32, #tpu.memory_space<vmem>>, vector<16xf32>,
        %swap3A_2002 = arith.constant 1 : i32
        %swap3A_2003 = arith.index_cast %swap3A_2002 : i32 to index
        %swap3A_2004 = arith.index_cast %add3A_1961 : i32 to index
        %swap3A_2005 = arith.constant 32 : index
        %swap3A_2006 = tpu.vector_load %arg8[%swap3A_2003, %swap3A_2004, %swap3A_2005] {strides = array<i32>} : memref<2x128x64xf32, #tpu.memory_space<vmem>>, vector<16xf32>,
        tpu.vector_store %arg8[%swap3A_2003, %swap3A_2004, %swap3A_2005], %get3A_2001 {strides = array<i32>} : memref<2x128x64xf32, #tpu.memory_space<vmem>>, vector<16xf32>,
        %add3A_2007 = arith.constant 128 : i32
        %add3A_2008 = arith.addi %add3A_2007, %add3A_1961 : i32
        %get3A_2009 = arith.constant 0 : i32
        %get3A_2010 = arith.constant 0 : i32
        %get3A_2011 = arith.constant 0 : i32
        %get3A_2012 = tpu.memref_slice %arg7[%get3A_2009, %get3A_2010, %get3A_2011] : memref<2x256x128xf32, #tpu.memory_space<vmem>> -> memref<1x256x128xf32, #tpu.memory_space<vmem>>
        %get3A_2013 = tpu.memref_squeeze %get3A_2012 : memref<1x256x128xf32, #tpu.memory_space<vmem>> -> memref<256x128xf32, #tpu.memory_space<vmem>>
        %get3A_2014 = arith.index_cast %add3A_2008 : i32 to index
        %get3A_2015 = arith.constant 48 : index
        %get3A_2016 = tpu.vector_load %get3A_2013[%get3A_2014, %get3A_2015] {strides = array<i32>} : memref<256x128xf32, #tpu.memory_space<vmem>>, vector<16xf32>,
        %swap3A_2017 = arith.constant 1 : i32
        %swap3A_2018 = arith.index_cast %swap3A_2017 : i32 to index
        %swap3A_2019 = arith.index_cast %add3A_1961 : i32 to index
        %swap3A_2020 = arith.constant 48 : index
        %swap3A_2021 = tpu.vector_load %arg8[%swap3A_2018, %swap3A_2019, %swap3A_2020] {strides = array<i32>} : memref<2x128x64xf32, #tpu.memory_space<vmem>>, vector<16xf32>,
        tpu.vector_store %arg8[%swap3A_2018, %swap3A_2019, %swap3A_2020], %get3A_2016 {strides = array<i32>} : memref<2x128x64xf32, #tpu.memory_space<vmem>>, vector<16xf32>,
      }
      %scan3A_919 = arith.constant 32 : i32
      %mul3A_920 = arith.constant 256 : i32
      %mul3A_921 = arith.muli %add3A_845, %mul3A_920 : i32
      %add3A_922 = arith.addi %mul3A_2, %mul3A_921 : i32
      %add3A_923 = arith.constant 128 : i32
      %add3A_924 = arith.addi %add3A_922, %add3A_923 : i32
      %dma_start3A_925 = arith.constant 1 : i32
      %dma_start3A_926 = arith.constant 0 : i32
      %dma_start3A_927 = arith.constant 0 : i32
      %dma_start3A_928 = tpu.memref_slice %arg8[%dma_start3A_925, %dma_start3A_926, %dma_start3A_927] : memref<2x128x64xf32, #tpu.memory_space<vmem>> -> memref<1x128x64xf32, #tpu.memory_space<vmem>>
      %dma_start3A_929 = tpu.memref_squeeze %dma_start3A_928 : memref<1x128x64xf32, #tpu.memory_space<vmem>> -> memref<128x64xf32, #tpu.memory_space<vmem>>
      %dma_start3A_930 = arith.constant 0 : i32
      %dma_start3A_931 = tpu.memref_slice %arg4[%add3A_924, %dma_start3A_930] : memref<819200x64xf32, #tpu.memory_space<hbm>> -> memref<128x64xf32, #tpu.memory_space<hbm>>
      %dma_start3A_932 = arith.constant 0 : i32
      %dma_start3A_933 = tpu.memref_slice %arg4[%add3A_924, %dma_start3A_932] : memref<819200x64xf32, #tpu.memory_space<hbm>> -> memref<128x64xf32, #tpu.memory_space<hbm>>
      %dma_start3A_934 = arith.constant 0 : i32
      %dma_start3A_935 = arith.constant 0 : i32
      %dma_start3A_936 = tpu.memref_slice %arg8[%dma_start3A_925, %dma_start3A_934, %dma_start3A_935] : memref<2x128x64xf32, #tpu.memory_space<vmem>> -> memref<1x128x64xf32, #tpu.memory_space<vmem>>
      %dma_start3A_937 = tpu.memref_squeeze %dma_start3A_936 : memref<1x128x64xf32, #tpu.memory_space<vmem>> -> memref<128x64xf32, #tpu.memory_space<vmem>>
      tpu.enqueue_dma source(%dma_start3A_937 : memref<128x64xf32, #tpu.memory_space<vmem>>) target(%dma_start3A_933 : memref<128x64xf32, #tpu.memory_space<hbm>>) target_semaphore(%arg12 : memref<!tpu.dma_semaphore, #tpu.memory_space<semaphore_mem>>)
      %add3A_938 = arith.constant 2 : i32
      %add3A_939 = arith.addi %add3A_845, %add3A_938 : i32
      %eq3A_940 = arith.constant 50 : i32
      %eq3A_941 = arith.cmpi eq, %add3A_939, %eq3A_940 : i32
      %convert_element_type3A_942 = arith.extui %eq3A_941 : i1 to i32
      %cond3A_943 = arith.constant 0 : i32
      %cond3A_944 = arith.cmpi ne, %convert_element_type3A_942, %cond3A_943 : i32
      scf.if %cond3A_944 {
        %mul3A_1766 = arith.constant 128 : i32
        %mul3A_1767 = arith.muli %add3A, %mul3A_1766 : i32
        %add3A_1768 = arith.constant 64 : i32
        %add3A_1769 = arith.addi %mul3A_1767, %add3A_1768 : i32
        "tpu.region"() ({
          %run_scoped3A = tpu.sem_alloc : memref<!tpu.dma_semaphore, #tpu.memory_space<semaphore_mem>>
          %dma_start3A_1770 = arith.constant 0 : i32
          %dma_start3A_1771 = tpu.memref_slice %arg2[%add3A_1769, %dma_start3A_1770] : memref<4096x200xi32, #tpu.memory_space<hbm>> -> memref<64x200xi32, #tpu.memory_space<hbm>>
          %dma_start3A_1772 = arith.constant 0 : i32
          %dma_start3A_1773 = tpu.memref_slice %arg2[%add3A_1769, %dma_start3A_1772] : memref<4096x200xi32, #tpu.memory_space<hbm>> -> memref<64x200xi32, #tpu.memory_space<hbm>>
          tpu.enqueue_dma source(%dma_start3A_1773 : memref<64x200xi32, #tpu.memory_space<hbm>>) target(%arg5 : memref<64x200xi32, #tpu.memory_space<vmem>>) target_semaphore(%run_scoped3A : memref<!tpu.dma_semaphore, #tpu.memory_space<semaphore_mem>>)
          %dma_wait3A_1774 = arith.constant 0 : i32
          %dma_wait3A_1775 = tpu.memref_slice %arg2[%add3A_1769, %dma_wait3A_1774] : memref<4096x200xi32, #tpu.memory_space<hbm>> -> memref<64x200xi32, #tpu.memory_space<hbm>>
          %dma_wait3A_1776 = arith.constant 0 : i32
          %dma_wait3A_1777 = tpu.memref_slice %arg2[%add3A_1769, %dma_wait3A_1776] : memref<4096x200xi32, #tpu.memory_space<hbm>> -> memref<64x200xi32, #tpu.memory_space<hbm>>
          tpu.wait_dma2 semaphore(%run_scoped3A : memref<!tpu.dma_semaphore, #tpu.memory_space<semaphore_mem>>) src(%dma_wait3A_1777 : memref<64x200xi32, #tpu.memory_space<hbm>>) dst(%arg5 : memref<64x200xi32, #tpu.memory_space<vmem>>)
          tpu.yield
        }) : () -> ()
      } else {
      }
      %ge3A_945 = arith.constant 50 : i32
      %ge3A_946 = arith.cmpi sge, %add3A_939, %ge3A_945 : i32
      %jit3A_947 = arith.constant 64 : i32
      %jit3A_948 = arith.constant 0 : i32
      %select_n3A_949 = arith.select %ge3A_946, %jit3A_947, %jit3A_948 : i32
      %mul3A_950 = arith.constant 256 : i32
      %mul3A_951 = arith.muli %add3A_939, %mul3A_950 : i32
      %add3A_952 = arith.constant 0 : i32
      %add3A_953 = arith.addi %mul3A_951, %add3A_952 : i32
      %iota3A_954 = tpu.iota {dimensions = array<i32: 0>} : vector<16xi32>
      %add3A_955 = vector.broadcast %add3A_953 : i32 to vector<16xi32>
      %add3A_956 = arith.addi %add3A_955, %iota3A_954 : vector<16xi32>
      %div3A_957 = arith.constant 200 : i32
      %div3A_958 = vector.broadcast %div3A_957 : i32 to vector<16xi32>
      %div3A_959 = arith.divsi %add3A_956, %div3A_958 : vector<16xi32>
      %sub3A_960 = vector.broadcast %select_n3A_949 : i32 to vector<16xi32>
      %sub3A_961 = arith.subi %div3A_959, %sub3A_960 : vector<16xi32>
      %rem3A_962 = arith.constant 200 : i32
      %rem3A_963 = vector.broadcast %rem3A_962 : i32 to vector<16xi32>
      %rem3A_964 = arith.remsi %add3A_956, %rem3A_963 : vector<16xi32>
      %gather3A_965 = tpu.vector_load_idx %arg5[%sub3A_961, %rem3A_964] : memref<64x200xi32, #tpu.memory_space<vmem>>[vector<16xi32>, vector<16xi32>], vector<16xi32>,
      %swap3A_966 = arith.constant 0 : i32
      %swap3A_967 = arith.index_cast %swap3A_966 : i32 to index
      %swap3A_968 = arith.constant 0 : index
      %swap3A_969 = tpu.vector_load %arg6[%swap3A_967, %swap3A_968] {strides = array<i32>} : memref<2x256xi32, #tpu.memory_space<vmem>>, vector<16xi32>,
      tpu.vector_store %arg6[%swap3A_967, %swap3A_968], %gather3A_965 {strides = array<i32>} : memref<2x256xi32, #tpu.memory_space<vmem>>, vector<16xi32>,
      %mul3A_970 = arith.constant 256 : i32
      %mul3A_971 = arith.muli %add3A_939, %mul3A_970 : i32
      %add3A_972 = arith.constant 16 : i32
      %add3A_973 = arith.addi %mul3A_971, %add3A_972 : i32
      %iota3A_974 = tpu.iota {dimensions = array<i32: 0>} : vector<16xi32>
      %add3A_975 = vector.broadcast %add3A_973 : i32 to vector<16xi32>
      %add3A_976 = arith.addi %add3A_975, %iota3A_974 : vector<16xi32>
      %div3A_977 = arith.constant 200 : i32
      %div3A_978 = vector.broadcast %div3A_977 : i32 to vector<16xi32>
      %div3A_979 = arith.divsi %add3A_976, %div3A_978 : vector<16xi32>
      %sub3A_980 = vector.broadcast %select_n3A_949 : i32 to vector<16xi32>
      %sub3A_981 = arith.subi %div3A_979, %sub3A_980 : vector<16xi32>
      %rem3A_982 = arith.constant 200 : i32
      %rem3A_983 = vector.broadcast %rem3A_982 : i32 to vector<16xi32>
      %rem3A_984 = arith.remsi %add3A_976, %rem3A_983 : vector<16xi32>
      %gather3A_985 = tpu.vector_load_idx %arg5[%sub3A_981, %rem3A_984] : memref<64x200xi32, #tpu.memory_space<vmem>>[vector<16xi32>, vector<16xi32>], vector<16xi32>,
      %swap3A_986 = arith.constant 0 : i32
      %swap3A_987 = arith.index_cast %swap3A_986 : i32 to index
      %swap3A_988 = arith.constant 16 : index
      %swap3A_989 = tpu.vector_load %arg6[%swap3A_987, %swap3A_988] {strides = array<i32>} : memref<2x256xi32, #tpu.memory_space<vmem>>, vector<16xi32>,
      tpu.vector_store %arg6[%swap3A_987, %swap3A_988], %gather3A_985 {strides = array<i32>} : memref<2x256xi32, #tpu.memory_space<vmem>>, vector<16xi32>,
      %mul3A_990 = arith.constant 256 : i32
      %mul3A_991 = arith.muli %add3A_939, %mul3A_990 : i32
      %add3A_992 = arith.constant 32 : i32
      %add3A_993 = arith.addi %mul3A_991, %add3A_992 : i32
      %iota3A_994 = tpu.iota {dimensions = array<i32: 0>} : vector<16xi32>
      %add3A_995 = vector.broadcast %add3A_993 : i32 to vector<16xi32>
      %add3A_996 = arith.addi %add3A_995, %iota3A_994 : vector<16xi32>
      %div3A_997 = arith.constant 200 : i32
      %div3A_998 = vector.broadcast %div3A_997 : i32 to vector<16xi32>
      %div3A_999 = arith.divsi %add3A_996, %div3A_998 : vector<16xi32>
      %sub3A_1000 = vector.broadcast %select_n3A_949 : i32 to vector<16xi32>
      %sub3A_1001 = arith.subi %div3A_999, %sub3A_1000 : vector<16xi32>
      %rem3A_1002 = arith.constant 200 : i32
      %rem3A_1003 = vector.broadcast %rem3A_1002 : i32 to vector<16xi32>
      %rem3A_1004 = arith.remsi %add3A_996, %rem3A_1003 : vector<16xi32>
      %gather3A_1005 = tpu.vector_load_idx %arg5[%sub3A_1001, %rem3A_1004] : memref<64x200xi32, #tpu.memory_space<vmem>>[vector<16xi32>, vector<16xi32>], vector<16xi32>,
      %swap3A_1006 = arith.constant 0 : i32
      %swap3A_1007 = arith.index_cast %swap3A_1006 : i32 to index
      %swap3A_1008 = arith.constant 32 : index
      %swap3A_1009 = tpu.vector_load %arg6[%swap3A_1007, %swap3A_1008] {strides = array<i32>} : memref<2x256xi32, #tpu.memory_space<vmem>>, vector<16xi32>,
      tpu.vector_store %arg6[%swap3A_1007, %swap3A_1008], %gather3A_1005 {strides = array<i32>} : memref<2x256xi32, #tpu.memory_space<vmem>>, vector<16xi32>,
      %mul3A_1010 = arith.constant 256 : i32
      %mul3A_1011 = arith.muli %add3A_939, %mul3A_1010 : i32
      %add3A_1012 = arith.constant 48 : i32
      %add3A_1013 = arith.addi %mul3A_1011, %add3A_1012 : i32
      %iota3A_1014 = tpu.iota {dimensions = array<i32: 0>} : vector<16xi32>
      %add3A_1015 = vector.broadcast %add3A_1013 : i32 to vector<16xi32>
      %add3A_1016 = arith.addi %add3A_1015, %iota3A_1014 : vector<16xi32>
      %div3A_1017 = arith.constant 200 : i32
      %div3A_1018 = vector.broadcast %div3A_1017 : i32 to vector<16xi32>
      %div3A_1019 = arith.divsi %add3A_1016, %div3A_1018 : vector<16xi32>
      %sub3A_1020 = vector.broadcast %select_n3A_949 : i32 to vector<16xi32>
      %sub3A_1021 = arith.subi %div3A_1019, %sub3A_1020 : vector<16xi32>
      %rem3A_1022 = arith.constant 200 : i32
      %rem3A_1023 = vector.broadcast %rem3A_1022 : i32 to vector<16xi32>
      %rem3A_1024 = arith.remsi %add3A_1016, %rem3A_1023 : vector<16xi32>
      %gather3A_1025 = tpu.vector_load_idx %arg5[%sub3A_1021, %rem3A_1024] : memref<64x200xi32, #tpu.memory_space<vmem>>[vector<16xi32>, vector<16xi32>], vector<16xi32>,
      %swap3A_1026 = arith.constant 0 : i32
      %swap3A_1027 = arith.index_cast %swap3A_1026 : i32 to index
      %swap3A_1028 = arith.constant 48 : index
      %swap3A_1029 = tpu.vector_load %arg6[%swap3A_1027, %swap3A_1028] {strides = array<i32>} : memref<2x256xi32, #tpu.memory_space<vmem>>, vector<16xi32>,
      tpu.vector_store %arg6[%swap3A_1027, %swap3A_1028], %gather3A_1025 {strides = array<i32>} : memref<2x256xi32, #tpu.memory_space<vmem>>, vector<16xi32>,
      %mul3A_1030 = arith.constant 256 : i32
      %mul3A_1031 = arith.muli %add3A_939, %mul3A_1030 : i32
      %add3A_1032 = arith.constant 64 : i32
      %add3A_1033 = arith.addi %mul3A_1031, %add3A_1032 : i32
      %iota3A_1034 = tpu.iota {dimensions = array<i32: 0>} : vector<16xi32>
      %add3A_1035 = vector.broadcast %add3A_1033 : i32 to vector<16xi32>
      %add3A_1036 = arith.addi %add3A_1035, %iota3A_1034 : vector<16xi32>
      %div3A_1037 = arith.constant 200 : i32
      %div3A_1038 = vector.broadcast %div3A_1037 : i32 to vector<16xi32>
      %div3A_1039 = arith.divsi %add3A_1036, %div3A_1038 : vector<16xi32>
      %sub3A_1040 = vector.broadcast %select_n3A_949 : i32 to vector<16xi32>
      %sub3A_1041 = arith.subi %div3A_1039, %sub3A_1040 : vector<16xi32>
      %rem3A_1042 = arith.constant 200 : i32
      %rem3A_1043 = vector.broadcast %rem3A_1042 : i32 to vector<16xi32>
      %rem3A_1044 = arith.remsi %add3A_1036, %rem3A_1043 : vector<16xi32>
      %gather3A_1045 = tpu.vector_load_idx %arg5[%sub3A_1041, %rem3A_1044] : memref<64x200xi32, #tpu.memory_space<vmem>>[vector<16xi32>, vector<16xi32>], vector<16xi32>,
      %swap3A_1046 = arith.constant 0 : i32
      %swap3A_1047 = arith.index_cast %swap3A_1046 : i32 to index
      %swap3A_1048 = arith.constant 64 : index
      %swap3A_1049 = tpu.vector_load %arg6[%swap3A_1047, %swap3A_1048] {strides = array<i32>} : memref<2x256xi32, #tpu.memory_space<vmem>>, vector<16xi32>,
      tpu.vector_store %arg6[%swap3A_1047, %swap3A_1048], %gather3A_1045 {strides = array<i32>} : memref<2x256xi32, #tpu.memory_space<vmem>>, vector<16xi32>,
      %mul3A_1050 = arith.constant 256 : i32
      %mul3A_1051 = arith.muli %add3A_939, %mul3A_1050 : i32
      %add3A_1052 = arith.constant 80 : i32
      %add3A_1053 = arith.addi %mul3A_1051, %add3A_1052 : i32
      %iota3A_1054 = tpu.iota {dimensions = array<i32: 0>} : vector<16xi32>
      %add3A_1055 = vector.broadcast %add3A_1053 : i32 to vector<16xi32>
      %add3A_1056 = arith.addi %add3A_1055, %iota3A_1054 : vector<16xi32>
      %div3A_1057 = arith.constant 200 : i32
      %div3A_1058 = vector.broadcast %div3A_1057 : i32 to vector<16xi32>
      %div3A_1059 = arith.divsi %add3A_1056, %div3A_1058 : vector<16xi32>
      %sub3A_1060 = vector.broadcast %select_n3A_949 : i32 to vector<16xi32>
      %sub3A_1061 = arith.subi %div3A_1059, %sub3A_1060 : vector<16xi32>
      %rem3A_1062 = arith.constant 200 : i32
      %rem3A_1063 = vector.broadcast %rem3A_1062 : i32 to vector<16xi32>
      %rem3A_1064 = arith.remsi %add3A_1056, %rem3A_1063 : vector<16xi32>
      %gather3A_1065 = tpu.vector_load_idx %arg5[%sub3A_1061, %rem3A_1064] : memref<64x200xi32, #tpu.memory_space<vmem>>[vector<16xi32>, vector<16xi32>], vector<16xi32>,
      %swap3A_1066 = arith.constant 0 : i32
      %swap3A_1067 = arith.index_cast %swap3A_1066 : i32 to index
      %swap3A_1068 = arith.constant 80 : index
      %swap3A_1069 = tpu.vector_load %arg6[%swap3A_1067, %swap3A_1068] {strides = array<i32>} : memref<2x256xi32, #tpu.memory_space<vmem>>, vector<16xi32>,
      tpu.vector_store %arg6[%swap3A_1067, %swap3A_1068], %gather3A_1065 {strides = array<i32>} : memref<2x256xi32, #tpu.memory_space<vmem>>, vector<16xi32>,
      %mul3A_1070 = arith.constant 256 : i32
      %mul3A_1071 = arith.muli %add3A_939, %mul3A_1070 : i32
      %add3A_1072 = arith.constant 96 : i32
      %add3A_1073 = arith.addi %mul3A_1071, %add3A_1072 : i32
      %iota3A_1074 = tpu.iota {dimensions = array<i32: 0>} : vector<16xi32>
      %add3A_1075 = vector.broadcast %add3A_1073 : i32 to vector<16xi32>
      %add3A_1076 = arith.addi %add3A_1075, %iota3A_1074 : vector<16xi32>
      %div3A_1077 = arith.constant 200 : i32
      %div3A_1078 = vector.broadcast %div3A_1077 : i32 to vector<16xi32>
      %div3A_1079 = arith.divsi %add3A_1076, %div3A_1078 : vector<16xi32>
      %sub3A_1080 = vector.broadcast %select_n3A_949 : i32 to vector<16xi32>
      %sub3A_1081 = arith.subi %div3A_1079, %sub3A_1080 : vector<16xi32>
      %rem3A_1082 = arith.constant 200 : i32
      %rem3A_1083 = vector.broadcast %rem3A_1082 : i32 to vector<16xi32>
      %rem3A_1084 = arith.remsi %add3A_1076, %rem3A_1083 : vector<16xi32>
      %gather3A_1085 = tpu.vector_load_idx %arg5[%sub3A_1081, %rem3A_1084] : memref<64x200xi32, #tpu.memory_space<vmem>>[vector<16xi32>, vector<16xi32>], vector<16xi32>,
      %swap3A_1086 = arith.constant 0 : i32
      %swap3A_1087 = arith.index_cast %swap3A_1086 : i32 to index
      %swap3A_1088 = arith.constant 96 : index
      %swap3A_1089 = tpu.vector_load %arg6[%swap3A_1087, %swap3A_1088] {strides = array<i32>} : memref<2x256xi32, #tpu.memory_space<vmem>>, vector<16xi32>,
      tpu.vector_store %arg6[%swap3A_1087, %swap3A_1088], %gather3A_1085 {strides = array<i32>} : memref<2x256xi32, #tpu.memory_space<vmem>>, vector<16xi32>,
      %mul3A_1090 = arith.constant 256 : i32
      %mul3A_1091 = arith.muli %add3A_939, %mul3A_1090 : i32
      %add3A_1092 = arith.constant 112 : i32
      %add3A_1093 = arith.addi %mul3A_1091, %add3A_1092 : i32
      %iota3A_1094 = tpu.iota {dimensions = array<i32: 0>} : vector<16xi32>
      %add3A_1095 = vector.broadcast %add3A_1093 : i32 to vector<16xi32>
      %add3A_1096 = arith.addi %add3A_1095, %iota3A_1094 : vector<16xi32>
      %div3A_1097 = arith.constant 200 : i32
      %div3A_1098 = vector.broadcast %div3A_1097 : i32 to vector<16xi32>
      %div3A_1099 = arith.divsi %add3A_1096, %div3A_1098 : vector<16xi32>
      %sub3A_1100 = vector.broadcast %select_n3A_949 : i32 to vector<16xi32>
      %sub3A_1101 = arith.subi %div3A_1099, %sub3A_1100 : vector<16xi32>
      %rem3A_1102 = arith.constant 200 : i32
      %rem3A_1103 = vector.broadcast %rem3A_1102 : i32 to vector<16xi32>
      %rem3A_1104 = arith.remsi %add3A_1096, %rem3A_1103 : vector<16xi32>
      %gather3A_1105 = tpu.vector_load_idx %arg5[%sub3A_1101, %rem3A_1104] : memref<64x200xi32, #tpu.memory_space<vmem>>[vector<16xi32>, vector<16xi32>], vector<16xi32>,
      %swap3A_1106 = arith.constant 0 : i32
      %swap3A_1107 = arith.index_cast %swap3A_1106 : i32 to index
      %swap3A_1108 = arith.constant 112 : index
      %swap3A_1109 = tpu.vector_load %arg6[%swap3A_1107, %swap3A_1108] {strides = array<i32>} : memref<2x256xi32, #tpu.memory_space<vmem>>, vector<16xi32>,
      tpu.vector_store %arg6[%swap3A_1107, %swap3A_1108], %gather3A_1105 {strides = array<i32>} : memref<2x256xi32, #tpu.memory_space<vmem>>, vector<16xi32>,
      %mul3A_1110 = arith.constant 256 : i32
      %mul3A_1111 = arith.muli %add3A_939, %mul3A_1110 : i32
      %add3A_1112 = arith.constant 128 : i32
      %add3A_1113 = arith.addi %mul3A_1111, %add3A_1112 : i32
      %iota3A_1114 = tpu.iota {dimensions = array<i32: 0>} : vector<16xi32>
      %add3A_1115 = vector.broadcast %add3A_1113 : i32 to vector<16xi32>
      %add3A_1116 = arith.addi %add3A_1115, %iota3A_1114 : vector<16xi32>
      %div3A_1117 = arith.constant 200 : i32
      %div3A_1118 = vector.broadcast %div3A_1117 : i32 to vector<16xi32>
      %div3A_1119 = arith.divsi %add3A_1116, %div3A_1118 : vector<16xi32>
      %sub3A_1120 = vector.broadcast %select_n3A_949 : i32 to vector<16xi32>
      %sub3A_1121 = arith.subi %div3A_1119, %sub3A_1120 : vector<16xi32>
      %rem3A_1122 = arith.constant 200 : i32
      %rem3A_1123 = vector.broadcast %rem3A_1122 : i32 to vector<16xi32>
      %rem3A_1124 = arith.remsi %add3A_1116, %rem3A_1123 : vector<16xi32>
      %gather3A_1125 = tpu.vector_load_idx %arg5[%sub3A_1121, %rem3A_1124] : memref<64x200xi32, #tpu.memory_space<vmem>>[vector<16xi32>, vector<16xi32>], vector<16xi32>,
      %swap3A_1126 = arith.constant 0 : i32
      %swap3A_1127 = arith.index_cast %swap3A_1126 : i32 to index
      %swap3A_1128 = arith.constant 128 : index
      %swap3A_1129 = tpu.vector_load %arg6[%swap3A_1127, %swap3A_1128] {strides = array<i32>} : memref<2x256xi32, #tpu.memory_space<vmem>>, vector<16xi32>,
      tpu.vector_store %arg6[%swap3A_1127, %swap3A_1128], %gather3A_1125 {strides = array<i32>} : memref<2x256xi32, #tpu.memory_space<vmem>>, vector<16xi32>,
      %mul3A_1130 = arith.constant 256 : i32
      %mul3A_1131 = arith.muli %add3A_939, %mul3A_1130 : i32
      %add3A_1132 = arith.constant 144 : i32
      %add3A_1133 = arith.addi %mul3A_1131, %add3A_1132 : i32
      %iota3A_1134 = tpu.iota {dimensions = array<i32: 0>} : vector<16xi32>
      %add3A_1135 = vector.broadcast %add3A_1133 : i32 to vector<16xi32>
      %add3A_1136 = arith.addi %add3A_1135, %iota3A_1134 : vector<16xi32>
      %div3A_1137 = arith.constant 200 : i32
      %div3A_1138 = vector.broadcast %div3A_1137 : i32 to vector<16xi32>
      %div3A_1139 = arith.divsi %add3A_1136, %div3A_1138 : vector<16xi32>
      %sub3A_1140 = vector.broadcast %select_n3A_949 : i32 to vector<16xi32>
      %sub3A_1141 = arith.subi %div3A_1139, %sub3A_1140 : vector<16xi32>
      %rem3A_1142 = arith.constant 200 : i32
      %rem3A_1143 = vector.broadcast %rem3A_1142 : i32 to vector<16xi32>
      %rem3A_1144 = arith.remsi %add3A_1136, %rem3A_1143 : vector<16xi32>
      %gather3A_1145 = tpu.vector_load_idx %arg5[%sub3A_1141, %rem3A_1144] : memref<64x200xi32, #tpu.memory_space<vmem>>[vector<16xi32>, vector<16xi32>], vector<16xi32>,
      %swap3A_1146 = arith.constant 0 : i32
      %swap3A_1147 = arith.index_cast %swap3A_1146 : i32 to index
      %swap3A_1148 = arith.constant 144 : index
      %swap3A_1149 = tpu.vector_load %arg6[%swap3A_1147, %swap3A_1148] {strides = array<i32>} : memref<2x256xi32, #tpu.memory_space<vmem>>, vector<16xi32>,
      tpu.vector_store %arg6[%swap3A_1147, %swap3A_1148], %gather3A_1145 {strides = array<i32>} : memref<2x256xi32, #tpu.memory_space<vmem>>, vector<16xi32>,
      %mul3A_1150 = arith.constant 256 : i32
      %mul3A_1151 = arith.muli %add3A_939, %mul3A_1150 : i32
      %add3A_1152 = arith.constant 160 : i32
      %add3A_1153 = arith.addi %mul3A_1151, %add3A_1152 : i32
      %iota3A_1154 = tpu.iota {dimensions = array<i32: 0>} : vector<16xi32>
      %add3A_1155 = vector.broadcast %add3A_1153 : i32 to vector<16xi32>
      %add3A_1156 = arith.addi %add3A_1155, %iota3A_1154 : vector<16xi32>
      %div3A_1157 = arith.constant 200 : i32
      %div3A_1158 = vector.broadcast %div3A_1157 : i32 to vector<16xi32>
      %div3A_1159 = arith.divsi %add3A_1156, %div3A_1158 : vector<16xi32>
      %sub3A_1160 = vector.broadcast %select_n3A_949 : i32 to vector<16xi32>
      %sub3A_1161 = arith.subi %div3A_1159, %sub3A_1160 : vector<16xi32>
      %rem3A_1162 = arith.constant 200 : i32
      %rem3A_1163 = vector.broadcast %rem3A_1162 : i32 to vector<16xi32>
      %rem3A_1164 = arith.remsi %add3A_1156, %rem3A_1163 : vector<16xi32>
      %gather3A_1165 = tpu.vector_load_idx %arg5[%sub3A_1161, %rem3A_1164] : memref<64x200xi32, #tpu.memory_space<vmem>>[vector<16xi32>, vector<16xi32>], vector<16xi32>,
      %swap3A_1166 = arith.constant 0 : i32
      %swap3A_1167 = arith.index_cast %swap3A_1166 : i32 to index
      %swap3A_1168 = arith.constant 160 : index
      %swap3A_1169 = tpu.vector_load %arg6[%swap3A_1167, %swap3A_1168] {strides = array<i32>} : memref<2x256xi32, #tpu.memory_space<vmem>>, vector<16xi32>,
      tpu.vector_store %arg6[%swap3A_1167, %swap3A_1168], %gather3A_1165 {strides = array<i32>} : memref<2x256xi32, #tpu.memory_space<vmem>>, vector<16xi32>,
      %mul3A_1170 = arith.constant 256 : i32
      %mul3A_1171 = arith.muli %add3A_939, %mul3A_1170 : i32
      %add3A_1172 = arith.constant 176 : i32
      %add3A_1173 = arith.addi %mul3A_1171, %add3A_1172 : i32
      %iota3A_1174 = tpu.iota {dimensions = array<i32: 0>} : vector<16xi32>
      %add3A_1175 = vector.broadcast %add3A_1173 : i32 to vector<16xi32>
      %add3A_1176 = arith.addi %add3A_1175, %iota3A_1174 : vector<16xi32>
      %div3A_1177 = arith.constant 200 : i32
      %div3A_1178 = vector.broadcast %div3A_1177 : i32 to vector<16xi32>
      %div3A_1179 = arith.divsi %add3A_1176, %div3A_1178 : vector<16xi32>
      %sub3A_1180 = vector.broadcast %select_n3A_949 : i32 to vector<16xi32>
      %sub3A_1181 = arith.subi %div3A_1179, %sub3A_1180 : vector<16xi32>
      %rem3A_1182 = arith.constant 200 : i32
      %rem3A_1183 = vector.broadcast %rem3A_1182 : i32 to vector<16xi32>
      %rem3A_1184 = arith.remsi %add3A_1176, %rem3A_1183 : vector<16xi32>
      %gather3A_1185 = tpu.vector_load_idx %arg5[%sub3A_1181, %rem3A_1184] : memref<64x200xi32, #tpu.memory_space<vmem>>[vector<16xi32>, vector<16xi32>], vector<16xi32>,
      %swap3A_1186 = arith.constant 0 : i32
      %swap3A_1187 = arith.index_cast %swap3A_1186 : i32 to index
      %swap3A_1188 = arith.constant 176 : index
      %swap3A_1189 = tpu.vector_load %arg6[%swap3A_1187, %swap3A_1188] {strides = array<i32>} : memref<2x256xi32, #tpu.memory_space<vmem>>, vector<16xi32>,
      tpu.vector_store %arg6[%swap3A_1187, %swap3A_1188], %gather3A_1185 {strides = array<i32>} : memref<2x256xi32, #tpu.memory_space<vmem>>, vector<16xi32>,
      %mul3A_1190 = arith.constant 256 : i32
      %mul3A_1191 = arith.muli %add3A_939, %mul3A_1190 : i32
      %add3A_1192 = arith.constant 192 : i32
      %add3A_1193 = arith.addi %mul3A_1191, %add3A_1192 : i32
      %iota3A_1194 = tpu.iota {dimensions = array<i32: 0>} : vector<16xi32>
      %add3A_1195 = vector.broadcast %add3A_1193 : i32 to vector<16xi32>
      %add3A_1196 = arith.addi %add3A_1195, %iota3A_1194 : vector<16xi32>
      %div3A_1197 = arith.constant 200 : i32
      %div3A_1198 = vector.broadcast %div3A_1197 : i32 to vector<16xi32>
      %div3A_1199 = arith.divsi %add3A_1196, %div3A_1198 : vector<16xi32>
      %sub3A_1200 = vector.broadcast %select_n3A_949 : i32 to vector<16xi32>
      %sub3A_1201 = arith.subi %div3A_1199, %sub3A_1200 : vector<16xi32>
      %rem3A_1202 = arith.constant 200 : i32
      %rem3A_1203 = vector.broadcast %rem3A_1202 : i32 to vector<16xi32>
      %rem3A_1204 = arith.remsi %add3A_1196, %rem3A_1203 : vector<16xi32>
      %gather3A_1205 = tpu.vector_load_idx %arg5[%sub3A_1201, %rem3A_1204] : memref<64x200xi32, #tpu.memory_space<vmem>>[vector<16xi32>, vector<16xi32>], vector<16xi32>,
      %swap3A_1206 = arith.constant 0 : i32
      %swap3A_1207 = arith.index_cast %swap3A_1206 : i32 to index
      %swap3A_1208 = arith.constant 192 : index
      %swap3A_1209 = tpu.vector_load %arg6[%swap3A_1207, %swap3A_1208] {strides = array<i32>} : memref<2x256xi32, #tpu.memory_space<vmem>>, vector<16xi32>,
      tpu.vector_store %arg6[%swap3A_1207, %swap3A_1208], %gather3A_1205 {strides = array<i32>} : memref<2x256xi32, #tpu.memory_space<vmem>>, vector<16xi32>,
      %mul3A_1210 = arith.constant 256 : i32
      %mul3A_1211 = arith.muli %add3A_939, %mul3A_1210 : i32
      %add3A_1212 = arith.constant 208 : i32
      %add3A_1213 = arith.addi %mul3A_1211, %add3A_1212 : i32
      %iota3A_1214 = tpu.iota {dimensions = array<i32: 0>} : vector<16xi32>
      %add3A_1215 = vector.broadcast %add3A_1213 : i32 to vector<16xi32>
      %add3A_1216 = arith.addi %add3A_1215, %iota3A_1214 : vector<16xi32>
      %div3A_1217 = arith.constant 200 : i32
      %div3A_1218 = vector.broadcast %div3A_1217 : i32 to vector<16xi32>
      %div3A_1219 = arith.divsi %add3A_1216, %div3A_1218 : vector<16xi32>
      %sub3A_1220 = vector.broadcast %select_n3A_949 : i32 to vector<16xi32>
      %sub3A_1221 = arith.subi %div3A_1219, %sub3A_1220 : vector<16xi32>
      %rem3A_1222 = arith.constant 200 : i32
      %rem3A_1223 = vector.broadcast %rem3A_1222 : i32 to vector<16xi32>
      %rem3A_1224 = arith.remsi %add3A_1216, %rem3A_1223 : vector<16xi32>
      %gather3A_1225 = tpu.vector_load_idx %arg5[%sub3A_1221, %rem3A_1224] : memref<64x200xi32, #tpu.memory_space<vmem>>[vector<16xi32>, vector<16xi32>], vector<16xi32>,
      %swap3A_1226 = arith.constant 0 : i32
      %swap3A_1227 = arith.index_cast %swap3A_1226 : i32 to index
      %swap3A_1228 = arith.constant 208 : index
      %swap3A_1229 = tpu.vector_load %arg6[%swap3A_1227, %swap3A_1228] {strides = array<i32>} : memref<2x256xi32, #tpu.memory_space<vmem>>, vector<16xi32>,
      tpu.vector_store %arg6[%swap3A_1227, %swap3A_1228], %gather3A_1225 {strides = array<i32>} : memref<2x256xi32, #tpu.memory_space<vmem>>, vector<16xi32>,
      %mul3A_1230 = arith.constant 256 : i32
      %mul3A_1231 = arith.muli %add3A_939, %mul3A_1230 : i32
      %add3A_1232 = arith.constant 224 : i32
      %add3A_1233 = arith.addi %mul3A_1231, %add3A_1232 : i32
      %iota3A_1234 = tpu.iota {dimensions = array<i32: 0>} : vector<16xi32>
      %add3A_1235 = vector.broadcast %add3A_1233 : i32 to vector<16xi32>
      %add3A_1236 = arith.addi %add3A_1235, %iota3A_1234 : vector<16xi32>
      %div3A_1237 = arith.constant 200 : i32
      %div3A_1238 = vector.broadcast %div3A_1237 : i32 to vector<16xi32>
      %div3A_1239 = arith.divsi %add3A_1236, %div3A_1238 : vector<16xi32>
      %sub3A_1240 = vector.broadcast %select_n3A_949 : i32 to vector<16xi32>
      %sub3A_1241 = arith.subi %div3A_1239, %sub3A_1240 : vector<16xi32>
      %rem3A_1242 = arith.constant 200 : i32
      %rem3A_1243 = vector.broadcast %rem3A_1242 : i32 to vector<16xi32>
      %rem3A_1244 = arith.remsi %add3A_1236, %rem3A_1243 : vector<16xi32>
      %gather3A_1245 = tpu.vector_load_idx %arg5[%sub3A_1241, %rem3A_1244] : memref<64x200xi32, #tpu.memory_space<vmem>>[vector<16xi32>, vector<16xi32>], vector<16xi32>,
      %swap3A_1246 = arith.constant 0 : i32
      %swap3A_1247 = arith.index_cast %swap3A_1246 : i32 to index
      %swap3A_1248 = arith.constant 224 : index
      %swap3A_1249 = tpu.vector_load %arg6[%swap3A_1247, %swap3A_1248] {strides = array<i32>} : memref<2x256xi32, #tpu.memory_space<vmem>>, vector<16xi32>,
      tpu.vector_store %arg6[%swap3A_1247, %swap3A_1248], %gather3A_1245 {strides = array<i32>} : memref<2x256xi32, #tpu.memory_space<vmem>>, vector<16xi32>,
      %mul3A_1250 = arith.constant 256 : i32
      %mul3A_1251 = arith.muli %add3A_939, %mul3A_1250 : i32
      %add3A_1252 = arith.constant 240 : i32
      %add3A_1253 = arith.addi %mul3A_1251, %add3A_1252 : i32
      %iota3A_1254 = tpu.iota {dimensions = array<i32: 0>} : vector<16xi32>
      %add3A_1255 = vector.broadcast %add3A_1253 : i32 to vector<16xi32>
      %add3A_1256 = arith.addi %add3A_1255, %iota3A_1254 : vector<16xi32>
      %div3A_1257 = arith.constant 200 : i32
      %div3A_1258 = vector.broadcast %div3A_1257 : i32 to vector<16xi32>
      %div3A_1259 = arith.divsi %add3A_1256, %div3A_1258 : vector<16xi32>
      %sub3A_1260 = vector.broadcast %select_n3A_949 : i32 to vector<16xi32>
      %sub3A_1261 = arith.subi %div3A_1259, %sub3A_1260 : vector<16xi32>
      %rem3A_1262 = arith.constant 200 : i32
      %rem3A_1263 = vector.broadcast %rem3A_1262 : i32 to vector<16xi32>
      %rem3A_1264 = arith.remsi %add3A_1256, %rem3A_1263 : vector<16xi32>
      %gather3A_1265 = tpu.vector_load_idx %arg5[%sub3A_1261, %rem3A_1264] : memref<64x200xi32, #tpu.memory_space<vmem>>[vector<16xi32>, vector<16xi32>], vector<16xi32>,
      %swap3A_1266 = arith.constant 0 : i32
      %swap3A_1267 = arith.index_cast %swap3A_1266 : i32 to index
      %swap3A_1268 = arith.constant 240 : index
      %swap3A_1269 = tpu.vector_load %arg6[%swap3A_1267, %swap3A_1268] {strides = array<i32>} : memref<2x256xi32, #tpu.memory_space<vmem>>, vector<16xi32>,
      tpu.vector_store %arg6[%swap3A_1267, %swap3A_1268], %gather3A_1265 {strides = array<i32>} : memref<2x256xi32, #tpu.memory_space<vmem>>, vector<16xi32>,
      %dma_start3A_1270 = arith.constant 0 : i32
      %dma_start3A_1271 = arith.constant 0 : i32
      %dma_start3A_1272 = arith.constant 0 : i32
      %dma_start3A_1273 = arith.constant 0 : i32
      %dma_start3A_1274 = tpu.memref_slice %arg7[%dma_start3A_1271, %dma_start3A_1272, %dma_start3A_1273] : memref<2x256x128xf32, #tpu.memory_space<vmem>> -> memref<1x256x128xf32, #tpu.memory_space<vmem>>
      %dma_start3A_1275 = tpu.memref_squeeze %dma_start3A_1274 : memref<1x256x128xf32, #tpu.memory_space<vmem>> -> memref<256x128xf32, #tpu.memory_space<vmem>>
      %dma_start3A_1276 = arith.constant 0 : i32
      %dma_start3A_1277 = arith.constant 0 : i32
      %dma_start3A_1278 = tpu.memref_slice %dma_start3A_1275[%dma_start3A_1276, %dma_start3A_1277] : memref<256x128xf32, #tpu.memory_space<vmem>> -> memref<128x128xf32, #tpu.memory_space<vmem>>
      %dma_start3A_1279 = arith.constant 0 : i32
      %dma_start3A_1280 = tpu.memref_slice %arg6[%dma_start3A_1270, %dma_start3A_1279] : memref<2x256xi32, #tpu.memory_space<vmem>> -> memref<1x256xi32, #tpu.memory_space<vmem>>
      %dma_start3A_1281 = tpu.memref_squeeze %dma_start3A_1280 : memref<1x256xi32, #tpu.memory_space<vmem>> -> memref<256xi32, #tpu.memory_space<vmem>>
      %dma_start3A_1282 = arith.constant 0 : i32
      %dma_start3A_1283 = tpu.memref_slice %dma_start3A_1281[%dma_start3A_1282] : memref<256xi32, #tpu.memory_space<vmem>> -> memref<128xi32, #tpu.memory_space<vmem>>
      %dma_start3A_1284 = arith.constant 0 : i32
      %dma_start3A_1285 = arith.constant 0 : i32
      %dma_start3A_1286 = tpu.memref_slice %arg3[%dma_start3A_1284, %dma_start3A_1285] : memref<1000000x128xf32, #tpu.memory_space<hbm>> -> memref<1000000x128xf32, #tpu.memory_space<hbm>>
      tpu.enqueue_indirect_dma source(%dma_start3A_1286 : memref<1000000x128xf32, #tpu.memory_space<hbm>>) target(%dma_start3A_1278 : memref<128x128xf32, #tpu.memory_space<vmem>>) offsets(%dma_start3A_1283 : memref<128xi32, #tpu.memory_space<vmem>>) semaphore(%arg9 : memref<!tpu.dma_semaphore, #tpu.memory_space<semaphore_mem>>)
      %dma_start3A_1287 = arith.constant 0 : i32
      %dma_start3A_1288 = arith.constant 0 : i32
      %dma_start3A_1289 = arith.constant 0 : i32
      %dma_start3A_1290 = arith.constant 0 : i32
      %dma_start3A_1291 = tpu.memref_slice %arg7[%dma_start3A_1288, %dma_start3A_1289, %dma_start3A_1290] : memref<2x256x128xf32, #tpu.memory_space<vmem>> -> memref<1x256x128xf32, #tpu.memory_space<vmem>>
      %dma_start3A_1292 = tpu.memref_squeeze %dma_start3A_1291 : memref<1x256x128xf32, #tpu.memory_space<vmem>> -> memref<256x128xf32, #tpu.memory_space<vmem>>
      %dma_start3A_1293 = arith.constant 128 : i32
      %dma_start3A_1294 = arith.constant 0 : i32
      %dma_start3A_1295 = tpu.memref_slice %dma_start3A_1292[%dma_start3A_1293, %dma_start3A_1294] : memref<256x128xf32, #tpu.memory_space<vmem>> -> memref<128x128xf32, #tpu.memory_space<vmem>>
      %dma_start3A_1296 = arith.constant 0 : i32
      %dma_start3A_1297 = tpu.memref_slice %arg6[%dma_start3A_1287, %dma_start3A_1296] : memref<2x256xi32, #tpu.memory_space<vmem>> -> memref<1x256xi32, #tpu.memory_space<vmem>>
      %dma_start3A_1298 = tpu.memref_squeeze %dma_start3A_1297 : memref<1x256xi32, #tpu.memory_space<vmem>> -> memref<256xi32, #tpu.memory_space<vmem>>
      %dma_start3A_1299 = arith.constant 128 : i32
      %dma_start3A_1300 = tpu.memref_slice %dma_start3A_1298[%dma_start3A_1299] : memref<256xi32, #tpu.memory_space<vmem>> -> memref<128xi32, #tpu.memory_space<vmem>>
      %dma_start3A_1301 = arith.constant 0 : i32
      %dma_start3A_1302 = arith.constant 0 : i32
      %dma_start3A_1303 = tpu.memref_slice %arg3[%dma_start3A_1301, %dma_start3A_1302] : memref<1000000x128xf32, #tpu.memory_space<hbm>> -> memref<1000000x128xf32, #tpu.memory_space<hbm>>
      tpu.enqueue_indirect_dma source(%dma_start3A_1303 : memref<1000000x128xf32, #tpu.memory_space<hbm>>) target(%dma_start3A_1295 : memref<128x128xf32, #tpu.memory_space<vmem>>) offsets(%dma_start3A_1300 : memref<128xi32, #tpu.memory_space<vmem>>) semaphore(%arg9 : memref<!tpu.dma_semaphore, #tpu.memory_space<semaphore_mem>>)
      %mul3A_1304 = arith.constant 2 : i32
      %mul3A_1305 = arith.muli %mul3A_1304, %scan3A_841 : i32
      %add3A_1306 = arith.constant 1 : i32
      %add3A_1307 = arith.addi %mul3A_1305, %add3A_1306 : i32
      %dma_wait3A_1308 = arith.constant 1 : i32
      %dma_wait3A_1309 = arith.constant 1 : i32
      %dma_wait3A_1310 = arith.constant 0 : i32
      %dma_wait3A_1311 = arith.constant 0 : i32
      %dma_wait3A_1312 = tpu.memref_slice %arg7[%dma_wait3A_1309, %dma_wait3A_1310, %dma_wait3A_1311] : memref<2x256x128xf32, #tpu.memory_space<vmem>> -> memref<1x256x128xf32, #tpu.memory_space<vmem>>
      %dma_wait3A_1313 = tpu.memref_squeeze %dma_wait3A_1312 : memref<1x256x128xf32, #tpu.memory_space<vmem>> -> memref<256x128xf32, #tpu.memory_space<vmem>>
      %dma_wait3A_1314 = arith.constant 0 : i32
      %dma_wait3A_1315 = arith.constant 0 : i32
      %dma_wait3A_1316 = tpu.memref_slice %dma_wait3A_1313[%dma_wait3A_1314, %dma_wait3A_1315] : memref<256x128xf32, #tpu.memory_space<vmem>> -> memref<128x128xf32, #tpu.memory_space<vmem>>
      %dma_wait3A_1317 = arith.constant 0 : i32
      %dma_wait3A_1318 = tpu.memref_slice %arg6[%dma_wait3A_1308, %dma_wait3A_1317] : memref<2x256xi32, #tpu.memory_space<vmem>> -> memref<1x256xi32, #tpu.memory_space<vmem>>
      %dma_wait3A_1319 = tpu.memref_squeeze %dma_wait3A_1318 : memref<1x256xi32, #tpu.memory_space<vmem>> -> memref<256xi32, #tpu.memory_space<vmem>>
      %dma_wait3A_1320 = arith.constant 0 : i32
      %dma_wait3A_1321 = tpu.memref_slice %dma_wait3A_1319[%dma_wait3A_1320] : memref<256xi32, #tpu.memory_space<vmem>> -> memref<128xi32, #tpu.memory_space<vmem>>
      %dma_wait3A_1322 = arith.constant 0 : i32
      %dma_wait3A_1323 = arith.constant 0 : i32
      %dma_wait3A_1324 = tpu.memref_slice %arg3[%dma_wait3A_1322, %dma_wait3A_1323] : memref<1000000x128xf32, #tpu.memory_space<hbm>> -> memref<1000000x128xf32, #tpu.memory_space<hbm>>
      tpu.wait_indirect_dma semaphore(%arg10 : memref<!tpu.dma_semaphore, #tpu.memory_space<semaphore_mem>>) src(%dma_wait3A_1324 : memref<1000000x128xf32, #tpu.memory_space<hbm>>) dst(%dma_wait3A_1316 : memref<128x128xf32, #tpu.memory_space<vmem>>)
      %dma_wait3A_1325 = arith.constant 1 : i32
      %dma_wait3A_1326 = arith.constant 1 : i32
      %dma_wait3A_1327 = arith.constant 0 : i32
      %dma_wait3A_1328 = arith.constant 0 : i32
      %dma_wait3A_1329 = tpu.memref_slice %arg7[%dma_wait3A_1326, %dma_wait3A_1327, %dma_wait3A_1328] : memref<2x256x128xf32, #tpu.memory_space<vmem>> -> memref<1x256x128xf32, #tpu.memory_space<vmem>>
      %dma_wait3A_1330 = tpu.memref_squeeze %dma_wait3A_1329 : memref<1x256x128xf32, #tpu.memory_space<vmem>> -> memref<256x128xf32, #tpu.memory_space<vmem>>
      %dma_wait3A_1331 = arith.constant 128 : i32
      %dma_wait3A_1332 = arith.constant 0 : i32
      %dma_wait3A_1333 = tpu.memref_slice %dma_wait3A_1330[%dma_wait3A_1331, %dma_wait3A_1332] : memref<256x128xf32, #tpu.memory_space<vmem>> -> memref<128x128xf32, #tpu.memory_space<vmem>>
      %dma_wait3A_1334 = arith.constant 0 : i32
      %dma_wait3A_1335 = tpu.memref_slice %arg6[%dma_wait3A_1325, %dma_wait3A_1334] : memref<2x256xi32, #tpu.memory_space<vmem>> -> memref<1x256xi32, #tpu.memory_space<vmem>>
      %dma_wait3A_1336 = tpu.memref_squeeze %dma_wait3A_1335 : memref<1x256xi32, #tpu.memory_space<vmem>> -> memref<256xi32, #tpu.memory_space<vmem>>
      %dma_wait3A_1337 = arith.constant 128 : i32
      %dma_wait3A_1338 = tpu.memref_slice %dma_wait3A_1336[%dma_wait3A_1337] : memref<256xi32, #tpu.memory_space<vmem>> -> memref<128xi32, #tpu.memory_space<vmem>>
      %dma_wait3A_1339 = arith.constant 0 : i32
      %dma_wait3A_1340 = arith.constant 0 : i32
      %dma_wait3A_1341 = tpu.memref_slice %arg3[%dma_wait3A_1339, %dma_wait3A_1340] : memref<1000000x128xf32, #tpu.memory_space<hbm>> -> memref<1000000x128xf32, #tpu.memory_space<hbm>>
      tpu.wait_indirect_dma semaphore(%arg10 : memref<!tpu.dma_semaphore, #tpu.memory_space<semaphore_mem>>) src(%dma_wait3A_1341 : memref<1000000x128xf32, #tpu.memory_space<hbm>>) dst(%dma_wait3A_1333 : memref<128x128xf32, #tpu.memory_space<vmem>>)
      %gt3A_1342 = arith.constant 0 : i32
      %gt3A_1343 = arith.cmpi sgt, %add3A_1307, %gt3A_1342 : i32
      %convert_element_type3A_1344 = arith.extui %gt3A_1343 : i1 to i32
      %cond3A_1345 = arith.constant 0 : i32
      %cond3A_1346 = arith.cmpi ne, %convert_element_type3A_1344, %cond3A_1345 : i32
      scf.if %cond3A_1346 {
        %dma_wait3A_1766 = arith.constant 0 : i32
        %dma_wait3A_1767 = arith.constant 0 : i32
        %dma_wait3A_1768 = arith.constant 0 : i32
        %dma_wait3A_1769 = tpu.memref_slice %arg8[%dma_wait3A_1766, %dma_wait3A_1767, %dma_wait3A_1768] : memref<2x128x64xf32, #tpu.memory_space<vmem>> -> memref<1x128x64xf32, #tpu.memory_space<vmem>>
        %dma_wait3A_1770 = tpu.memref_squeeze %dma_wait3A_1769 : memref<1x128x64xf32, #tpu.memory_space<vmem>> -> memref<128x64xf32, #tpu.memory_space<vmem>>
        %dma_wait3A_1771 = arith.constant 0 : i32
        %dma_wait3A_1772 = tpu.memref_slice %arg4[%mul3A_2, %dma_wait3A_1771] : memref<819200x64xf32, #tpu.memory_space<hbm>> -> memref<128x64xf32, #tpu.memory_space<hbm>>
        %dma_wait3A_1773 = arith.constant 0 : i32
        %dma_wait3A_1774 = tpu.memref_slice %arg4[%mul3A_2, %dma_wait3A_1773] : memref<819200x64xf32, #tpu.memory_space<hbm>> -> memref<128x64xf32, #tpu.memory_space<hbm>>
        %dma_wait3A_1775 = arith.constant 0 : i32
        %dma_wait3A_1776 = arith.constant 0 : i32
        %dma_wait3A_1777 = tpu.memref_slice %arg8[%dma_wait3A_1766, %dma_wait3A_1775, %dma_wait3A_1776] : memref<2x128x64xf32, #tpu.memory_space<vmem>> -> memref<1x128x64xf32, #tpu.memory_space<vmem>>
        %dma_wait3A_1778 = tpu.memref_squeeze %dma_wait3A_1777 : memref<1x128x64xf32, #tpu.memory_space<vmem>> -> memref<128x64xf32, #tpu.memory_space<vmem>>
        tpu.wait_dma2 semaphore(%arg11 : memref<!tpu.dma_semaphore, #tpu.memory_space<semaphore_mem>>) src(%dma_wait3A_1778 : memref<128x64xf32, #tpu.memory_space<vmem>>) dst(%dma_wait3A_1774 : memref<128x64xf32, #tpu.memory_space<hbm>>)
      } else {
      }
      %scan3A_1347 = arith.constant 0 : i32
      %scan3A_1348 = arith.constant 0 : i32
      %scan3A_1349 = arith.constant 32 : i32
      %scan3A_1350 = arith.addi %scan3A_1348, %scan3A_1349 : i32
      %scan3A_1351 = arith.constant 1 : i32
      scf.for %scan3A_1766 = %scan3A_1348 to %scan3A_1350 step %scan3A_1351  : i32 {
        %mul3A_1767 = arith.constant 4 : i32
        %mul3A_1768 = arith.muli %scan3A_1766, %mul3A_1767 : i32
        %add3A_1769 = arith.constant 0 : i32
        %add3A_1770 = arith.addi %mul3A_1768, %add3A_1769 : i32
        %add3A_1771 = arith.constant 0 : i32
        %add3A_1772 = arith.addi %add3A_1771, %add3A_1770 : i32
        %get3A = arith.constant 1 : i32
        %get3A_1773 = arith.constant 0 : i32
        %get3A_1774 = arith.constant 0 : i32
        %get3A_1775 = tpu.memref_slice %arg7[%get3A, %get3A_1773, %get3A_1774] : memref<2x256x128xf32, #tpu.memory_space<vmem>> -> memref<1x256x128xf32, #tpu.memory_space<vmem>>
        %get3A_1776 = tpu.memref_squeeze %get3A_1775 : memref<1x256x128xf32, #tpu.memory_space<vmem>> -> memref<256x128xf32, #tpu.memory_space<vmem>>
        %get3A_1777 = arith.index_cast %add3A_1772 : i32 to index
        %get3A_1778 = arith.constant 0 : index
        %get3A_1779 = tpu.vector_load %get3A_1776[%get3A_1777, %get3A_1778] {strides = array<i32>} : memref<256x128xf32, #tpu.memory_space<vmem>>, vector<16xf32>,
        %swap3A_1780 = arith.constant 0 : i32
        %swap3A_1781 = arith.index_cast %swap3A_1780 : i32 to index
        %swap3A_1782 = arith.index_cast %add3A_1770 : i32 to index
        %swap3A_1783 = arith.constant 0 : index
        %swap3A_1784 = tpu.vector_load %arg8[%swap3A_1781, %swap3A_1782, %swap3A_1783] {strides = array<i32>} : memref<2x128x64xf32, #tpu.memory_space<vmem>>, vector<16xf32>,
        tpu.vector_store %arg8[%swap3A_1781, %swap3A_1782, %swap3A_1783], %get3A_1779 {strides = array<i32>} : memref<2x128x64xf32, #tpu.memory_space<vmem>>, vector<16xf32>,
        %add3A_1785 = arith.constant 0 : i32
        %add3A_1786 = arith.addi %add3A_1785, %add3A_1770 : i32
        %get3A_1787 = arith.constant 1 : i32
        %get3A_1788 = arith.constant 0 : i32
        %get3A_1789 = arith.constant 0 : i32
        %get3A_1790 = tpu.memref_slice %arg7[%get3A_1787, %get3A_1788, %get3A_1789] : memref<2x256x128xf32, #tpu.memory_space<vmem>> -> memref<1x256x128xf32, #tpu.memory_space<vmem>>
        %get3A_1791 = tpu.memref_squeeze %get3A_1790 : memref<1x256x128xf32, #tpu.memory_space<vmem>> -> memref<256x128xf32, #tpu.memory_space<vmem>>
        %get3A_1792 = arith.index_cast %add3A_1786 : i32 to index
        %get3A_1793 = arith.constant 16 : index
        %get3A_1794 = tpu.vector_load %get3A_1791[%get3A_1792, %get3A_1793] {strides = array<i32>} : memref<256x128xf32, #tpu.memory_space<vmem>>, vector<16xf32>,
        %swap3A_1795 = arith.constant 0 : i32
        %swap3A_1796 = arith.index_cast %swap3A_1795 : i32 to index
        %swap3A_1797 = arith.index_cast %add3A_1770 : i32 to index
        %swap3A_1798 = arith.constant 16 : index
        %swap3A_1799 = tpu.vector_load %arg8[%swap3A_1796, %swap3A_1797, %swap3A_1798] {strides = array<i32>} : memref<2x128x64xf32, #tpu.memory_space<vmem>>, vector<16xf32>,
        tpu.vector_store %arg8[%swap3A_1796, %swap3A_1797, %swap3A_1798], %get3A_1794 {strides = array<i32>} : memref<2x128x64xf32, #tpu.memory_space<vmem>>, vector<16xf32>,
        %add3A_1800 = arith.constant 0 : i32
        %add3A_1801 = arith.addi %add3A_1800, %add3A_1770 : i32
        %get3A_1802 = arith.constant 1 : i32
        %get3A_1803 = arith.constant 0 : i32
        %get3A_1804 = arith.constant 0 : i32
        %get3A_1805 = tpu.memref_slice %arg7[%get3A_1802, %get3A_1803, %get3A_1804] : memref<2x256x128xf32, #tpu.memory_space<vmem>> -> memref<1x256x128xf32, #tpu.memory_space<vmem>>
        %get3A_1806 = tpu.memref_squeeze %get3A_1805 : memref<1x256x128xf32, #tpu.memory_space<vmem>> -> memref<256x128xf32, #tpu.memory_space<vmem>>
        %get3A_1807 = arith.index_cast %add3A_1801 : i32 to index
        %get3A_1808 = arith.constant 32 : index
        %get3A_1809 = tpu.vector_load %get3A_1806[%get3A_1807, %get3A_1808] {strides = array<i32>} : memref<256x128xf32, #tpu.memory_space<vmem>>, vector<16xf32>,
        %swap3A_1810 = arith.constant 0 : i32
        %swap3A_1811 = arith.index_cast %swap3A_1810 : i32 to index
        %swap3A_1812 = arith.index_cast %add3A_1770 : i32 to index
        %swap3A_1813 = arith.constant 32 : index
        %swap3A_1814 = tpu.vector_load %arg8[%swap3A_1811, %swap3A_1812, %swap3A_1813] {strides = array<i32>} : memref<2x128x64xf32, #tpu.memory_space<vmem>>, vector<16xf32>,
        tpu.vector_store %arg8[%swap3A_1811, %swap3A_1812, %swap3A_1813], %get3A_1809 {strides = array<i32>} : memref<2x128x64xf32, #tpu.memory_space<vmem>>, vector<16xf32>,
        %add3A_1815 = arith.constant 0 : i32
        %add3A_1816 = arith.addi %add3A_1815, %add3A_1770 : i32
        %get3A_1817 = arith.constant 1 : i32
        %get3A_1818 = arith.constant 0 : i32
        %get3A_1819 = arith.constant 0 : i32
        %get3A_1820 = tpu.memref_slice %arg7[%get3A_1817, %get3A_1818, %get3A_1819] : memref<2x256x128xf32, #tpu.memory_space<vmem>> -> memref<1x256x128xf32, #tpu.memory_space<vmem>>
        %get3A_1821 = tpu.memref_squeeze %get3A_1820 : memref<1x256x128xf32, #tpu.memory_space<vmem>> -> memref<256x128xf32, #tpu.memory_space<vmem>>
        %get3A_1822 = arith.index_cast %add3A_1816 : i32 to index
        %get3A_1823 = arith.constant 48 : index
        %get3A_1824 = tpu.vector_load %get3A_1821[%get3A_1822, %get3A_1823] {strides = array<i32>} : memref<256x128xf32, #tpu.memory_space<vmem>>, vector<16xf32>,
        %swap3A_1825 = arith.constant 0 : i32
        %swap3A_1826 = arith.index_cast %swap3A_1825 : i32 to index
        %swap3A_1827 = arith.index_cast %add3A_1770 : i32 to index
        %swap3A_1828 = arith.constant 48 : index
        %swap3A_1829 = tpu.vector_load %arg8[%swap3A_1826, %swap3A_1827, %swap3A_1828] {strides = array<i32>} : memref<2x128x64xf32, #tpu.memory_space<vmem>>, vector<16xf32>,
        tpu.vector_store %arg8[%swap3A_1826, %swap3A_1827, %swap3A_1828], %get3A_1824 {strides = array<i32>} : memref<2x128x64xf32, #tpu.memory_space<vmem>>, vector<16xf32>,
        %mul3A_1830 = arith.constant 4 : i32
        %mul3A_1831 = arith.muli %scan3A_1766, %mul3A_1830 : i32
        %add3A_1832 = arith.constant 1 : i32
        %add3A_1833 = arith.addi %mul3A_1831, %add3A_1832 : i32
        %add3A_1834 = arith.constant 0 : i32
        %add3A_1835 = arith.addi %add3A_1834, %add3A_1833 : i32
        %get3A_1836 = arith.constant 1 : i32
        %get3A_1837 = arith.constant 0 : i32
        %get3A_1838 = arith.constant 0 : i32
        %get3A_1839 = tpu.memref_slice %arg7[%get3A_1836, %get3A_1837, %get3A_1838] : memref<2x256x128xf32, #tpu.memory_space<vmem>> -> memref<1x256x128xf32, #tpu.memory_space<vmem>>
        %get3A_1840 = tpu.memref_squeeze %get3A_1839 : memref<1x256x128xf32, #tpu.memory_space<vmem>> -> memref<256x128xf32, #tpu.memory_space<vmem>>
        %get3A_1841 = arith.index_cast %add3A_1835 : i32 to index
        %get3A_1842 = arith.constant 0 : index
        %get3A_1843 = tpu.vector_load %get3A_1840[%get3A_1841, %get3A_1842] {strides = array<i32>} : memref<256x128xf32, #tpu.memory_space<vmem>>, vector<16xf32>,
        %swap3A_1844 = arith.constant 0 : i32
        %swap3A_1845 = arith.index_cast %swap3A_1844 : i32 to index
        %swap3A_1846 = arith.index_cast %add3A_1833 : i32 to index
        %swap3A_1847 = arith.constant 0 : index
        %swap3A_1848 = tpu.vector_load %arg8[%swap3A_1845, %swap3A_1846, %swap3A_1847] {strides = array<i32>} : memref<2x128x64xf32, #tpu.memory_space<vmem>>, vector<16xf32>,
        tpu.vector_store %arg8[%swap3A_1845, %swap3A_1846, %swap3A_1847], %get3A_1843 {strides = array<i32>} : memref<2x128x64xf32, #tpu.memory_space<vmem>>, vector<16xf32>,
        %add3A_1849 = arith.constant 0 : i32
        %add3A_1850 = arith.addi %add3A_1849, %add3A_1833 : i32
        %get3A_1851 = arith.constant 1 : i32
        %get3A_1852 = arith.constant 0 : i32
        %get3A_1853 = arith.constant 0 : i32
        %get3A_1854 = tpu.memref_slice %arg7[%get3A_1851, %get3A_1852, %get3A_1853] : memref<2x256x128xf32, #tpu.memory_space<vmem>> -> memref<1x256x128xf32, #tpu.memory_space<vmem>>
        %get3A_1855 = tpu.memref_squeeze %get3A_1854 : memref<1x256x128xf32, #tpu.memory_space<vmem>> -> memref<256x128xf32, #tpu.memory_space<vmem>>
        %get3A_1856 = arith.index_cast %add3A_1850 : i32 to index
        %get3A_1857 = arith.constant 16 : index
        %get3A_1858 = tpu.vector_load %get3A_1855[%get3A_1856, %get3A_1857] {strides = array<i32>} : memref<256x128xf32, #tpu.memory_space<vmem>>, vector<16xf32>,
        %swap3A_1859 = arith.constant 0 : i32
        %swap3A_1860 = arith.index_cast %swap3A_1859 : i32 to index
        %swap3A_1861 = arith.index_cast %add3A_1833 : i32 to index
        %swap3A_1862 = arith.constant 16 : index
        %swap3A_1863 = tpu.vector_load %arg8[%swap3A_1860, %swap3A_1861, %swap3A_1862] {strides = array<i32>} : memref<2x128x64xf32, #tpu.memory_space<vmem>>, vector<16xf32>,
        tpu.vector_store %arg8[%swap3A_1860, %swap3A_1861, %swap3A_1862], %get3A_1858 {strides = array<i32>} : memref<2x128x64xf32, #tpu.memory_space<vmem>>, vector<16xf32>,
        %add3A_1864 = arith.constant 0 : i32
        %add3A_1865 = arith.addi %add3A_1864, %add3A_1833 : i32
        %get3A_1866 = arith.constant 1 : i32
        %get3A_1867 = arith.constant 0 : i32
        %get3A_1868 = arith.constant 0 : i32
        %get3A_1869 = tpu.memref_slice %arg7[%get3A_1866, %get3A_1867, %get3A_1868] : memref<2x256x128xf32, #tpu.memory_space<vmem>> -> memref<1x256x128xf32, #tpu.memory_space<vmem>>
        %get3A_1870 = tpu.memref_squeeze %get3A_1869 : memref<1x256x128xf32, #tpu.memory_space<vmem>> -> memref<256x128xf32, #tpu.memory_space<vmem>>
        %get3A_1871 = arith.index_cast %add3A_1865 : i32 to index
        %get3A_1872 = arith.constant 32 : index
        %get3A_1873 = tpu.vector_load %get3A_1870[%get3A_1871, %get3A_1872] {strides = array<i32>} : memref<256x128xf32, #tpu.memory_space<vmem>>, vector<16xf32>,
        %swap3A_1874 = arith.constant 0 : i32
        %swap3A_1875 = arith.index_cast %swap3A_1874 : i32 to index
        %swap3A_1876 = arith.index_cast %add3A_1833 : i32 to index
        %swap3A_1877 = arith.constant 32 : index
        %swap3A_1878 = tpu.vector_load %arg8[%swap3A_1875, %swap3A_1876, %swap3A_1877] {strides = array<i32>} : memref<2x128x64xf32, #tpu.memory_space<vmem>>, vector<16xf32>,
        tpu.vector_store %arg8[%swap3A_1875, %swap3A_1876, %swap3A_1877], %get3A_1873 {strides = array<i32>} : memref<2x128x64xf32, #tpu.memory_space<vmem>>, vector<16xf32>,
        %add3A_1879 = arith.constant 0 : i32
        %add3A_1880 = arith.addi %add3A_1879, %add3A_1833 : i32
        %get3A_1881 = arith.constant 1 : i32
        %get3A_1882 = arith.constant 0 : i32
        %get3A_1883 = arith.constant 0 : i32
        %get3A_1884 = tpu.memref_slice %arg7[%get3A_1881, %get3A_1882, %get3A_1883] : memref<2x256x128xf32, #tpu.memory_space<vmem>> -> memref<1x256x128xf32, #tpu.memory_space<vmem>>
        %get3A_1885 = tpu.memref_squeeze %get3A_1884 : memref<1x256x128xf32, #tpu.memory_space<vmem>> -> memref<256x128xf32, #tpu.memory_space<vmem>>
        %get3A_1886 = arith.index_cast %add3A_1880 : i32 to index
        %get3A_1887 = arith.constant 48 : index
        %get3A_1888 = tpu.vector_load %get3A_1885[%get3A_1886, %get3A_1887] {strides = array<i32>} : memref<256x128xf32, #tpu.memory_space<vmem>>, vector<16xf32>,
        %swap3A_1889 = arith.constant 0 : i32
        %swap3A_1890 = arith.index_cast %swap3A_1889 : i32 to index
        %swap3A_1891 = arith.index_cast %add3A_1833 : i32 to index
        %swap3A_1892 = arith.constant 48 : index
        %swap3A_1893 = tpu.vector_load %arg8[%swap3A_1890, %swap3A_1891, %swap3A_1892] {strides = array<i32>} : memref<2x128x64xf32, #tpu.memory_space<vmem>>, vector<16xf32>,
        tpu.vector_store %arg8[%swap3A_1890, %swap3A_1891, %swap3A_1892], %get3A_1888 {strides = array<i32>} : memref<2x128x64xf32, #tpu.memory_space<vmem>>, vector<16xf32>,
        %mul3A_1894 = arith.constant 4 : i32
        %mul3A_1895 = arith.muli %scan3A_1766, %mul3A_1894 : i32
        %add3A_1896 = arith.constant 2 : i32
        %add3A_1897 = arith.addi %mul3A_1895, %add3A_1896 : i32
        %add3A_1898 = arith.constant 0 : i32
        %add3A_1899 = arith.addi %add3A_1898, %add3A_1897 : i32
        %get3A_1900 = arith.constant 1 : i32
        %get3A_1901 = arith.constant 0 : i32
        %get3A_1902 = arith.constant 0 : i32
        %get3A_1903 = tpu.memref_slice %arg7[%get3A_1900, %get3A_1901, %get3A_1902] : memref<2x256x128xf32, #tpu.memory_space<vmem>> -> memref<1x256x128xf32, #tpu.memory_space<vmem>>
        %get3A_1904 = tpu.memref_squeeze %get3A_1903 : memref<1x256x128xf32, #tpu.memory_space<vmem>> -> memref<256x128xf32, #tpu.memory_space<vmem>>
        %get3A_1905 = arith.index_cast %add3A_1899 : i32 to index
        %get3A_1906 = arith.constant 0 : index
        %get3A_1907 = tpu.vector_load %get3A_1904[%get3A_1905, %get3A_1906] {strides = array<i32>} : memref<256x128xf32, #tpu.memory_space<vmem>>, vector<16xf32>,
        %swap3A_1908 = arith.constant 0 : i32
        %swap3A_1909 = arith.index_cast %swap3A_1908 : i32 to index
        %swap3A_1910 = arith.index_cast %add3A_1897 : i32 to index
        %swap3A_1911 = arith.constant 0 : index
        %swap3A_1912 = tpu.vector_load %arg8[%swap3A_1909, %swap3A_1910, %swap3A_1911] {strides = array<i32>} : memref<2x128x64xf32, #tpu.memory_space<vmem>>, vector<16xf32>,
        tpu.vector_store %arg8[%swap3A_1909, %swap3A_1910, %swap3A_1911], %get3A_1907 {strides = array<i32>} : memref<2x128x64xf32, #tpu.memory_space<vmem>>, vector<16xf32>,
        %add3A_1913 = arith.constant 0 : i32
        %add3A_1914 = arith.addi %add3A_1913, %add3A_1897 : i32
        %get3A_1915 = arith.constant 1 : i32
        %get3A_1916 = arith.constant 0 : i32
        %get3A_1917 = arith.constant 0 : i32
        %get3A_1918 = tpu.memref_slice %arg7[%get3A_1915, %get3A_1916, %get3A_1917] : memref<2x256x128xf32, #tpu.memory_space<vmem>> -> memref<1x256x128xf32, #tpu.memory_space<vmem>>
        %get3A_1919 = tpu.memref_squeeze %get3A_1918 : memref<1x256x128xf32, #tpu.memory_space<vmem>> -> memref<256x128xf32, #tpu.memory_space<vmem>>
        %get3A_1920 = arith.index_cast %add3A_1914 : i32 to index
        %get3A_1921 = arith.constant 16 : index
        %get3A_1922 = tpu.vector_load %get3A_1919[%get3A_1920, %get3A_1921] {strides = array<i32>} : memref<256x128xf32, #tpu.memory_space<vmem>>, vector<16xf32>,
        %swap3A_1923 = arith.constant 0 : i32
        %swap3A_1924 = arith.index_cast %swap3A_1923 : i32 to index
        %swap3A_1925 = arith.index_cast %add3A_1897 : i32 to index
        %swap3A_1926 = arith.constant 16 : index
        %swap3A_1927 = tpu.vector_load %arg8[%swap3A_1924, %swap3A_1925, %swap3A_1926] {strides = array<i32>} : memref<2x128x64xf32, #tpu.memory_space<vmem>>, vector<16xf32>,
        tpu.vector_store %arg8[%swap3A_1924, %swap3A_1925, %swap3A_1926], %get3A_1922 {strides = array<i32>} : memref<2x128x64xf32, #tpu.memory_space<vmem>>, vector<16xf32>,
        %add3A_1928 = arith.constant 0 : i32
        %add3A_1929 = arith.addi %add3A_1928, %add3A_1897 : i32
        %get3A_1930 = arith.constant 1 : i32
        %get3A_1931 = arith.constant 0 : i32
        %get3A_1932 = arith.constant 0 : i32
        %get3A_1933 = tpu.memref_slice %arg7[%get3A_1930, %get3A_1931, %get3A_1932] : memref<2x256x128xf32, #tpu.memory_space<vmem>> -> memref<1x256x128xf32, #tpu.memory_space<vmem>>
        %get3A_1934 = tpu.memref_squeeze %get3A_1933 : memref<1x256x128xf32, #tpu.memory_space<vmem>> -> memref<256x128xf32, #tpu.memory_space<vmem>>
        %get3A_1935 = arith.index_cast %add3A_1929 : i32 to index
        %get3A_1936 = arith.constant 32 : index
        %get3A_1937 = tpu.vector_load %get3A_1934[%get3A_1935, %get3A_1936] {strides = array<i32>} : memref<256x128xf32, #tpu.memory_space<vmem>>, vector<16xf32>,
        %swap3A_1938 = arith.constant 0 : i32
        %swap3A_1939 = arith.index_cast %swap3A_1938 : i32 to index
        %swap3A_1940 = arith.index_cast %add3A_1897 : i32 to index
        %swap3A_1941 = arith.constant 32 : index
        %swap3A_1942 = tpu.vector_load %arg8[%swap3A_1939, %swap3A_1940, %swap3A_1941] {strides = array<i32>} : memref<2x128x64xf32, #tpu.memory_space<vmem>>, vector<16xf32>,
        tpu.vector_store %arg8[%swap3A_1939, %swap3A_1940, %swap3A_1941], %get3A_1937 {strides = array<i32>} : memref<2x128x64xf32, #tpu.memory_space<vmem>>, vector<16xf32>,
        %add3A_1943 = arith.constant 0 : i32
        %add3A_1944 = arith.addi %add3A_1943, %add3A_1897 : i32
        %get3A_1945 = arith.constant 1 : i32
        %get3A_1946 = arith.constant 0 : i32
        %get3A_1947 = arith.constant 0 : i32
        %get3A_1948 = tpu.memref_slice %arg7[%get3A_1945, %get3A_1946, %get3A_1947] : memref<2x256x128xf32, #tpu.memory_space<vmem>> -> memref<1x256x128xf32, #tpu.memory_space<vmem>>
        %get3A_1949 = tpu.memref_squeeze %get3A_1948 : memref<1x256x128xf32, #tpu.memory_space<vmem>> -> memref<256x128xf32, #tpu.memory_space<vmem>>
        %get3A_1950 = arith.index_cast %add3A_1944 : i32 to index
        %get3A_1951 = arith.constant 48 : index
        %get3A_1952 = tpu.vector_load %get3A_1949[%get3A_1950, %get3A_1951] {strides = array<i32>} : memref<256x128xf32, #tpu.memory_space<vmem>>, vector<16xf32>,
        %swap3A_1953 = arith.constant 0 : i32
        %swap3A_1954 = arith.index_cast %swap3A_1953 : i32 to index
        %swap3A_1955 = arith.index_cast %add3A_1897 : i32 to index
        %swap3A_1956 = arith.constant 48 : index
        %swap3A_1957 = tpu.vector_load %arg8[%swap3A_1954, %swap3A_1955, %swap3A_1956] {strides = array<i32>} : memref<2x128x64xf32, #tpu.memory_space<vmem>>, vector<16xf32>,
        tpu.vector_store %arg8[%swap3A_1954, %swap3A_1955, %swap3A_1956], %get3A_1952 {strides = array<i32>} : memref<2x128x64xf32, #tpu.memory_space<vmem>>, vector<16xf32>,
        %mul3A_1958 = arith.constant 4 : i32
        %mul3A_1959 = arith.muli %scan3A_1766, %mul3A_1958 : i32
        %add3A_1960 = arith.constant 3 : i32
        %add3A_1961 = arith.addi %mul3A_1959, %add3A_1960 : i32
        %add3A_1962 = arith.constant 0 : i32
        %add3A_1963 = arith.addi %add3A_1962, %add3A_1961 : i32
        %get3A_1964 = arith.constant 1 : i32
        %get3A_1965 = arith.constant 0 : i32
        %get3A_1966 = arith.constant 0 : i32
        %get3A_1967 = tpu.memref_slice %arg7[%get3A_1964, %get3A_1965, %get3A_1966] : memref<2x256x128xf32, #tpu.memory_space<vmem>> -> memref<1x256x128xf32, #tpu.memory_space<vmem>>
        %get3A_1968 = tpu.memref_squeeze %get3A_1967 : memref<1x256x128xf32, #tpu.memory_space<vmem>> -> memref<256x128xf32, #tpu.memory_space<vmem>>
        %get3A_1969 = arith.index_cast %add3A_1963 : i32 to index
        %get3A_1970 = arith.constant 0 : index
        %get3A_1971 = tpu.vector_load %get3A_1968[%get3A_1969, %get3A_1970] {strides = array<i32>} : memref<256x128xf32, #tpu.memory_space<vmem>>, vector<16xf32>,
        %swap3A_1972 = arith.constant 0 : i32
        %swap3A_1973 = arith.index_cast %swap3A_1972 : i32 to index
        %swap3A_1974 = arith.index_cast %add3A_1961 : i32 to index
        %swap3A_1975 = arith.constant 0 : index
        %swap3A_1976 = tpu.vector_load %arg8[%swap3A_1973, %swap3A_1974, %swap3A_1975] {strides = array<i32>} : memref<2x128x64xf32, #tpu.memory_space<vmem>>, vector<16xf32>,
        tpu.vector_store %arg8[%swap3A_1973, %swap3A_1974, %swap3A_1975], %get3A_1971 {strides = array<i32>} : memref<2x128x64xf32, #tpu.memory_space<vmem>>, vector<16xf32>,
        %add3A_1977 = arith.constant 0 : i32
        %add3A_1978 = arith.addi %add3A_1977, %add3A_1961 : i32
        %get3A_1979 = arith.constant 1 : i32
        %get3A_1980 = arith.constant 0 : i32
        %get3A_1981 = arith.constant 0 : i32
        %get3A_1982 = tpu.memref_slice %arg7[%get3A_1979, %get3A_1980, %get3A_1981] : memref<2x256x128xf32, #tpu.memory_space<vmem>> -> memref<1x256x128xf32, #tpu.memory_space<vmem>>
        %get3A_1983 = tpu.memref_squeeze %get3A_1982 : memref<1x256x128xf32, #tpu.memory_space<vmem>> -> memref<256x128xf32, #tpu.memory_space<vmem>>
        %get3A_1984 = arith.index_cast %add3A_1978 : i32 to index
        %get3A_1985 = arith.constant 16 : index
        %get3A_1986 = tpu.vector_load %get3A_1983[%get3A_1984, %get3A_1985] {strides = array<i32>} : memref<256x128xf32, #tpu.memory_space<vmem>>, vector<16xf32>,
        %swap3A_1987 = arith.constant 0 : i32
        %swap3A_1988 = arith.index_cast %swap3A_1987 : i32 to index
        %swap3A_1989 = arith.index_cast %add3A_1961 : i32 to index
        %swap3A_1990 = arith.constant 16 : index
        %swap3A_1991 = tpu.vector_load %arg8[%swap3A_1988, %swap3A_1989, %swap3A_1990] {strides = array<i32>} : memref<2x128x64xf32, #tpu.memory_space<vmem>>, vector<16xf32>,
        tpu.vector_store %arg8[%swap3A_1988, %swap3A_1989, %swap3A_1990], %get3A_1986 {strides = array<i32>} : memref<2x128x64xf32, #tpu.memory_space<vmem>>, vector<16xf32>,
        %add3A_1992 = arith.constant 0 : i32
        %add3A_1993 = arith.addi %add3A_1992, %add3A_1961 : i32
        %get3A_1994 = arith.constant 1 : i32
        %get3A_1995 = arith.constant 0 : i32
        %get3A_1996 = arith.constant 0 : i32
        %get3A_1997 = tpu.memref_slice %arg7[%get3A_1994, %get3A_1995, %get3A_1996] : memref<2x256x128xf32, #tpu.memory_space<vmem>> -> memref<1x256x128xf32, #tpu.memory_space<vmem>>
        %get3A_1998 = tpu.memref_squeeze %get3A_1997 : memref<1x256x128xf32, #tpu.memory_space<vmem>> -> memref<256x128xf32, #tpu.memory_space<vmem>>
        %get3A_1999 = arith.index_cast %add3A_1993 : i32 to index
        %get3A_2000 = arith.constant 32 : index
        %get3A_2001 = tpu.vector_load %get3A_1998[%get3A_1999, %get3A_2000] {strides = array<i32>} : memref<256x128xf32, #tpu.memory_space<vmem>>, vector<16xf32>,
        %swap3A_2002 = arith.constant 0 : i32
        %swap3A_2003 = arith.index_cast %swap3A_2002 : i32 to index
        %swap3A_2004 = arith.index_cast %add3A_1961 : i32 to index
        %swap3A_2005 = arith.constant 32 : index
        %swap3A_2006 = tpu.vector_load %arg8[%swap3A_2003, %swap3A_2004, %swap3A_2005] {strides = array<i32>} : memref<2x128x64xf32, #tpu.memory_space<vmem>>, vector<16xf32>,
        tpu.vector_store %arg8[%swap3A_2003, %swap3A_2004, %swap3A_2005], %get3A_2001 {strides = array<i32>} : memref<2x128x64xf32, #tpu.memory_space<vmem>>, vector<16xf32>,
        %add3A_2007 = arith.constant 0 : i32
        %add3A_2008 = arith.addi %add3A_2007, %add3A_1961 : i32
        %get3A_2009 = arith.constant 1 : i32
        %get3A_2010 = arith.constant 0 : i32
        %get3A_2011 = arith.constant 0 : i32
        %get3A_2012 = tpu.memref_slice %arg7[%get3A_2009, %get3A_2010, %get3A_2011] : memref<2x256x128xf32, #tpu.memory_space<vmem>> -> memref<1x256x128xf32, #tpu.memory_space<vmem>>
        %get3A_2013 = tpu.memref_squeeze %get3A_2012 : memref<1x256x128xf32, #tpu.memory_space<vmem>> -> memref<256x128xf32, #tpu.memory_space<vmem>>
        %get3A_2014 = arith.index_cast %add3A_2008 : i32 to index
        %get3A_2015 = arith.constant 48 : index
        %get3A_2016 = tpu.vector_load %get3A_2013[%get3A_2014, %get3A_2015] {strides = array<i32>} : memref<256x128xf32, #tpu.memory_space<vmem>>, vector<16xf32>,
        %swap3A_2017 = arith.constant 0 : i32
        %swap3A_2018 = arith.index_cast %swap3A_2017 : i32 to index
        %swap3A_2019 = arith.index_cast %add3A_1961 : i32 to index
        %swap3A_2020 = arith.constant 48 : index
        %swap3A_2021 = tpu.vector_load %arg8[%swap3A_2018, %swap3A_2019, %swap3A_2020] {strides = array<i32>} : memref<2x128x64xf32, #tpu.memory_space<vmem>>, vector<16xf32>,
        tpu.vector_store %arg8[%swap3A_2018, %swap3A_2019, %swap3A_2020], %get3A_2016 {strides = array<i32>} : memref<2x128x64xf32, #tpu.memory_space<vmem>>, vector<16xf32>,
      }
      %scan3A_1352 = arith.constant 32 : i32
      %mul3A_1353 = arith.constant 256 : i32
      %mul3A_1354 = arith.muli %add3A_1307, %mul3A_1353 : i32
      %add3A_1355 = arith.addi %mul3A_2, %mul3A_1354 : i32
      %add3A_1356 = arith.constant 0 : i32
      %add3A_1357 = arith.addi %add3A_1355, %add3A_1356 : i32
      %dma_start3A_1358 = arith.constant 0 : i32
      %dma_start3A_1359 = arith.constant 0 : i32
      %dma_start3A_1360 = arith.constant 0 : i32
      %dma_start3A_1361 = tpu.memref_slice %arg8[%dma_start3A_1358, %dma_start3A_1359, %dma_start3A_1360] : memref<2x128x64xf32, #tpu.memory_space<vmem>> -> memref<1x128x64xf32, #tpu.memory_space<vmem>>
      %dma_start3A_1362 = tpu.memref_squeeze %dma_start3A_1361 : memref<1x128x64xf32, #tpu.memory_space<vmem>> -> memref<128x64xf32, #tpu.memory_space<vmem>>
      %dma_start3A_1363 = arith.constant 0 : i32
      %dma_start3A_1364 = tpu.memref_slice %arg4[%add3A_1357, %dma_start3A_1363] : memref<819200x64xf32, #tpu.memory_space<hbm>> -> memref<128x64xf32, #tpu.memory_space<hbm>>
      %dma_start3A_1365 = arith.constant 0 : i32
      %dma_start3A_1366 = tpu.memref_slice %arg4[%add3A_1357, %dma_start3A_1365] : memref<819200x64xf32, #tpu.memory_space<hbm>> -> memref<128x64xf32, #tpu.memory_space<hbm>>
      %dma_start3A_1367 = arith.constant 0 : i32
      %dma_start3A_1368 = arith.constant 0 : i32
      %dma_start3A_1369 = tpu.memref_slice %arg8[%dma_start3A_1358, %dma_start3A_1367, %dma_start3A_1368] : memref<2x128x64xf32, #tpu.memory_space<vmem>> -> memref<1x128x64xf32, #tpu.memory_space<vmem>>
      %dma_start3A_1370 = tpu.memref_squeeze %dma_start3A_1369 : memref<1x128x64xf32, #tpu.memory_space<vmem>> -> memref<128x64xf32, #tpu.memory_space<vmem>>
      tpu.enqueue_dma source(%dma_start3A_1370 : memref<128x64xf32, #tpu.memory_space<vmem>>) target(%dma_start3A_1366 : memref<128x64xf32, #tpu.memory_space<hbm>>) target_semaphore(%arg11 : memref<!tpu.dma_semaphore, #tpu.memory_space<semaphore_mem>>)
      %gt3A_1371 = arith.constant 0 : i32
      %gt3A_1372 = arith.cmpi sgt, %add3A_1307, %gt3A_1371 : i32
      %convert_element_type3A_1373 = arith.extui %gt3A_1372 : i1 to i32
      %cond3A_1374 = arith.constant 0 : i32
      %cond3A_1375 = arith.cmpi ne, %convert_element_type3A_1373, %cond3A_1374 : i32
      scf.if %cond3A_1375 {
        %dma_wait3A_1766 = arith.constant 1 : i32
        %dma_wait3A_1767 = arith.constant 0 : i32
        %dma_wait3A_1768 = arith.constant 0 : i32
        %dma_wait3A_1769 = tpu.memref_slice %arg8[%dma_wait3A_1766, %dma_wait3A_1767, %dma_wait3A_1768] : memref<2x128x64xf32, #tpu.memory_space<vmem>> -> memref<1x128x64xf32, #tpu.memory_space<vmem>>
        %dma_wait3A_1770 = tpu.memref_squeeze %dma_wait3A_1769 : memref<1x128x64xf32, #tpu.memory_space<vmem>> -> memref<128x64xf32, #tpu.memory_space<vmem>>
        %dma_wait3A_1771 = arith.constant 0 : i32
        %dma_wait3A_1772 = tpu.memref_slice %arg4[%mul3A_2, %dma_wait3A_1771] : memref<819200x64xf32, #tpu.memory_space<hbm>> -> memref<128x64xf32, #tpu.memory_space<hbm>>
        %dma_wait3A_1773 = arith.constant 0 : i32
        %dma_wait3A_1774 = tpu.memref_slice %arg4[%mul3A_2, %dma_wait3A_1773] : memref<819200x64xf32, #tpu.memory_space<hbm>> -> memref<128x64xf32, #tpu.memory_space<hbm>>
        %dma_wait3A_1775 = arith.constant 0 : i32
        %dma_wait3A_1776 = arith.constant 0 : i32
        %dma_wait3A_1777 = tpu.memref_slice %arg8[%dma_wait3A_1766, %dma_wait3A_1775, %dma_wait3A_1776] : memref<2x128x64xf32, #tpu.memory_space<vmem>> -> memref<1x128x64xf32, #tpu.memory_space<vmem>>
        %dma_wait3A_1778 = tpu.memref_squeeze %dma_wait3A_1777 : memref<1x128x64xf32, #tpu.memory_space<vmem>> -> memref<128x64xf32, #tpu.memory_space<vmem>>
        tpu.wait_dma2 semaphore(%arg12 : memref<!tpu.dma_semaphore, #tpu.memory_space<semaphore_mem>>) src(%dma_wait3A_1778 : memref<128x64xf32, #tpu.memory_space<vmem>>) dst(%dma_wait3A_1774 : memref<128x64xf32, #tpu.memory_space<hbm>>)
      } else {
      }
      %scan3A_1376 = arith.constant 0 : i32
      %scan3A_1377 = arith.constant 0 : i32
      %scan3A_1378 = arith.constant 32 : i32
      %scan3A_1379 = arith.addi %scan3A_1377, %scan3A_1378 : i32
      %scan3A_1380 = arith.constant 1 : i32
      scf.for %scan3A_1766 = %scan3A_1377 to %scan3A_1379 step %scan3A_1380  : i32 {
        %mul3A_1767 = arith.constant 4 : i32
        %mul3A_1768 = arith.muli %scan3A_1766, %mul3A_1767 : i32
        %add3A_1769 = arith.constant 0 : i32
        %add3A_1770 = arith.addi %mul3A_1768, %add3A_1769 : i32
        %add3A_1771 = arith.constant 128 : i32
        %add3A_1772 = arith.addi %add3A_1771, %add3A_1770 : i32
        %get3A = arith.constant 1 : i32
        %get3A_1773 = arith.constant 0 : i32
        %get3A_1774 = arith.constant 0 : i32
        %get3A_1775 = tpu.memref_slice %arg7[%get3A, %get3A_1773, %get3A_1774] : memref<2x256x128xf32, #tpu.memory_space<vmem>> -> memref<1x256x128xf32, #tpu.memory_space<vmem>>
        %get3A_1776 = tpu.memref_squeeze %get3A_1775 : memref<1x256x128xf32, #tpu.memory_space<vmem>> -> memref<256x128xf32, #tpu.memory_space<vmem>>
        %get3A_1777 = arith.index_cast %add3A_1772 : i32 to index
        %get3A_1778 = arith.constant 0 : index
        %get3A_1779 = tpu.vector_load %get3A_1776[%get3A_1777, %get3A_1778] {strides = array<i32>} : memref<256x128xf32, #tpu.memory_space<vmem>>, vector<16xf32>,
        %swap3A_1780 = arith.constant 1 : i32
        %swap3A_1781 = arith.index_cast %swap3A_1780 : i32 to index
        %swap3A_1782 = arith.index_cast %add3A_1770 : i32 to index
        %swap3A_1783 = arith.constant 0 : index
        %swap3A_1784 = tpu.vector_load %arg8[%swap3A_1781, %swap3A_1782, %swap3A_1783] {strides = array<i32>} : memref<2x128x64xf32, #tpu.memory_space<vmem>>, vector<16xf32>,
        tpu.vector_store %arg8[%swap3A_1781, %swap3A_1782, %swap3A_1783], %get3A_1779 {strides = array<i32>} : memref<2x128x64xf32, #tpu.memory_space<vmem>>, vector<16xf32>,
        %add3A_1785 = arith.constant 128 : i32
        %add3A_1786 = arith.addi %add3A_1785, %add3A_1770 : i32
        %get3A_1787 = arith.constant 1 : i32
        %get3A_1788 = arith.constant 0 : i32
        %get3A_1789 = arith.constant 0 : i32
        %get3A_1790 = tpu.memref_slice %arg7[%get3A_1787, %get3A_1788, %get3A_1789] : memref<2x256x128xf32, #tpu.memory_space<vmem>> -> memref<1x256x128xf32, #tpu.memory_space<vmem>>
        %get3A_1791 = tpu.memref_squeeze %get3A_1790 : memref<1x256x128xf32, #tpu.memory_space<vmem>> -> memref<256x128xf32, #tpu.memory_space<vmem>>
        %get3A_1792 = arith.index_cast %add3A_1786 : i32 to index
        %get3A_1793 = arith.constant 16 : index
        %get3A_1794 = tpu.vector_load %get3A_1791[%get3A_1792, %get3A_1793] {strides = array<i32>} : memref<256x128xf32, #tpu.memory_space<vmem>>, vector<16xf32>,
        %swap3A_1795 = arith.constant 1 : i32
        %swap3A_1796 = arith.index_cast %swap3A_1795 : i32 to index
        %swap3A_1797 = arith.index_cast %add3A_1770 : i32 to index
        %swap3A_1798 = arith.constant 16 : index
        %swap3A_1799 = tpu.vector_load %arg8[%swap3A_1796, %swap3A_1797, %swap3A_1798] {strides = array<i32>} : memref<2x128x64xf32, #tpu.memory_space<vmem>>, vector<16xf32>,
        tpu.vector_store %arg8[%swap3A_1796, %swap3A_1797, %swap3A_1798], %get3A_1794 {strides = array<i32>} : memref<2x128x64xf32, #tpu.memory_space<vmem>>, vector<16xf32>,
        %add3A_1800 = arith.constant 128 : i32
        %add3A_1801 = arith.addi %add3A_1800, %add3A_1770 : i32
        %get3A_1802 = arith.constant 1 : i32
        %get3A_1803 = arith.constant 0 : i32
        %get3A_1804 = arith.constant 0 : i32
        %get3A_1805 = tpu.memref_slice %arg7[%get3A_1802, %get3A_1803, %get3A_1804] : memref<2x256x128xf32, #tpu.memory_space<vmem>> -> memref<1x256x128xf32, #tpu.memory_space<vmem>>
        %get3A_1806 = tpu.memref_squeeze %get3A_1805 : memref<1x256x128xf32, #tpu.memory_space<vmem>> -> memref<256x128xf32, #tpu.memory_space<vmem>>
        %get3A_1807 = arith.index_cast %add3A_1801 : i32 to index
        %get3A_1808 = arith.constant 32 : index
        %get3A_1809 = tpu.vector_load %get3A_1806[%get3A_1807, %get3A_1808] {strides = array<i32>} : memref<256x128xf32, #tpu.memory_space<vmem>>, vector<16xf32>,
        %swap3A_1810 = arith.constant 1 : i32
        %swap3A_1811 = arith.index_cast %swap3A_1810 : i32 to index
        %swap3A_1812 = arith.index_cast %add3A_1770 : i32 to index
        %swap3A_1813 = arith.constant 32 : index
        %swap3A_1814 = tpu.vector_load %arg8[%swap3A_1811, %swap3A_1812, %swap3A_1813] {strides = array<i32>} : memref<2x128x64xf32, #tpu.memory_space<vmem>>, vector<16xf32>,
        tpu.vector_store %arg8[%swap3A_1811, %swap3A_1812, %swap3A_1813], %get3A_1809 {strides = array<i32>} : memref<2x128x64xf32, #tpu.memory_space<vmem>>, vector<16xf32>,
        %add3A_1815 = arith.constant 128 : i32
        %add3A_1816 = arith.addi %add3A_1815, %add3A_1770 : i32
        %get3A_1817 = arith.constant 1 : i32
        %get3A_1818 = arith.constant 0 : i32
        %get3A_1819 = arith.constant 0 : i32
        %get3A_1820 = tpu.memref_slice %arg7[%get3A_1817, %get3A_1818, %get3A_1819] : memref<2x256x128xf32, #tpu.memory_space<vmem>> -> memref<1x256x128xf32, #tpu.memory_space<vmem>>
        %get3A_1821 = tpu.memref_squeeze %get3A_1820 : memref<1x256x128xf32, #tpu.memory_space<vmem>> -> memref<256x128xf32, #tpu.memory_space<vmem>>
        %get3A_1822 = arith.index_cast %add3A_1816 : i32 to index
        %get3A_1823 = arith.constant 48 : index
        %get3A_1824 = tpu.vector_load %get3A_1821[%get3A_1822, %get3A_1823] {strides = array<i32>} : memref<256x128xf32, #tpu.memory_space<vmem>>, vector<16xf32>,
        %swap3A_1825 = arith.constant 1 : i32
        %swap3A_1826 = arith.index_cast %swap3A_1825 : i32 to index
        %swap3A_1827 = arith.index_cast %add3A_1770 : i32 to index
        %swap3A_1828 = arith.constant 48 : index
        %swap3A_1829 = tpu.vector_load %arg8[%swap3A_1826, %swap3A_1827, %swap3A_1828] {strides = array<i32>} : memref<2x128x64xf32, #tpu.memory_space<vmem>>, vector<16xf32>,
        tpu.vector_store %arg8[%swap3A_1826, %swap3A_1827, %swap3A_1828], %get3A_1824 {strides = array<i32>} : memref<2x128x64xf32, #tpu.memory_space<vmem>>, vector<16xf32>,
        %mul3A_1830 = arith.constant 4 : i32
        %mul3A_1831 = arith.muli %scan3A_1766, %mul3A_1830 : i32
        %add3A_1832 = arith.constant 1 : i32
        %add3A_1833 = arith.addi %mul3A_1831, %add3A_1832 : i32
        %add3A_1834 = arith.constant 128 : i32
        %add3A_1835 = arith.addi %add3A_1834, %add3A_1833 : i32
        %get3A_1836 = arith.constant 1 : i32
        %get3A_1837 = arith.constant 0 : i32
        %get3A_1838 = arith.constant 0 : i32
        %get3A_1839 = tpu.memref_slice %arg7[%get3A_1836, %get3A_1837, %get3A_1838] : memref<2x256x128xf32, #tpu.memory_space<vmem>> -> memref<1x256x128xf32, #tpu.memory_space<vmem>>
        %get3A_1840 = tpu.memref_squeeze %get3A_1839 : memref<1x256x128xf32, #tpu.memory_space<vmem>> -> memref<256x128xf32, #tpu.memory_space<vmem>>
        %get3A_1841 = arith.index_cast %add3A_1835 : i32 to index
        %get3A_1842 = arith.constant 0 : index
        %get3A_1843 = tpu.vector_load %get3A_1840[%get3A_1841, %get3A_1842] {strides = array<i32>} : memref<256x128xf32, #tpu.memory_space<vmem>>, vector<16xf32>,
        %swap3A_1844 = arith.constant 1 : i32
        %swap3A_1845 = arith.index_cast %swap3A_1844 : i32 to index
        %swap3A_1846 = arith.index_cast %add3A_1833 : i32 to index
        %swap3A_1847 = arith.constant 0 : index
        %swap3A_1848 = tpu.vector_load %arg8[%swap3A_1845, %swap3A_1846, %swap3A_1847] {strides = array<i32>} : memref<2x128x64xf32, #tpu.memory_space<vmem>>, vector<16xf32>,
        tpu.vector_store %arg8[%swap3A_1845, %swap3A_1846, %swap3A_1847], %get3A_1843 {strides = array<i32>} : memref<2x128x64xf32, #tpu.memory_space<vmem>>, vector<16xf32>,
        %add3A_1849 = arith.constant 128 : i32
        %add3A_1850 = arith.addi %add3A_1849, %add3A_1833 : i32
        %get3A_1851 = arith.constant 1 : i32
        %get3A_1852 = arith.constant 0 : i32
        %get3A_1853 = arith.constant 0 : i32
        %get3A_1854 = tpu.memref_slice %arg7[%get3A_1851, %get3A_1852, %get3A_1853] : memref<2x256x128xf32, #tpu.memory_space<vmem>> -> memref<1x256x128xf32, #tpu.memory_space<vmem>>
        %get3A_1855 = tpu.memref_squeeze %get3A_1854 : memref<1x256x128xf32, #tpu.memory_space<vmem>> -> memref<256x128xf32, #tpu.memory_space<vmem>>
        %get3A_1856 = arith.index_cast %add3A_1850 : i32 to index
        %get3A_1857 = arith.constant 16 : index
        %get3A_1858 = tpu.vector_load %get3A_1855[%get3A_1856, %get3A_1857] {strides = array<i32>} : memref<256x128xf32, #tpu.memory_space<vmem>>, vector<16xf32>,
        %swap3A_1859 = arith.constant 1 : i32
        %swap3A_1860 = arith.index_cast %swap3A_1859 : i32 to index
        %swap3A_1861 = arith.index_cast %add3A_1833 : i32 to index
        %swap3A_1862 = arith.constant 16 : index
        %swap3A_1863 = tpu.vector_load %arg8[%swap3A_1860, %swap3A_1861, %swap3A_1862] {strides = array<i32>} : memref<2x128x64xf32, #tpu.memory_space<vmem>>, vector<16xf32>,
        tpu.vector_store %arg8[%swap3A_1860, %swap3A_1861, %swap3A_1862], %get3A_1858 {strides = array<i32>} : memref<2x128x64xf32, #tpu.memory_space<vmem>>, vector<16xf32>,
        %add3A_1864 = arith.constant 128 : i32
        %add3A_1865 = arith.addi %add3A_1864, %add3A_1833 : i32
        %get3A_1866 = arith.constant 1 : i32
        %get3A_1867 = arith.constant 0 : i32
        %get3A_1868 = arith.constant 0 : i32
        %get3A_1869 = tpu.memref_slice %arg7[%get3A_1866, %get3A_1867, %get3A_1868] : memref<2x256x128xf32, #tpu.memory_space<vmem>> -> memref<1x256x128xf32, #tpu.memory_space<vmem>>
        %get3A_1870 = tpu.memref_squeeze %get3A_1869 : memref<1x256x128xf32, #tpu.memory_space<vmem>> -> memref<256x128xf32, #tpu.memory_space<vmem>>
        %get3A_1871 = arith.index_cast %add3A_1865 : i32 to index
        %get3A_1872 = arith.constant 32 : index
        %get3A_1873 = tpu.vector_load %get3A_1870[%get3A_1871, %get3A_1872] {strides = array<i32>} : memref<256x128xf32, #tpu.memory_space<vmem>>, vector<16xf32>,
        %swap3A_1874 = arith.constant 1 : i32
        %swap3A_1875 = arith.index_cast %swap3A_1874 : i32 to index
        %swap3A_1876 = arith.index_cast %add3A_1833 : i32 to index
        %swap3A_1877 = arith.constant 32 : index
        %swap3A_1878 = tpu.vector_load %arg8[%swap3A_1875, %swap3A_1876, %swap3A_1877] {strides = array<i32>} : memref<2x128x64xf32, #tpu.memory_space<vmem>>, vector<16xf32>,
        tpu.vector_store %arg8[%swap3A_1875, %swap3A_1876, %swap3A_1877], %get3A_1873 {strides = array<i32>} : memref<2x128x64xf32, #tpu.memory_space<vmem>>, vector<16xf32>,
        %add3A_1879 = arith.constant 128 : i32
        %add3A_1880 = arith.addi %add3A_1879, %add3A_1833 : i32
        %get3A_1881 = arith.constant 1 : i32
        %get3A_1882 = arith.constant 0 : i32
        %get3A_1883 = arith.constant 0 : i32
        %get3A_1884 = tpu.memref_slice %arg7[%get3A_1881, %get3A_1882, %get3A_1883] : memref<2x256x128xf32, #tpu.memory_space<vmem>> -> memref<1x256x128xf32, #tpu.memory_space<vmem>>
        %get3A_1885 = tpu.memref_squeeze %get3A_1884 : memref<1x256x128xf32, #tpu.memory_space<vmem>> -> memref<256x128xf32, #tpu.memory_space<vmem>>
        %get3A_1886 = arith.index_cast %add3A_1880 : i32 to index
        %get3A_1887 = arith.constant 48 : index
        %get3A_1888 = tpu.vector_load %get3A_1885[%get3A_1886, %get3A_1887] {strides = array<i32>} : memref<256x128xf32, #tpu.memory_space<vmem>>, vector<16xf32>,
        %swap3A_1889 = arith.constant 1 : i32
        %swap3A_1890 = arith.index_cast %swap3A_1889 : i32 to index
        %swap3A_1891 = arith.index_cast %add3A_1833 : i32 to index
        %swap3A_1892 = arith.constant 48 : index
        %swap3A_1893 = tpu.vector_load %arg8[%swap3A_1890, %swap3A_1891, %swap3A_1892] {strides = array<i32>} : memref<2x128x64xf32, #tpu.memory_space<vmem>>, vector<16xf32>,
        tpu.vector_store %arg8[%swap3A_1890, %swap3A_1891, %swap3A_1892], %get3A_1888 {strides = array<i32>} : memref<2x128x64xf32, #tpu.memory_space<vmem>>, vector<16xf32>,
        %mul3A_1894 = arith.constant 4 : i32
        %mul3A_1895 = arith.muli %scan3A_1766, %mul3A_1894 : i32
        %add3A_1896 = arith.constant 2 : i32
        %add3A_1897 = arith.addi %mul3A_1895, %add3A_1896 : i32
        %add3A_1898 = arith.constant 128 : i32
        %add3A_1899 = arith.addi %add3A_1898, %add3A_1897 : i32
        %get3A_1900 = arith.constant 1 : i32
        %get3A_1901 = arith.constant 0 : i32
        %get3A_1902 = arith.constant 0 : i32
        %get3A_1903 = tpu.memref_slice %arg7[%get3A_1900, %get3A_1901, %get3A_1902] : memref<2x256x128xf32, #tpu.memory_space<vmem>> -> memref<1x256x128xf32, #tpu.memory_space<vmem>>
        %get3A_1904 = tpu.memref_squeeze %get3A_1903 : memref<1x256x128xf32, #tpu.memory_space<vmem>> -> memref<256x128xf32, #tpu.memory_space<vmem>>
        %get3A_1905 = arith.index_cast %add3A_1899 : i32 to index
        %get3A_1906 = arith.constant 0 : index
        %get3A_1907 = tpu.vector_load %get3A_1904[%get3A_1905, %get3A_1906] {strides = array<i32>} : memref<256x128xf32, #tpu.memory_space<vmem>>, vector<16xf32>,
        %swap3A_1908 = arith.constant 1 : i32
        %swap3A_1909 = arith.index_cast %swap3A_1908 : i32 to index
        %swap3A_1910 = arith.index_cast %add3A_1897 : i32 to index
        %swap3A_1911 = arith.constant 0 : index
        %swap3A_1912 = tpu.vector_load %arg8[%swap3A_1909, %swap3A_1910, %swap3A_1911] {strides = array<i32>} : memref<2x128x64xf32, #tpu.memory_space<vmem>>, vector<16xf32>,
        tpu.vector_store %arg8[%swap3A_1909, %swap3A_1910, %swap3A_1911], %get3A_1907 {strides = array<i32>} : memref<2x128x64xf32, #tpu.memory_space<vmem>>, vector<16xf32>,
        %add3A_1913 = arith.constant 128 : i32
        %add3A_1914 = arith.addi %add3A_1913, %add3A_1897 : i32
        %get3A_1915 = arith.constant 1 : i32
        %get3A_1916 = arith.constant 0 : i32
        %get3A_1917 = arith.constant 0 : i32
        %get3A_1918 = tpu.memref_slice %arg7[%get3A_1915, %get3A_1916, %get3A_1917] : memref<2x256x128xf32, #tpu.memory_space<vmem>> -> memref<1x256x128xf32, #tpu.memory_space<vmem>>
        %get3A_1919 = tpu.memref_squeeze %get3A_1918 : memref<1x256x128xf32, #tpu.memory_space<vmem>> -> memref<256x128xf32, #tpu.memory_space<vmem>>
        %get3A_1920 = arith.index_cast %add3A_1914 : i32 to index
        %get3A_1921 = arith.constant 16 : index
        %get3A_1922 = tpu.vector_load %get3A_1919[%get3A_1920, %get3A_1921] {strides = array<i32>} : memref<256x128xf32, #tpu.memory_space<vmem>>, vector<16xf32>,
        %swap3A_1923 = arith.constant 1 : i32
        %swap3A_1924 = arith.index_cast %swap3A_1923 : i32 to index
        %swap3A_1925 = arith.index_cast %add3A_1897 : i32 to index
        %swap3A_1926 = arith.constant 16 : index
        %swap3A_1927 = tpu.vector_load %arg8[%swap3A_1924, %swap3A_1925, %swap3A_1926] {strides = array<i32>} : memref<2x128x64xf32, #tpu.memory_space<vmem>>, vector<16xf32>,
        tpu.vector_store %arg8[%swap3A_1924, %swap3A_1925, %swap3A_1926], %get3A_1922 {strides = array<i32>} : memref<2x128x64xf32, #tpu.memory_space<vmem>>, vector<16xf32>,
        %add3A_1928 = arith.constant 128 : i32
        %add3A_1929 = arith.addi %add3A_1928, %add3A_1897 : i32
        %get3A_1930 = arith.constant 1 : i32
        %get3A_1931 = arith.constant 0 : i32
        %get3A_1932 = arith.constant 0 : i32
        %get3A_1933 = tpu.memref_slice %arg7[%get3A_1930, %get3A_1931, %get3A_1932] : memref<2x256x128xf32, #tpu.memory_space<vmem>> -> memref<1x256x128xf32, #tpu.memory_space<vmem>>
        %get3A_1934 = tpu.memref_squeeze %get3A_1933 : memref<1x256x128xf32, #tpu.memory_space<vmem>> -> memref<256x128xf32, #tpu.memory_space<vmem>>
        %get3A_1935 = arith.index_cast %add3A_1929 : i32 to index
        %get3A_1936 = arith.constant 32 : index
        %get3A_1937 = tpu.vector_load %get3A_1934[%get3A_1935, %get3A_1936] {strides = array<i32>} : memref<256x128xf32, #tpu.memory_space<vmem>>, vector<16xf32>,
        %swap3A_1938 = arith.constant 1 : i32
        %swap3A_1939 = arith.index_cast %swap3A_1938 : i32 to index
        %swap3A_1940 = arith.index_cast %add3A_1897 : i32 to index
        %swap3A_1941 = arith.constant 32 : index
        %swap3A_1942 = tpu.vector_load %arg8[%swap3A_1939, %swap3A_1940, %swap3A_1941] {strides = array<i32>} : memref<2x128x64xf32, #tpu.memory_space<vmem>>, vector<16xf32>,
        tpu.vector_store %arg8[%swap3A_1939, %swap3A_1940, %swap3A_1941], %get3A_1937 {strides = array<i32>} : memref<2x128x64xf32, #tpu.memory_space<vmem>>, vector<16xf32>,
        %add3A_1943 = arith.constant 128 : i32
        %add3A_1944 = arith.addi %add3A_1943, %add3A_1897 : i32
        %get3A_1945 = arith.constant 1 : i32
        %get3A_1946 = arith.constant 0 : i32
        %get3A_1947 = arith.constant 0 : i32
        %get3A_1948 = tpu.memref_slice %arg7[%get3A_1945, %get3A_1946, %get3A_1947] : memref<2x256x128xf32, #tpu.memory_space<vmem>> -> memref<1x256x128xf32, #tpu.memory_space<vmem>>
        %get3A_1949 = tpu.memref_squeeze %get3A_1948 : memref<1x256x128xf32, #tpu.memory_space<vmem>> -> memref<256x128xf32, #tpu.memory_space<vmem>>
        %get3A_1950 = arith.index_cast %add3A_1944 : i32 to index
        %get3A_1951 = arith.constant 48 : index
        %get3A_1952 = tpu.vector_load %get3A_1949[%get3A_1950, %get3A_1951] {strides = array<i32>} : memref<256x128xf32, #tpu.memory_space<vmem>>, vector<16xf32>,
        %swap3A_1953 = arith.constant 1 : i32
        %swap3A_1954 = arith.index_cast %swap3A_1953 : i32 to index
        %swap3A_1955 = arith.index_cast %add3A_1897 : i32 to index
        %swap3A_1956 = arith.constant 48 : index
        %swap3A_1957 = tpu.vector_load %arg8[%swap3A_1954, %swap3A_1955, %swap3A_1956] {strides = array<i32>} : memref<2x128x64xf32, #tpu.memory_space<vmem>>, vector<16xf32>,
        tpu.vector_store %arg8[%swap3A_1954, %swap3A_1955, %swap3A_1956], %get3A_1952 {strides = array<i32>} : memref<2x128x64xf32, #tpu.memory_space<vmem>>, vector<16xf32>,
        %mul3A_1958 = arith.constant 4 : i32
        %mul3A_1959 = arith.muli %scan3A_1766, %mul3A_1958 : i32
        %add3A_1960 = arith.constant 3 : i32
        %add3A_1961 = arith.addi %mul3A_1959, %add3A_1960 : i32
        %add3A_1962 = arith.constant 128 : i32
        %add3A_1963 = arith.addi %add3A_1962, %add3A_1961 : i32
        %get3A_1964 = arith.constant 1 : i32
        %get3A_1965 = arith.constant 0 : i32
        %get3A_1966 = arith.constant 0 : i32
        %get3A_1967 = tpu.memref_slice %arg7[%get3A_1964, %get3A_1965, %get3A_1966] : memref<2x256x128xf32, #tpu.memory_space<vmem>> -> memref<1x256x128xf32, #tpu.memory_space<vmem>>
        %get3A_1968 = tpu.memref_squeeze %get3A_1967 : memref<1x256x128xf32, #tpu.memory_space<vmem>> -> memref<256x128xf32, #tpu.memory_space<vmem>>
        %get3A_1969 = arith.index_cast %add3A_1963 : i32 to index
        %get3A_1970 = arith.constant 0 : index
        %get3A_1971 = tpu.vector_load %get3A_1968[%get3A_1969, %get3A_1970] {strides = array<i32>} : memref<256x128xf32, #tpu.memory_space<vmem>>, vector<16xf32>,
        %swap3A_1972 = arith.constant 1 : i32
        %swap3A_1973 = arith.index_cast %swap3A_1972 : i32 to index
        %swap3A_1974 = arith.index_cast %add3A_1961 : i32 to index
        %swap3A_1975 = arith.constant 0 : index
        %swap3A_1976 = tpu.vector_load %arg8[%swap3A_1973, %swap3A_1974, %swap3A_1975] {strides = array<i32>} : memref<2x128x64xf32, #tpu.memory_space<vmem>>, vector<16xf32>,
        tpu.vector_store %arg8[%swap3A_1973, %swap3A_1974, %swap3A_1975], %get3A_1971 {strides = array<i32>} : memref<2x128x64xf32, #tpu.memory_space<vmem>>, vector<16xf32>,
        %add3A_1977 = arith.constant 128 : i32
        %add3A_1978 = arith.addi %add3A_1977, %add3A_1961 : i32
        %get3A_1979 = arith.constant 1 : i32
        %get3A_1980 = arith.constant 0 : i32
        %get3A_1981 = arith.constant 0 : i32
        %get3A_1982 = tpu.memref_slice %arg7[%get3A_1979, %get3A_1980, %get3A_1981] : memref<2x256x128xf32, #tpu.memory_space<vmem>> -> memref<1x256x128xf32, #tpu.memory_space<vmem>>
        %get3A_1983 = tpu.memref_squeeze %get3A_1982 : memref<1x256x128xf32, #tpu.memory_space<vmem>> -> memref<256x128xf32, #tpu.memory_space<vmem>>
        %get3A_1984 = arith.index_cast %add3A_1978 : i32 to index
        %get3A_1985 = arith.constant 16 : index
        %get3A_1986 = tpu.vector_load %get3A_1983[%get3A_1984, %get3A_1985] {strides = array<i32>} : memref<256x128xf32, #tpu.memory_space<vmem>>, vector<16xf32>,
        %swap3A_1987 = arith.constant 1 : i32
        %swap3A_1988 = arith.index_cast %swap3A_1987 : i32 to index
        %swap3A_1989 = arith.index_cast %add3A_1961 : i32 to index
        %swap3A_1990 = arith.constant 16 : index
        %swap3A_1991 = tpu.vector_load %arg8[%swap3A_1988, %swap3A_1989, %swap3A_1990] {strides = array<i32>} : memref<2x128x64xf32, #tpu.memory_space<vmem>>, vector<16xf32>,
        tpu.vector_store %arg8[%swap3A_1988, %swap3A_1989, %swap3A_1990], %get3A_1986 {strides = array<i32>} : memref<2x128x64xf32, #tpu.memory_space<vmem>>, vector<16xf32>,
        %add3A_1992 = arith.constant 128 : i32
        %add3A_1993 = arith.addi %add3A_1992, %add3A_1961 : i32
        %get3A_1994 = arith.constant 1 : i32
        %get3A_1995 = arith.constant 0 : i32
        %get3A_1996 = arith.constant 0 : i32
        %get3A_1997 = tpu.memref_slice %arg7[%get3A_1994, %get3A_1995, %get3A_1996] : memref<2x256x128xf32, #tpu.memory_space<vmem>> -> memref<1x256x128xf32, #tpu.memory_space<vmem>>
        %get3A_1998 = tpu.memref_squeeze %get3A_1997 : memref<1x256x128xf32, #tpu.memory_space<vmem>> -> memref<256x128xf32, #tpu.memory_space<vmem>>
        %get3A_1999 = arith.index_cast %add3A_1993 : i32 to index
        %get3A_2000 = arith.constant 32 : index
        %get3A_2001 = tpu.vector_load %get3A_1998[%get3A_1999, %get3A_2000] {strides = array<i32>} : memref<256x128xf32, #tpu.memory_space<vmem>>, vector<16xf32>,
        %swap3A_2002 = arith.constant 1 : i32
        %swap3A_2003 = arith.index_cast %swap3A_2002 : i32 to index
        %swap3A_2004 = arith.index_cast %add3A_1961 : i32 to index
        %swap3A_2005 = arith.constant 32 : index
        %swap3A_2006 = tpu.vector_load %arg8[%swap3A_2003, %swap3A_2004, %swap3A_2005] {strides = array<i32>} : memref<2x128x64xf32, #tpu.memory_space<vmem>>, vector<16xf32>,
        tpu.vector_store %arg8[%swap3A_2003, %swap3A_2004, %swap3A_2005], %get3A_2001 {strides = array<i32>} : memref<2x128x64xf32, #tpu.memory_space<vmem>>, vector<16xf32>,
        %add3A_2007 = arith.constant 128 : i32
        %add3A_2008 = arith.addi %add3A_2007, %add3A_1961 : i32
        %get3A_2009 = arith.constant 1 : i32
        %get3A_2010 = arith.constant 0 : i32
        %get3A_2011 = arith.constant 0 : i32
        %get3A_2012 = tpu.memref_slice %arg7[%get3A_2009, %get3A_2010, %get3A_2011] : memref<2x256x128xf32, #tpu.memory_space<vmem>> -> memref<1x256x128xf32, #tpu.memory_space<vmem>>
        %get3A_2013 = tpu.memref_squeeze %get3A_2012 : memref<1x256x128xf32, #tpu.memory_space<vmem>> -> memref<256x128xf32, #tpu.memory_space<vmem>>
        %get3A_2014 = arith.index_cast %add3A_2008 : i32 to index
        %get3A_2015 = arith.constant 48 : index
        %get3A_2016 = tpu.vector_load %get3A_2013[%get3A_2014, %get3A_2015] {strides = array<i32>} : memref<256x128xf32, #tpu.memory_space<vmem>>, vector<16xf32>,
        %swap3A_2017 = arith.constant 1 : i32
        %swap3A_2018 = arith.index_cast %swap3A_2017 : i32 to index
        %swap3A_2019 = arith.index_cast %add3A_1961 : i32 to index
        %swap3A_2020 = arith.constant 48 : index
        %swap3A_2021 = tpu.vector_load %arg8[%swap3A_2018, %swap3A_2019, %swap3A_2020] {strides = array<i32>} : memref<2x128x64xf32, #tpu.memory_space<vmem>>, vector<16xf32>,
        tpu.vector_store %arg8[%swap3A_2018, %swap3A_2019, %swap3A_2020], %get3A_2016 {strides = array<i32>} : memref<2x128x64xf32, #tpu.memory_space<vmem>>, vector<16xf32>,
      }
      %scan3A_1381 = arith.constant 32 : i32
      %mul3A_1382 = arith.constant 256 : i32
      %mul3A_1383 = arith.muli %add3A_1307, %mul3A_1382 : i32
      %add3A_1384 = arith.addi %mul3A_2, %mul3A_1383 : i32
      %add3A_1385 = arith.constant 128 : i32
      %add3A_1386 = arith.addi %add3A_1384, %add3A_1385 : i32
      %dma_start3A_1387 = arith.constant 1 : i32
      %dma_start3A_1388 = arith.constant 0 : i32
      %dma_start3A_1389 = arith.constant 0 : i32
      %dma_start3A_1390 = tpu.memref_slice %arg8[%dma_start3A_1387, %dma_start3A_1388, %dma_start3A_1389] : memref<2x128x64xf32, #tpu.memory_space<vmem>> -> memref<1x128x64xf32, #tpu.memory_space<vmem>>
      %dma_start3A_1391 = tpu.memref_squeeze %dma_start3A_1390 : memref<1x128x64xf32, #tpu.memory_space<vmem>> -> memref<128x64xf32, #tpu.memory_space<vmem>>
      %dma_start3A_1392 = arith.constant 0 : i32
      %dma_start3A_1393 = tpu.memref_slice %arg4[%add3A_1386, %dma_start3A_1392] : memref<819200x64xf32, #tpu.memory_space<hbm>> -> memref<128x64xf32, #tpu.memory_space<hbm>>
      %dma_start3A_1394 = arith.constant 0 : i32
      %dma_start3A_1395 = tpu.memref_slice %arg4[%add3A_1386, %dma_start3A_1394] : memref<819200x64xf32, #tpu.memory_space<hbm>> -> memref<128x64xf32, #tpu.memory_space<hbm>>
      %dma_start3A_1396 = arith.constant 0 : i32
      %dma_start3A_1397 = arith.constant 0 : i32
      %dma_start3A_1398 = tpu.memref_slice %arg8[%dma_start3A_1387, %dma_start3A_1396, %dma_start3A_1397] : memref<2x128x64xf32, #tpu.memory_space<vmem>> -> memref<1x128x64xf32, #tpu.memory_space<vmem>>
      %dma_start3A_1399 = tpu.memref_squeeze %dma_start3A_1398 : memref<1x128x64xf32, #tpu.memory_space<vmem>> -> memref<128x64xf32, #tpu.memory_space<vmem>>
      tpu.enqueue_dma source(%dma_start3A_1399 : memref<128x64xf32, #tpu.memory_space<vmem>>) target(%dma_start3A_1395 : memref<128x64xf32, #tpu.memory_space<hbm>>) target_semaphore(%arg12 : memref<!tpu.dma_semaphore, #tpu.memory_space<semaphore_mem>>)
      %add3A_1400 = arith.constant 2 : i32
      %add3A_1401 = arith.addi %add3A_1307, %add3A_1400 : i32
      %eq3A_1402 = arith.constant 50 : i32
      %eq3A_1403 = arith.cmpi eq, %add3A_1401, %eq3A_1402 : i32
      %convert_element_type3A_1404 = arith.extui %eq3A_1403 : i1 to i32
      %cond3A_1405 = arith.constant 0 : i32
      %cond3A_1406 = arith.cmpi ne, %convert_element_type3A_1404, %cond3A_1405 : i32
      scf.if %cond3A_1406 {
        %mul3A_1766 = arith.constant 128 : i32
        %mul3A_1767 = arith.muli %add3A, %mul3A_1766 : i32
        %add3A_1768 = arith.constant 64 : i32
        %add3A_1769 = arith.addi %mul3A_1767, %add3A_1768 : i32
        "tpu.region"() ({
          %run_scoped3A = tpu.sem_alloc : memref<!tpu.dma_semaphore, #tpu.memory_space<semaphore_mem>>
          %dma_start3A_1770 = arith.constant 0 : i32
          %dma_start3A_1771 = tpu.memref_slice %arg2[%add3A_1769, %dma_start3A_1770] : memref<4096x200xi32, #tpu.memory_space<hbm>> -> memref<64x200xi32, #tpu.memory_space<hbm>>
          %dma_start3A_1772 = arith.constant 0 : i32
          %dma_start3A_1773 = tpu.memref_slice %arg2[%add3A_1769, %dma_start3A_1772] : memref<4096x200xi32, #tpu.memory_space<hbm>> -> memref<64x200xi32, #tpu.memory_space<hbm>>
          tpu.enqueue_dma source(%dma_start3A_1773 : memref<64x200xi32, #tpu.memory_space<hbm>>) target(%arg5 : memref<64x200xi32, #tpu.memory_space<vmem>>) target_semaphore(%run_scoped3A : memref<!tpu.dma_semaphore, #tpu.memory_space<semaphore_mem>>)
          %dma_wait3A_1774 = arith.constant 0 : i32
          %dma_wait3A_1775 = tpu.memref_slice %arg2[%add3A_1769, %dma_wait3A_1774] : memref<4096x200xi32, #tpu.memory_space<hbm>> -> memref<64x200xi32, #tpu.memory_space<hbm>>
          %dma_wait3A_1776 = arith.constant 0 : i32
          %dma_wait3A_1777 = tpu.memref_slice %arg2[%add3A_1769, %dma_wait3A_1776] : memref<4096x200xi32, #tpu.memory_space<hbm>> -> memref<64x200xi32, #tpu.memory_space<hbm>>
          tpu.wait_dma2 semaphore(%run_scoped3A : memref<!tpu.dma_semaphore, #tpu.memory_space<semaphore_mem>>) src(%dma_wait3A_1777 : memref<64x200xi32, #tpu.memory_space<hbm>>) dst(%arg5 : memref<64x200xi32, #tpu.memory_space<vmem>>)
          tpu.yield
        }) : () -> ()
      } else {
      }
      %ge3A_1407 = arith.constant 50 : i32
      %ge3A_1408 = arith.cmpi sge, %add3A_1401, %ge3A_1407 : i32
      %jit3A_1409 = arith.constant 64 : i32
      %jit3A_1410 = arith.constant 0 : i32
      %select_n3A_1411 = arith.select %ge3A_1408, %jit3A_1409, %jit3A_1410 : i32
      %mul3A_1412 = arith.constant 256 : i32
      %mul3A_1413 = arith.muli %add3A_1401, %mul3A_1412 : i32
      %add3A_1414 = arith.constant 0 : i32
      %add3A_1415 = arith.addi %mul3A_1413, %add3A_1414 : i32
      %iota3A_1416 = tpu.iota {dimensions = array<i32: 0>} : vector<16xi32>
      %add3A_1417 = vector.broadcast %add3A_1415 : i32 to vector<16xi32>
      %add3A_1418 = arith.addi %add3A_1417, %iota3A_1416 : vector<16xi32>
      %div3A_1419 = arith.constant 200 : i32
      %div3A_1420 = vector.broadcast %div3A_1419 : i32 to vector<16xi32>
      %div3A_1421 = arith.divsi %add3A_1418, %div3A_1420 : vector<16xi32>
      %sub3A_1422 = vector.broadcast %select_n3A_1411 : i32 to vector<16xi32>
      %sub3A_1423 = arith.subi %div3A_1421, %sub3A_1422 : vector<16xi32>
      %rem3A_1424 = arith.constant 200 : i32
      %rem3A_1425 = vector.broadcast %rem3A_1424 : i32 to vector<16xi32>
      %rem3A_1426 = arith.remsi %add3A_1418, %rem3A_1425 : vector<16xi32>
      %gather3A_1427 = tpu.vector_load_idx %arg5[%sub3A_1423, %rem3A_1426] : memref<64x200xi32, #tpu.memory_space<vmem>>[vector<16xi32>, vector<16xi32>], vector<16xi32>,
      %swap3A_1428 = arith.constant 1 : i32
      %swap3A_1429 = arith.index_cast %swap3A_1428 : i32 to index
      %swap3A_1430 = arith.constant 0 : index
      %swap3A_1431 = tpu.vector_load %arg6[%swap3A_1429, %swap3A_1430] {strides = array<i32>} : memref<2x256xi32, #tpu.memory_space<vmem>>, vector<16xi32>,
      tpu.vector_store %arg6[%swap3A_1429, %swap3A_1430], %gather3A_1427 {strides = array<i32>} : memref<2x256xi32, #tpu.memory_space<vmem>>, vector<16xi32>,
      %mul3A_1432 = arith.constant 256 : i32
      %mul3A_1433 = arith.muli %add3A_1401, %mul3A_1432 : i32
      %add3A_1434 = arith.constant 16 : i32
      %add3A_1435 = arith.addi %mul3A_1433, %add3A_1434 : i32
      %iota3A_1436 = tpu.iota {dimensions = array<i32: 0>} : vector<16xi32>
      %add3A_1437 = vector.broadcast %add3A_1435 : i32 to vector<16xi32>
      %add3A_1438 = arith.addi %add3A_1437, %iota3A_1436 : vector<16xi32>
      %div3A_1439 = arith.constant 200 : i32
      %div3A_1440 = vector.broadcast %div3A_1439 : i32 to vector<16xi32>
      %div3A_1441 = arith.divsi %add3A_1438, %div3A_1440 : vector<16xi32>
      %sub3A_1442 = vector.broadcast %select_n3A_1411 : i32 to vector<16xi32>
      %sub3A_1443 = arith.subi %div3A_1441, %sub3A_1442 : vector<16xi32>
      %rem3A_1444 = arith.constant 200 : i32
      %rem3A_1445 = vector.broadcast %rem3A_1444 : i32 to vector<16xi32>
      %rem3A_1446 = arith.remsi %add3A_1438, %rem3A_1445 : vector<16xi32>
      %gather3A_1447 = tpu.vector_load_idx %arg5[%sub3A_1443, %rem3A_1446] : memref<64x200xi32, #tpu.memory_space<vmem>>[vector<16xi32>, vector<16xi32>], vector<16xi32>,
      %swap3A_1448 = arith.constant 1 : i32
      %swap3A_1449 = arith.index_cast %swap3A_1448 : i32 to index
      %swap3A_1450 = arith.constant 16 : index
      %swap3A_1451 = tpu.vector_load %arg6[%swap3A_1449, %swap3A_1450] {strides = array<i32>} : memref<2x256xi32, #tpu.memory_space<vmem>>, vector<16xi32>,
      tpu.vector_store %arg6[%swap3A_1449, %swap3A_1450], %gather3A_1447 {strides = array<i32>} : memref<2x256xi32, #tpu.memory_space<vmem>>, vector<16xi32>,
      %mul3A_1452 = arith.constant 256 : i32
      %mul3A_1453 = arith.muli %add3A_1401, %mul3A_1452 : i32
      %add3A_1454 = arith.constant 32 : i32
      %add3A_1455 = arith.addi %mul3A_1453, %add3A_1454 : i32
      %iota3A_1456 = tpu.iota {dimensions = array<i32: 0>} : vector<16xi32>
      %add3A_1457 = vector.broadcast %add3A_1455 : i32 to vector<16xi32>
      %add3A_1458 = arith.addi %add3A_1457, %iota3A_1456 : vector<16xi32>
      %div3A_1459 = arith.constant 200 : i32
      %div3A_1460 = vector.broadcast %div3A_1459 : i32 to vector<16xi32>
      %div3A_1461 = arith.divsi %add3A_1458, %div3A_1460 : vector<16xi32>
      %sub3A_1462 = vector.broadcast %select_n3A_1411 : i32 to vector<16xi32>
      %sub3A_1463 = arith.subi %div3A_1461, %sub3A_1462 : vector<16xi32>
      %rem3A_1464 = arith.constant 200 : i32
      %rem3A_1465 = vector.broadcast %rem3A_1464 : i32 to vector<16xi32>
      %rem3A_1466 = arith.remsi %add3A_1458, %rem3A_1465 : vector<16xi32>
      %gather3A_1467 = tpu.vector_load_idx %arg5[%sub3A_1463, %rem3A_1466] : memref<64x200xi32, #tpu.memory_space<vmem>>[vector<16xi32>, vector<16xi32>], vector<16xi32>,
      %swap3A_1468 = arith.constant 1 : i32
      %swap3A_1469 = arith.index_cast %swap3A_1468 : i32 to index
      %swap3A_1470 = arith.constant 32 : index
      %swap3A_1471 = tpu.vector_load %arg6[%swap3A_1469, %swap3A_1470] {strides = array<i32>} : memref<2x256xi32, #tpu.memory_space<vmem>>, vector<16xi32>,
      tpu.vector_store %arg6[%swap3A_1469, %swap3A_1470], %gather3A_1467 {strides = array<i32>} : memref<2x256xi32, #tpu.memory_space<vmem>>, vector<16xi32>,
      %mul3A_1472 = arith.constant 256 : i32
      %mul3A_1473 = arith.muli %add3A_1401, %mul3A_1472 : i32
      %add3A_1474 = arith.constant 48 : i32
      %add3A_1475 = arith.addi %mul3A_1473, %add3A_1474 : i32
      %iota3A_1476 = tpu.iota {dimensions = array<i32: 0>} : vector<16xi32>
      %add3A_1477 = vector.broadcast %add3A_1475 : i32 to vector<16xi32>
      %add3A_1478 = arith.addi %add3A_1477, %iota3A_1476 : vector<16xi32>
      %div3A_1479 = arith.constant 200 : i32
      %div3A_1480 = vector.broadcast %div3A_1479 : i32 to vector<16xi32>
      %div3A_1481 = arith.divsi %add3A_1478, %div3A_1480 : vector<16xi32>
      %sub3A_1482 = vector.broadcast %select_n3A_1411 : i32 to vector<16xi32>
      %sub3A_1483 = arith.subi %div3A_1481, %sub3A_1482 : vector<16xi32>
      %rem3A_1484 = arith.constant 200 : i32
      %rem3A_1485 = vector.broadcast %rem3A_1484 : i32 to vector<16xi32>
      %rem3A_1486 = arith.remsi %add3A_1478, %rem3A_1485 : vector<16xi32>
      %gather3A_1487 = tpu.vector_load_idx %arg5[%sub3A_1483, %rem3A_1486] : memref<64x200xi32, #tpu.memory_space<vmem>>[vector<16xi32>, vector<16xi32>], vector<16xi32>,
      %swap3A_1488 = arith.constant 1 : i32
      %swap3A_1489 = arith.index_cast %swap3A_1488 : i32 to index
      %swap3A_1490 = arith.constant 48 : index
      %swap3A_1491 = tpu.vector_load %arg6[%swap3A_1489, %swap3A_1490] {strides = array<i32>} : memref<2x256xi32, #tpu.memory_space<vmem>>, vector<16xi32>,
      tpu.vector_store %arg6[%swap3A_1489, %swap3A_1490], %gather3A_1487 {strides = array<i32>} : memref<2x256xi32, #tpu.memory_space<vmem>>, vector<16xi32>,
      %mul3A_1492 = arith.constant 256 : i32
      %mul3A_1493 = arith.muli %add3A_1401, %mul3A_1492 : i32
      %add3A_1494 = arith.constant 64 : i32
      %add3A_1495 = arith.addi %mul3A_1493, %add3A_1494 : i32
      %iota3A_1496 = tpu.iota {dimensions = array<i32: 0>} : vector<16xi32>
      %add3A_1497 = vector.broadcast %add3A_1495 : i32 to vector<16xi32>
      %add3A_1498 = arith.addi %add3A_1497, %iota3A_1496 : vector<16xi32>
      %div3A_1499 = arith.constant 200 : i32
      %div3A_1500 = vector.broadcast %div3A_1499 : i32 to vector<16xi32>
      %div3A_1501 = arith.divsi %add3A_1498, %div3A_1500 : vector<16xi32>
      %sub3A_1502 = vector.broadcast %select_n3A_1411 : i32 to vector<16xi32>
      %sub3A_1503 = arith.subi %div3A_1501, %sub3A_1502 : vector<16xi32>
      %rem3A_1504 = arith.constant 200 : i32
      %rem3A_1505 = vector.broadcast %rem3A_1504 : i32 to vector<16xi32>
      %rem3A_1506 = arith.remsi %add3A_1498, %rem3A_1505 : vector<16xi32>
      %gather3A_1507 = tpu.vector_load_idx %arg5[%sub3A_1503, %rem3A_1506] : memref<64x200xi32, #tpu.memory_space<vmem>>[vector<16xi32>, vector<16xi32>], vector<16xi32>,
      %swap3A_1508 = arith.constant 1 : i32
      %swap3A_1509 = arith.index_cast %swap3A_1508 : i32 to index
      %swap3A_1510 = arith.constant 64 : index
      %swap3A_1511 = tpu.vector_load %arg6[%swap3A_1509, %swap3A_1510] {strides = array<i32>} : memref<2x256xi32, #tpu.memory_space<vmem>>, vector<16xi32>,
      tpu.vector_store %arg6[%swap3A_1509, %swap3A_1510], %gather3A_1507 {strides = array<i32>} : memref<2x256xi32, #tpu.memory_space<vmem>>, vector<16xi32>,
      %mul3A_1512 = arith.constant 256 : i32
      %mul3A_1513 = arith.muli %add3A_1401, %mul3A_1512 : i32
      %add3A_1514 = arith.constant 80 : i32
      %add3A_1515 = arith.addi %mul3A_1513, %add3A_1514 : i32
      %iota3A_1516 = tpu.iota {dimensions = array<i32: 0>} : vector<16xi32>
      %add3A_1517 = vector.broadcast %add3A_1515 : i32 to vector<16xi32>
      %add3A_1518 = arith.addi %add3A_1517, %iota3A_1516 : vector<16xi32>
      %div3A_1519 = arith.constant 200 : i32
      %div3A_1520 = vector.broadcast %div3A_1519 : i32 to vector<16xi32>
      %div3A_1521 = arith.divsi %add3A_1518, %div3A_1520 : vector<16xi32>
      %sub3A_1522 = vector.broadcast %select_n3A_1411 : i32 to vector<16xi32>
      %sub3A_1523 = arith.subi %div3A_1521, %sub3A_1522 : vector<16xi32>
      %rem3A_1524 = arith.constant 200 : i32
      %rem3A_1525 = vector.broadcast %rem3A_1524 : i32 to vector<16xi32>
      %rem3A_1526 = arith.remsi %add3A_1518, %rem3A_1525 : vector<16xi32>
      %gather3A_1527 = tpu.vector_load_idx %arg5[%sub3A_1523, %rem3A_1526] : memref<64x200xi32, #tpu.memory_space<vmem>>[vector<16xi32>, vector<16xi32>], vector<16xi32>,
      %swap3A_1528 = arith.constant 1 : i32
      %swap3A_1529 = arith.index_cast %swap3A_1528 : i32 to index
      %swap3A_1530 = arith.constant 80 : index
      %swap3A_1531 = tpu.vector_load %arg6[%swap3A_1529, %swap3A_1530] {strides = array<i32>} : memref<2x256xi32, #tpu.memory_space<vmem>>, vector<16xi32>,
      tpu.vector_store %arg6[%swap3A_1529, %swap3A_1530], %gather3A_1527 {strides = array<i32>} : memref<2x256xi32, #tpu.memory_space<vmem>>, vector<16xi32>,
      %mul3A_1532 = arith.constant 256 : i32
      %mul3A_1533 = arith.muli %add3A_1401, %mul3A_1532 : i32
      %add3A_1534 = arith.constant 96 : i32
      %add3A_1535 = arith.addi %mul3A_1533, %add3A_1534 : i32
      %iota3A_1536 = tpu.iota {dimensions = array<i32: 0>} : vector<16xi32>
      %add3A_1537 = vector.broadcast %add3A_1535 : i32 to vector<16xi32>
      %add3A_1538 = arith.addi %add3A_1537, %iota3A_1536 : vector<16xi32>
      %div3A_1539 = arith.constant 200 : i32
      %div3A_1540 = vector.broadcast %div3A_1539 : i32 to vector<16xi32>
      %div3A_1541 = arith.divsi %add3A_1538, %div3A_1540 : vector<16xi32>
      %sub3A_1542 = vector.broadcast %select_n3A_1411 : i32 to vector<16xi32>
      %sub3A_1543 = arith.subi %div3A_1541, %sub3A_1542 : vector<16xi32>
      %rem3A_1544 = arith.constant 200 : i32
      %rem3A_1545 = vector.broadcast %rem3A_1544 : i32 to vector<16xi32>
      %rem3A_1546 = arith.remsi %add3A_1538, %rem3A_1545 : vector<16xi32>
      %gather3A_1547 = tpu.vector_load_idx %arg5[%sub3A_1543, %rem3A_1546] : memref<64x200xi32, #tpu.memory_space<vmem>>[vector<16xi32>, vector<16xi32>], vector<16xi32>,
      %swap3A_1548 = arith.constant 1 : i32
      %swap3A_1549 = arith.index_cast %swap3A_1548 : i32 to index
      %swap3A_1550 = arith.constant 96 : index
      %swap3A_1551 = tpu.vector_load %arg6[%swap3A_1549, %swap3A_1550] {strides = array<i32>} : memref<2x256xi32, #tpu.memory_space<vmem>>, vector<16xi32>,
      tpu.vector_store %arg6[%swap3A_1549, %swap3A_1550], %gather3A_1547 {strides = array<i32>} : memref<2x256xi32, #tpu.memory_space<vmem>>, vector<16xi32>,
      %mul3A_1552 = arith.constant 256 : i32
      %mul3A_1553 = arith.muli %add3A_1401, %mul3A_1552 : i32
      %add3A_1554 = arith.constant 112 : i32
      %add3A_1555 = arith.addi %mul3A_1553, %add3A_1554 : i32
      %iota3A_1556 = tpu.iota {dimensions = array<i32: 0>} : vector<16xi32>
      %add3A_1557 = vector.broadcast %add3A_1555 : i32 to vector<16xi32>
      %add3A_1558 = arith.addi %add3A_1557, %iota3A_1556 : vector<16xi32>
      %div3A_1559 = arith.constant 200 : i32
      %div3A_1560 = vector.broadcast %div3A_1559 : i32 to vector<16xi32>
      %div3A_1561 = arith.divsi %add3A_1558, %div3A_1560 : vector<16xi32>
      %sub3A_1562 = vector.broadcast %select_n3A_1411 : i32 to vector<16xi32>
      %sub3A_1563 = arith.subi %div3A_1561, %sub3A_1562 : vector<16xi32>
      %rem3A_1564 = arith.constant 200 : i32
      %rem3A_1565 = vector.broadcast %rem3A_1564 : i32 to vector<16xi32>
      %rem3A_1566 = arith.remsi %add3A_1558, %rem3A_1565 : vector<16xi32>
      %gather3A_1567 = tpu.vector_load_idx %arg5[%sub3A_1563, %rem3A_1566] : memref<64x200xi32, #tpu.memory_space<vmem>>[vector<16xi32>, vector<16xi32>], vector<16xi32>,
      %swap3A_1568 = arith.constant 1 : i32
      %swap3A_1569 = arith.index_cast %swap3A_1568 : i32 to index
      %swap3A_1570 = arith.constant 112 : index
      %swap3A_1571 = tpu.vector_load %arg6[%swap3A_1569, %swap3A_1570] {strides = array<i32>} : memref<2x256xi32, #tpu.memory_space<vmem>>, vector<16xi32>,
      tpu.vector_store %arg6[%swap3A_1569, %swap3A_1570], %gather3A_1567 {strides = array<i32>} : memref<2x256xi32, #tpu.memory_space<vmem>>, vector<16xi32>,
      %mul3A_1572 = arith.constant 256 : i32
      %mul3A_1573 = arith.muli %add3A_1401, %mul3A_1572 : i32
      %add3A_1574 = arith.constant 128 : i32
      %add3A_1575 = arith.addi %mul3A_1573, %add3A_1574 : i32
      %iota3A_1576 = tpu.iota {dimensions = array<i32: 0>} : vector<16xi32>
      %add3A_1577 = vector.broadcast %add3A_1575 : i32 to vector<16xi32>
      %add3A_1578 = arith.addi %add3A_1577, %iota3A_1576 : vector<16xi32>
      %div3A_1579 = arith.constant 200 : i32
      %div3A_1580 = vector.broadcast %div3A_1579 : i32 to vector<16xi32>
      %div3A_1581 = arith.divsi %add3A_1578, %div3A_1580 : vector<16xi32>
      %sub3A_1582 = vector.broadcast %select_n3A_1411 : i32 to vector<16xi32>
      %sub3A_1583 = arith.subi %div3A_1581, %sub3A_1582 : vector<16xi32>
      %rem3A_1584 = arith.constant 200 : i32
      %rem3A_1585 = vector.broadcast %rem3A_1584 : i32 to vector<16xi32>
      %rem3A_1586 = arith.remsi %add3A_1578, %rem3A_1585 : vector<16xi32>
      %gather3A_1587 = tpu.vector_load_idx %arg5[%sub3A_1583, %rem3A_1586] : memref<64x200xi32, #tpu.memory_space<vmem>>[vector<16xi32>, vector<16xi32>], vector<16xi32>,
      %swap3A_1588 = arith.constant 1 : i32
      %swap3A_1589 = arith.index_cast %swap3A_1588 : i32 to index
      %swap3A_1590 = arith.constant 128 : index
      %swap3A_1591 = tpu.vector_load %arg6[%swap3A_1589, %swap3A_1590] {strides = array<i32>} : memref<2x256xi32, #tpu.memory_space<vmem>>, vector<16xi32>,
      tpu.vector_store %arg6[%swap3A_1589, %swap3A_1590], %gather3A_1587 {strides = array<i32>} : memref<2x256xi32, #tpu.memory_space<vmem>>, vector<16xi32>,
      %mul3A_1592 = arith.constant 256 : i32
      %mul3A_1593 = arith.muli %add3A_1401, %mul3A_1592 : i32
      %add3A_1594 = arith.constant 144 : i32
      %add3A_1595 = arith.addi %mul3A_1593, %add3A_1594 : i32
      %iota3A_1596 = tpu.iota {dimensions = array<i32: 0>} : vector<16xi32>
      %add3A_1597 = vector.broadcast %add3A_1595 : i32 to vector<16xi32>
      %add3A_1598 = arith.addi %add3A_1597, %iota3A_1596 : vector<16xi32>
      %div3A_1599 = arith.constant 200 : i32
      %div3A_1600 = vector.broadcast %div3A_1599 : i32 to vector<16xi32>
      %div3A_1601 = arith.divsi %add3A_1598, %div3A_1600 : vector<16xi32>
      %sub3A_1602 = vector.broadcast %select_n3A_1411 : i32 to vector<16xi32>
      %sub3A_1603 = arith.subi %div3A_1601, %sub3A_1602 : vector<16xi32>
      %rem3A_1604 = arith.constant 200 : i32
      %rem3A_1605 = vector.broadcast %rem3A_1604 : i32 to vector<16xi32>
      %rem3A_1606 = arith.remsi %add3A_1598, %rem3A_1605 : vector<16xi32>
      %gather3A_1607 = tpu.vector_load_idx %arg5[%sub3A_1603, %rem3A_1606] : memref<64x200xi32, #tpu.memory_space<vmem>>[vector<16xi32>, vector<16xi32>], vector<16xi32>,
      %swap3A_1608 = arith.constant 1 : i32
      %swap3A_1609 = arith.index_cast %swap3A_1608 : i32 to index
      %swap3A_1610 = arith.constant 144 : index
      %swap3A_1611 = tpu.vector_load %arg6[%swap3A_1609, %swap3A_1610] {strides = array<i32>} : memref<2x256xi32, #tpu.memory_space<vmem>>, vector<16xi32>,
      tpu.vector_store %arg6[%swap3A_1609, %swap3A_1610], %gather3A_1607 {strides = array<i32>} : memref<2x256xi32, #tpu.memory_space<vmem>>, vector<16xi32>,
      %mul3A_1612 = arith.constant 256 : i32
      %mul3A_1613 = arith.muli %add3A_1401, %mul3A_1612 : i32
      %add3A_1614 = arith.constant 160 : i32
      %add3A_1615 = arith.addi %mul3A_1613, %add3A_1614 : i32
      %iota3A_1616 = tpu.iota {dimensions = array<i32: 0>} : vector<16xi32>
      %add3A_1617 = vector.broadcast %add3A_1615 : i32 to vector<16xi32>
      %add3A_1618 = arith.addi %add3A_1617, %iota3A_1616 : vector<16xi32>
      %div3A_1619 = arith.constant 200 : i32
      %div3A_1620 = vector.broadcast %div3A_1619 : i32 to vector<16xi32>
      %div3A_1621 = arith.divsi %add3A_1618, %div3A_1620 : vector<16xi32>
      %sub3A_1622 = vector.broadcast %select_n3A_1411 : i32 to vector<16xi32>
      %sub3A_1623 = arith.subi %div3A_1621, %sub3A_1622 : vector<16xi32>
      %rem3A_1624 = arith.constant 200 : i32
      %rem3A_1625 = vector.broadcast %rem3A_1624 : i32 to vector<16xi32>
      %rem3A_1626 = arith.remsi %add3A_1618, %rem3A_1625 : vector<16xi32>
      %gather3A_1627 = tpu.vector_load_idx %arg5[%sub3A_1623, %rem3A_1626] : memref<64x200xi32, #tpu.memory_space<vmem>>[vector<16xi32>, vector<16xi32>], vector<16xi32>,
      %swap3A_1628 = arith.constant 1 : i32
      %swap3A_1629 = arith.index_cast %swap3A_1628 : i32 to index
      %swap3A_1630 = arith.constant 160 : index
      %swap3A_1631 = tpu.vector_load %arg6[%swap3A_1629, %swap3A_1630] {strides = array<i32>} : memref<2x256xi32, #tpu.memory_space<vmem>>, vector<16xi32>,
      tpu.vector_store %arg6[%swap3A_1629, %swap3A_1630], %gather3A_1627 {strides = array<i32>} : memref<2x256xi32, #tpu.memory_space<vmem>>, vector<16xi32>,
      %mul3A_1632 = arith.constant 256 : i32
      %mul3A_1633 = arith.muli %add3A_1401, %mul3A_1632 : i32
      %add3A_1634 = arith.constant 176 : i32
      %add3A_1635 = arith.addi %mul3A_1633, %add3A_1634 : i32
      %iota3A_1636 = tpu.iota {dimensions = array<i32: 0>} : vector<16xi32>
      %add3A_1637 = vector.broadcast %add3A_1635 : i32 to vector<16xi32>
      %add3A_1638 = arith.addi %add3A_1637, %iota3A_1636 : vector<16xi32>
      %div3A_1639 = arith.constant 200 : i32
      %div3A_1640 = vector.broadcast %div3A_1639 : i32 to vector<16xi32>
      %div3A_1641 = arith.divsi %add3A_1638, %div3A_1640 : vector<16xi32>
      %sub3A_1642 = vector.broadcast %select_n3A_1411 : i32 to vector<16xi32>
      %sub3A_1643 = arith.subi %div3A_1641, %sub3A_1642 : vector<16xi32>
      %rem3A_1644 = arith.constant 200 : i32
      %rem3A_1645 = vector.broadcast %rem3A_1644 : i32 to vector<16xi32>
      %rem3A_1646 = arith.remsi %add3A_1638, %rem3A_1645 : vector<16xi32>
      %gather3A_1647 = tpu.vector_load_idx %arg5[%sub3A_1643, %rem3A_1646] : memref<64x200xi32, #tpu.memory_space<vmem>>[vector<16xi32>, vector<16xi32>], vector<16xi32>,
      %swap3A_1648 = arith.constant 1 : i32
      %swap3A_1649 = arith.index_cast %swap3A_1648 : i32 to index
      %swap3A_1650 = arith.constant 176 : index
      %swap3A_1651 = tpu.vector_load %arg6[%swap3A_1649, %swap3A_1650] {strides = array<i32>} : memref<2x256xi32, #tpu.memory_space<vmem>>, vector<16xi32>,
      tpu.vector_store %arg6[%swap3A_1649, %swap3A_1650], %gather3A_1647 {strides = array<i32>} : memref<2x256xi32, #tpu.memory_space<vmem>>, vector<16xi32>,
      %mul3A_1652 = arith.constant 256 : i32
      %mul3A_1653 = arith.muli %add3A_1401, %mul3A_1652 : i32
      %add3A_1654 = arith.constant 192 : i32
      %add3A_1655 = arith.addi %mul3A_1653, %add3A_1654 : i32
      %iota3A_1656 = tpu.iota {dimensions = array<i32: 0>} : vector<16xi32>
      %add3A_1657 = vector.broadcast %add3A_1655 : i32 to vector<16xi32>
      %add3A_1658 = arith.addi %add3A_1657, %iota3A_1656 : vector<16xi32>
      %div3A_1659 = arith.constant 200 : i32
      %div3A_1660 = vector.broadcast %div3A_1659 : i32 to vector<16xi32>
      %div3A_1661 = arith.divsi %add3A_1658, %div3A_1660 : vector<16xi32>
      %sub3A_1662 = vector.broadcast %select_n3A_1411 : i32 to vector<16xi32>
      %sub3A_1663 = arith.subi %div3A_1661, %sub3A_1662 : vector<16xi32>
      %rem3A_1664 = arith.constant 200 : i32
      %rem3A_1665 = vector.broadcast %rem3A_1664 : i32 to vector<16xi32>
      %rem3A_1666 = arith.remsi %add3A_1658, %rem3A_1665 : vector<16xi32>
      %gather3A_1667 = tpu.vector_load_idx %arg5[%sub3A_1663, %rem3A_1666] : memref<64x200xi32, #tpu.memory_space<vmem>>[vector<16xi32>, vector<16xi32>], vector<16xi32>,
      %swap3A_1668 = arith.constant 1 : i32
      %swap3A_1669 = arith.index_cast %swap3A_1668 : i32 to index
      %swap3A_1670 = arith.constant 192 : index
      %swap3A_1671 = tpu.vector_load %arg6[%swap3A_1669, %swap3A_1670] {strides = array<i32>} : memref<2x256xi32, #tpu.memory_space<vmem>>, vector<16xi32>,
      tpu.vector_store %arg6[%swap3A_1669, %swap3A_1670], %gather3A_1667 {strides = array<i32>} : memref<2x256xi32, #tpu.memory_space<vmem>>, vector<16xi32>,
      %mul3A_1672 = arith.constant 256 : i32
      %mul3A_1673 = arith.muli %add3A_1401, %mul3A_1672 : i32
      %add3A_1674 = arith.constant 208 : i32
      %add3A_1675 = arith.addi %mul3A_1673, %add3A_1674 : i32
      %iota3A_1676 = tpu.iota {dimensions = array<i32: 0>} : vector<16xi32>
      %add3A_1677 = vector.broadcast %add3A_1675 : i32 to vector<16xi32>
      %add3A_1678 = arith.addi %add3A_1677, %iota3A_1676 : vector<16xi32>
      %div3A_1679 = arith.constant 200 : i32
      %div3A_1680 = vector.broadcast %div3A_1679 : i32 to vector<16xi32>
      %div3A_1681 = arith.divsi %add3A_1678, %div3A_1680 : vector<16xi32>
      %sub3A_1682 = vector.broadcast %select_n3A_1411 : i32 to vector<16xi32>
      %sub3A_1683 = arith.subi %div3A_1681, %sub3A_1682 : vector<16xi32>
      %rem3A_1684 = arith.constant 200 : i32
      %rem3A_1685 = vector.broadcast %rem3A_1684 : i32 to vector<16xi32>
      %rem3A_1686 = arith.remsi %add3A_1678, %rem3A_1685 : vector<16xi32>
      %gather3A_1687 = tpu.vector_load_idx %arg5[%sub3A_1683, %rem3A_1686] : memref<64x200xi32, #tpu.memory_space<vmem>>[vector<16xi32>, vector<16xi32>], vector<16xi32>,
      %swap3A_1688 = arith.constant 1 : i32
      %swap3A_1689 = arith.index_cast %swap3A_1688 : i32 to index
      %swap3A_1690 = arith.constant 208 : index
      %swap3A_1691 = tpu.vector_load %arg6[%swap3A_1689, %swap3A_1690] {strides = array<i32>} : memref<2x256xi32, #tpu.memory_space<vmem>>, vector<16xi32>,
      tpu.vector_store %arg6[%swap3A_1689, %swap3A_1690], %gather3A_1687 {strides = array<i32>} : memref<2x256xi32, #tpu.memory_space<vmem>>, vector<16xi32>,
      %mul3A_1692 = arith.constant 256 : i32
      %mul3A_1693 = arith.muli %add3A_1401, %mul3A_1692 : i32
      %add3A_1694 = arith.constant 224 : i32
      %add3A_1695 = arith.addi %mul3A_1693, %add3A_1694 : i32
      %iota3A_1696 = tpu.iota {dimensions = array<i32: 0>} : vector<16xi32>
      %add3A_1697 = vector.broadcast %add3A_1695 : i32 to vector<16xi32>
      %add3A_1698 = arith.addi %add3A_1697, %iota3A_1696 : vector<16xi32>
      %div3A_1699 = arith.constant 200 : i32
      %div3A_1700 = vector.broadcast %div3A_1699 : i32 to vector<16xi32>
      %div3A_1701 = arith.divsi %add3A_1698, %div3A_1700 : vector<16xi32>
      %sub3A_1702 = vector.broadcast %select_n3A_1411 : i32 to vector<16xi32>
      %sub3A_1703 = arith.subi %div3A_1701, %sub3A_1702 : vector<16xi32>
      %rem3A_1704 = arith.constant 200 : i32
      %rem3A_1705 = vector.broadcast %rem3A_1704 : i32 to vector<16xi32>
      %rem3A_1706 = arith.remsi %add3A_1698, %rem3A_1705 : vector<16xi32>
      %gather3A_1707 = tpu.vector_load_idx %arg5[%sub3A_1703, %rem3A_1706] : memref<64x200xi32, #tpu.memory_space<vmem>>[vector<16xi32>, vector<16xi32>], vector<16xi32>,
      %swap3A_1708 = arith.constant 1 : i32
      %swap3A_1709 = arith.index_cast %swap3A_1708 : i32 to index
      %swap3A_1710 = arith.constant 224 : index
      %swap3A_1711 = tpu.vector_load %arg6[%swap3A_1709, %swap3A_1710] {strides = array<i32>} : memref<2x256xi32, #tpu.memory_space<vmem>>, vector<16xi32>,
      tpu.vector_store %arg6[%swap3A_1709, %swap3A_1710], %gather3A_1707 {strides = array<i32>} : memref<2x256xi32, #tpu.memory_space<vmem>>, vector<16xi32>,
      %mul3A_1712 = arith.constant 256 : i32
      %mul3A_1713 = arith.muli %add3A_1401, %mul3A_1712 : i32
      %add3A_1714 = arith.constant 240 : i32
      %add3A_1715 = arith.addi %mul3A_1713, %add3A_1714 : i32
      %iota3A_1716 = tpu.iota {dimensions = array<i32: 0>} : vector<16xi32>
      %add3A_1717 = vector.broadcast %add3A_1715 : i32 to vector<16xi32>
      %add3A_1718 = arith.addi %add3A_1717, %iota3A_1716 : vector<16xi32>
      %div3A_1719 = arith.constant 200 : i32
      %div3A_1720 = vector.broadcast %div3A_1719 : i32 to vector<16xi32>
      %div3A_1721 = arith.divsi %add3A_1718, %div3A_1720 : vector<16xi32>
      %sub3A_1722 = vector.broadcast %select_n3A_1411 : i32 to vector<16xi32>
      %sub3A_1723 = arith.subi %div3A_1721, %sub3A_1722 : vector<16xi32>
      %rem3A_1724 = arith.constant 200 : i32
      %rem3A_1725 = vector.broadcast %rem3A_1724 : i32 to vector<16xi32>
      %rem3A_1726 = arith.remsi %add3A_1718, %rem3A_1725 : vector<16xi32>
      %gather3A_1727 = tpu.vector_load_idx %arg5[%sub3A_1723, %rem3A_1726] : memref<64x200xi32, #tpu.memory_space<vmem>>[vector<16xi32>, vector<16xi32>], vector<16xi32>,
      %swap3A_1728 = arith.constant 1 : i32
      %swap3A_1729 = arith.index_cast %swap3A_1728 : i32 to index
      %swap3A_1730 = arith.constant 240 : index
      %swap3A_1731 = tpu.vector_load %arg6[%swap3A_1729, %swap3A_1730] {strides = array<i32>} : memref<2x256xi32, #tpu.memory_space<vmem>>, vector<16xi32>,
      tpu.vector_store %arg6[%swap3A_1729, %swap3A_1730], %gather3A_1727 {strides = array<i32>} : memref<2x256xi32, #tpu.memory_space<vmem>>, vector<16xi32>,
      %dma_start3A_1732 = arith.constant 1 : i32
      %dma_start3A_1733 = arith.constant 1 : i32
      %dma_start3A_1734 = arith.constant 0 : i32
      %dma_start3A_1735 = arith.constant 0 : i32
      %dma_start3A_1736 = tpu.memref_slice %arg7[%dma_start3A_1733, %dma_start3A_1734, %dma_start3A_1735] : memref<2x256x128xf32, #tpu.memory_space<vmem>> -> memref<1x256x128xf32, #tpu.memory_space<vmem>>
      %dma_start3A_1737 = tpu.memref_squeeze %dma_start3A_1736 : memref<1x256x128xf32, #tpu.memory_space<vmem>> -> memref<256x128xf32, #tpu.memory_space<vmem>>
      %dma_start3A_1738 = arith.constant 0 : i32
      %dma_start3A_1739 = arith.constant 0 : i32
      %dma_start3A_1740 = tpu.memref_slice %dma_start3A_1737[%dma_start3A_1738, %dma_start3A_1739] : memref<256x128xf32, #tpu.memory_space<vmem>> -> memref<128x128xf32, #tpu.memory_space<vmem>>
      %dma_start3A_1741 = arith.constant 0 : i32
      %dma_start3A_1742 = tpu.memref_slice %arg6[%dma_start3A_1732, %dma_start3A_1741] : memref<2x256xi32, #tpu.memory_space<vmem>> -> memref<1x256xi32, #tpu.memory_space<vmem>>
      %dma_start3A_1743 = tpu.memref_squeeze %dma_start3A_1742 : memref<1x256xi32, #tpu.memory_space<vmem>> -> memref<256xi32, #tpu.memory_space<vmem>>
      %dma_start3A_1744 = arith.constant 0 : i32
      %dma_start3A_1745 = tpu.memref_slice %dma_start3A_1743[%dma_start3A_1744] : memref<256xi32, #tpu.memory_space<vmem>> -> memref<128xi32, #tpu.memory_space<vmem>>
      %dma_start3A_1746 = arith.constant 0 : i32
      %dma_start3A_1747 = arith.constant 0 : i32
      %dma_start3A_1748 = tpu.memref_slice %arg3[%dma_start3A_1746, %dma_start3A_1747] : memref<1000000x128xf32, #tpu.memory_space<hbm>> -> memref<1000000x128xf32, #tpu.memory_space<hbm>>
      tpu.enqueue_indirect_dma source(%dma_start3A_1748 : memref<1000000x128xf32, #tpu.memory_space<hbm>>) target(%dma_start3A_1740 : memref<128x128xf32, #tpu.memory_space<vmem>>) offsets(%dma_start3A_1745 : memref<128xi32, #tpu.memory_space<vmem>>) semaphore(%arg10 : memref<!tpu.dma_semaphore, #tpu.memory_space<semaphore_mem>>)
      %dma_start3A_1749 = arith.constant 1 : i32
      %dma_start3A_1750 = arith.constant 1 : i32
      %dma_start3A_1751 = arith.constant 0 : i32
      %dma_start3A_1752 = arith.constant 0 : i32
      %dma_start3A_1753 = tpu.memref_slice %arg7[%dma_start3A_1750, %dma_start3A_1751, %dma_start3A_1752] : memref<2x256x128xf32, #tpu.memory_space<vmem>> -> memref<1x256x128xf32, #tpu.memory_space<vmem>>
      %dma_start3A_1754 = tpu.memref_squeeze %dma_start3A_1753 : memref<1x256x128xf32, #tpu.memory_space<vmem>> -> memref<256x128xf32, #tpu.memory_space<vmem>>
      %dma_start3A_1755 = arith.constant 128 : i32
      %dma_start3A_1756 = arith.constant 0 : i32
      %dma_start3A_1757 = tpu.memref_slice %dma_start3A_1754[%dma_start3A_1755, %dma_start3A_1756] : memref<256x128xf32, #tpu.memory_space<vmem>> -> memref<128x128xf32, #tpu.memory_space<vmem>>
      %dma_start3A_1758 = arith.constant 0 : i32
      %dma_start3A_1759 = tpu.memref_slice %arg6[%dma_start3A_1749, %dma_start3A_1758] : memref<2x256xi32, #tpu.memory_space<vmem>> -> memref<1x256xi32, #tpu.memory_space<vmem>>
      %dma_start3A_1760 = tpu.memref_squeeze %dma_start3A_1759 : memref<1x256xi32, #tpu.memory_space<vmem>> -> memref<256xi32, #tpu.memory_space<vmem>>
      %dma_start3A_1761 = arith.constant 128 : i32
      %dma_start3A_1762 = tpu.memref_slice %dma_start3A_1760[%dma_start3A_1761] : memref<256xi32, #tpu.memory_space<vmem>> -> memref<128xi32, #tpu.memory_space<vmem>>
      %dma_start3A_1763 = arith.constant 0 : i32
      %dma_start3A_1764 = arith.constant 0 : i32
      %dma_start3A_1765 = tpu.memref_slice %arg3[%dma_start3A_1763, %dma_start3A_1764] : memref<1000000x128xf32, #tpu.memory_space<hbm>> -> memref<1000000x128xf32, #tpu.memory_space<hbm>>
      tpu.enqueue_indirect_dma source(%dma_start3A_1765 : memref<1000000x128xf32, #tpu.memory_space<hbm>>) target(%dma_start3A_1757 : memref<128x128xf32, #tpu.memory_space<vmem>>) offsets(%dma_start3A_1762 : memref<128xi32, #tpu.memory_space<vmem>>) semaphore(%arg10 : memref<!tpu.dma_semaphore, #tpu.memory_space<semaphore_mem>>)
    }
    %scan3A_632 = arith.constant 49 : i32
    %dma_wait3A = arith.constant 0 : i32
    %dma_wait3A_633 = arith.constant 0 : i32
    %dma_wait3A_634 = arith.constant 0 : i32
    %dma_wait3A_635 = arith.constant 0 : i32
    %dma_wait3A_636 = tpu.memref_slice %arg7[%dma_wait3A_633, %dma_wait3A_634, %dma_wait3A_635] : memref<2x256x128xf32, #tpu.memory_space<vmem>> -> memref<1x256x128xf32, #tpu.memory_space<vmem>>
    %dma_wait3A_637 = tpu.memref_squeeze %dma_wait3A_636 : memref<1x256x128xf32, #tpu.memory_space<vmem>> -> memref<256x128xf32, #tpu.memory_space<vmem>>
    %dma_wait3A_638 = arith.constant 0 : i32
    %dma_wait3A_639 = arith.constant 0 : i32
    %dma_wait3A_640 = tpu.memref_slice %dma_wait3A_637[%dma_wait3A_638, %dma_wait3A_639] : memref<256x128xf32, #tpu.memory_space<vmem>> -> memref<128x128xf32, #tpu.memory_space<vmem>>
    %dma_wait3A_641 = arith.constant 0 : i32
    %dma_wait3A_642 = tpu.memref_slice %arg6[%dma_wait3A, %dma_wait3A_641] : memref<2x256xi32, #tpu.memory_space<vmem>> -> memref<1x256xi32, #tpu.memory_space<vmem>>
    %dma_wait3A_643 = tpu.memref_squeeze %dma_wait3A_642 : memref<1x256xi32, #tpu.memory_space<vmem>> -> memref<256xi32, #tpu.memory_space<vmem>>
    %dma_wait3A_644 = arith.constant 0 : i32
    %dma_wait3A_645 = tpu.memref_slice %dma_wait3A_643[%dma_wait3A_644] : memref<256xi32, #tpu.memory_space<vmem>> -> memref<128xi32, #tpu.memory_space<vmem>>
    %dma_wait3A_646 = arith.constant 0 : i32
    %dma_wait3A_647 = arith.constant 0 : i32
    %dma_wait3A_648 = tpu.memref_slice %arg3[%dma_wait3A_646, %dma_wait3A_647] : memref<1000000x128xf32, #tpu.memory_space<hbm>> -> memref<1000000x128xf32, #tpu.memory_space<hbm>>
    tpu.wait_indirect_dma semaphore(%arg9 : memref<!tpu.dma_semaphore, #tpu.memory_space<semaphore_mem>>) src(%dma_wait3A_648 : memref<1000000x128xf32, #tpu.memory_space<hbm>>) dst(%dma_wait3A_640 : memref<128x128xf32, #tpu.memory_space<vmem>>)
    %dma_wait3A_649 = arith.constant 0 : i32
    %dma_wait3A_650 = arith.constant 0 : i32
    %dma_wait3A_651 = arith.constant 0 : i32
    %dma_wait3A_652 = arith.constant 0 : i32
    %dma_wait3A_653 = tpu.memref_slice %arg7[%dma_wait3A_650, %dma_wait3A_651, %dma_wait3A_652] : memref<2x256x128xf32, #tpu.memory_space<vmem>> -> memref<1x256x128xf32, #tpu.memory_space<vmem>>
    %dma_wait3A_654 = tpu.memref_squeeze %dma_wait3A_653 : memref<1x256x128xf32, #tpu.memory_space<vmem>> -> memref<256x128xf32, #tpu.memory_space<vmem>>
    %dma_wait3A_655 = arith.constant 128 : i32
    %dma_wait3A_656 = arith.constant 0 : i32
    %dma_wait3A_657 = tpu.memref_slice %dma_wait3A_654[%dma_wait3A_655, %dma_wait3A_656] : memref<256x128xf32, #tpu.memory_space<vmem>> -> memref<128x128xf32, #tpu.memory_space<vmem>>
    %dma_wait3A_658 = arith.constant 0 : i32
    %dma_wait3A_659 = tpu.memref_slice %arg6[%dma_wait3A_649, %dma_wait3A_658] : memref<2x256xi32, #tpu.memory_space<vmem>> -> memref<1x256xi32, #tpu.memory_space<vmem>>
    %dma_wait3A_660 = tpu.memref_squeeze %dma_wait3A_659 : memref<1x256xi32, #tpu.memory_space<vmem>> -> memref<256xi32, #tpu.memory_space<vmem>>
    %dma_wait3A_661 = arith.constant 128 : i32
    %dma_wait3A_662 = tpu.memref_slice %dma_wait3A_660[%dma_wait3A_661] : memref<256xi32, #tpu.memory_space<vmem>> -> memref<128xi32, #tpu.memory_space<vmem>>
    %dma_wait3A_663 = arith.constant 0 : i32
    %dma_wait3A_664 = arith.constant 0 : i32
    %dma_wait3A_665 = tpu.memref_slice %arg3[%dma_wait3A_663, %dma_wait3A_664] : memref<1000000x128xf32, #tpu.memory_space<hbm>> -> memref<1000000x128xf32, #tpu.memory_space<hbm>>
    tpu.wait_indirect_dma semaphore(%arg9 : memref<!tpu.dma_semaphore, #tpu.memory_space<semaphore_mem>>) src(%dma_wait3A_665 : memref<1000000x128xf32, #tpu.memory_space<hbm>>) dst(%dma_wait3A_657 : memref<128x128xf32, #tpu.memory_space<vmem>>)
    %gt3A = arith.constant 98 : i32
    %gt3A_666 = arith.constant 0 : i32
    %gt3A_667 = arith.cmpi sgt, %gt3A, %gt3A_666 : i32
    %convert_element_type3A_668 = arith.extui %gt3A_667 : i1 to i32
    %cond3A_669 = arith.constant 0 : i32
    %cond3A_670 = arith.cmpi ne, %convert_element_type3A_668, %cond3A_669 : i32
    scf.if %cond3A_670 {
      %dma_wait3A_841 = arith.constant 0 : i32
      %dma_wait3A_842 = arith.constant 0 : i32
      %dma_wait3A_843 = arith.constant 0 : i32
      %dma_wait3A_844 = tpu.memref_slice %arg8[%dma_wait3A_841, %dma_wait3A_842, %dma_wait3A_843] : memref<2x128x64xf32, #tpu.memory_space<vmem>> -> memref<1x128x64xf32, #tpu.memory_space<vmem>>
      %dma_wait3A_845 = tpu.memref_squeeze %dma_wait3A_844 : memref<1x128x64xf32, #tpu.memory_space<vmem>> -> memref<128x64xf32, #tpu.memory_space<vmem>>
      %dma_wait3A_846 = arith.constant 0 : i32
      %dma_wait3A_847 = tpu.memref_slice %arg4[%mul3A_2, %dma_wait3A_846] : memref<819200x64xf32, #tpu.memory_space<hbm>> -> memref<128x64xf32, #tpu.memory_space<hbm>>
      %dma_wait3A_848 = arith.constant 0 : i32
      %dma_wait3A_849 = tpu.memref_slice %arg4[%mul3A_2, %dma_wait3A_848] : memref<819200x64xf32, #tpu.memory_space<hbm>> -> memref<128x64xf32, #tpu.memory_space<hbm>>
      %dma_wait3A_850 = arith.constant 0 : i32
      %dma_wait3A_851 = arith.constant 0 : i32
      %dma_wait3A_852 = tpu.memref_slice %arg8[%dma_wait3A_841, %dma_wait3A_850, %dma_wait3A_851] : memref<2x128x64xf32, #tpu.memory_space<vmem>> -> memref<1x128x64xf32, #tpu.memory_space<vmem>>
      %dma_wait3A_853 = tpu.memref_squeeze %dma_wait3A_852 : memref<1x128x64xf32, #tpu.memory_space<vmem>> -> memref<128x64xf32, #tpu.memory_space<vmem>>
      tpu.wait_dma2 semaphore(%arg11 : memref<!tpu.dma_semaphore, #tpu.memory_space<semaphore_mem>>) src(%dma_wait3A_853 : memref<128x64xf32, #tpu.memory_space<vmem>>) dst(%dma_wait3A_849 : memref<128x64xf32, #tpu.memory_space<hbm>>)
    } else {
    }
    %scan3A_671 = arith.constant 0 : i32
    %scan3A_672 = arith.constant 0 : i32
    %scan3A_673 = arith.constant 32 : i32
    %scan3A_674 = arith.addi %scan3A_672, %scan3A_673 : i32
    %scan3A_675 = arith.constant 1 : i32
    scf.for %scan3A_841 = %scan3A_672 to %scan3A_674 step %scan3A_675  : i32 {
      %mul3A_842 = arith.constant 4 : i32
      %mul3A_843 = arith.muli %scan3A_841, %mul3A_842 : i32
      %add3A_844 = arith.constant 0 : i32
      %add3A_845 = arith.addi %mul3A_843, %add3A_844 : i32
      %add3A_846 = arith.constant 0 : i32
      %add3A_847 = arith.addi %add3A_846, %add3A_845 : i32
      %get3A = arith.constant 0 : i32
      %get3A_848 = arith.constant 0 : i32
      %get3A_849 = arith.constant 0 : i32
      %get3A_850 = tpu.memref_slice %arg7[%get3A, %get3A_848, %get3A_849] : memref<2x256x128xf32, #tpu.memory_space<vmem>> -> memref<1x256x128xf32, #tpu.memory_space<vmem>>
      %get3A_851 = tpu.memref_squeeze %get3A_850 : memref<1x256x128xf32, #tpu.memory_space<vmem>> -> memref<256x128xf32, #tpu.memory_space<vmem>>
      %get3A_852 = arith.index_cast %add3A_847 : i32 to index
      %get3A_853 = arith.constant 0 : index
      %get3A_854 = tpu.vector_load %get3A_851[%get3A_852, %get3A_853] {strides = array<i32>} : memref<256x128xf32, #tpu.memory_space<vmem>>, vector<16xf32>,
      %swap3A_855 = arith.constant 0 : i32
      %swap3A_856 = arith.index_cast %swap3A_855 : i32 to index
      %swap3A_857 = arith.index_cast %add3A_845 : i32 to index
      %swap3A_858 = arith.constant 0 : index
      %swap3A_859 = tpu.vector_load %arg8[%swap3A_856, %swap3A_857, %swap3A_858] {strides = array<i32>} : memref<2x128x64xf32, #tpu.memory_space<vmem>>, vector<16xf32>,
      tpu.vector_store %arg8[%swap3A_856, %swap3A_857, %swap3A_858], %get3A_854 {strides = array<i32>} : memref<2x128x64xf32, #tpu.memory_space<vmem>>, vector<16xf32>,
      %add3A_860 = arith.constant 0 : i32
      %add3A_861 = arith.addi %add3A_860, %add3A_845 : i32
      %get3A_862 = arith.constant 0 : i32
      %get3A_863 = arith.constant 0 : i32
      %get3A_864 = arith.constant 0 : i32
      %get3A_865 = tpu.memref_slice %arg7[%get3A_862, %get3A_863, %get3A_864] : memref<2x256x128xf32, #tpu.memory_space<vmem>> -> memref<1x256x128xf32, #tpu.memory_space<vmem>>
      %get3A_866 = tpu.memref_squeeze %get3A_865 : memref<1x256x128xf32, #tpu.memory_space<vmem>> -> memref<256x128xf32, #tpu.memory_space<vmem>>
      %get3A_867 = arith.index_cast %add3A_861 : i32 to index
      %get3A_868 = arith.constant 16 : index
      %get3A_869 = tpu.vector_load %get3A_866[%get3A_867, %get3A_868] {strides = array<i32>} : memref<256x128xf32, #tpu.memory_space<vmem>>, vector<16xf32>,
      %swap3A_870 = arith.constant 0 : i32
      %swap3A_871 = arith.index_cast %swap3A_870 : i32 to index
      %swap3A_872 = arith.index_cast %add3A_845 : i32 to index
      %swap3A_873 = arith.constant 16 : index
      %swap3A_874 = tpu.vector_load %arg8[%swap3A_871, %swap3A_872, %swap3A_873] {strides = array<i32>} : memref<2x128x64xf32, #tpu.memory_space<vmem>>, vector<16xf32>,
      tpu.vector_store %arg8[%swap3A_871, %swap3A_872, %swap3A_873], %get3A_869 {strides = array<i32>} : memref<2x128x64xf32, #tpu.memory_space<vmem>>, vector<16xf32>,
      %add3A_875 = arith.constant 0 : i32
      %add3A_876 = arith.addi %add3A_875, %add3A_845 : i32
      %get3A_877 = arith.constant 0 : i32
      %get3A_878 = arith.constant 0 : i32
      %get3A_879 = arith.constant 0 : i32
      %get3A_880 = tpu.memref_slice %arg7[%get3A_877, %get3A_878, %get3A_879] : memref<2x256x128xf32, #tpu.memory_space<vmem>> -> memref<1x256x128xf32, #tpu.memory_space<vmem>>
      %get3A_881 = tpu.memref_squeeze %get3A_880 : memref<1x256x128xf32, #tpu.memory_space<vmem>> -> memref<256x128xf32, #tpu.memory_space<vmem>>
      %get3A_882 = arith.index_cast %add3A_876 : i32 to index
      %get3A_883 = arith.constant 32 : index
      %get3A_884 = tpu.vector_load %get3A_881[%get3A_882, %get3A_883] {strides = array<i32>} : memref<256x128xf32, #tpu.memory_space<vmem>>, vector<16xf32>,
      %swap3A_885 = arith.constant 0 : i32
      %swap3A_886 = arith.index_cast %swap3A_885 : i32 to index
      %swap3A_887 = arith.index_cast %add3A_845 : i32 to index
      %swap3A_888 = arith.constant 32 : index
      %swap3A_889 = tpu.vector_load %arg8[%swap3A_886, %swap3A_887, %swap3A_888] {strides = array<i32>} : memref<2x128x64xf32, #tpu.memory_space<vmem>>, vector<16xf32>,
      tpu.vector_store %arg8[%swap3A_886, %swap3A_887, %swap3A_888], %get3A_884 {strides = array<i32>} : memref<2x128x64xf32, #tpu.memory_space<vmem>>, vector<16xf32>,
      %add3A_890 = arith.constant 0 : i32
      %add3A_891 = arith.addi %add3A_890, %add3A_845 : i32
      %get3A_892 = arith.constant 0 : i32
      %get3A_893 = arith.constant 0 : i32
      %get3A_894 = arith.constant 0 : i32
      %get3A_895 = tpu.memref_slice %arg7[%get3A_892, %get3A_893, %get3A_894] : memref<2x256x128xf32, #tpu.memory_space<vmem>> -> memref<1x256x128xf32, #tpu.memory_space<vmem>>
      %get3A_896 = tpu.memref_squeeze %get3A_895 : memref<1x256x128xf32, #tpu.memory_space<vmem>> -> memref<256x128xf32, #tpu.memory_space<vmem>>
      %get3A_897 = arith.index_cast %add3A_891 : i32 to index
      %get3A_898 = arith.constant 48 : index
      %get3A_899 = tpu.vector_load %get3A_896[%get3A_897, %get3A_898] {strides = array<i32>} : memref<256x128xf32, #tpu.memory_space<vmem>>, vector<16xf32>,
      %swap3A_900 = arith.constant 0 : i32
      %swap3A_901 = arith.index_cast %swap3A_900 : i32 to index
      %swap3A_902 = arith.index_cast %add3A_845 : i32 to index
      %swap3A_903 = arith.constant 48 : index
      %swap3A_904 = tpu.vector_load %arg8[%swap3A_901, %swap3A_902, %swap3A_903] {strides = array<i32>} : memref<2x128x64xf32, #tpu.memory_space<vmem>>, vector<16xf32>,
      tpu.vector_store %arg8[%swap3A_901, %swap3A_902, %swap3A_903], %get3A_899 {strides = array<i32>} : memref<2x128x64xf32, #tpu.memory_space<vmem>>, vector<16xf32>,
      %mul3A_905 = arith.constant 4 : i32
      %mul3A_906 = arith.muli %scan3A_841, %mul3A_905 : i32
      %add3A_907 = arith.constant 1 : i32
      %add3A_908 = arith.addi %mul3A_906, %add3A_907 : i32
      %add3A_909 = arith.constant 0 : i32
      %add3A_910 = arith.addi %add3A_909, %add3A_908 : i32
      %get3A_911 = arith.constant 0 : i32
      %get3A_912 = arith.constant 0 : i32
      %get3A_913 = arith.constant 0 : i32
      %get3A_914 = tpu.memref_slice %arg7[%get3A_911, %get3A_912, %get3A_913] : memref<2x256x128xf32, #tpu.memory_space<vmem>> -> memref<1x256x128xf32, #tpu.memory_space<vmem>>
      %get3A_915 = tpu.memref_squeeze %get3A_914 : memref<1x256x128xf32, #tpu.memory_space<vmem>> -> memref<256x128xf32, #tpu.memory_space<vmem>>
      %get3A_916 = arith.index_cast %add3A_910 : i32 to index
      %get3A_917 = arith.constant 0 : index
      %get3A_918 = tpu.vector_load %get3A_915[%get3A_916, %get3A_917] {strides = array<i32>} : memref<256x128xf32, #tpu.memory_space<vmem>>, vector<16xf32>,
      %swap3A_919 = arith.constant 0 : i32
      %swap3A_920 = arith.index_cast %swap3A_919 : i32 to index
      %swap3A_921 = arith.index_cast %add3A_908 : i32 to index
      %swap3A_922 = arith.constant 0 : index
      %swap3A_923 = tpu.vector_load %arg8[%swap3A_920, %swap3A_921, %swap3A_922] {strides = array<i32>} : memref<2x128x64xf32, #tpu.memory_space<vmem>>, vector<16xf32>,
      tpu.vector_store %arg8[%swap3A_920, %swap3A_921, %swap3A_922], %get3A_918 {strides = array<i32>} : memref<2x128x64xf32, #tpu.memory_space<vmem>>, vector<16xf32>,
      %add3A_924 = arith.constant 0 : i32
      %add3A_925 = arith.addi %add3A_924, %add3A_908 : i32
      %get3A_926 = arith.constant 0 : i32
      %get3A_927 = arith.constant 0 : i32
      %get3A_928 = arith.constant 0 : i32
      %get3A_929 = tpu.memref_slice %arg7[%get3A_926, %get3A_927, %get3A_928] : memref<2x256x128xf32, #tpu.memory_space<vmem>> -> memref<1x256x128xf32, #tpu.memory_space<vmem>>
      %get3A_930 = tpu.memref_squeeze %get3A_929 : memref<1x256x128xf32, #tpu.memory_space<vmem>> -> memref<256x128xf32, #tpu.memory_space<vmem>>
      %get3A_931 = arith.index_cast %add3A_925 : i32 to index
      %get3A_932 = arith.constant 16 : index
      %get3A_933 = tpu.vector_load %get3A_930[%get3A_931, %get3A_932] {strides = array<i32>} : memref<256x128xf32, #tpu.memory_space<vmem>>, vector<16xf32>,
      %swap3A_934 = arith.constant 0 : i32
      %swap3A_935 = arith.index_cast %swap3A_934 : i32 to index
      %swap3A_936 = arith.index_cast %add3A_908 : i32 to index
      %swap3A_937 = arith.constant 16 : index
      %swap3A_938 = tpu.vector_load %arg8[%swap3A_935, %swap3A_936, %swap3A_937] {strides = array<i32>} : memref<2x128x64xf32, #tpu.memory_space<vmem>>, vector<16xf32>,
      tpu.vector_store %arg8[%swap3A_935, %swap3A_936, %swap3A_937], %get3A_933 {strides = array<i32>} : memref<2x128x64xf32, #tpu.memory_space<vmem>>, vector<16xf32>,
      %add3A_939 = arith.constant 0 : i32
      %add3A_940 = arith.addi %add3A_939, %add3A_908 : i32
      %get3A_941 = arith.constant 0 : i32
      %get3A_942 = arith.constant 0 : i32
      %get3A_943 = arith.constant 0 : i32
      %get3A_944 = tpu.memref_slice %arg7[%get3A_941, %get3A_942, %get3A_943] : memref<2x256x128xf32, #tpu.memory_space<vmem>> -> memref<1x256x128xf32, #tpu.memory_space<vmem>>
      %get3A_945 = tpu.memref_squeeze %get3A_944 : memref<1x256x128xf32, #tpu.memory_space<vmem>> -> memref<256x128xf32, #tpu.memory_space<vmem>>
      %get3A_946 = arith.index_cast %add3A_940 : i32 to index
      %get3A_947 = arith.constant 32 : index
      %get3A_948 = tpu.vector_load %get3A_945[%get3A_946, %get3A_947] {strides = array<i32>} : memref<256x128xf32, #tpu.memory_space<vmem>>, vector<16xf32>,
      %swap3A_949 = arith.constant 0 : i32
      %swap3A_950 = arith.index_cast %swap3A_949 : i32 to index
      %swap3A_951 = arith.index_cast %add3A_908 : i32 to index
      %swap3A_952 = arith.constant 32 : index
      %swap3A_953 = tpu.vector_load %arg8[%swap3A_950, %swap3A_951, %swap3A_952] {strides = array<i32>} : memref<2x128x64xf32, #tpu.memory_space<vmem>>, vector<16xf32>,
      tpu.vector_store %arg8[%swap3A_950, %swap3A_951, %swap3A_952], %get3A_948 {strides = array<i32>} : memref<2x128x64xf32, #tpu.memory_space<vmem>>, vector<16xf32>,
      %add3A_954 = arith.constant 0 : i32
      %add3A_955 = arith.addi %add3A_954, %add3A_908 : i32
      %get3A_956 = arith.constant 0 : i32
      %get3A_957 = arith.constant 0 : i32
      %get3A_958 = arith.constant 0 : i32
      %get3A_959 = tpu.memref_slice %arg7[%get3A_956, %get3A_957, %get3A_958] : memref<2x256x128xf32, #tpu.memory_space<vmem>> -> memref<1x256x128xf32, #tpu.memory_space<vmem>>
      %get3A_960 = tpu.memref_squeeze %get3A_959 : memref<1x256x128xf32, #tpu.memory_space<vmem>> -> memref<256x128xf32, #tpu.memory_space<vmem>>
      %get3A_961 = arith.index_cast %add3A_955 : i32 to index
      %get3A_962 = arith.constant 48 : index
      %get3A_963 = tpu.vector_load %get3A_960[%get3A_961, %get3A_962] {strides = array<i32>} : memref<256x128xf32, #tpu.memory_space<vmem>>, vector<16xf32>,
      %swap3A_964 = arith.constant 0 : i32
      %swap3A_965 = arith.index_cast %swap3A_964 : i32 to index
      %swap3A_966 = arith.index_cast %add3A_908 : i32 to index
      %swap3A_967 = arith.constant 48 : index
      %swap3A_968 = tpu.vector_load %arg8[%swap3A_965, %swap3A_966, %swap3A_967] {strides = array<i32>} : memref<2x128x64xf32, #tpu.memory_space<vmem>>, vector<16xf32>,
      tpu.vector_store %arg8[%swap3A_965, %swap3A_966, %swap3A_967], %get3A_963 {strides = array<i32>} : memref<2x128x64xf32, #tpu.memory_space<vmem>>, vector<16xf32>,
      %mul3A_969 = arith.constant 4 : i32
      %mul3A_970 = arith.muli %scan3A_841, %mul3A_969 : i32
      %add3A_971 = arith.constant 2 : i32
      %add3A_972 = arith.addi %mul3A_970, %add3A_971 : i32
      %add3A_973 = arith.constant 0 : i32
      %add3A_974 = arith.addi %add3A_973, %add3A_972 : i32
      %get3A_975 = arith.constant 0 : i32
      %get3A_976 = arith.constant 0 : i32
      %get3A_977 = arith.constant 0 : i32
      %get3A_978 = tpu.memref_slice %arg7[%get3A_975, %get3A_976, %get3A_977] : memref<2x256x128xf32, #tpu.memory_space<vmem>> -> memref<1x256x128xf32, #tpu.memory_space<vmem>>
      %get3A_979 = tpu.memref_squeeze %get3A_978 : memref<1x256x128xf32, #tpu.memory_space<vmem>> -> memref<256x128xf32, #tpu.memory_space<vmem>>
      %get3A_980 = arith.index_cast %add3A_974 : i32 to index
      %get3A_981 = arith.constant 0 : index
      %get3A_982 = tpu.vector_load %get3A_979[%get3A_980, %get3A_981] {strides = array<i32>} : memref<256x128xf32, #tpu.memory_space<vmem>>, vector<16xf32>,
      %swap3A_983 = arith.constant 0 : i32
      %swap3A_984 = arith.index_cast %swap3A_983 : i32 to index
      %swap3A_985 = arith.index_cast %add3A_972 : i32 to index
      %swap3A_986 = arith.constant 0 : index
      %swap3A_987 = tpu.vector_load %arg8[%swap3A_984, %swap3A_985, %swap3A_986] {strides = array<i32>} : memref<2x128x64xf32, #tpu.memory_space<vmem>>, vector<16xf32>,
      tpu.vector_store %arg8[%swap3A_984, %swap3A_985, %swap3A_986], %get3A_982 {strides = array<i32>} : memref<2x128x64xf32, #tpu.memory_space<vmem>>, vector<16xf32>,
      %add3A_988 = arith.constant 0 : i32
      %add3A_989 = arith.addi %add3A_988, %add3A_972 : i32
      %get3A_990 = arith.constant 0 : i32
      %get3A_991 = arith.constant 0 : i32
      %get3A_992 = arith.constant 0 : i32
      %get3A_993 = tpu.memref_slice %arg7[%get3A_990, %get3A_991, %get3A_992] : memref<2x256x128xf32, #tpu.memory_space<vmem>> -> memref<1x256x128xf32, #tpu.memory_space<vmem>>
      %get3A_994 = tpu.memref_squeeze %get3A_993 : memref<1x256x128xf32, #tpu.memory_space<vmem>> -> memref<256x128xf32, #tpu.memory_space<vmem>>
      %get3A_995 = arith.index_cast %add3A_989 : i32 to index
      %get3A_996 = arith.constant 16 : index
      %get3A_997 = tpu.vector_load %get3A_994[%get3A_995, %get3A_996] {strides = array<i32>} : memref<256x128xf32, #tpu.memory_space<vmem>>, vector<16xf32>,
      %swap3A_998 = arith.constant 0 : i32
      %swap3A_999 = arith.index_cast %swap3A_998 : i32 to index
      %swap3A_1000 = arith.index_cast %add3A_972 : i32 to index
      %swap3A_1001 = arith.constant 16 : index
      %swap3A_1002 = tpu.vector_load %arg8[%swap3A_999, %swap3A_1000, %swap3A_1001] {strides = array<i32>} : memref<2x128x64xf32, #tpu.memory_space<vmem>>, vector<16xf32>,
      tpu.vector_store %arg8[%swap3A_999, %swap3A_1000, %swap3A_1001], %get3A_997 {strides = array<i32>} : memref<2x128x64xf32, #tpu.memory_space<vmem>>, vector<16xf32>,
      %add3A_1003 = arith.constant 0 : i32
      %add3A_1004 = arith.addi %add3A_1003, %add3A_972 : i32
      %get3A_1005 = arith.constant 0 : i32
      %get3A_1006 = arith.constant 0 : i32
      %get3A_1007 = arith.constant 0 : i32
      %get3A_1008 = tpu.memref_slice %arg7[%get3A_1005, %get3A_1006, %get3A_1007] : memref<2x256x128xf32, #tpu.memory_space<vmem>> -> memref<1x256x128xf32, #tpu.memory_space<vmem>>
      %get3A_1009 = tpu.memref_squeeze %get3A_1008 : memref<1x256x128xf32, #tpu.memory_space<vmem>> -> memref<256x128xf32, #tpu.memory_space<vmem>>
      %get3A_1010 = arith.index_cast %add3A_1004 : i32 to index
      %get3A_1011 = arith.constant 32 : index
      %get3A_1012 = tpu.vector_load %get3A_1009[%get3A_1010, %get3A_1011] {strides = array<i32>} : memref<256x128xf32, #tpu.memory_space<vmem>>, vector<16xf32>,
      %swap3A_1013 = arith.constant 0 : i32
      %swap3A_1014 = arith.index_cast %swap3A_1013 : i32 to index
      %swap3A_1015 = arith.index_cast %add3A_972 : i32 to index
      %swap3A_1016 = arith.constant 32 : index
      %swap3A_1017 = tpu.vector_load %arg8[%swap3A_1014, %swap3A_1015, %swap3A_1016] {strides = array<i32>} : memref<2x128x64xf32, #tpu.memory_space<vmem>>, vector<16xf32>,
      tpu.vector_store %arg8[%swap3A_1014, %swap3A_1015, %swap3A_1016], %get3A_1012 {strides = array<i32>} : memref<2x128x64xf32, #tpu.memory_space<vmem>>, vector<16xf32>,
      %add3A_1018 = arith.constant 0 : i32
      %add3A_1019 = arith.addi %add3A_1018, %add3A_972 : i32
      %get3A_1020 = arith.constant 0 : i32
      %get3A_1021 = arith.constant 0 : i32
      %get3A_1022 = arith.constant 0 : i32
      %get3A_1023 = tpu.memref_slice %arg7[%get3A_1020, %get3A_1021, %get3A_1022] : memref<2x256x128xf32, #tpu.memory_space<vmem>> -> memref<1x256x128xf32, #tpu.memory_space<vmem>>
      %get3A_1024 = tpu.memref_squeeze %get3A_1023 : memref<1x256x128xf32, #tpu.memory_space<vmem>> -> memref<256x128xf32, #tpu.memory_space<vmem>>
      %get3A_1025 = arith.index_cast %add3A_1019 : i32 to index
      %get3A_1026 = arith.constant 48 : index
      %get3A_1027 = tpu.vector_load %get3A_1024[%get3A_1025, %get3A_1026] {strides = array<i32>} : memref<256x128xf32, #tpu.memory_space<vmem>>, vector<16xf32>,
      %swap3A_1028 = arith.constant 0 : i32
      %swap3A_1029 = arith.index_cast %swap3A_1028 : i32 to index
      %swap3A_1030 = arith.index_cast %add3A_972 : i32 to index
      %swap3A_1031 = arith.constant 48 : index
      %swap3A_1032 = tpu.vector_load %arg8[%swap3A_1029, %swap3A_1030, %swap3A_1031] {strides = array<i32>} : memref<2x128x64xf32, #tpu.memory_space<vmem>>, vector<16xf32>,
      tpu.vector_store %arg8[%swap3A_1029, %swap3A_1030, %swap3A_1031], %get3A_1027 {strides = array<i32>} : memref<2x128x64xf32, #tpu.memory_space<vmem>>, vector<16xf32>,
      %mul3A_1033 = arith.constant 4 : i32
      %mul3A_1034 = arith.muli %scan3A_841, %mul3A_1033 : i32
      %add3A_1035 = arith.constant 3 : i32
      %add3A_1036 = arith.addi %mul3A_1034, %add3A_1035 : i32
      %add3A_1037 = arith.constant 0 : i32
      %add3A_1038 = arith.addi %add3A_1037, %add3A_1036 : i32
      %get3A_1039 = arith.constant 0 : i32
      %get3A_1040 = arith.constant 0 : i32
      %get3A_1041 = arith.constant 0 : i32
      %get3A_1042 = tpu.memref_slice %arg7[%get3A_1039, %get3A_1040, %get3A_1041] : memref<2x256x128xf32, #tpu.memory_space<vmem>> -> memref<1x256x128xf32, #tpu.memory_space<vmem>>
      %get3A_1043 = tpu.memref_squeeze %get3A_1042 : memref<1x256x128xf32, #tpu.memory_space<vmem>> -> memref<256x128xf32, #tpu.memory_space<vmem>>
      %get3A_1044 = arith.index_cast %add3A_1038 : i32 to index
      %get3A_1045 = arith.constant 0 : index
      %get3A_1046 = tpu.vector_load %get3A_1043[%get3A_1044, %get3A_1045] {strides = array<i32>} : memref<256x128xf32, #tpu.memory_space<vmem>>, vector<16xf32>,
      %swap3A_1047 = arith.constant 0 : i32
      %swap3A_1048 = arith.index_cast %swap3A_1047 : i32 to index
      %swap3A_1049 = arith.index_cast %add3A_1036 : i32 to index
      %swap3A_1050 = arith.constant 0 : index
      %swap3A_1051 = tpu.vector_load %arg8[%swap3A_1048, %swap3A_1049, %swap3A_1050] {strides = array<i32>} : memref<2x128x64xf32, #tpu.memory_space<vmem>>, vector<16xf32>,
      tpu.vector_store %arg8[%swap3A_1048, %swap3A_1049, %swap3A_1050], %get3A_1046 {strides = array<i32>} : memref<2x128x64xf32, #tpu.memory_space<vmem>>, vector<16xf32>,
      %add3A_1052 = arith.constant 0 : i32
      %add3A_1053 = arith.addi %add3A_1052, %add3A_1036 : i32
      %get3A_1054 = arith.constant 0 : i32
      %get3A_1055 = arith.constant 0 : i32
      %get3A_1056 = arith.constant 0 : i32
      %get3A_1057 = tpu.memref_slice %arg7[%get3A_1054, %get3A_1055, %get3A_1056] : memref<2x256x128xf32, #tpu.memory_space<vmem>> -> memref<1x256x128xf32, #tpu.memory_space<vmem>>
      %get3A_1058 = tpu.memref_squeeze %get3A_1057 : memref<1x256x128xf32, #tpu.memory_space<vmem>> -> memref<256x128xf32, #tpu.memory_space<vmem>>
      %get3A_1059 = arith.index_cast %add3A_1053 : i32 to index
      %get3A_1060 = arith.constant 16 : index
      %get3A_1061 = tpu.vector_load %get3A_1058[%get3A_1059, %get3A_1060] {strides = array<i32>} : memref<256x128xf32, #tpu.memory_space<vmem>>, vector<16xf32>,
      %swap3A_1062 = arith.constant 0 : i32
      %swap3A_1063 = arith.index_cast %swap3A_1062 : i32 to index
      %swap3A_1064 = arith.index_cast %add3A_1036 : i32 to index
      %swap3A_1065 = arith.constant 16 : index
      %swap3A_1066 = tpu.vector_load %arg8[%swap3A_1063, %swap3A_1064, %swap3A_1065] {strides = array<i32>} : memref<2x128x64xf32, #tpu.memory_space<vmem>>, vector<16xf32>,
      tpu.vector_store %arg8[%swap3A_1063, %swap3A_1064, %swap3A_1065], %get3A_1061 {strides = array<i32>} : memref<2x128x64xf32, #tpu.memory_space<vmem>>, vector<16xf32>,
      %add3A_1067 = arith.constant 0 : i32
      %add3A_1068 = arith.addi %add3A_1067, %add3A_1036 : i32
      %get3A_1069 = arith.constant 0 : i32
      %get3A_1070 = arith.constant 0 : i32
      %get3A_1071 = arith.constant 0 : i32
      %get3A_1072 = tpu.memref_slice %arg7[%get3A_1069, %get3A_1070, %get3A_1071] : memref<2x256x128xf32, #tpu.memory_space<vmem>> -> memref<1x256x128xf32, #tpu.memory_space<vmem>>
      %get3A_1073 = tpu.memref_squeeze %get3A_1072 : memref<1x256x128xf32, #tpu.memory_space<vmem>> -> memref<256x128xf32, #tpu.memory_space<vmem>>
      %get3A_1074 = arith.index_cast %add3A_1068 : i32 to index
      %get3A_1075 = arith.constant 32 : index
      %get3A_1076 = tpu.vector_load %get3A_1073[%get3A_1074, %get3A_1075] {strides = array<i32>} : memref<256x128xf32, #tpu.memory_space<vmem>>, vector<16xf32>,
      %swap3A_1077 = arith.constant 0 : i32
      %swap3A_1078 = arith.index_cast %swap3A_1077 : i32 to index
      %swap3A_1079 = arith.index_cast %add3A_1036 : i32 to index
      %swap3A_1080 = arith.constant 32 : index
      %swap3A_1081 = tpu.vector_load %arg8[%swap3A_1078, %swap3A_1079, %swap3A_1080] {strides = array<i32>} : memref<2x128x64xf32, #tpu.memory_space<vmem>>, vector<16xf32>,
      tpu.vector_store %arg8[%swap3A_1078, %swap3A_1079, %swap3A_1080], %get3A_1076 {strides = array<i32>} : memref<2x128x64xf32, #tpu.memory_space<vmem>>, vector<16xf32>,
      %add3A_1082 = arith.constant 0 : i32
      %add3A_1083 = arith.addi %add3A_1082, %add3A_1036 : i32
      %get3A_1084 = arith.constant 0 : i32
      %get3A_1085 = arith.constant 0 : i32
      %get3A_1086 = arith.constant 0 : i32
      %get3A_1087 = tpu.memref_slice %arg7[%get3A_1084, %get3A_1085, %get3A_1086] : memref<2x256x128xf32, #tpu.memory_space<vmem>> -> memref<1x256x128xf32, #tpu.memory_space<vmem>>
      %get3A_1088 = tpu.memref_squeeze %get3A_1087 : memref<1x256x128xf32, #tpu.memory_space<vmem>> -> memref<256x128xf32, #tpu.memory_space<vmem>>
      %get3A_1089 = arith.index_cast %add3A_1083 : i32 to index
      %get3A_1090 = arith.constant 48 : index
      %get3A_1091 = tpu.vector_load %get3A_1088[%get3A_1089, %get3A_1090] {strides = array<i32>} : memref<256x128xf32, #tpu.memory_space<vmem>>, vector<16xf32>,
      %swap3A_1092 = arith.constant 0 : i32
      %swap3A_1093 = arith.index_cast %swap3A_1092 : i32 to index
      %swap3A_1094 = arith.index_cast %add3A_1036 : i32 to index
      %swap3A_1095 = arith.constant 48 : index
      %swap3A_1096 = tpu.vector_load %arg8[%swap3A_1093, %swap3A_1094, %swap3A_1095] {strides = array<i32>} : memref<2x128x64xf32, #tpu.memory_space<vmem>>, vector<16xf32>,
      tpu.vector_store %arg8[%swap3A_1093, %swap3A_1094, %swap3A_1095], %get3A_1091 {strides = array<i32>} : memref<2x128x64xf32, #tpu.memory_space<vmem>>, vector<16xf32>,
    }
    %scan3A_676 = arith.constant 32 : i32
    %add3A_677 = arith.constant 25088 : i32
    %add3A_678 = arith.addi %mul3A_2, %add3A_677 : i32
    %add3A_679 = arith.constant 0 : i32
    %add3A_680 = arith.addi %add3A_678, %add3A_679 : i32
    %dma_start3A_681 = arith.constant 0 : i32
    %dma_start3A_682 = arith.constant 0 : i32
    %dma_start3A_683 = arith.constant 0 : i32
    %dma_start3A_684 = tpu.memref_slice %arg8[%dma_start3A_681, %dma_start3A_682, %dma_start3A_683] : memref<2x128x64xf32, #tpu.memory_space<vmem>> -> memref<1x128x64xf32, #tpu.memory_space<vmem>>
    %dma_start3A_685 = tpu.memref_squeeze %dma_start3A_684 : memref<1x128x64xf32, #tpu.memory_space<vmem>> -> memref<128x64xf32, #tpu.memory_space<vmem>>
    %dma_start3A_686 = arith.constant 0 : i32
    %dma_start3A_687 = tpu.memref_slice %arg4[%add3A_680, %dma_start3A_686] : memref<819200x64xf32, #tpu.memory_space<hbm>> -> memref<128x64xf32, #tpu.memory_space<hbm>>
    %dma_start3A_688 = arith.constant 0 : i32
    %dma_start3A_689 = tpu.memref_slice %arg4[%add3A_680, %dma_start3A_688] : memref<819200x64xf32, #tpu.memory_space<hbm>> -> memref<128x64xf32, #tpu.memory_space<hbm>>
    %dma_start3A_690 = arith.constant 0 : i32
    %dma_start3A_691 = arith.constant 0 : i32
    %dma_start3A_692 = tpu.memref_slice %arg8[%dma_start3A_681, %dma_start3A_690, %dma_start3A_691] : memref<2x128x64xf32, #tpu.memory_space<vmem>> -> memref<1x128x64xf32, #tpu.memory_space<vmem>>
    %dma_start3A_693 = tpu.memref_squeeze %dma_start3A_692 : memref<1x128x64xf32, #tpu.memory_space<vmem>> -> memref<128x64xf32, #tpu.memory_space<vmem>>
    tpu.enqueue_dma source(%dma_start3A_693 : memref<128x64xf32, #tpu.memory_space<vmem>>) target(%dma_start3A_689 : memref<128x64xf32, #tpu.memory_space<hbm>>) target_semaphore(%arg11 : memref<!tpu.dma_semaphore, #tpu.memory_space<semaphore_mem>>)
    %gt3A_694 = arith.constant 98 : i32
    %gt3A_695 = arith.constant 0 : i32
    %gt3A_696 = arith.cmpi sgt, %gt3A_694, %gt3A_695 : i32
    %convert_element_type3A_697 = arith.extui %gt3A_696 : i1 to i32
    %cond3A_698 = arith.constant 0 : i32
    %cond3A_699 = arith.cmpi ne, %convert_element_type3A_697, %cond3A_698 : i32
    scf.if %cond3A_699 {
      %dma_wait3A_841 = arith.constant 1 : i32
      %dma_wait3A_842 = arith.constant 0 : i32
      %dma_wait3A_843 = arith.constant 0 : i32
      %dma_wait3A_844 = tpu.memref_slice %arg8[%dma_wait3A_841, %dma_wait3A_842, %dma_wait3A_843] : memref<2x128x64xf32, #tpu.memory_space<vmem>> -> memref<1x128x64xf32, #tpu.memory_space<vmem>>
      %dma_wait3A_845 = tpu.memref_squeeze %dma_wait3A_844 : memref<1x128x64xf32, #tpu.memory_space<vmem>> -> memref<128x64xf32, #tpu.memory_space<vmem>>
      %dma_wait3A_846 = arith.constant 0 : i32
      %dma_wait3A_847 = tpu.memref_slice %arg4[%mul3A_2, %dma_wait3A_846] : memref<819200x64xf32, #tpu.memory_space<hbm>> -> memref<128x64xf32, #tpu.memory_space<hbm>>
      %dma_wait3A_848 = arith.constant 0 : i32
      %dma_wait3A_849 = tpu.memref_slice %arg4[%mul3A_2, %dma_wait3A_848] : memref<819200x64xf32, #tpu.memory_space<hbm>> -> memref<128x64xf32, #tpu.memory_space<hbm>>
      %dma_wait3A_850 = arith.constant 0 : i32
      %dma_wait3A_851 = arith.constant 0 : i32
      %dma_wait3A_852 = tpu.memref_slice %arg8[%dma_wait3A_841, %dma_wait3A_850, %dma_wait3A_851] : memref<2x128x64xf32, #tpu.memory_space<vmem>> -> memref<1x128x64xf32, #tpu.memory_space<vmem>>
      %dma_wait3A_853 = tpu.memref_squeeze %dma_wait3A_852 : memref<1x128x64xf32, #tpu.memory_space<vmem>> -> memref<128x64xf32, #tpu.memory_space<vmem>>
      tpu.wait_dma2 semaphore(%arg12 : memref<!tpu.dma_semaphore, #tpu.memory_space<semaphore_mem>>) src(%dma_wait3A_853 : memref<128x64xf32, #tpu.memory_space<vmem>>) dst(%dma_wait3A_849 : memref<128x64xf32, #tpu.memory_space<hbm>>)
    } else {
    }
    %scan3A_700 = arith.constant 0 : i32
    %scan3A_701 = arith.constant 0 : i32
    %scan3A_702 = arith.constant 32 : i32
    %scan3A_703 = arith.addi %scan3A_701, %scan3A_702 : i32
    %scan3A_704 = arith.constant 1 : i32
    scf.for %scan3A_841 = %scan3A_701 to %scan3A_703 step %scan3A_704  : i32 {
      %mul3A_842 = arith.constant 4 : i32
      %mul3A_843 = arith.muli %scan3A_841, %mul3A_842 : i32
      %add3A_844 = arith.constant 0 : i32
      %add3A_845 = arith.addi %mul3A_843, %add3A_844 : i32
      %add3A_846 = arith.constant 128 : i32
      %add3A_847 = arith.addi %add3A_846, %add3A_845 : i32
      %get3A = arith.constant 0 : i32
      %get3A_848 = arith.constant 0 : i32
      %get3A_849 = arith.constant 0 : i32
      %get3A_850 = tpu.memref_slice %arg7[%get3A, %get3A_848, %get3A_849] : memref<2x256x128xf32, #tpu.memory_space<vmem>> -> memref<1x256x128xf32, #tpu.memory_space<vmem>>
      %get3A_851 = tpu.memref_squeeze %get3A_850 : memref<1x256x128xf32, #tpu.memory_space<vmem>> -> memref<256x128xf32, #tpu.memory_space<vmem>>
      %get3A_852 = arith.index_cast %add3A_847 : i32 to index
      %get3A_853 = arith.constant 0 : index
      %get3A_854 = tpu.vector_load %get3A_851[%get3A_852, %get3A_853] {strides = array<i32>} : memref<256x128xf32, #tpu.memory_space<vmem>>, vector<16xf32>,
      %swap3A_855 = arith.constant 1 : i32
      %swap3A_856 = arith.index_cast %swap3A_855 : i32 to index
      %swap3A_857 = arith.index_cast %add3A_845 : i32 to index
      %swap3A_858 = arith.constant 0 : index
      %swap3A_859 = tpu.vector_load %arg8[%swap3A_856, %swap3A_857, %swap3A_858] {strides = array<i32>} : memref<2x128x64xf32, #tpu.memory_space<vmem>>, vector<16xf32>,
      tpu.vector_store %arg8[%swap3A_856, %swap3A_857, %swap3A_858], %get3A_854 {strides = array<i32>} : memref<2x128x64xf32, #tpu.memory_space<vmem>>, vector<16xf32>,
      %add3A_860 = arith.constant 128 : i32
      %add3A_861 = arith.addi %add3A_860, %add3A_845 : i32
      %get3A_862 = arith.constant 0 : i32
      %get3A_863 = arith.constant 0 : i32
      %get3A_864 = arith.constant 0 : i32
      %get3A_865 = tpu.memref_slice %arg7[%get3A_862, %get3A_863, %get3A_864] : memref<2x256x128xf32, #tpu.memory_space<vmem>> -> memref<1x256x128xf32, #tpu.memory_space<vmem>>
      %get3A_866 = tpu.memref_squeeze %get3A_865 : memref<1x256x128xf32, #tpu.memory_space<vmem>> -> memref<256x128xf32, #tpu.memory_space<vmem>>
      %get3A_867 = arith.index_cast %add3A_861 : i32 to index
      %get3A_868 = arith.constant 16 : index
      %get3A_869 = tpu.vector_load %get3A_866[%get3A_867, %get3A_868] {strides = array<i32>} : memref<256x128xf32, #tpu.memory_space<vmem>>, vector<16xf32>,
      %swap3A_870 = arith.constant 1 : i32
      %swap3A_871 = arith.index_cast %swap3A_870 : i32 to index
      %swap3A_872 = arith.index_cast %add3A_845 : i32 to index
      %swap3A_873 = arith.constant 16 : index
      %swap3A_874 = tpu.vector_load %arg8[%swap3A_871, %swap3A_872, %swap3A_873] {strides = array<i32>} : memref<2x128x64xf32, #tpu.memory_space<vmem>>, vector<16xf32>,
      tpu.vector_store %arg8[%swap3A_871, %swap3A_872, %swap3A_873], %get3A_869 {strides = array<i32>} : memref<2x128x64xf32, #tpu.memory_space<vmem>>, vector<16xf32>,
      %add3A_875 = arith.constant 128 : i32
      %add3A_876 = arith.addi %add3A_875, %add3A_845 : i32
      %get3A_877 = arith.constant 0 : i32
      %get3A_878 = arith.constant 0 : i32
      %get3A_879 = arith.constant 0 : i32
      %get3A_880 = tpu.memref_slice %arg7[%get3A_877, %get3A_878, %get3A_879] : memref<2x256x128xf32, #tpu.memory_space<vmem>> -> memref<1x256x128xf32, #tpu.memory_space<vmem>>
      %get3A_881 = tpu.memref_squeeze %get3A_880 : memref<1x256x128xf32, #tpu.memory_space<vmem>> -> memref<256x128xf32, #tpu.memory_space<vmem>>
      %get3A_882 = arith.index_cast %add3A_876 : i32 to index
      %get3A_883 = arith.constant 32 : index
      %get3A_884 = tpu.vector_load %get3A_881[%get3A_882, %get3A_883] {strides = array<i32>} : memref<256x128xf32, #tpu.memory_space<vmem>>, vector<16xf32>,
      %swap3A_885 = arith.constant 1 : i32
      %swap3A_886 = arith.index_cast %swap3A_885 : i32 to index
      %swap3A_887 = arith.index_cast %add3A_845 : i32 to index
      %swap3A_888 = arith.constant 32 : index
      %swap3A_889 = tpu.vector_load %arg8[%swap3A_886, %swap3A_887, %swap3A_888] {strides = array<i32>} : memref<2x128x64xf32, #tpu.memory_space<vmem>>, vector<16xf32>,
      tpu.vector_store %arg8[%swap3A_886, %swap3A_887, %swap3A_888], %get3A_884 {strides = array<i32>} : memref<2x128x64xf32, #tpu.memory_space<vmem>>, vector<16xf32>,
      %add3A_890 = arith.constant 128 : i32
      %add3A_891 = arith.addi %add3A_890, %add3A_845 : i32
      %get3A_892 = arith.constant 0 : i32
      %get3A_893 = arith.constant 0 : i32
      %get3A_894 = arith.constant 0 : i32
      %get3A_895 = tpu.memref_slice %arg7[%get3A_892, %get3A_893, %get3A_894] : memref<2x256x128xf32, #tpu.memory_space<vmem>> -> memref<1x256x128xf32, #tpu.memory_space<vmem>>
      %get3A_896 = tpu.memref_squeeze %get3A_895 : memref<1x256x128xf32, #tpu.memory_space<vmem>> -> memref<256x128xf32, #tpu.memory_space<vmem>>
      %get3A_897 = arith.index_cast %add3A_891 : i32 to index
      %get3A_898 = arith.constant 48 : index
      %get3A_899 = tpu.vector_load %get3A_896[%get3A_897, %get3A_898] {strides = array<i32>} : memref<256x128xf32, #tpu.memory_space<vmem>>, vector<16xf32>,
      %swap3A_900 = arith.constant 1 : i32
      %swap3A_901 = arith.index_cast %swap3A_900 : i32 to index
      %swap3A_902 = arith.index_cast %add3A_845 : i32 to index
      %swap3A_903 = arith.constant 48 : index
      %swap3A_904 = tpu.vector_load %arg8[%swap3A_901, %swap3A_902, %swap3A_903] {strides = array<i32>} : memref<2x128x64xf32, #tpu.memory_space<vmem>>, vector<16xf32>,
      tpu.vector_store %arg8[%swap3A_901, %swap3A_902, %swap3A_903], %get3A_899 {strides = array<i32>} : memref<2x128x64xf32, #tpu.memory_space<vmem>>, vector<16xf32>,
      %mul3A_905 = arith.constant 4 : i32
      %mul3A_906 = arith.muli %scan3A_841, %mul3A_905 : i32
      %add3A_907 = arith.constant 1 : i32
      %add3A_908 = arith.addi %mul3A_906, %add3A_907 : i32
      %add3A_909 = arith.constant 128 : i32
      %add3A_910 = arith.addi %add3A_909, %add3A_908 : i32
      %get3A_911 = arith.constant 0 : i32
      %get3A_912 = arith.constant 0 : i32
      %get3A_913 = arith.constant 0 : i32
      %get3A_914 = tpu.memref_slice %arg7[%get3A_911, %get3A_912, %get3A_913] : memref<2x256x128xf32, #tpu.memory_space<vmem>> -> memref<1x256x128xf32, #tpu.memory_space<vmem>>
      %get3A_915 = tpu.memref_squeeze %get3A_914 : memref<1x256x128xf32, #tpu.memory_space<vmem>> -> memref<256x128xf32, #tpu.memory_space<vmem>>
      %get3A_916 = arith.index_cast %add3A_910 : i32 to index
      %get3A_917 = arith.constant 0 : index
      %get3A_918 = tpu.vector_load %get3A_915[%get3A_916, %get3A_917] {strides = array<i32>} : memref<256x128xf32, #tpu.memory_space<vmem>>, vector<16xf32>,
      %swap3A_919 = arith.constant 1 : i32
      %swap3A_920 = arith.index_cast %swap3A_919 : i32 to index
      %swap3A_921 = arith.index_cast %add3A_908 : i32 to index
      %swap3A_922 = arith.constant 0 : index
      %swap3A_923 = tpu.vector_load %arg8[%swap3A_920, %swap3A_921, %swap3A_922] {strides = array<i32>} : memref<2x128x64xf32, #tpu.memory_space<vmem>>, vector<16xf32>,
      tpu.vector_store %arg8[%swap3A_920, %swap3A_921, %swap3A_922], %get3A_918 {strides = array<i32>} : memref<2x128x64xf32, #tpu.memory_space<vmem>>, vector<16xf32>,
      %add3A_924 = arith.constant 128 : i32
      %add3A_925 = arith.addi %add3A_924, %add3A_908 : i32
      %get3A_926 = arith.constant 0 : i32
      %get3A_927 = arith.constant 0 : i32
      %get3A_928 = arith.constant 0 : i32
      %get3A_929 = tpu.memref_slice %arg7[%get3A_926, %get3A_927, %get3A_928] : memref<2x256x128xf32, #tpu.memory_space<vmem>> -> memref<1x256x128xf32, #tpu.memory_space<vmem>>
      %get3A_930 = tpu.memref_squeeze %get3A_929 : memref<1x256x128xf32, #tpu.memory_space<vmem>> -> memref<256x128xf32, #tpu.memory_space<vmem>>
      %get3A_931 = arith.index_cast %add3A_925 : i32 to index
      %get3A_932 = arith.constant 16 : index
      %get3A_933 = tpu.vector_load %get3A_930[%get3A_931, %get3A_932] {strides = array<i32>} : memref<256x128xf32, #tpu.memory_space<vmem>>, vector<16xf32>,
      %swap3A_934 = arith.constant 1 : i32
      %swap3A_935 = arith.index_cast %swap3A_934 : i32 to index
      %swap3A_936 = arith.index_cast %add3A_908 : i32 to index
      %swap3A_937 = arith.constant 16 : index
      %swap3A_938 = tpu.vector_load %arg8[%swap3A_935, %swap3A_936, %swap3A_937] {strides = array<i32>} : memref<2x128x64xf32, #tpu.memory_space<vmem>>, vector<16xf32>,
      tpu.vector_store %arg8[%swap3A_935, %swap3A_936, %swap3A_937], %get3A_933 {strides = array<i32>} : memref<2x128x64xf32, #tpu.memory_space<vmem>>, vector<16xf32>,
      %add3A_939 = arith.constant 128 : i32
      %add3A_940 = arith.addi %add3A_939, %add3A_908 : i32
      %get3A_941 = arith.constant 0 : i32
      %get3A_942 = arith.constant 0 : i32
      %get3A_943 = arith.constant 0 : i32
      %get3A_944 = tpu.memref_slice %arg7[%get3A_941, %get3A_942, %get3A_943] : memref<2x256x128xf32, #tpu.memory_space<vmem>> -> memref<1x256x128xf32, #tpu.memory_space<vmem>>
      %get3A_945 = tpu.memref_squeeze %get3A_944 : memref<1x256x128xf32, #tpu.memory_space<vmem>> -> memref<256x128xf32, #tpu.memory_space<vmem>>
      %get3A_946 = arith.index_cast %add3A_940 : i32 to index
      %get3A_947 = arith.constant 32 : index
      %get3A_948 = tpu.vector_load %get3A_945[%get3A_946, %get3A_947] {strides = array<i32>} : memref<256x128xf32, #tpu.memory_space<vmem>>, vector<16xf32>,
      %swap3A_949 = arith.constant 1 : i32
      %swap3A_950 = arith.index_cast %swap3A_949 : i32 to index
      %swap3A_951 = arith.index_cast %add3A_908 : i32 to index
      %swap3A_952 = arith.constant 32 : index
      %swap3A_953 = tpu.vector_load %arg8[%swap3A_950, %swap3A_951, %swap3A_952] {strides = array<i32>} : memref<2x128x64xf32, #tpu.memory_space<vmem>>, vector<16xf32>,
      tpu.vector_store %arg8[%swap3A_950, %swap3A_951, %swap3A_952], %get3A_948 {strides = array<i32>} : memref<2x128x64xf32, #tpu.memory_space<vmem>>, vector<16xf32>,
      %add3A_954 = arith.constant 128 : i32
      %add3A_955 = arith.addi %add3A_954, %add3A_908 : i32
      %get3A_956 = arith.constant 0 : i32
      %get3A_957 = arith.constant 0 : i32
      %get3A_958 = arith.constant 0 : i32
      %get3A_959 = tpu.memref_slice %arg7[%get3A_956, %get3A_957, %get3A_958] : memref<2x256x128xf32, #tpu.memory_space<vmem>> -> memref<1x256x128xf32, #tpu.memory_space<vmem>>
      %get3A_960 = tpu.memref_squeeze %get3A_959 : memref<1x256x128xf32, #tpu.memory_space<vmem>> -> memref<256x128xf32, #tpu.memory_space<vmem>>
      %get3A_961 = arith.index_cast %add3A_955 : i32 to index
      %get3A_962 = arith.constant 48 : index
      %get3A_963 = tpu.vector_load %get3A_960[%get3A_961, %get3A_962] {strides = array<i32>} : memref<256x128xf32, #tpu.memory_space<vmem>>, vector<16xf32>,
      %swap3A_964 = arith.constant 1 : i32
      %swap3A_965 = arith.index_cast %swap3A_964 : i32 to index
      %swap3A_966 = arith.index_cast %add3A_908 : i32 to index
      %swap3A_967 = arith.constant 48 : index
      %swap3A_968 = tpu.vector_load %arg8[%swap3A_965, %swap3A_966, %swap3A_967] {strides = array<i32>} : memref<2x128x64xf32, #tpu.memory_space<vmem>>, vector<16xf32>,
      tpu.vector_store %arg8[%swap3A_965, %swap3A_966, %swap3A_967], %get3A_963 {strides = array<i32>} : memref<2x128x64xf32, #tpu.memory_space<vmem>>, vector<16xf32>,
      %mul3A_969 = arith.constant 4 : i32
      %mul3A_970 = arith.muli %scan3A_841, %mul3A_969 : i32
      %add3A_971 = arith.constant 2 : i32
      %add3A_972 = arith.addi %mul3A_970, %add3A_971 : i32
      %add3A_973 = arith.constant 128 : i32
      %add3A_974 = arith.addi %add3A_973, %add3A_972 : i32
      %get3A_975 = arith.constant 0 : i32
      %get3A_976 = arith.constant 0 : i32
      %get3A_977 = arith.constant 0 : i32
      %get3A_978 = tpu.memref_slice %arg7[%get3A_975, %get3A_976, %get3A_977] : memref<2x256x128xf32, #tpu.memory_space<vmem>> -> memref<1x256x128xf32, #tpu.memory_space<vmem>>
      %get3A_979 = tpu.memref_squeeze %get3A_978 : memref<1x256x128xf32, #tpu.memory_space<vmem>> -> memref<256x128xf32, #tpu.memory_space<vmem>>
      %get3A_980 = arith.index_cast %add3A_974 : i32 to index
      %get3A_981 = arith.constant 0 : index
      %get3A_982 = tpu.vector_load %get3A_979[%get3A_980, %get3A_981] {strides = array<i32>} : memref<256x128xf32, #tpu.memory_space<vmem>>, vector<16xf32>,
      %swap3A_983 = arith.constant 1 : i32
      %swap3A_984 = arith.index_cast %swap3A_983 : i32 to index
      %swap3A_985 = arith.index_cast %add3A_972 : i32 to index
      %swap3A_986 = arith.constant 0 : index
      %swap3A_987 = tpu.vector_load %arg8[%swap3A_984, %swap3A_985, %swap3A_986] {strides = array<i32>} : memref<2x128x64xf32, #tpu.memory_space<vmem>>, vector<16xf32>,
      tpu.vector_store %arg8[%swap3A_984, %swap3A_985, %swap3A_986], %get3A_982 {strides = array<i32>} : memref<2x128x64xf32, #tpu.memory_space<vmem>>, vector<16xf32>,
      %add3A_988 = arith.constant 128 : i32
      %add3A_989 = arith.addi %add3A_988, %add3A_972 : i32
      %get3A_990 = arith.constant 0 : i32
      %get3A_991 = arith.constant 0 : i32
      %get3A_992 = arith.constant 0 : i32
      %get3A_993 = tpu.memref_slice %arg7[%get3A_990, %get3A_991, %get3A_992] : memref<2x256x128xf32, #tpu.memory_space<vmem>> -> memref<1x256x128xf32, #tpu.memory_space<vmem>>
      %get3A_994 = tpu.memref_squeeze %get3A_993 : memref<1x256x128xf32, #tpu.memory_space<vmem>> -> memref<256x128xf32, #tpu.memory_space<vmem>>
      %get3A_995 = arith.index_cast %add3A_989 : i32 to index
      %get3A_996 = arith.constant 16 : index
      %get3A_997 = tpu.vector_load %get3A_994[%get3A_995, %get3A_996] {strides = array<i32>} : memref<256x128xf32, #tpu.memory_space<vmem>>, vector<16xf32>,
      %swap3A_998 = arith.constant 1 : i32
      %swap3A_999 = arith.index_cast %swap3A_998 : i32 to index
      %swap3A_1000 = arith.index_cast %add3A_972 : i32 to index
      %swap3A_1001 = arith.constant 16 : index
      %swap3A_1002 = tpu.vector_load %arg8[%swap3A_999, %swap3A_1000, %swap3A_1001] {strides = array<i32>} : memref<2x128x64xf32, #tpu.memory_space<vmem>>, vector<16xf32>,
      tpu.vector_store %arg8[%swap3A_999, %swap3A_1000, %swap3A_1001], %get3A_997 {strides = array<i32>} : memref<2x128x64xf32, #tpu.memory_space<vmem>>, vector<16xf32>,
      %add3A_1003 = arith.constant 128 : i32
      %add3A_1004 = arith.addi %add3A_1003, %add3A_972 : i32
      %get3A_1005 = arith.constant 0 : i32
      %get3A_1006 = arith.constant 0 : i32
      %get3A_1007 = arith.constant 0 : i32
      %get3A_1008 = tpu.memref_slice %arg7[%get3A_1005, %get3A_1006, %get3A_1007] : memref<2x256x128xf32, #tpu.memory_space<vmem>> -> memref<1x256x128xf32, #tpu.memory_space<vmem>>
      %get3A_1009 = tpu.memref_squeeze %get3A_1008 : memref<1x256x128xf32, #tpu.memory_space<vmem>> -> memref<256x128xf32, #tpu.memory_space<vmem>>
      %get3A_1010 = arith.index_cast %add3A_1004 : i32 to index
      %get3A_1011 = arith.constant 32 : index
      %get3A_1012 = tpu.vector_load %get3A_1009[%get3A_1010, %get3A_1011] {strides = array<i32>} : memref<256x128xf32, #tpu.memory_space<vmem>>, vector<16xf32>,
      %swap3A_1013 = arith.constant 1 : i32
      %swap3A_1014 = arith.index_cast %swap3A_1013 : i32 to index
      %swap3A_1015 = arith.index_cast %add3A_972 : i32 to index
      %swap3A_1016 = arith.constant 32 : index
      %swap3A_1017 = tpu.vector_load %arg8[%swap3A_1014, %swap3A_1015, %swap3A_1016] {strides = array<i32>} : memref<2x128x64xf32, #tpu.memory_space<vmem>>, vector<16xf32>,
      tpu.vector_store %arg8[%swap3A_1014, %swap3A_1015, %swap3A_1016], %get3A_1012 {strides = array<i32>} : memref<2x128x64xf32, #tpu.memory_space<vmem>>, vector<16xf32>,
      %add3A_1018 = arith.constant 128 : i32
      %add3A_1019 = arith.addi %add3A_1018, %add3A_972 : i32
      %get3A_1020 = arith.constant 0 : i32
      %get3A_1021 = arith.constant 0 : i32
      %get3A_1022 = arith.constant 0 : i32
      %get3A_1023 = tpu.memref_slice %arg7[%get3A_1020, %get3A_1021, %get3A_1022] : memref<2x256x128xf32, #tpu.memory_space<vmem>> -> memref<1x256x128xf32, #tpu.memory_space<vmem>>
      %get3A_1024 = tpu.memref_squeeze %get3A_1023 : memref<1x256x128xf32, #tpu.memory_space<vmem>> -> memref<256x128xf32, #tpu.memory_space<vmem>>
      %get3A_1025 = arith.index_cast %add3A_1019 : i32 to index
      %get3A_1026 = arith.constant 48 : index
      %get3A_1027 = tpu.vector_load %get3A_1024[%get3A_1025, %get3A_1026] {strides = array<i32>} : memref<256x128xf32, #tpu.memory_space<vmem>>, vector<16xf32>,
      %swap3A_1028 = arith.constant 1 : i32
      %swap3A_1029 = arith.index_cast %swap3A_1028 : i32 to index
      %swap3A_1030 = arith.index_cast %add3A_972 : i32 to index
      %swap3A_1031 = arith.constant 48 : index
      %swap3A_1032 = tpu.vector_load %arg8[%swap3A_1029, %swap3A_1030, %swap3A_1031] {strides = array<i32>} : memref<2x128x64xf32, #tpu.memory_space<vmem>>, vector<16xf32>,
      tpu.vector_store %arg8[%swap3A_1029, %swap3A_1030, %swap3A_1031], %get3A_1027 {strides = array<i32>} : memref<2x128x64xf32, #tpu.memory_space<vmem>>, vector<16xf32>,
      %mul3A_1033 = arith.constant 4 : i32
      %mul3A_1034 = arith.muli %scan3A_841, %mul3A_1033 : i32
      %add3A_1035 = arith.constant 3 : i32
      %add3A_1036 = arith.addi %mul3A_1034, %add3A_1035 : i32
      %add3A_1037 = arith.constant 128 : i32
      %add3A_1038 = arith.addi %add3A_1037, %add3A_1036 : i32
      %get3A_1039 = arith.constant 0 : i32
      %get3A_1040 = arith.constant 0 : i32
      %get3A_1041 = arith.constant 0 : i32
      %get3A_1042 = tpu.memref_slice %arg7[%get3A_1039, %get3A_1040, %get3A_1041] : memref<2x256x128xf32, #tpu.memory_space<vmem>> -> memref<1x256x128xf32, #tpu.memory_space<vmem>>
      %get3A_1043 = tpu.memref_squeeze %get3A_1042 : memref<1x256x128xf32, #tpu.memory_space<vmem>> -> memref<256x128xf32, #tpu.memory_space<vmem>>
      %get3A_1044 = arith.index_cast %add3A_1038 : i32 to index
      %get3A_1045 = arith.constant 0 : index
      %get3A_1046 = tpu.vector_load %get3A_1043[%get3A_1044, %get3A_1045] {strides = array<i32>} : memref<256x128xf32, #tpu.memory_space<vmem>>, vector<16xf32>,
      %swap3A_1047 = arith.constant 1 : i32
      %swap3A_1048 = arith.index_cast %swap3A_1047 : i32 to index
      %swap3A_1049 = arith.index_cast %add3A_1036 : i32 to index
      %swap3A_1050 = arith.constant 0 : index
      %swap3A_1051 = tpu.vector_load %arg8[%swap3A_1048, %swap3A_1049, %swap3A_1050] {strides = array<i32>} : memref<2x128x64xf32, #tpu.memory_space<vmem>>, vector<16xf32>,
      tpu.vector_store %arg8[%swap3A_1048, %swap3A_1049, %swap3A_1050], %get3A_1046 {strides = array<i32>} : memref<2x128x64xf32, #tpu.memory_space<vmem>>, vector<16xf32>,
      %add3A_1052 = arith.constant 128 : i32
      %add3A_1053 = arith.addi %add3A_1052, %add3A_1036 : i32
      %get3A_1054 = arith.constant 0 : i32
      %get3A_1055 = arith.constant 0 : i32
      %get3A_1056 = arith.constant 0 : i32
      %get3A_1057 = tpu.memref_slice %arg7[%get3A_1054, %get3A_1055, %get3A_1056] : memref<2x256x128xf32, #tpu.memory_space<vmem>> -> memref<1x256x128xf32, #tpu.memory_space<vmem>>
      %get3A_1058 = tpu.memref_squeeze %get3A_1057 : memref<1x256x128xf32, #tpu.memory_space<vmem>> -> memref<256x128xf32, #tpu.memory_space<vmem>>
      %get3A_1059 = arith.index_cast %add3A_1053 : i32 to index
      %get3A_1060 = arith.constant 16 : index
      %get3A_1061 = tpu.vector_load %get3A_1058[%get3A_1059, %get3A_1060] {strides = array<i32>} : memref<256x128xf32, #tpu.memory_space<vmem>>, vector<16xf32>,
      %swap3A_1062 = arith.constant 1 : i32
      %swap3A_1063 = arith.index_cast %swap3A_1062 : i32 to index
      %swap3A_1064 = arith.index_cast %add3A_1036 : i32 to index
      %swap3A_1065 = arith.constant 16 : index
      %swap3A_1066 = tpu.vector_load %arg8[%swap3A_1063, %swap3A_1064, %swap3A_1065] {strides = array<i32>} : memref<2x128x64xf32, #tpu.memory_space<vmem>>, vector<16xf32>,
      tpu.vector_store %arg8[%swap3A_1063, %swap3A_1064, %swap3A_1065], %get3A_1061 {strides = array<i32>} : memref<2x128x64xf32, #tpu.memory_space<vmem>>, vector<16xf32>,
      %add3A_1067 = arith.constant 128 : i32
      %add3A_1068 = arith.addi %add3A_1067, %add3A_1036 : i32
      %get3A_1069 = arith.constant 0 : i32
      %get3A_1070 = arith.constant 0 : i32
      %get3A_1071 = arith.constant 0 : i32
      %get3A_1072 = tpu.memref_slice %arg7[%get3A_1069, %get3A_1070, %get3A_1071] : memref<2x256x128xf32, #tpu.memory_space<vmem>> -> memref<1x256x128xf32, #tpu.memory_space<vmem>>
      %get3A_1073 = tpu.memref_squeeze %get3A_1072 : memref<1x256x128xf32, #tpu.memory_space<vmem>> -> memref<256x128xf32, #tpu.memory_space<vmem>>
      %get3A_1074 = arith.index_cast %add3A_1068 : i32 to index
      %get3A_1075 = arith.constant 32 : index
      %get3A_1076 = tpu.vector_load %get3A_1073[%get3A_1074, %get3A_1075] {strides = array<i32>} : memref<256x128xf32, #tpu.memory_space<vmem>>, vector<16xf32>,
      %swap3A_1077 = arith.constant 1 : i32
      %swap3A_1078 = arith.index_cast %swap3A_1077 : i32 to index
      %swap3A_1079 = arith.index_cast %add3A_1036 : i32 to index
      %swap3A_1080 = arith.constant 32 : index
      %swap3A_1081 = tpu.vector_load %arg8[%swap3A_1078, %swap3A_1079, %swap3A_1080] {strides = array<i32>} : memref<2x128x64xf32, #tpu.memory_space<vmem>>, vector<16xf32>,
      tpu.vector_store %arg8[%swap3A_1078, %swap3A_1079, %swap3A_1080], %get3A_1076 {strides = array<i32>} : memref<2x128x64xf32, #tpu.memory_space<vmem>>, vector<16xf32>,
      %add3A_1082 = arith.constant 128 : i32
      %add3A_1083 = arith.addi %add3A_1082, %add3A_1036 : i32
      %get3A_1084 = arith.constant 0 : i32
      %get3A_1085 = arith.constant 0 : i32
      %get3A_1086 = arith.constant 0 : i32
      %get3A_1087 = tpu.memref_slice %arg7[%get3A_1084, %get3A_1085, %get3A_1086] : memref<2x256x128xf32, #tpu.memory_space<vmem>> -> memref<1x256x128xf32, #tpu.memory_space<vmem>>
      %get3A_1088 = tpu.memref_squeeze %get3A_1087 : memref<1x256x128xf32, #tpu.memory_space<vmem>> -> memref<256x128xf32, #tpu.memory_space<vmem>>
      %get3A_1089 = arith.index_cast %add3A_1083 : i32 to index
      %get3A_1090 = arith.constant 48 : index
      %get3A_1091 = tpu.vector_load %get3A_1088[%get3A_1089, %get3A_1090] {strides = array<i32>} : memref<256x128xf32, #tpu.memory_space<vmem>>, vector<16xf32>,
      %swap3A_1092 = arith.constant 1 : i32
      %swap3A_1093 = arith.index_cast %swap3A_1092 : i32 to index
      %swap3A_1094 = arith.index_cast %add3A_1036 : i32 to index
      %swap3A_1095 = arith.constant 48 : index
      %swap3A_1096 = tpu.vector_load %arg8[%swap3A_1093, %swap3A_1094, %swap3A_1095] {strides = array<i32>} : memref<2x128x64xf32, #tpu.memory_space<vmem>>, vector<16xf32>,
      tpu.vector_store %arg8[%swap3A_1093, %swap3A_1094, %swap3A_1095], %get3A_1091 {strides = array<i32>} : memref<2x128x64xf32, #tpu.memory_space<vmem>>, vector<16xf32>,
    }
    %scan3A_705 = arith.constant 32 : i32
    %add3A_706 = arith.constant 25088 : i32
    %add3A_707 = arith.addi %mul3A_2, %add3A_706 : i32
    %add3A_708 = arith.constant 128 : i32
    %add3A_709 = arith.addi %add3A_707, %add3A_708 : i32
    %dma_start3A_710 = arith.constant 1 : i32
    %dma_start3A_711 = arith.constant 0 : i32
    %dma_start3A_712 = arith.constant 0 : i32
    %dma_start3A_713 = tpu.memref_slice %arg8[%dma_start3A_710, %dma_start3A_711, %dma_start3A_712] : memref<2x128x64xf32, #tpu.memory_space<vmem>> -> memref<1x128x64xf32, #tpu.memory_space<vmem>>
    %dma_start3A_714 = tpu.memref_squeeze %dma_start3A_713 : memref<1x128x64xf32, #tpu.memory_space<vmem>> -> memref<128x64xf32, #tpu.memory_space<vmem>>
    %dma_start3A_715 = arith.constant 0 : i32
    %dma_start3A_716 = tpu.memref_slice %arg4[%add3A_709, %dma_start3A_715] : memref<819200x64xf32, #tpu.memory_space<hbm>> -> memref<128x64xf32, #tpu.memory_space<hbm>>
    %dma_start3A_717 = arith.constant 0 : i32
    %dma_start3A_718 = tpu.memref_slice %arg4[%add3A_709, %dma_start3A_717] : memref<819200x64xf32, #tpu.memory_space<hbm>> -> memref<128x64xf32, #tpu.memory_space<hbm>>
    %dma_start3A_719 = arith.constant 0 : i32
    %dma_start3A_720 = arith.constant 0 : i32
    %dma_start3A_721 = tpu.memref_slice %arg8[%dma_start3A_710, %dma_start3A_719, %dma_start3A_720] : memref<2x128x64xf32, #tpu.memory_space<vmem>> -> memref<1x128x64xf32, #tpu.memory_space<vmem>>
    %dma_start3A_722 = tpu.memref_squeeze %dma_start3A_721 : memref<1x128x64xf32, #tpu.memory_space<vmem>> -> memref<128x64xf32, #tpu.memory_space<vmem>>
    tpu.enqueue_dma source(%dma_start3A_722 : memref<128x64xf32, #tpu.memory_space<vmem>>) target(%dma_start3A_718 : memref<128x64xf32, #tpu.memory_space<hbm>>) target_semaphore(%arg12 : memref<!tpu.dma_semaphore, #tpu.memory_space<semaphore_mem>>)
    %dma_wait3A_723 = arith.constant 1 : i32
    %dma_wait3A_724 = arith.constant 1 : i32
    %dma_wait3A_725 = arith.constant 0 : i32
    %dma_wait3A_726 = arith.constant 0 : i32
    %dma_wait3A_727 = tpu.memref_slice %arg7[%dma_wait3A_724, %dma_wait3A_725, %dma_wait3A_726] : memref<2x256x128xf32, #tpu.memory_space<vmem>> -> memref<1x256x128xf32, #tpu.memory_space<vmem>>
    %dma_wait3A_728 = tpu.memref_squeeze %dma_wait3A_727 : memref<1x256x128xf32, #tpu.memory_space<vmem>> -> memref<256x128xf32, #tpu.memory_space<vmem>>
    %dma_wait3A_729 = arith.constant 0 : i32
    %dma_wait3A_730 = arith.constant 0 : i32
    %dma_wait3A_731 = tpu.memref_slice %dma_wait3A_728[%dma_wait3A_729, %dma_wait3A_730] : memref<256x128xf32, #tpu.memory_space<vmem>> -> memref<128x128xf32, #tpu.memory_space<vmem>>
    %dma_wait3A_732 = arith.constant 0 : i32
    %dma_wait3A_733 = tpu.memref_slice %arg6[%dma_wait3A_723, %dma_wait3A_732] : memref<2x256xi32, #tpu.memory_space<vmem>> -> memref<1x256xi32, #tpu.memory_space<vmem>>
    %dma_wait3A_734 = tpu.memref_squeeze %dma_wait3A_733 : memref<1x256xi32, #tpu.memory_space<vmem>> -> memref<256xi32, #tpu.memory_space<vmem>>
    %dma_wait3A_735 = arith.constant 0 : i32
    %dma_wait3A_736 = tpu.memref_slice %dma_wait3A_734[%dma_wait3A_735] : memref<256xi32, #tpu.memory_space<vmem>> -> memref<128xi32, #tpu.memory_space<vmem>>
    %dma_wait3A_737 = arith.constant 0 : i32
    %dma_wait3A_738 = arith.constant 0 : i32
    %dma_wait3A_739 = tpu.memref_slice %arg3[%dma_wait3A_737, %dma_wait3A_738] : memref<1000000x128xf32, #tpu.memory_space<hbm>> -> memref<1000000x128xf32, #tpu.memory_space<hbm>>
    tpu.wait_indirect_dma semaphore(%arg10 : memref<!tpu.dma_semaphore, #tpu.memory_space<semaphore_mem>>) src(%dma_wait3A_739 : memref<1000000x128xf32, #tpu.memory_space<hbm>>) dst(%dma_wait3A_731 : memref<128x128xf32, #tpu.memory_space<vmem>>)
    %dma_wait3A_740 = arith.constant 1 : i32
    %dma_wait3A_741 = arith.constant 1 : i32
    %dma_wait3A_742 = arith.constant 0 : i32
    %dma_wait3A_743 = arith.constant 0 : i32
    %dma_wait3A_744 = tpu.memref_slice %arg7[%dma_wait3A_741, %dma_wait3A_742, %dma_wait3A_743] : memref<2x256x128xf32, #tpu.memory_space<vmem>> -> memref<1x256x128xf32, #tpu.memory_space<vmem>>
    %dma_wait3A_745 = tpu.memref_squeeze %dma_wait3A_744 : memref<1x256x128xf32, #tpu.memory_space<vmem>> -> memref<256x128xf32, #tpu.memory_space<vmem>>
    %dma_wait3A_746 = arith.constant 128 : i32
    %dma_wait3A_747 = arith.constant 0 : i32
    %dma_wait3A_748 = tpu.memref_slice %dma_wait3A_745[%dma_wait3A_746, %dma_wait3A_747] : memref<256x128xf32, #tpu.memory_space<vmem>> -> memref<128x128xf32, #tpu.memory_space<vmem>>
    %dma_wait3A_749 = arith.constant 0 : i32
    %dma_wait3A_750 = tpu.memref_slice %arg6[%dma_wait3A_740, %dma_wait3A_749] : memref<2x256xi32, #tpu.memory_space<vmem>> -> memref<1x256xi32, #tpu.memory_space<vmem>>
    %dma_wait3A_751 = tpu.memref_squeeze %dma_wait3A_750 : memref<1x256xi32, #tpu.memory_space<vmem>> -> memref<256xi32, #tpu.memory_space<vmem>>
    %dma_wait3A_752 = arith.constant 128 : i32
    %dma_wait3A_753 = tpu.memref_slice %dma_wait3A_751[%dma_wait3A_752] : memref<256xi32, #tpu.memory_space<vmem>> -> memref<128xi32, #tpu.memory_space<vmem>>
    %dma_wait3A_754 = arith.constant 0 : i32
    %dma_wait3A_755 = arith.constant 0 : i32
    %dma_wait3A_756 = tpu.memref_slice %arg3[%dma_wait3A_754, %dma_wait3A_755] : memref<1000000x128xf32, #tpu.memory_space<hbm>> -> memref<1000000x128xf32, #tpu.memory_space<hbm>>
    tpu.wait_indirect_dma semaphore(%arg10 : memref<!tpu.dma_semaphore, #tpu.memory_space<semaphore_mem>>) src(%dma_wait3A_756 : memref<1000000x128xf32, #tpu.memory_space<hbm>>) dst(%dma_wait3A_748 : memref<128x128xf32, #tpu.memory_space<vmem>>)
    %gt3A_757 = arith.constant 99 : i32
    %gt3A_758 = arith.constant 0 : i32
    %gt3A_759 = arith.cmpi sgt, %gt3A_757, %gt3A_758 : i32
    %convert_element_type3A_760 = arith.extui %gt3A_759 : i1 to i32
    %cond3A_761 = arith.constant 0 : i32
    %cond3A_762 = arith.cmpi ne, %convert_element_type3A_760, %cond3A_761 : i32
    scf.if %cond3A_762 {
      %dma_wait3A_841 = arith.constant 0 : i32
      %dma_wait3A_842 = arith.constant 0 : i32
      %dma_wait3A_843 = arith.constant 0 : i32
      %dma_wait3A_844 = tpu.memref_slice %arg8[%dma_wait3A_841, %dma_wait3A_842, %dma_wait3A_843] : memref<2x128x64xf32, #tpu.memory_space<vmem>> -> memref<1x128x64xf32, #tpu.memory_space<vmem>>
      %dma_wait3A_845 = tpu.memref_squeeze %dma_wait3A_844 : memref<1x128x64xf32, #tpu.memory_space<vmem>> -> memref<128x64xf32, #tpu.memory_space<vmem>>
      %dma_wait3A_846 = arith.constant 0 : i32
      %dma_wait3A_847 = tpu.memref_slice %arg4[%mul3A_2, %dma_wait3A_846] : memref<819200x64xf32, #tpu.memory_space<hbm>> -> memref<128x64xf32, #tpu.memory_space<hbm>>
      %dma_wait3A_848 = arith.constant 0 : i32
      %dma_wait3A_849 = tpu.memref_slice %arg4[%mul3A_2, %dma_wait3A_848] : memref<819200x64xf32, #tpu.memory_space<hbm>> -> memref<128x64xf32, #tpu.memory_space<hbm>>
      %dma_wait3A_850 = arith.constant 0 : i32
      %dma_wait3A_851 = arith.constant 0 : i32
      %dma_wait3A_852 = tpu.memref_slice %arg8[%dma_wait3A_841, %dma_wait3A_850, %dma_wait3A_851] : memref<2x128x64xf32, #tpu.memory_space<vmem>> -> memref<1x128x64xf32, #tpu.memory_space<vmem>>
      %dma_wait3A_853 = tpu.memref_squeeze %dma_wait3A_852 : memref<1x128x64xf32, #tpu.memory_space<vmem>> -> memref<128x64xf32, #tpu.memory_space<vmem>>
      tpu.wait_dma2 semaphore(%arg11 : memref<!tpu.dma_semaphore, #tpu.memory_space<semaphore_mem>>) src(%dma_wait3A_853 : memref<128x64xf32, #tpu.memory_space<vmem>>) dst(%dma_wait3A_849 : memref<128x64xf32, #tpu.memory_space<hbm>>)
    } else {
    }
    %scan3A_763 = arith.constant 0 : i32
    %scan3A_764 = arith.constant 0 : i32
    %scan3A_765 = arith.constant 32 : i32
    %scan3A_766 = arith.addi %scan3A_764, %scan3A_765 : i32
    %scan3A_767 = arith.constant 1 : i32
    scf.for %scan3A_841 = %scan3A_764 to %scan3A_766 step %scan3A_767  : i32 {
      %mul3A_842 = arith.constant 4 : i32
      %mul3A_843 = arith.muli %scan3A_841, %mul3A_842 : i32
      %add3A_844 = arith.constant 0 : i32
      %add3A_845 = arith.addi %mul3A_843, %add3A_844 : i32
      %add3A_846 = arith.constant 0 : i32
      %add3A_847 = arith.addi %add3A_846, %add3A_845 : i32
      %get3A = arith.constant 1 : i32
      %get3A_848 = arith.constant 0 : i32
      %get3A_849 = arith.constant 0 : i32
      %get3A_850 = tpu.memref_slice %arg7[%get3A, %get3A_848, %get3A_849] : memref<2x256x128xf32, #tpu.memory_space<vmem>> -> memref<1x256x128xf32, #tpu.memory_space<vmem>>
      %get3A_851 = tpu.memref_squeeze %get3A_850 : memref<1x256x128xf32, #tpu.memory_space<vmem>> -> memref<256x128xf32, #tpu.memory_space<vmem>>
      %get3A_852 = arith.index_cast %add3A_847 : i32 to index
      %get3A_853 = arith.constant 0 : index
      %get3A_854 = tpu.vector_load %get3A_851[%get3A_852, %get3A_853] {strides = array<i32>} : memref<256x128xf32, #tpu.memory_space<vmem>>, vector<16xf32>,
      %swap3A_855 = arith.constant 0 : i32
      %swap3A_856 = arith.index_cast %swap3A_855 : i32 to index
      %swap3A_857 = arith.index_cast %add3A_845 : i32 to index
      %swap3A_858 = arith.constant 0 : index
      %swap3A_859 = tpu.vector_load %arg8[%swap3A_856, %swap3A_857, %swap3A_858] {strides = array<i32>} : memref<2x128x64xf32, #tpu.memory_space<vmem>>, vector<16xf32>,
      tpu.vector_store %arg8[%swap3A_856, %swap3A_857, %swap3A_858], %get3A_854 {strides = array<i32>} : memref<2x128x64xf32, #tpu.memory_space<vmem>>, vector<16xf32>,
      %add3A_860 = arith.constant 0 : i32
      %add3A_861 = arith.addi %add3A_860, %add3A_845 : i32
      %get3A_862 = arith.constant 1 : i32
      %get3A_863 = arith.constant 0 : i32
      %get3A_864 = arith.constant 0 : i32
      %get3A_865 = tpu.memref_slice %arg7[%get3A_862, %get3A_863, %get3A_864] : memref<2x256x128xf32, #tpu.memory_space<vmem>> -> memref<1x256x128xf32, #tpu.memory_space<vmem>>
      %get3A_866 = tpu.memref_squeeze %get3A_865 : memref<1x256x128xf32, #tpu.memory_space<vmem>> -> memref<256x128xf32, #tpu.memory_space<vmem>>
      %get3A_867 = arith.index_cast %add3A_861 : i32 to index
      %get3A_868 = arith.constant 16 : index
      %get3A_869 = tpu.vector_load %get3A_866[%get3A_867, %get3A_868] {strides = array<i32>} : memref<256x128xf32, #tpu.memory_space<vmem>>, vector<16xf32>,
      %swap3A_870 = arith.constant 0 : i32
      %swap3A_871 = arith.index_cast %swap3A_870 : i32 to index
      %swap3A_872 = arith.index_cast %add3A_845 : i32 to index
      %swap3A_873 = arith.constant 16 : index
      %swap3A_874 = tpu.vector_load %arg8[%swap3A_871, %swap3A_872, %swap3A_873] {strides = array<i32>} : memref<2x128x64xf32, #tpu.memory_space<vmem>>, vector<16xf32>,
      tpu.vector_store %arg8[%swap3A_871, %swap3A_872, %swap3A_873], %get3A_869 {strides = array<i32>} : memref<2x128x64xf32, #tpu.memory_space<vmem>>, vector<16xf32>,
      %add3A_875 = arith.constant 0 : i32
      %add3A_876 = arith.addi %add3A_875, %add3A_845 : i32
      %get3A_877 = arith.constant 1 : i32
      %get3A_878 = arith.constant 0 : i32
      %get3A_879 = arith.constant 0 : i32
      %get3A_880 = tpu.memref_slice %arg7[%get3A_877, %get3A_878, %get3A_879] : memref<2x256x128xf32, #tpu.memory_space<vmem>> -> memref<1x256x128xf32, #tpu.memory_space<vmem>>
      %get3A_881 = tpu.memref_squeeze %get3A_880 : memref<1x256x128xf32, #tpu.memory_space<vmem>> -> memref<256x128xf32, #tpu.memory_space<vmem>>
      %get3A_882 = arith.index_cast %add3A_876 : i32 to index
      %get3A_883 = arith.constant 32 : index
      %get3A_884 = tpu.vector_load %get3A_881[%get3A_882, %get3A_883] {strides = array<i32>} : memref<256x128xf32, #tpu.memory_space<vmem>>, vector<16xf32>,
      %swap3A_885 = arith.constant 0 : i32
      %swap3A_886 = arith.index_cast %swap3A_885 : i32 to index
      %swap3A_887 = arith.index_cast %add3A_845 : i32 to index
      %swap3A_888 = arith.constant 32 : index
      %swap3A_889 = tpu.vector_load %arg8[%swap3A_886, %swap3A_887, %swap3A_888] {strides = array<i32>} : memref<2x128x64xf32, #tpu.memory_space<vmem>>, vector<16xf32>,
      tpu.vector_store %arg8[%swap3A_886, %swap3A_887, %swap3A_888], %get3A_884 {strides = array<i32>} : memref<2x128x64xf32, #tpu.memory_space<vmem>>, vector<16xf32>,
      %add3A_890 = arith.constant 0 : i32
      %add3A_891 = arith.addi %add3A_890, %add3A_845 : i32
      %get3A_892 = arith.constant 1 : i32
      %get3A_893 = arith.constant 0 : i32
      %get3A_894 = arith.constant 0 : i32
      %get3A_895 = tpu.memref_slice %arg7[%get3A_892, %get3A_893, %get3A_894] : memref<2x256x128xf32, #tpu.memory_space<vmem>> -> memref<1x256x128xf32, #tpu.memory_space<vmem>>
      %get3A_896 = tpu.memref_squeeze %get3A_895 : memref<1x256x128xf32, #tpu.memory_space<vmem>> -> memref<256x128xf32, #tpu.memory_space<vmem>>
      %get3A_897 = arith.index_cast %add3A_891 : i32 to index
      %get3A_898 = arith.constant 48 : index
      %get3A_899 = tpu.vector_load %get3A_896[%get3A_897, %get3A_898] {strides = array<i32>} : memref<256x128xf32, #tpu.memory_space<vmem>>, vector<16xf32>,
      %swap3A_900 = arith.constant 0 : i32
      %swap3A_901 = arith.index_cast %swap3A_900 : i32 to index
      %swap3A_902 = arith.index_cast %add3A_845 : i32 to index
      %swap3A_903 = arith.constant 48 : index
      %swap3A_904 = tpu.vector_load %arg8[%swap3A_901, %swap3A_902, %swap3A_903] {strides = array<i32>} : memref<2x128x64xf32, #tpu.memory_space<vmem>>, vector<16xf32>,
      tpu.vector_store %arg8[%swap3A_901, %swap3A_902, %swap3A_903], %get3A_899 {strides = array<i32>} : memref<2x128x64xf32, #tpu.memory_space<vmem>>, vector<16xf32>,
      %mul3A_905 = arith.constant 4 : i32
      %mul3A_906 = arith.muli %scan3A_841, %mul3A_905 : i32
      %add3A_907 = arith.constant 1 : i32
      %add3A_908 = arith.addi %mul3A_906, %add3A_907 : i32
      %add3A_909 = arith.constant 0 : i32
      %add3A_910 = arith.addi %add3A_909, %add3A_908 : i32
      %get3A_911 = arith.constant 1 : i32
      %get3A_912 = arith.constant 0 : i32
      %get3A_913 = arith.constant 0 : i32
      %get3A_914 = tpu.memref_slice %arg7[%get3A_911, %get3A_912, %get3A_913] : memref<2x256x128xf32, #tpu.memory_space<vmem>> -> memref<1x256x128xf32, #tpu.memory_space<vmem>>
      %get3A_915 = tpu.memref_squeeze %get3A_914 : memref<1x256x128xf32, #tpu.memory_space<vmem>> -> memref<256x128xf32, #tpu.memory_space<vmem>>
      %get3A_916 = arith.index_cast %add3A_910 : i32 to index
      %get3A_917 = arith.constant 0 : index
      %get3A_918 = tpu.vector_load %get3A_915[%get3A_916, %get3A_917] {strides = array<i32>} : memref<256x128xf32, #tpu.memory_space<vmem>>, vector<16xf32>,
      %swap3A_919 = arith.constant 0 : i32
      %swap3A_920 = arith.index_cast %swap3A_919 : i32 to index
      %swap3A_921 = arith.index_cast %add3A_908 : i32 to index
      %swap3A_922 = arith.constant 0 : index
      %swap3A_923 = tpu.vector_load %arg8[%swap3A_920, %swap3A_921, %swap3A_922] {strides = array<i32>} : memref<2x128x64xf32, #tpu.memory_space<vmem>>, vector<16xf32>,
      tpu.vector_store %arg8[%swap3A_920, %swap3A_921, %swap3A_922], %get3A_918 {strides = array<i32>} : memref<2x128x64xf32, #tpu.memory_space<vmem>>, vector<16xf32>,
      %add3A_924 = arith.constant 0 : i32
      %add3A_925 = arith.addi %add3A_924, %add3A_908 : i32
      %get3A_926 = arith.constant 1 : i32
      %get3A_927 = arith.constant 0 : i32
      %get3A_928 = arith.constant 0 : i32
      %get3A_929 = tpu.memref_slice %arg7[%get3A_926, %get3A_927, %get3A_928] : memref<2x256x128xf32, #tpu.memory_space<vmem>> -> memref<1x256x128xf32, #tpu.memory_space<vmem>>
      %get3A_930 = tpu.memref_squeeze %get3A_929 : memref<1x256x128xf32, #tpu.memory_space<vmem>> -> memref<256x128xf32, #tpu.memory_space<vmem>>
      %get3A_931 = arith.index_cast %add3A_925 : i32 to index
      %get3A_932 = arith.constant 16 : index
      %get3A_933 = tpu.vector_load %get3A_930[%get3A_931, %get3A_932] {strides = array<i32>} : memref<256x128xf32, #tpu.memory_space<vmem>>, vector<16xf32>,
      %swap3A_934 = arith.constant 0 : i32
      %swap3A_935 = arith.index_cast %swap3A_934 : i32 to index
      %swap3A_936 = arith.index_cast %add3A_908 : i32 to index
      %swap3A_937 = arith.constant 16 : index
      %swap3A_938 = tpu.vector_load %arg8[%swap3A_935, %swap3A_936, %swap3A_937] {strides = array<i32>} : memref<2x128x64xf32, #tpu.memory_space<vmem>>, vector<16xf32>,
      tpu.vector_store %arg8[%swap3A_935, %swap3A_936, %swap3A_937], %get3A_933 {strides = array<i32>} : memref<2x128x64xf32, #tpu.memory_space<vmem>>, vector<16xf32>,
      %add3A_939 = arith.constant 0 : i32
      %add3A_940 = arith.addi %add3A_939, %add3A_908 : i32
      %get3A_941 = arith.constant 1 : i32
      %get3A_942 = arith.constant 0 : i32
      %get3A_943 = arith.constant 0 : i32
      %get3A_944 = tpu.memref_slice %arg7[%get3A_941, %get3A_942, %get3A_943] : memref<2x256x128xf32, #tpu.memory_space<vmem>> -> memref<1x256x128xf32, #tpu.memory_space<vmem>>
      %get3A_945 = tpu.memref_squeeze %get3A_944 : memref<1x256x128xf32, #tpu.memory_space<vmem>> -> memref<256x128xf32, #tpu.memory_space<vmem>>
      %get3A_946 = arith.index_cast %add3A_940 : i32 to index
      %get3A_947 = arith.constant 32 : index
      %get3A_948 = tpu.vector_load %get3A_945[%get3A_946, %get3A_947] {strides = array<i32>} : memref<256x128xf32, #tpu.memory_space<vmem>>, vector<16xf32>,
      %swap3A_949 = arith.constant 0 : i32
      %swap3A_950 = arith.index_cast %swap3A_949 : i32 to index
      %swap3A_951 = arith.index_cast %add3A_908 : i32 to index
      %swap3A_952 = arith.constant 32 : index
      %swap3A_953 = tpu.vector_load %arg8[%swap3A_950, %swap3A_951, %swap3A_952] {strides = array<i32>} : memref<2x128x64xf32, #tpu.memory_space<vmem>>, vector<16xf32>,
      tpu.vector_store %arg8[%swap3A_950, %swap3A_951, %swap3A_952], %get3A_948 {strides = array<i32>} : memref<2x128x64xf32, #tpu.memory_space<vmem>>, vector<16xf32>,
      %add3A_954 = arith.constant 0 : i32
      %add3A_955 = arith.addi %add3A_954, %add3A_908 : i32
      %get3A_956 = arith.constant 1 : i32
      %get3A_957 = arith.constant 0 : i32
      %get3A_958 = arith.constant 0 : i32
      %get3A_959 = tpu.memref_slice %arg7[%get3A_956, %get3A_957, %get3A_958] : memref<2x256x128xf32, #tpu.memory_space<vmem>> -> memref<1x256x128xf32, #tpu.memory_space<vmem>>
      %get3A_960 = tpu.memref_squeeze %get3A_959 : memref<1x256x128xf32, #tpu.memory_space<vmem>> -> memref<256x128xf32, #tpu.memory_space<vmem>>
      %get3A_961 = arith.index_cast %add3A_955 : i32 to index
      %get3A_962 = arith.constant 48 : index
      %get3A_963 = tpu.vector_load %get3A_960[%get3A_961, %get3A_962] {strides = array<i32>} : memref<256x128xf32, #tpu.memory_space<vmem>>, vector<16xf32>,
      %swap3A_964 = arith.constant 0 : i32
      %swap3A_965 = arith.index_cast %swap3A_964 : i32 to index
      %swap3A_966 = arith.index_cast %add3A_908 : i32 to index
      %swap3A_967 = arith.constant 48 : index
      %swap3A_968 = tpu.vector_load %arg8[%swap3A_965, %swap3A_966, %swap3A_967] {strides = array<i32>} : memref<2x128x64xf32, #tpu.memory_space<vmem>>, vector<16xf32>,
      tpu.vector_store %arg8[%swap3A_965, %swap3A_966, %swap3A_967], %get3A_963 {strides = array<i32>} : memref<2x128x64xf32, #tpu.memory_space<vmem>>, vector<16xf32>,
      %mul3A_969 = arith.constant 4 : i32
      %mul3A_970 = arith.muli %scan3A_841, %mul3A_969 : i32
      %add3A_971 = arith.constant 2 : i32
      %add3A_972 = arith.addi %mul3A_970, %add3A_971 : i32
      %add3A_973 = arith.constant 0 : i32
      %add3A_974 = arith.addi %add3A_973, %add3A_972 : i32
      %get3A_975 = arith.constant 1 : i32
      %get3A_976 = arith.constant 0 : i32
      %get3A_977 = arith.constant 0 : i32
      %get3A_978 = tpu.memref_slice %arg7[%get3A_975, %get3A_976, %get3A_977] : memref<2x256x128xf32, #tpu.memory_space<vmem>> -> memref<1x256x128xf32, #tpu.memory_space<vmem>>
      %get3A_979 = tpu.memref_squeeze %get3A_978 : memref<1x256x128xf32, #tpu.memory_space<vmem>> -> memref<256x128xf32, #tpu.memory_space<vmem>>
      %get3A_980 = arith.index_cast %add3A_974 : i32 to index
      %get3A_981 = arith.constant 0 : index
      %get3A_982 = tpu.vector_load %get3A_979[%get3A_980, %get3A_981] {strides = array<i32>} : memref<256x128xf32, #tpu.memory_space<vmem>>, vector<16xf32>,
      %swap3A_983 = arith.constant 0 : i32
      %swap3A_984 = arith.index_cast %swap3A_983 : i32 to index
      %swap3A_985 = arith.index_cast %add3A_972 : i32 to index
      %swap3A_986 = arith.constant 0 : index
      %swap3A_987 = tpu.vector_load %arg8[%swap3A_984, %swap3A_985, %swap3A_986] {strides = array<i32>} : memref<2x128x64xf32, #tpu.memory_space<vmem>>, vector<16xf32>,
      tpu.vector_store %arg8[%swap3A_984, %swap3A_985, %swap3A_986], %get3A_982 {strides = array<i32>} : memref<2x128x64xf32, #tpu.memory_space<vmem>>, vector<16xf32>,
      %add3A_988 = arith.constant 0 : i32
      %add3A_989 = arith.addi %add3A_988, %add3A_972 : i32
      %get3A_990 = arith.constant 1 : i32
      %get3A_991 = arith.constant 0 : i32
      %get3A_992 = arith.constant 0 : i32
      %get3A_993 = tpu.memref_slice %arg7[%get3A_990, %get3A_991, %get3A_992] : memref<2x256x128xf32, #tpu.memory_space<vmem>> -> memref<1x256x128xf32, #tpu.memory_space<vmem>>
      %get3A_994 = tpu.memref_squeeze %get3A_993 : memref<1x256x128xf32, #tpu.memory_space<vmem>> -> memref<256x128xf32, #tpu.memory_space<vmem>>
      %get3A_995 = arith.index_cast %add3A_989 : i32 to index
      %get3A_996 = arith.constant 16 : index
      %get3A_997 = tpu.vector_load %get3A_994[%get3A_995, %get3A_996] {strides = array<i32>} : memref<256x128xf32, #tpu.memory_space<vmem>>, vector<16xf32>,
      %swap3A_998 = arith.constant 0 : i32
      %swap3A_999 = arith.index_cast %swap3A_998 : i32 to index
      %swap3A_1000 = arith.index_cast %add3A_972 : i32 to index
      %swap3A_1001 = arith.constant 16 : index
      %swap3A_1002 = tpu.vector_load %arg8[%swap3A_999, %swap3A_1000, %swap3A_1001] {strides = array<i32>} : memref<2x128x64xf32, #tpu.memory_space<vmem>>, vector<16xf32>,
      tpu.vector_store %arg8[%swap3A_999, %swap3A_1000, %swap3A_1001], %get3A_997 {strides = array<i32>} : memref<2x128x64xf32, #tpu.memory_space<vmem>>, vector<16xf32>,
      %add3A_1003 = arith.constant 0 : i32
      %add3A_1004 = arith.addi %add3A_1003, %add3A_972 : i32
      %get3A_1005 = arith.constant 1 : i32
      %get3A_1006 = arith.constant 0 : i32
      %get3A_1007 = arith.constant 0 : i32
      %get3A_1008 = tpu.memref_slice %arg7[%get3A_1005, %get3A_1006, %get3A_1007] : memref<2x256x128xf32, #tpu.memory_space<vmem>> -> memref<1x256x128xf32, #tpu.memory_space<vmem>>
      %get3A_1009 = tpu.memref_squeeze %get3A_1008 : memref<1x256x128xf32, #tpu.memory_space<vmem>> -> memref<256x128xf32, #tpu.memory_space<vmem>>
      %get3A_1010 = arith.index_cast %add3A_1004 : i32 to index
      %get3A_1011 = arith.constant 32 : index
      %get3A_1012 = tpu.vector_load %get3A_1009[%get3A_1010, %get3A_1011] {strides = array<i32>} : memref<256x128xf32, #tpu.memory_space<vmem>>, vector<16xf32>,
      %swap3A_1013 = arith.constant 0 : i32
      %swap3A_1014 = arith.index_cast %swap3A_1013 : i32 to index
      %swap3A_1015 = arith.index_cast %add3A_972 : i32 to index
      %swap3A_1016 = arith.constant 32 : index
      %swap3A_1017 = tpu.vector_load %arg8[%swap3A_1014, %swap3A_1015, %swap3A_1016] {strides = array<i32>} : memref<2x128x64xf32, #tpu.memory_space<vmem>>, vector<16xf32>,
      tpu.vector_store %arg8[%swap3A_1014, %swap3A_1015, %swap3A_1016], %get3A_1012 {strides = array<i32>} : memref<2x128x64xf32, #tpu.memory_space<vmem>>, vector<16xf32>,
      %add3A_1018 = arith.constant 0 : i32
      %add3A_1019 = arith.addi %add3A_1018, %add3A_972 : i32
      %get3A_1020 = arith.constant 1 : i32
      %get3A_1021 = arith.constant 0 : i32
      %get3A_1022 = arith.constant 0 : i32
      %get3A_1023 = tpu.memref_slice %arg7[%get3A_1020, %get3A_1021, %get3A_1022] : memref<2x256x128xf32, #tpu.memory_space<vmem>> -> memref<1x256x128xf32, #tpu.memory_space<vmem>>
      %get3A_1024 = tpu.memref_squeeze %get3A_1023 : memref<1x256x128xf32, #tpu.memory_space<vmem>> -> memref<256x128xf32, #tpu.memory_space<vmem>>
      %get3A_1025 = arith.index_cast %add3A_1019 : i32 to index
      %get3A_1026 = arith.constant 48 : index
      %get3A_1027 = tpu.vector_load %get3A_1024[%get3A_1025, %get3A_1026] {strides = array<i32>} : memref<256x128xf32, #tpu.memory_space<vmem>>, vector<16xf32>,
      %swap3A_1028 = arith.constant 0 : i32
      %swap3A_1029 = arith.index_cast %swap3A_1028 : i32 to index
      %swap3A_1030 = arith.index_cast %add3A_972 : i32 to index
      %swap3A_1031 = arith.constant 48 : index
      %swap3A_1032 = tpu.vector_load %arg8[%swap3A_1029, %swap3A_1030, %swap3A_1031] {strides = array<i32>} : memref<2x128x64xf32, #tpu.memory_space<vmem>>, vector<16xf32>,
      tpu.vector_store %arg8[%swap3A_1029, %swap3A_1030, %swap3A_1031], %get3A_1027 {strides = array<i32>} : memref<2x128x64xf32, #tpu.memory_space<vmem>>, vector<16xf32>,
      %mul3A_1033 = arith.constant 4 : i32
      %mul3A_1034 = arith.muli %scan3A_841, %mul3A_1033 : i32
      %add3A_1035 = arith.constant 3 : i32
      %add3A_1036 = arith.addi %mul3A_1034, %add3A_1035 : i32
      %add3A_1037 = arith.constant 0 : i32
      %add3A_1038 = arith.addi %add3A_1037, %add3A_1036 : i32
      %get3A_1039 = arith.constant 1 : i32
      %get3A_1040 = arith.constant 0 : i32
      %get3A_1041 = arith.constant 0 : i32
      %get3A_1042 = tpu.memref_slice %arg7[%get3A_1039, %get3A_1040, %get3A_1041] : memref<2x256x128xf32, #tpu.memory_space<vmem>> -> memref<1x256x128xf32, #tpu.memory_space<vmem>>
      %get3A_1043 = tpu.memref_squeeze %get3A_1042 : memref<1x256x128xf32, #tpu.memory_space<vmem>> -> memref<256x128xf32, #tpu.memory_space<vmem>>
      %get3A_1044 = arith.index_cast %add3A_1038 : i32 to index
      %get3A_1045 = arith.constant 0 : index
      %get3A_1046 = tpu.vector_load %get3A_1043[%get3A_1044, %get3A_1045] {strides = array<i32>} : memref<256x128xf32, #tpu.memory_space<vmem>>, vector<16xf32>,
      %swap3A_1047 = arith.constant 0 : i32
      %swap3A_1048 = arith.index_cast %swap3A_1047 : i32 to index
      %swap3A_1049 = arith.index_cast %add3A_1036 : i32 to index
      %swap3A_1050 = arith.constant 0 : index
      %swap3A_1051 = tpu.vector_load %arg8[%swap3A_1048, %swap3A_1049, %swap3A_1050] {strides = array<i32>} : memref<2x128x64xf32, #tpu.memory_space<vmem>>, vector<16xf32>,
      tpu.vector_store %arg8[%swap3A_1048, %swap3A_1049, %swap3A_1050], %get3A_1046 {strides = array<i32>} : memref<2x128x64xf32, #tpu.memory_space<vmem>>, vector<16xf32>,
      %add3A_1052 = arith.constant 0 : i32
      %add3A_1053 = arith.addi %add3A_1052, %add3A_1036 : i32
      %get3A_1054 = arith.constant 1 : i32
      %get3A_1055 = arith.constant 0 : i32
      %get3A_1056 = arith.constant 0 : i32
      %get3A_1057 = tpu.memref_slice %arg7[%get3A_1054, %get3A_1055, %get3A_1056] : memref<2x256x128xf32, #tpu.memory_space<vmem>> -> memref<1x256x128xf32, #tpu.memory_space<vmem>>
      %get3A_1058 = tpu.memref_squeeze %get3A_1057 : memref<1x256x128xf32, #tpu.memory_space<vmem>> -> memref<256x128xf32, #tpu.memory_space<vmem>>
      %get3A_1059 = arith.index_cast %add3A_1053 : i32 to index
      %get3A_1060 = arith.constant 16 : index
      %get3A_1061 = tpu.vector_load %get3A_1058[%get3A_1059, %get3A_1060] {strides = array<i32>} : memref<256x128xf32, #tpu.memory_space<vmem>>, vector<16xf32>,
      %swap3A_1062 = arith.constant 0 : i32
      %swap3A_1063 = arith.index_cast %swap3A_1062 : i32 to index
      %swap3A_1064 = arith.index_cast %add3A_1036 : i32 to index
      %swap3A_1065 = arith.constant 16 : index
      %swap3A_1066 = tpu.vector_load %arg8[%swap3A_1063, %swap3A_1064, %swap3A_1065] {strides = array<i32>} : memref<2x128x64xf32, #tpu.memory_space<vmem>>, vector<16xf32>,
      tpu.vector_store %arg8[%swap3A_1063, %swap3A_1064, %swap3A_1065], %get3A_1061 {strides = array<i32>} : memref<2x128x64xf32, #tpu.memory_space<vmem>>, vector<16xf32>,
      %add3A_1067 = arith.constant 0 : i32
      %add3A_1068 = arith.addi %add3A_1067, %add3A_1036 : i32
      %get3A_1069 = arith.constant 1 : i32
      %get3A_1070 = arith.constant 0 : i32
      %get3A_1071 = arith.constant 0 : i32
      %get3A_1072 = tpu.memref_slice %arg7[%get3A_1069, %get3A_1070, %get3A_1071] : memref<2x256x128xf32, #tpu.memory_space<vmem>> -> memref<1x256x128xf32, #tpu.memory_space<vmem>>
      %get3A_1073 = tpu.memref_squeeze %get3A_1072 : memref<1x256x128xf32, #tpu.memory_space<vmem>> -> memref<256x128xf32, #tpu.memory_space<vmem>>
      %get3A_1074 = arith.index_cast %add3A_1068 : i32 to index
      %get3A_1075 = arith.constant 32 : index
      %get3A_1076 = tpu.vector_load %get3A_1073[%get3A_1074, %get3A_1075] {strides = array<i32>} : memref<256x128xf32, #tpu.memory_space<vmem>>, vector<16xf32>,
      %swap3A_1077 = arith.constant 0 : i32
      %swap3A_1078 = arith.index_cast %swap3A_1077 : i32 to index
      %swap3A_1079 = arith.index_cast %add3A_1036 : i32 to index
      %swap3A_1080 = arith.constant 32 : index
      %swap3A_1081 = tpu.vector_load %arg8[%swap3A_1078, %swap3A_1079, %swap3A_1080] {strides = array<i32>} : memref<2x128x64xf32, #tpu.memory_space<vmem>>, vector<16xf32>,
      tpu.vector_store %arg8[%swap3A_1078, %swap3A_1079, %swap3A_1080], %get3A_1076 {strides = array<i32>} : memref<2x128x64xf32, #tpu.memory_space<vmem>>, vector<16xf32>,
      %add3A_1082 = arith.constant 0 : i32
      %add3A_1083 = arith.addi %add3A_1082, %add3A_1036 : i32
      %get3A_1084 = arith.constant 1 : i32
      %get3A_1085 = arith.constant 0 : i32
      %get3A_1086 = arith.constant 0 : i32
      %get3A_1087 = tpu.memref_slice %arg7[%get3A_1084, %get3A_1085, %get3A_1086] : memref<2x256x128xf32, #tpu.memory_space<vmem>> -> memref<1x256x128xf32, #tpu.memory_space<vmem>>
      %get3A_1088 = tpu.memref_squeeze %get3A_1087 : memref<1x256x128xf32, #tpu.memory_space<vmem>> -> memref<256x128xf32, #tpu.memory_space<vmem>>
      %get3A_1089 = arith.index_cast %add3A_1083 : i32 to index
      %get3A_1090 = arith.constant 48 : index
      %get3A_1091 = tpu.vector_load %get3A_1088[%get3A_1089, %get3A_1090] {strides = array<i32>} : memref<256x128xf32, #tpu.memory_space<vmem>>, vector<16xf32>,
      %swap3A_1092 = arith.constant 0 : i32
      %swap3A_1093 = arith.index_cast %swap3A_1092 : i32 to index
      %swap3A_1094 = arith.index_cast %add3A_1036 : i32 to index
      %swap3A_1095 = arith.constant 48 : index
      %swap3A_1096 = tpu.vector_load %arg8[%swap3A_1093, %swap3A_1094, %swap3A_1095] {strides = array<i32>} : memref<2x128x64xf32, #tpu.memory_space<vmem>>, vector<16xf32>,
      tpu.vector_store %arg8[%swap3A_1093, %swap3A_1094, %swap3A_1095], %get3A_1091 {strides = array<i32>} : memref<2x128x64xf32, #tpu.memory_space<vmem>>, vector<16xf32>,
    }
    %scan3A_768 = arith.constant 32 : i32
    %add3A_769 = arith.constant 25344 : i32
    %add3A_770 = arith.addi %mul3A_2, %add3A_769 : i32
    %add3A_771 = arith.constant 0 : i32
    %add3A_772 = arith.addi %add3A_770, %add3A_771 : i32
    %dma_start3A_773 = arith.constant 0 : i32
    %dma_start3A_774 = arith.constant 0 : i32
    %dma_start3A_775 = arith.constant 0 : i32
    %dma_start3A_776 = tpu.memref_slice %arg8[%dma_start3A_773, %dma_start3A_774, %dma_start3A_775] : memref<2x128x64xf32, #tpu.memory_space<vmem>> -> memref<1x128x64xf32, #tpu.memory_space<vmem>>
    %dma_start3A_777 = tpu.memref_squeeze %dma_start3A_776 : memref<1x128x64xf32, #tpu.memory_space<vmem>> -> memref<128x64xf32, #tpu.memory_space<vmem>>
    %dma_start3A_778 = arith.constant 0 : i32
    %dma_start3A_779 = tpu.memref_slice %arg4[%add3A_772, %dma_start3A_778] : memref<819200x64xf32, #tpu.memory_space<hbm>> -> memref<128x64xf32, #tpu.memory_space<hbm>>
    %dma_start3A_780 = arith.constant 0 : i32
    %dma_start3A_781 = tpu.memref_slice %arg4[%add3A_772, %dma_start3A_780] : memref<819200x64xf32, #tpu.memory_space<hbm>> -> memref<128x64xf32, #tpu.memory_space<hbm>>
    %dma_start3A_782 = arith.constant 0 : i32
    %dma_start3A_783 = arith.constant 0 : i32
    %dma_start3A_784 = tpu.memref_slice %arg8[%dma_start3A_773, %dma_start3A_782, %dma_start3A_783] : memref<2x128x64xf32, #tpu.memory_space<vmem>> -> memref<1x128x64xf32, #tpu.memory_space<vmem>>
    %dma_start3A_785 = tpu.memref_squeeze %dma_start3A_784 : memref<1x128x64xf32, #tpu.memory_space<vmem>> -> memref<128x64xf32, #tpu.memory_space<vmem>>
    tpu.enqueue_dma source(%dma_start3A_785 : memref<128x64xf32, #tpu.memory_space<vmem>>) target(%dma_start3A_781 : memref<128x64xf32, #tpu.memory_space<hbm>>) target_semaphore(%arg11 : memref<!tpu.dma_semaphore, #tpu.memory_space<semaphore_mem>>)
    %gt3A_786 = arith.constant 99 : i32
    %gt3A_787 = arith.constant 0 : i32
    %gt3A_788 = arith.cmpi sgt, %gt3A_786, %gt3A_787 : i32
    %convert_element_type3A_789 = arith.extui %gt3A_788 : i1 to i32
    %cond3A_790 = arith.constant 0 : i32
    %cond3A_791 = arith.cmpi ne, %convert_element_type3A_789, %cond3A_790 : i32
    scf.if %cond3A_791 {
      %dma_wait3A_841 = arith.constant 1 : i32
      %dma_wait3A_842 = arith.constant 0 : i32
      %dma_wait3A_843 = arith.constant 0 : i32
      %dma_wait3A_844 = tpu.memref_slice %arg8[%dma_wait3A_841, %dma_wait3A_842, %dma_wait3A_843] : memref<2x128x64xf32, #tpu.memory_space<vmem>> -> memref<1x128x64xf32, #tpu.memory_space<vmem>>
      %dma_wait3A_845 = tpu.memref_squeeze %dma_wait3A_844 : memref<1x128x64xf32, #tpu.memory_space<vmem>> -> memref<128x64xf32, #tpu.memory_space<vmem>>
      %dma_wait3A_846 = arith.constant 0 : i32
      %dma_wait3A_847 = tpu.memref_slice %arg4[%mul3A_2, %dma_wait3A_846] : memref<819200x64xf32, #tpu.memory_space<hbm>> -> memref<128x64xf32, #tpu.memory_space<hbm>>
      %dma_wait3A_848 = arith.constant 0 : i32
      %dma_wait3A_849 = tpu.memref_slice %arg4[%mul3A_2, %dma_wait3A_848] : memref<819200x64xf32, #tpu.memory_space<hbm>> -> memref<128x64xf32, #tpu.memory_space<hbm>>
      %dma_wait3A_850 = arith.constant 0 : i32
      %dma_wait3A_851 = arith.constant 0 : i32
      %dma_wait3A_852 = tpu.memref_slice %arg8[%dma_wait3A_841, %dma_wait3A_850, %dma_wait3A_851] : memref<2x128x64xf32, #tpu.memory_space<vmem>> -> memref<1x128x64xf32, #tpu.memory_space<vmem>>
      %dma_wait3A_853 = tpu.memref_squeeze %dma_wait3A_852 : memref<1x128x64xf32, #tpu.memory_space<vmem>> -> memref<128x64xf32, #tpu.memory_space<vmem>>
      tpu.wait_dma2 semaphore(%arg12 : memref<!tpu.dma_semaphore, #tpu.memory_space<semaphore_mem>>) src(%dma_wait3A_853 : memref<128x64xf32, #tpu.memory_space<vmem>>) dst(%dma_wait3A_849 : memref<128x64xf32, #tpu.memory_space<hbm>>)
    } else {
    }
    %scan3A_792 = arith.constant 0 : i32
    %scan3A_793 = arith.constant 0 : i32
    %scan3A_794 = arith.constant 32 : i32
    %scan3A_795 = arith.addi %scan3A_793, %scan3A_794 : i32
    %scan3A_796 = arith.constant 1 : i32
    scf.for %scan3A_841 = %scan3A_793 to %scan3A_795 step %scan3A_796  : i32 {
      %mul3A_842 = arith.constant 4 : i32
      %mul3A_843 = arith.muli %scan3A_841, %mul3A_842 : i32
      %add3A_844 = arith.constant 0 : i32
      %add3A_845 = arith.addi %mul3A_843, %add3A_844 : i32
      %add3A_846 = arith.constant 128 : i32
      %add3A_847 = arith.addi %add3A_846, %add3A_845 : i32
      %get3A = arith.constant 1 : i32
      %get3A_848 = arith.constant 0 : i32
      %get3A_849 = arith.constant 0 : i32
      %get3A_850 = tpu.memref_slice %arg7[%get3A, %get3A_848, %get3A_849] : memref<2x256x128xf32, #tpu.memory_space<vmem>> -> memref<1x256x128xf32, #tpu.memory_space<vmem>>
      %get3A_851 = tpu.memref_squeeze %get3A_850 : memref<1x256x128xf32, #tpu.memory_space<vmem>> -> memref<256x128xf32, #tpu.memory_space<vmem>>
      %get3A_852 = arith.index_cast %add3A_847 : i32 to index
      %get3A_853 = arith.constant 0 : index
      %get3A_854 = tpu.vector_load %get3A_851[%get3A_852, %get3A_853] {strides = array<i32>} : memref<256x128xf32, #tpu.memory_space<vmem>>, vector<16xf32>,
      %swap3A_855 = arith.constant 1 : i32
      %swap3A_856 = arith.index_cast %swap3A_855 : i32 to index
      %swap3A_857 = arith.index_cast %add3A_845 : i32 to index
      %swap3A_858 = arith.constant 0 : index
      %swap3A_859 = tpu.vector_load %arg8[%swap3A_856, %swap3A_857, %swap3A_858] {strides = array<i32>} : memref<2x128x64xf32, #tpu.memory_space<vmem>>, vector<16xf32>,
      tpu.vector_store %arg8[%swap3A_856, %swap3A_857, %swap3A_858], %get3A_854 {strides = array<i32>} : memref<2x128x64xf32, #tpu.memory_space<vmem>>, vector<16xf32>,
      %add3A_860 = arith.constant 128 : i32
      %add3A_861 = arith.addi %add3A_860, %add3A_845 : i32
      %get3A_862 = arith.constant 1 : i32
      %get3A_863 = arith.constant 0 : i32
      %get3A_864 = arith.constant 0 : i32
      %get3A_865 = tpu.memref_slice %arg7[%get3A_862, %get3A_863, %get3A_864] : memref<2x256x128xf32, #tpu.memory_space<vmem>> -> memref<1x256x128xf32, #tpu.memory_space<vmem>>
      %get3A_866 = tpu.memref_squeeze %get3A_865 : memref<1x256x128xf32, #tpu.memory_space<vmem>> -> memref<256x128xf32, #tpu.memory_space<vmem>>
      %get3A_867 = arith.index_cast %add3A_861 : i32 to index
      %get3A_868 = arith.constant 16 : index
      %get3A_869 = tpu.vector_load %get3A_866[%get3A_867, %get3A_868] {strides = array<i32>} : memref<256x128xf32, #tpu.memory_space<vmem>>, vector<16xf32>,
      %swap3A_870 = arith.constant 1 : i32
      %swap3A_871 = arith.index_cast %swap3A_870 : i32 to index
      %swap3A_872 = arith.index_cast %add3A_845 : i32 to index
      %swap3A_873 = arith.constant 16 : index
      %swap3A_874 = tpu.vector_load %arg8[%swap3A_871, %swap3A_872, %swap3A_873] {strides = array<i32>} : memref<2x128x64xf32, #tpu.memory_space<vmem>>, vector<16xf32>,
      tpu.vector_store %arg8[%swap3A_871, %swap3A_872, %swap3A_873], %get3A_869 {strides = array<i32>} : memref<2x128x64xf32, #tpu.memory_space<vmem>>, vector<16xf32>,
      %add3A_875 = arith.constant 128 : i32
      %add3A_876 = arith.addi %add3A_875, %add3A_845 : i32
      %get3A_877 = arith.constant 1 : i32
      %get3A_878 = arith.constant 0 : i32
      %get3A_879 = arith.constant 0 : i32
      %get3A_880 = tpu.memref_slice %arg7[%get3A_877, %get3A_878, %get3A_879] : memref<2x256x128xf32, #tpu.memory_space<vmem>> -> memref<1x256x128xf32, #tpu.memory_space<vmem>>
      %get3A_881 = tpu.memref_squeeze %get3A_880 : memref<1x256x128xf32, #tpu.memory_space<vmem>> -> memref<256x128xf32, #tpu.memory_space<vmem>>
      %get3A_882 = arith.index_cast %add3A_876 : i32 to index
      %get3A_883 = arith.constant 32 : index
      %get3A_884 = tpu.vector_load %get3A_881[%get3A_882, %get3A_883] {strides = array<i32>} : memref<256x128xf32, #tpu.memory_space<vmem>>, vector<16xf32>,
      %swap3A_885 = arith.constant 1 : i32
      %swap3A_886 = arith.index_cast %swap3A_885 : i32 to index
      %swap3A_887 = arith.index_cast %add3A_845 : i32 to index
      %swap3A_888 = arith.constant 32 : index
      %swap3A_889 = tpu.vector_load %arg8[%swap3A_886, %swap3A_887, %swap3A_888] {strides = array<i32>} : memref<2x128x64xf32, #tpu.memory_space<vmem>>, vector<16xf32>,
      tpu.vector_store %arg8[%swap3A_886, %swap3A_887, %swap3A_888], %get3A_884 {strides = array<i32>} : memref<2x128x64xf32, #tpu.memory_space<vmem>>, vector<16xf32>,
      %add3A_890 = arith.constant 128 : i32
      %add3A_891 = arith.addi %add3A_890, %add3A_845 : i32
      %get3A_892 = arith.constant 1 : i32
      %get3A_893 = arith.constant 0 : i32
      %get3A_894 = arith.constant 0 : i32
      %get3A_895 = tpu.memref_slice %arg7[%get3A_892, %get3A_893, %get3A_894] : memref<2x256x128xf32, #tpu.memory_space<vmem>> -> memref<1x256x128xf32, #tpu.memory_space<vmem>>
      %get3A_896 = tpu.memref_squeeze %get3A_895 : memref<1x256x128xf32, #tpu.memory_space<vmem>> -> memref<256x128xf32, #tpu.memory_space<vmem>>
      %get3A_897 = arith.index_cast %add3A_891 : i32 to index
      %get3A_898 = arith.constant 48 : index
      %get3A_899 = tpu.vector_load %get3A_896[%get3A_897, %get3A_898] {strides = array<i32>} : memref<256x128xf32, #tpu.memory_space<vmem>>, vector<16xf32>,
      %swap3A_900 = arith.constant 1 : i32
      %swap3A_901 = arith.index_cast %swap3A_900 : i32 to index
      %swap3A_902 = arith.index_cast %add3A_845 : i32 to index
      %swap3A_903 = arith.constant 48 : index
      %swap3A_904 = tpu.vector_load %arg8[%swap3A_901, %swap3A_902, %swap3A_903] {strides = array<i32>} : memref<2x128x64xf32, #tpu.memory_space<vmem>>, vector<16xf32>,
      tpu.vector_store %arg8[%swap3A_901, %swap3A_902, %swap3A_903], %get3A_899 {strides = array<i32>} : memref<2x128x64xf32, #tpu.memory_space<vmem>>, vector<16xf32>,
      %mul3A_905 = arith.constant 4 : i32
      %mul3A_906 = arith.muli %scan3A_841, %mul3A_905 : i32
      %add3A_907 = arith.constant 1 : i32
      %add3A_908 = arith.addi %mul3A_906, %add3A_907 : i32
      %add3A_909 = arith.constant 128 : i32
      %add3A_910 = arith.addi %add3A_909, %add3A_908 : i32
      %get3A_911 = arith.constant 1 : i32
      %get3A_912 = arith.constant 0 : i32
      %get3A_913 = arith.constant 0 : i32
      %get3A_914 = tpu.memref_slice %arg7[%get3A_911, %get3A_912, %get3A_913] : memref<2x256x128xf32, #tpu.memory_space<vmem>> -> memref<1x256x128xf32, #tpu.memory_space<vmem>>
      %get3A_915 = tpu.memref_squeeze %get3A_914 : memref<1x256x128xf32, #tpu.memory_space<vmem>> -> memref<256x128xf32, #tpu.memory_space<vmem>>
      %get3A_916 = arith.index_cast %add3A_910 : i32 to index
      %get3A_917 = arith.constant 0 : index
      %get3A_918 = tpu.vector_load %get3A_915[%get3A_916, %get3A_917] {strides = array<i32>} : memref<256x128xf32, #tpu.memory_space<vmem>>, vector<16xf32>,
      %swap3A_919 = arith.constant 1 : i32
      %swap3A_920 = arith.index_cast %swap3A_919 : i32 to index
      %swap3A_921 = arith.index_cast %add3A_908 : i32 to index
      %swap3A_922 = arith.constant 0 : index
      %swap3A_923 = tpu.vector_load %arg8[%swap3A_920, %swap3A_921, %swap3A_922] {strides = array<i32>} : memref<2x128x64xf32, #tpu.memory_space<vmem>>, vector<16xf32>,
      tpu.vector_store %arg8[%swap3A_920, %swap3A_921, %swap3A_922], %get3A_918 {strides = array<i32>} : memref<2x128x64xf32, #tpu.memory_space<vmem>>, vector<16xf32>,
      %add3A_924 = arith.constant 128 : i32
      %add3A_925 = arith.addi %add3A_924, %add3A_908 : i32
      %get3A_926 = arith.constant 1 : i32
      %get3A_927 = arith.constant 0 : i32
      %get3A_928 = arith.constant 0 : i32
      %get3A_929 = tpu.memref_slice %arg7[%get3A_926, %get3A_927, %get3A_928] : memref<2x256x128xf32, #tpu.memory_space<vmem>> -> memref<1x256x128xf32, #tpu.memory_space<vmem>>
      %get3A_930 = tpu.memref_squeeze %get3A_929 : memref<1x256x128xf32, #tpu.memory_space<vmem>> -> memref<256x128xf32, #tpu.memory_space<vmem>>
      %get3A_931 = arith.index_cast %add3A_925 : i32 to index
      %get3A_932 = arith.constant 16 : index
      %get3A_933 = tpu.vector_load %get3A_930[%get3A_931, %get3A_932] {strides = array<i32>} : memref<256x128xf32, #tpu.memory_space<vmem>>, vector<16xf32>,
      %swap3A_934 = arith.constant 1 : i32
      %swap3A_935 = arith.index_cast %swap3A_934 : i32 to index
      %swap3A_936 = arith.index_cast %add3A_908 : i32 to index
      %swap3A_937 = arith.constant 16 : index
      %swap3A_938 = tpu.vector_load %arg8[%swap3A_935, %swap3A_936, %swap3A_937] {strides = array<i32>} : memref<2x128x64xf32, #tpu.memory_space<vmem>>, vector<16xf32>,
      tpu.vector_store %arg8[%swap3A_935, %swap3A_936, %swap3A_937], %get3A_933 {strides = array<i32>} : memref<2x128x64xf32, #tpu.memory_space<vmem>>, vector<16xf32>,
      %add3A_939 = arith.constant 128 : i32
      %add3A_940 = arith.addi %add3A_939, %add3A_908 : i32
      %get3A_941 = arith.constant 1 : i32
      %get3A_942 = arith.constant 0 : i32
      %get3A_943 = arith.constant 0 : i32
      %get3A_944 = tpu.memref_slice %arg7[%get3A_941, %get3A_942, %get3A_943] : memref<2x256x128xf32, #tpu.memory_space<vmem>> -> memref<1x256x128xf32, #tpu.memory_space<vmem>>
      %get3A_945 = tpu.memref_squeeze %get3A_944 : memref<1x256x128xf32, #tpu.memory_space<vmem>> -> memref<256x128xf32, #tpu.memory_space<vmem>>
      %get3A_946 = arith.index_cast %add3A_940 : i32 to index
      %get3A_947 = arith.constant 32 : index
      %get3A_948 = tpu.vector_load %get3A_945[%get3A_946, %get3A_947] {strides = array<i32>} : memref<256x128xf32, #tpu.memory_space<vmem>>, vector<16xf32>,
      %swap3A_949 = arith.constant 1 : i32
      %swap3A_950 = arith.index_cast %swap3A_949 : i32 to index
      %swap3A_951 = arith.index_cast %add3A_908 : i32 to index
      %swap3A_952 = arith.constant 32 : index
      %swap3A_953 = tpu.vector_load %arg8[%swap3A_950, %swap3A_951, %swap3A_952] {strides = array<i32>} : memref<2x128x64xf32, #tpu.memory_space<vmem>>, vector<16xf32>,
      tpu.vector_store %arg8[%swap3A_950, %swap3A_951, %swap3A_952], %get3A_948 {strides = array<i32>} : memref<2x128x64xf32, #tpu.memory_space<vmem>>, vector<16xf32>,
      %add3A_954 = arith.constant 128 : i32
      %add3A_955 = arith.addi %add3A_954, %add3A_908 : i32
      %get3A_956 = arith.constant 1 : i32
      %get3A_957 = arith.constant 0 : i32
      %get3A_958 = arith.constant 0 : i32
      %get3A_959 = tpu.memref_slice %arg7[%get3A_956, %get3A_957, %get3A_958] : memref<2x256x128xf32, #tpu.memory_space<vmem>> -> memref<1x256x128xf32, #tpu.memory_space<vmem>>
      %get3A_960 = tpu.memref_squeeze %get3A_959 : memref<1x256x128xf32, #tpu.memory_space<vmem>> -> memref<256x128xf32, #tpu.memory_space<vmem>>
      %get3A_961 = arith.index_cast %add3A_955 : i32 to index
      %get3A_962 = arith.constant 48 : index
      %get3A_963 = tpu.vector_load %get3A_960[%get3A_961, %get3A_962] {strides = array<i32>} : memref<256x128xf32, #tpu.memory_space<vmem>>, vector<16xf32>,
      %swap3A_964 = arith.constant 1 : i32
      %swap3A_965 = arith.index_cast %swap3A_964 : i32 to index
      %swap3A_966 = arith.index_cast %add3A_908 : i32 to index
      %swap3A_967 = arith.constant 48 : index
      %swap3A_968 = tpu.vector_load %arg8[%swap3A_965, %swap3A_966, %swap3A_967] {strides = array<i32>} : memref<2x128x64xf32, #tpu.memory_space<vmem>>, vector<16xf32>,
      tpu.vector_store %arg8[%swap3A_965, %swap3A_966, %swap3A_967], %get3A_963 {strides = array<i32>} : memref<2x128x64xf32, #tpu.memory_space<vmem>>, vector<16xf32>,
      %mul3A_969 = arith.constant 4 : i32
      %mul3A_970 = arith.muli %scan3A_841, %mul3A_969 : i32
      %add3A_971 = arith.constant 2 : i32
      %add3A_972 = arith.addi %mul3A_970, %add3A_971 : i32
      %add3A_973 = arith.constant 128 : i32
      %add3A_974 = arith.addi %add3A_973, %add3A_972 : i32
      %get3A_975 = arith.constant 1 : i32
      %get3A_976 = arith.constant 0 : i32
      %get3A_977 = arith.constant 0 : i32
      %get3A_978 = tpu.memref_slice %arg7[%get3A_975, %get3A_976, %get3A_977] : memref<2x256x128xf32, #tpu.memory_space<vmem>> -> memref<1x256x128xf32, #tpu.memory_space<vmem>>
      %get3A_979 = tpu.memref_squeeze %get3A_978 : memref<1x256x128xf32, #tpu.memory_space<vmem>> -> memref<256x128xf32, #tpu.memory_space<vmem>>
      %get3A_980 = arith.index_cast %add3A_974 : i32 to index
      %get3A_981 = arith.constant 0 : index
      %get3A_982 = tpu.vector_load %get3A_979[%get3A_980, %get3A_981] {strides = array<i32>} : memref<256x128xf32, #tpu.memory_space<vmem>>, vector<16xf32>,
      %swap3A_983 = arith.constant 1 : i32
      %swap3A_984 = arith.index_cast %swap3A_983 : i32 to index
      %swap3A_985 = arith.index_cast %add3A_972 : i32 to index
      %swap3A_986 = arith.constant 0 : index
      %swap3A_987 = tpu.vector_load %arg8[%swap3A_984, %swap3A_985, %swap3A_986] {strides = array<i32>} : memref<2x128x64xf32, #tpu.memory_space<vmem>>, vector<16xf32>,
      tpu.vector_store %arg8[%swap3A_984, %swap3A_985, %swap3A_986], %get3A_982 {strides = array<i32>} : memref<2x128x64xf32, #tpu.memory_space<vmem>>, vector<16xf32>,
      %add3A_988 = arith.constant 128 : i32
      %add3A_989 = arith.addi %add3A_988, %add3A_972 : i32
      %get3A_990 = arith.constant 1 : i32
      %get3A_991 = arith.constant 0 : i32
      %get3A_992 = arith.constant 0 : i32
      %get3A_993 = tpu.memref_slice %arg7[%get3A_990, %get3A_991, %get3A_992] : memref<2x256x128xf32, #tpu.memory_space<vmem>> -> memref<1x256x128xf32, #tpu.memory_space<vmem>>
      %get3A_994 = tpu.memref_squeeze %get3A_993 : memref<1x256x128xf32, #tpu.memory_space<vmem>> -> memref<256x128xf32, #tpu.memory_space<vmem>>
      %get3A_995 = arith.index_cast %add3A_989 : i32 to index
      %get3A_996 = arith.constant 16 : index
      %get3A_997 = tpu.vector_load %get3A_994[%get3A_995, %get3A_996] {strides = array<i32>} : memref<256x128xf32, #tpu.memory_space<vmem>>, vector<16xf32>,
      %swap3A_998 = arith.constant 1 : i32
      %swap3A_999 = arith.index_cast %swap3A_998 : i32 to index
      %swap3A_1000 = arith.index_cast %add3A_972 : i32 to index
      %swap3A_1001 = arith.constant 16 : index
      %swap3A_1002 = tpu.vector_load %arg8[%swap3A_999, %swap3A_1000, %swap3A_1001] {strides = array<i32>} : memref<2x128x64xf32, #tpu.memory_space<vmem>>, vector<16xf32>,
      tpu.vector_store %arg8[%swap3A_999, %swap3A_1000, %swap3A_1001], %get3A_997 {strides = array<i32>} : memref<2x128x64xf32, #tpu.memory_space<vmem>>, vector<16xf32>,
      %add3A_1003 = arith.constant 128 : i32
      %add3A_1004 = arith.addi %add3A_1003, %add3A_972 : i32
      %get3A_1005 = arith.constant 1 : i32
      %get3A_1006 = arith.constant 0 : i32
      %get3A_1007 = arith.constant 0 : i32
      %get3A_1008 = tpu.memref_slice %arg7[%get3A_1005, %get3A_1006, %get3A_1007] : memref<2x256x128xf32, #tpu.memory_space<vmem>> -> memref<1x256x128xf32, #tpu.memory_space<vmem>>
      %get3A_1009 = tpu.memref_squeeze %get3A_1008 : memref<1x256x128xf32, #tpu.memory_space<vmem>> -> memref<256x128xf32, #tpu.memory_space<vmem>>
      %get3A_1010 = arith.index_cast %add3A_1004 : i32 to index
      %get3A_1011 = arith.constant 32 : index
      %get3A_1012 = tpu.vector_load %get3A_1009[%get3A_1010, %get3A_1011] {strides = array<i32>} : memref<256x128xf32, #tpu.memory_space<vmem>>, vector<16xf32>,
      %swap3A_1013 = arith.constant 1 : i32
      %swap3A_1014 = arith.index_cast %swap3A_1013 : i32 to index
      %swap3A_1015 = arith.index_cast %add3A_972 : i32 to index
      %swap3A_1016 = arith.constant 32 : index
      %swap3A_1017 = tpu.vector_load %arg8[%swap3A_1014, %swap3A_1015, %swap3A_1016] {strides = array<i32>} : memref<2x128x64xf32, #tpu.memory_space<vmem>>, vector<16xf32>,
      tpu.vector_store %arg8[%swap3A_1014, %swap3A_1015, %swap3A_1016], %get3A_1012 {strides = array<i32>} : memref<2x128x64xf32, #tpu.memory_space<vmem>>, vector<16xf32>,
      %add3A_1018 = arith.constant 128 : i32
      %add3A_1019 = arith.addi %add3A_1018, %add3A_972 : i32
      %get3A_1020 = arith.constant 1 : i32
      %get3A_1021 = arith.constant 0 : i32
      %get3A_1022 = arith.constant 0 : i32
      %get3A_1023 = tpu.memref_slice %arg7[%get3A_1020, %get3A_1021, %get3A_1022] : memref<2x256x128xf32, #tpu.memory_space<vmem>> -> memref<1x256x128xf32, #tpu.memory_space<vmem>>
      %get3A_1024 = tpu.memref_squeeze %get3A_1023 : memref<1x256x128xf32, #tpu.memory_space<vmem>> -> memref<256x128xf32, #tpu.memory_space<vmem>>
      %get3A_1025 = arith.index_cast %add3A_1019 : i32 to index
      %get3A_1026 = arith.constant 48 : index
      %get3A_1027 = tpu.vector_load %get3A_1024[%get3A_1025, %get3A_1026] {strides = array<i32>} : memref<256x128xf32, #tpu.memory_space<vmem>>, vector<16xf32>,
      %swap3A_1028 = arith.constant 1 : i32
      %swap3A_1029 = arith.index_cast %swap3A_1028 : i32 to index
      %swap3A_1030 = arith.index_cast %add3A_972 : i32 to index
      %swap3A_1031 = arith.constant 48 : index
      %swap3A_1032 = tpu.vector_load %arg8[%swap3A_1029, %swap3A_1030, %swap3A_1031] {strides = array<i32>} : memref<2x128x64xf32, #tpu.memory_space<vmem>>, vector<16xf32>,
      tpu.vector_store %arg8[%swap3A_1029, %swap3A_1030, %swap3A_1031], %get3A_1027 {strides = array<i32>} : memref<2x128x64xf32, #tpu.memory_space<vmem>>, vector<16xf32>,
      %mul3A_1033 = arith.constant 4 : i32
      %mul3A_1034 = arith.muli %scan3A_841, %mul3A_1033 : i32
      %add3A_1035 = arith.constant 3 : i32
      %add3A_1036 = arith.addi %mul3A_1034, %add3A_1035 : i32
      %add3A_1037 = arith.constant 128 : i32
      %add3A_1038 = arith.addi %add3A_1037, %add3A_1036 : i32
      %get3A_1039 = arith.constant 1 : i32
      %get3A_1040 = arith.constant 0 : i32
      %get3A_1041 = arith.constant 0 : i32
      %get3A_1042 = tpu.memref_slice %arg7[%get3A_1039, %get3A_1040, %get3A_1041] : memref<2x256x128xf32, #tpu.memory_space<vmem>> -> memref<1x256x128xf32, #tpu.memory_space<vmem>>
      %get3A_1043 = tpu.memref_squeeze %get3A_1042 : memref<1x256x128xf32, #tpu.memory_space<vmem>> -> memref<256x128xf32, #tpu.memory_space<vmem>>
      %get3A_1044 = arith.index_cast %add3A_1038 : i32 to index
      %get3A_1045 = arith.constant 0 : index
      %get3A_1046 = tpu.vector_load %get3A_1043[%get3A_1044, %get3A_1045] {strides = array<i32>} : memref<256x128xf32, #tpu.memory_space<vmem>>, vector<16xf32>,
      %swap3A_1047 = arith.constant 1 : i32
      %swap3A_1048 = arith.index_cast %swap3A_1047 : i32 to index
      %swap3A_1049 = arith.index_cast %add3A_1036 : i32 to index
      %swap3A_1050 = arith.constant 0 : index
      %swap3A_1051 = tpu.vector_load %arg8[%swap3A_1048, %swap3A_1049, %swap3A_1050] {strides = array<i32>} : memref<2x128x64xf32, #tpu.memory_space<vmem>>, vector<16xf32>,
      tpu.vector_store %arg8[%swap3A_1048, %swap3A_1049, %swap3A_1050], %get3A_1046 {strides = array<i32>} : memref<2x128x64xf32, #tpu.memory_space<vmem>>, vector<16xf32>,
      %add3A_1052 = arith.constant 128 : i32
      %add3A_1053 = arith.addi %add3A_1052, %add3A_1036 : i32
      %get3A_1054 = arith.constant 1 : i32
      %get3A_1055 = arith.constant 0 : i32
      %get3A_1056 = arith.constant 0 : i32
      %get3A_1057 = tpu.memref_slice %arg7[%get3A_1054, %get3A_1055, %get3A_1056] : memref<2x256x128xf32, #tpu.memory_space<vmem>> -> memref<1x256x128xf32, #tpu.memory_space<vmem>>
      %get3A_1058 = tpu.memref_squeeze %get3A_1057 : memref<1x256x128xf32, #tpu.memory_space<vmem>> -> memref<256x128xf32, #tpu.memory_space<vmem>>
      %get3A_1059 = arith.index_cast %add3A_1053 : i32 to index
      %get3A_1060 = arith.constant 16 : index
      %get3A_1061 = tpu.vector_load %get3A_1058[%get3A_1059, %get3A_1060] {strides = array<i32>} : memref<256x128xf32, #tpu.memory_space<vmem>>, vector<16xf32>,
      %swap3A_1062 = arith.constant 1 : i32
      %swap3A_1063 = arith.index_cast %swap3A_1062 : i32 to index
      %swap3A_1064 = arith.index_cast %add3A_1036 : i32 to index
      %swap3A_1065 = arith.constant 16 : index
      %swap3A_1066 = tpu.vector_load %arg8[%swap3A_1063, %swap3A_1064, %swap3A_1065] {strides = array<i32>} : memref<2x128x64xf32, #tpu.memory_space<vmem>>, vector<16xf32>,
      tpu.vector_store %arg8[%swap3A_1063, %swap3A_1064, %swap3A_1065], %get3A_1061 {strides = array<i32>} : memref<2x128x64xf32, #tpu.memory_space<vmem>>, vector<16xf32>,
      %add3A_1067 = arith.constant 128 : i32
      %add3A_1068 = arith.addi %add3A_1067, %add3A_1036 : i32
      %get3A_1069 = arith.constant 1 : i32
      %get3A_1070 = arith.constant 0 : i32
      %get3A_1071 = arith.constant 0 : i32
      %get3A_1072 = tpu.memref_slice %arg7[%get3A_1069, %get3A_1070, %get3A_1071] : memref<2x256x128xf32, #tpu.memory_space<vmem>> -> memref<1x256x128xf32, #tpu.memory_space<vmem>>
      %get3A_1073 = tpu.memref_squeeze %get3A_1072 : memref<1x256x128xf32, #tpu.memory_space<vmem>> -> memref<256x128xf32, #tpu.memory_space<vmem>>
      %get3A_1074 = arith.index_cast %add3A_1068 : i32 to index
      %get3A_1075 = arith.constant 32 : index
      %get3A_1076 = tpu.vector_load %get3A_1073[%get3A_1074, %get3A_1075] {strides = array<i32>} : memref<256x128xf32, #tpu.memory_space<vmem>>, vector<16xf32>,
      %swap3A_1077 = arith.constant 1 : i32
      %swap3A_1078 = arith.index_cast %swap3A_1077 : i32 to index
      %swap3A_1079 = arith.index_cast %add3A_1036 : i32 to index
      %swap3A_1080 = arith.constant 32 : index
      %swap3A_1081 = tpu.vector_load %arg8[%swap3A_1078, %swap3A_1079, %swap3A_1080] {strides = array<i32>} : memref<2x128x64xf32, #tpu.memory_space<vmem>>, vector<16xf32>,
      tpu.vector_store %arg8[%swap3A_1078, %swap3A_1079, %swap3A_1080], %get3A_1076 {strides = array<i32>} : memref<2x128x64xf32, #tpu.memory_space<vmem>>, vector<16xf32>,
      %add3A_1082 = arith.constant 128 : i32
      %add3A_1083 = arith.addi %add3A_1082, %add3A_1036 : i32
      %get3A_1084 = arith.constant 1 : i32
      %get3A_1085 = arith.constant 0 : i32
      %get3A_1086 = arith.constant 0 : i32
      %get3A_1087 = tpu.memref_slice %arg7[%get3A_1084, %get3A_1085, %get3A_1086] : memref<2x256x128xf32, #tpu.memory_space<vmem>> -> memref<1x256x128xf32, #tpu.memory_space<vmem>>
      %get3A_1088 = tpu.memref_squeeze %get3A_1087 : memref<1x256x128xf32, #tpu.memory_space<vmem>> -> memref<256x128xf32, #tpu.memory_space<vmem>>
      %get3A_1089 = arith.index_cast %add3A_1083 : i32 to index
      %get3A_1090 = arith.constant 48 : index
      %get3A_1091 = tpu.vector_load %get3A_1088[%get3A_1089, %get3A_1090] {strides = array<i32>} : memref<256x128xf32, #tpu.memory_space<vmem>>, vector<16xf32>,
      %swap3A_1092 = arith.constant 1 : i32
      %swap3A_1093 = arith.index_cast %swap3A_1092 : i32 to index
      %swap3A_1094 = arith.index_cast %add3A_1036 : i32 to index
      %swap3A_1095 = arith.constant 48 : index
      %swap3A_1096 = tpu.vector_load %arg8[%swap3A_1093, %swap3A_1094, %swap3A_1095] {strides = array<i32>} : memref<2x128x64xf32, #tpu.memory_space<vmem>>, vector<16xf32>,
      tpu.vector_store %arg8[%swap3A_1093, %swap3A_1094, %swap3A_1095], %get3A_1091 {strides = array<i32>} : memref<2x128x64xf32, #tpu.memory_space<vmem>>, vector<16xf32>,
    }
    %scan3A_797 = arith.constant 32 : i32
    %add3A_798 = arith.constant 25344 : i32
    %add3A_799 = arith.addi %mul3A_2, %add3A_798 : i32
    %add3A_800 = arith.constant 128 : i32
    %add3A_801 = arith.addi %add3A_799, %add3A_800 : i32
    %dma_start3A_802 = arith.constant 1 : i32
    %dma_start3A_803 = arith.constant 0 : i32
    %dma_start3A_804 = arith.constant 0 : i32
    %dma_start3A_805 = tpu.memref_slice %arg8[%dma_start3A_802, %dma_start3A_803, %dma_start3A_804] : memref<2x128x64xf32, #tpu.memory_space<vmem>> -> memref<1x128x64xf32, #tpu.memory_space<vmem>>
    %dma_start3A_806 = tpu.memref_squeeze %dma_start3A_805 : memref<1x128x64xf32, #tpu.memory_space<vmem>> -> memref<128x64xf32, #tpu.memory_space<vmem>>
    %dma_start3A_807 = arith.constant 0 : i32
    %dma_start3A_808 = tpu.memref_slice %arg4[%add3A_801, %dma_start3A_807] : memref<819200x64xf32, #tpu.memory_space<hbm>> -> memref<128x64xf32, #tpu.memory_space<hbm>>
    %dma_start3A_809 = arith.constant 0 : i32
    %dma_start3A_810 = tpu.memref_slice %arg4[%add3A_801, %dma_start3A_809] : memref<819200x64xf32, #tpu.memory_space<hbm>> -> memref<128x64xf32, #tpu.memory_space<hbm>>
    %dma_start3A_811 = arith.constant 0 : i32
    %dma_start3A_812 = arith.constant 0 : i32
    %dma_start3A_813 = tpu.memref_slice %arg8[%dma_start3A_802, %dma_start3A_811, %dma_start3A_812] : memref<2x128x64xf32, #tpu.memory_space<vmem>> -> memref<1x128x64xf32, #tpu.memory_space<vmem>>
    %dma_start3A_814 = tpu.memref_squeeze %dma_start3A_813 : memref<1x128x64xf32, #tpu.memory_space<vmem>> -> memref<128x64xf32, #tpu.memory_space<vmem>>
    tpu.enqueue_dma source(%dma_start3A_814 : memref<128x64xf32, #tpu.memory_space<vmem>>) target(%dma_start3A_810 : memref<128x64xf32, #tpu.memory_space<hbm>>) target_semaphore(%arg12 : memref<!tpu.dma_semaphore, #tpu.memory_space<semaphore_mem>>)
    %dma_wait3A_815 = arith.constant 0 : i32
    %dma_wait3A_816 = arith.constant 0 : i32
    %dma_wait3A_817 = arith.constant 0 : i32
    %dma_wait3A_818 = tpu.memref_slice %arg8[%dma_wait3A_815, %dma_wait3A_816, %dma_wait3A_817] : memref<2x128x64xf32, #tpu.memory_space<vmem>> -> memref<1x128x64xf32, #tpu.memory_space<vmem>>
    %dma_wait3A_819 = tpu.memref_squeeze %dma_wait3A_818 : memref<1x128x64xf32, #tpu.memory_space<vmem>> -> memref<128x64xf32, #tpu.memory_space<vmem>>
    %dma_wait3A_820 = arith.constant 0 : i32
    %dma_wait3A_821 = tpu.memref_slice %arg4[%mul3A_2, %dma_wait3A_820] : memref<819200x64xf32, #tpu.memory_space<hbm>> -> memref<128x64xf32, #tpu.memory_space<hbm>>
    %dma_wait3A_822 = arith.constant 0 : i32
    %dma_wait3A_823 = tpu.memref_slice %arg4[%mul3A_2, %dma_wait3A_822] : memref<819200x64xf32, #tpu.memory_space<hbm>> -> memref<128x64xf32, #tpu.memory_space<hbm>>
    %dma_wait3A_824 = arith.constant 0 : i32
    %dma_wait3A_825 = arith.constant 0 : i32
    %dma_wait3A_826 = tpu.memref_slice %arg8[%dma_wait3A_815, %dma_wait3A_824, %dma_wait3A_825] : memref<2x128x64xf32, #tpu.memory_space<vmem>> -> memref<1x128x64xf32, #tpu.memory_space<vmem>>
    %dma_wait3A_827 = tpu.memref_squeeze %dma_wait3A_826 : memref<1x128x64xf32, #tpu.memory_space<vmem>> -> memref<128x64xf32, #tpu.memory_space<vmem>>
    tpu.wait_dma2 semaphore(%arg11 : memref<!tpu.dma_semaphore, #tpu.memory_space<semaphore_mem>>) src(%dma_wait3A_827 : memref<128x64xf32, #tpu.memory_space<vmem>>) dst(%dma_wait3A_823 : memref<128x64xf32, #tpu.memory_space<hbm>>)
    %dma_wait3A_828 = arith.constant 1 : i32
    %dma_wait3A_829 = arith.constant 0 : i32
    %dma_wait3A_830 = arith.constant 0 : i32
    %dma_wait3A_831 = tpu.memref_slice %arg8[%dma_wait3A_828, %dma_wait3A_829, %dma_wait3A_830] : memref<2x128x64xf32, #tpu.memory_space<vmem>> -> memref<1x128x64xf32, #tpu.memory_space<vmem>>
    %dma_wait3A_832 = tpu.memref_squeeze %dma_wait3A_831 : memref<1x128x64xf32, #tpu.memory_space<vmem>> -> memref<128x64xf32, #tpu.memory_space<vmem>>
    %dma_wait3A_833 = arith.constant 0 : i32
    %dma_wait3A_834 = tpu.memref_slice %arg4[%mul3A_2, %dma_wait3A_833] : memref<819200x64xf32, #tpu.memory_space<hbm>> -> memref<128x64xf32, #tpu.memory_space<hbm>>
    %dma_wait3A_835 = arith.constant 0 : i32
    %dma_wait3A_836 = tpu.memref_slice %arg4[%mul3A_2, %dma_wait3A_835] : memref<819200x64xf32, #tpu.memory_space<hbm>> -> memref<128x64xf32, #tpu.memory_space<hbm>>
    %dma_wait3A_837 = arith.constant 0 : i32
    %dma_wait3A_838 = arith.constant 0 : i32
    %dma_wait3A_839 = tpu.memref_slice %arg8[%dma_wait3A_828, %dma_wait3A_837, %dma_wait3A_838] : memref<2x128x64xf32, #tpu.memory_space<vmem>> -> memref<1x128x64xf32, #tpu.memory_space<vmem>>
    %dma_wait3A_840 = tpu.memref_squeeze %dma_wait3A_839 : memref<1x128x64xf32, #tpu.memory_space<vmem>> -> memref<128x64xf32, #tpu.memory_space<vmem>>
    tpu.wait_dma2 semaphore(%arg12 : memref<!tpu.dma_semaphore, #tpu.memory_space<semaphore_mem>>) src(%dma_wait3A_840 : memref<128x64xf32, #tpu.memory_space<vmem>>) dst(%dma_wait3A_836 : memref<128x64xf32, #tpu.memory_space<hbm>>)
    return
  }
}

</mosaic_0001>

<sc_bundles>
// kernel: kernel.3.cloned.1.call-start
scs
__scs_entry_jumppad:
0x0: {  	(pc) =	sbr.rel $0x88, $3  }
0x1: {  	(tag) =	ssettag $0x0;
	lr =	simm.s32 $0x1  }
0x2: {  	[smem:$0x3F9F] =	sst lr;
	_ =	strace $0xD0000000  }
0x3: {  	_ = 	snop  }
0x4: {  	_ = 	snop  }
0x5: {  	_ = 	snop  }
0x6: {  	_ = 	snop  }
0x7: {  	_ = 	snop  }
__scs_overlays_trampoline_lowered:
0x8: {  	[smem:$0x3FAE] =	sst s0  }
0x9: {  	[smem:$0x3FAF] =	sst s1  }
0xa: {  	[smem:$0x3FB0] =	sst s2  }
0xb: {  	[smem:$0x3FB1] =	sst s3  }
0xc: {  	[smem:$0x3FB2] =	sst s4  }
0xd: {  	[smem:$0x3FB3] =	sst s5  }
0xe: {  	[smem:$0x3FB4] =	sst s6  }
0xf: {  	[smem:$0x3FB5] =	sst s7  }
0x10: {  	[smem:$0x3FB6] =	sst s8  }
0x11: {  	[smem:$0x3FB7] =	sst s9;
	s0 =	simm.s32 @!p0 $0x0  }
0x12: {  	s1 =	sld [smem:$0x3F9D];
	s0 =	simm.s32 @p0 $0x1  }
0x13: {  	[smem:$0x3FB8] =	sst s0;
	s0 =	simm.s32 @!p1 $0x0  }
0x14: {  	s2 =	sld [smem:$0x3F9C];
	s0 =	simm.s32 @p1 $0x1  }
0x15: {  	[smem:$0x3FB9] =	sst s0;
	s0 =	simm.s32 @!p2 $0x0  }
0x16: {  	s3 =	sld [smem:$0x3FDB];
	s0 =	simm.s32 @p2 $0x1  }
0x17: {  	s4 =	simm.s32 $0x1BF5;
	[smem:$0x3FBB] =	sst s0  }
0x18: {  	s0 =	sld [smem:$0x3F9E];
	_ =	swait.ge [sflag:s4], $0x0  }
0x19: {  	s7 =	sld [smem:$0x3F9F]  }
0x1a: {  	s8 =	sadd.s32 $0xFFFFE003, lr  }
0x1b: {  	s9 =	sadd.s32 $0xFFFFFEF7, lr;
	s5 =	simm.s32 $0xFFFFFFFF;
	p2 =	slt.u32 s8, $0xFFFFF086  }
0x1c: {  	p1 =	slt.u32 s9, $0xF7A;
	s5 =	simm.s32 @!p2 $0x0  }
0x1d: {  	s5 =	simm.s32 @p1 $0x1;
	p0 =	seq.s32 s7, s2  }
0x1e: {  	s7 =	smul.u32 @!p0 $0xF7A, s2;
	p2 =	seq.s32 @!p0 s5, $0x0  }
0x1f: {  	s9 =	smul.u32 $0xF7A, s1;
	s8 =	simm.s32 @!p0 $0x1BF5;
	p2 =	por !p2, p0  }
0x20: {  	[sflag:s8] =	ssyncset.s32 @!p0 $0xFFFFF086;
	s6 =	sadd.s32 @!p0 s3, s7;
	s7 =	simm.s32 @!p0 $0x108  }
0x21: {  	s3 =	sadd.s32 s3, s9;
	s6 =	sadd.s32 @!p0 $0x88, s6;
	s7 =	simm.s32 @p2 $0x1082  }
0x22: {  	[simem:s7], [sflag:s8] =	dma.local @!p0 [hbm:s6], $0xF7A  }
0x23: {  	s9 =	sor.u32 $0xD0000000, s2;
	s6 =	simm.s32 $0x108;
	_ =	swait.ge @!p0 [sflag:s8], $0x0  }
0x24: {  	s3 =	sadd.s32 $0x88, s3;
	s6 =	simm.s32 @!p1 $0x1082;
	[sflag:s4] =	ssyncset.s32 $0xFFFFF086  }
0x25: {  	[simem:s6], [sflag:s4] =	dma.local [hbm:s3], $0xF7A  }
0x26: {  	[smem:$0x3F9F] =	sst s1;
	(tag) =	ssettag s2;
	_ =	strace s9  }
0x27: {  	s1 =	sld [smem:$0x3FAF]  }
0x28: {  	s2 =	sld [smem:$0x3FB0]  }
0x29: {  	s4 =	sld [smem:$0x3FB2]  }
0x2a: {  	p0 =	seq.s32 s5, $0x0;
	s5 =	sld [smem:$0x3FB3]  }
0x2b: {  	s6 =	sld [smem:$0x3FB4]  }
0x2c: {  	s7 =	sld [smem:$0x3FB5]  }
0x2d: {  	s3 =	simm.s32 $0x108;
	s8 =	sld [smem:$0x3FB6]  }
0x2e: {  	s3 =	simm.s32 @!p0 $0x1082;
	s9 =	sld [smem:$0x3FB7]  }
0x2f: {  	lr =	sadd.s32 s0, s3;
	s0 =	sld [smem:$0x3FAE]  }
0x30: {  	s3 =	sld [smem:$0x3FB1]  }
0x31: {  	[smem:$0x3FBA] =	sst s10  }
0x32: {  	s10 =	sld [smem:$0x3FB8];
	_ =	sdelay $0x3  }
0x33: {  	p0 =	seq.s32 s10, $0x1;
	s10 =	sld [smem:$0x3FBA];
	_ =	sdelay $0x3  }
0x34: {  	[smem:$0x3FBA] =	sst s10  }
0x35: {  	s10 =	sld [smem:$0x3FB9];
	_ =	sdelay $0x3  }
0x36: {  	p1 =	seq.s32 s10, $0x1;
	s10 =	sld [smem:$0x3FBA];
	_ =	sdelay $0x3  }
0x37: {  	[smem:$0x3FBA] =	sst s10  }
0x38: {  	s10 =	sld [smem:$0x3FBB]  }
0x39: {  	_ = 	snop;
	(pc) =	sbr.ind lr, $3  }
0x3a: {  	_ = 	snop  }
0x3b: {  	_ = 	snop  }
0x3c: {  	p2 =	seq.s32 s10, $0x1;
	s10 =	sld [smem:$0x3FBA]  }
0x3d: {  	_ =	shalt  }
0x3e: {  	_ =	shalt  }
0x3f: {  	_ =	shalt  }
0x40: {  	_ =	shalt  }
0x41: {  	_ =	shalt  }
0x42: {  	_ =	shalt  }
0x43: {  	_ =	shalt  }
0x44: {  	_ =	shalt  }
0x45: {  	_ =	shalt  }
0x46: {  	_ =	shalt  }
0x47: {  	_ =	shalt  }
0x48: {  	_ =	shalt  }
0x49: {  	_ =	shalt  }
0x4a: {  	_ =	shalt  }
0x4b: {  	_ =	shalt  }
0x4c: {  	_ =	shalt  }
0x4d: {  	_ =	shalt  }
0x4e: {  	_ =	shalt  }
0x4f: {  	_ =	shalt  }
0x50: {  	_ =	shalt  }
0x51: {  	_ =	shalt  }
0x52: {  	_ =	shalt  }
0x53: {  	_ =	shalt  }
0x54: {  	_ =	shalt  }
0x55: {  	_ =	shalt  }
0x56: {  	_ =	shalt  }
0x57: {  	_ =	shalt  }
0x58: {  	_ =	shalt  }
0x59: {  	_ =	shalt  }
0x5a: {  	_ =	shalt  }
0x5b: {  	_ =	shalt  }
0x5c: {  	_ =	shalt  }
0x5d: {  	_ =	shalt  }
0x5e: {  	_ =	shalt  }
0x5f: {  	_ =	shalt  }
0x60: {  	_ =	shalt  }
0x61: {  	_ =	shalt  }
0x62: {  	_ =	shalt  }
0x63: {  	_ =	shalt  }
0x64: {  	_ =	shalt  }
0x65: {  	_ =	shalt  }
0x66: {  	_ =	shalt  }
0x67: {  	_ =	shalt  }
0x68: {  	_ =	shalt  }
0x69: {  	_ =	shalt  }
0x6a: {  	_ =	shalt  }
0x6b: {  	_ =	shalt  }
0x6c: {  	_ =	shalt  }
0x6d: {  	_ =	shalt  }
0x6e: {  	_ =	shalt  }
0x6f: {  	_ =	shalt  }
0x70: {  	_ =	shalt  }
0x71: {  	_ =	shalt  }
0x72: {  	_ =	shalt  }
0x73: {  	_ =	shalt  }
0x74: {  	_ =	shalt  }
0x75: {  	_ =	shalt  }
0x76: {  	_ =	shalt  }
0x77: {  	_ =	shalt  }
0x78: {  	_ =	shalt  }
0x79: {  	_ =	shalt  }
0x7a: {  	_ =	shalt  }
0x7b: {  	_ =	shalt  }
0x7c: {  	_ =	shalt  }
0x7d: {  	_ =	shalt  }
0x7e: {  	_ =	shalt  }
0x7f: {  	_ =	shalt  }
0x80: {  	_ =	shalt  }
0x81: {  	_ =	shalt  }
0x82: {  	_ =	shalt  }
0x83: {  	_ =	shalt  }
0x84: {  	_ =	shalt  }
0x85: {  	_ =	shalt  }
0x86: {  	_ =	shalt  }
0x87: {  	_ =	shalt  }
.Lfunc_end0:
.L_simem_size_0:
called_computation.1_lowered:
.L_overlay_start_0:
0x88: {  	s2 =	sld [smem:$0x3FD9]  }
0x89: {  	s3 =	sld [smem:$0x3FFE];
	_ =	sdelay $0x1  }
0x8a: {  	s1 =	srdreg.scid  }
0x8b: {  	s0 =	sand.u32 $0x1, s1  }
0x8c: {  	s17 =	sshll.u32 s0, $0xA;
	s2 =	sadd.s32 s3, s2  }
0x8d: {  	s2 =	sadd.s32 s2, s17  }
0x8e: {  	[smem:$0x3FC6] =	sst s2  }
0x8f: {  	_ = 	snop  }
0x90: {  	s2 =	sld [smem:$0x3FD0];
	(tm) =	ssettm $0x1  }
0x91: {  	s18 =	sld [smem:$0x3FFB];
	_ =	sdelay $0x3  }
0x92: {  	_ =	strace s18  }
0x93: {  	s3 =	sld [smem:$0x3FFC];
	_ =	sdelay $0x3  }
0x94: {  	_ =	strace s3  }
0x95: {  	s3 =	sld [smem:$0x3FFD];
	_ =	sdelay $0x3  }
0x96: {  	_ =	strace s3  }
0x97: {  	_ =	strace $0x8FFFFFFF  }
0x98: {  	s19 =	sld [smem:$0x3FDB];
	_ =	sdelay $0x1  }
0x99: {  	s4 =	simm.s32 $_scs_section_size  }
0x9a: {  	s5 =	simm.s32 $_size__tile_overlayer_lowered;
	s6 =	simm.s32 $_tile_overlayer_lowered  }
0x9b: {  	s22 =	simm.s32 $0x1BFF;
	s21 =	sshll.u32 s6, $0x1;
	s3 =	sadd.s32 s4, s19  }
0x9c: {  	s7 =	simm.s32 $0x0;
	s20 =	sshll.u32 s5, $0x1;
	s5 =	sadd.s32 s21, s3  }
0x9d: {  	[timem:s7], [sflag:s22] =	dma.local [hbm:s5], s20  }
0x9e: {  	_ =	swait.ge [sflag:s22], s20  }
0x9f: {  	s4 =	ssub.s32 $0x0, s20;
	[sflag:s22] =	ssyncset.done $0x0  }
0xa0: {  	[sflag:s22] =	ssyncadd.s32 s4;
	_ =	sdelay $0x1  }
0xa1: {  	s23 =	simm.s32 $0x1B8B  }
0xa2: {  	_ =	swait.ge [sflag:s23], $0x1  }
0xa3: {  	[sflag:s23] =	ssyncset.done $0x0  }
0xa4: {  	s25 =	simm.s32 $0x1B8E;
	s24 =	sld [smem:$0x3FFE];
	[sflag:s23] =	ssyncadd.s32 $0xFFFFFFFF  }
0xa5: {  	s26 =	simm.s32 $execute0_lowered;
	[smem:$0x3FD2] =	sst s25  }
0xa6: {  	s5 =	sshll.u32 s26, $0x1;
	_ =	strace $0x80000046;
	[dreg:$0x1] =	wrdreg $0xFFFFFFFF  }
0xa7: {  	s28 =	simm.s32 $_size_execute0_lowered;
	s3 =	sadd.s32 s3, s5;
	[dreg:$0x0] =	wrdreg $0x0  }
0xa8: {  	s5 =	sshll.u32 s28, $0x1;
	[dreg:$0x2] =	wrdreg s3  }
0xa9: {  	[dreg:$0x3] =	wrdreg s5  }
0xaa: {  	[dreg:$0x4] =	wrdreg $0xC0  }
0xab: {  	_ =	task [dreg:s7], $0x5FFFF  }
0xac: {  	[dreg:$0x1] =	wrdreg $0xFFFFFFFF  }
0xad: {  	[dreg:$0x0] =	wrdreg $0x60  }
0xae: {  	[dreg:$0x2] =	wrdreg s2  }
0xaf: {  	[dreg:$0x3] =	wrdreg s24  }
0xb0: {  	[dreg:$0x4] =	wrdreg $0x9  }
0xb1: {  	_ =	task.clear_ibuf [dreg:s7], $0x5FFFF;
	_ =	strace $0x90000046  }
0xb2: {  	s29 =	simm.s32 $0x9;
	_ =	strace $0x80000048  }
0xb3: {  	_ =	swait.ge [sflag:s29], $0x1  }
0xb4: {  	[sflag:s29] =	ssyncadd.s32 $0xFFFFFFFF  }
0xb5: {  	_ =	strace $0x90000048  }
0xb6: {  	_ =	sfence  }
0xb7: {  	s30 =	sld [smem:$0x0];
	_ =	sdelay $0x2  }
0xb8: {  	s31 =	sshll.u32 s1, $0xD;
	s1 =	sshrl.u32 s1, $0x2  }
0xb9: {  	s3 =	sand.u32 $0x4000, s31;
	s1 =	sadd.s32 s1, s30  }
0xba: {  	s0 =	sor.u32 s3, s0;
	s1 =	sshll.u32 s1, $0x11  }
0xbb: {  	s0 =	sor.u32 s1, s0  }
0xbc: {  	s0 =	sadd.s32 $0x8F2B, s0  }
0xbd: {  	[sflag:s0] =	ssyncadd.remote.s32 $0x1  }
0xbe: {  	_ =	sfence.sel $0xFFFF  }
0xbf: {  	[dreg:$0x0] =	wrdreg $0xFFFFFFFF;
	(pc) =	sbr.abs _section_cstart, $3  }
0xc0: {  	[dreg:$0x1] =	wrdreg $0xFFFFFFFF  }
0xc1: {  	_ =	task.clear_ibuf [dreg:s7], $0x2FFFF;
	_ =	strace $0x9FFFFFFF  }
0xc2: {  	(tm) =	ssettm $0x7FFFFFFF  }
0xc3: {  	_ =	shalt  }
tec
execute0_lowered:
.L_overlay_start_1:
0x0: {  	(tag) =	ssettag $0x1  }
0x1: {  	v0 =	vlaneseq.u32;
	v12 =	vimm.s32 $0x83828180  }
0x2: {  	v13 =	vimm.s32 $0x87868584;
	v14 =	vimm.s32 $0x440;
	vm0 =	vcmask $0x704  }
0x3: {  	vm14 =	vcmask $0xB08;
	vm15 =	vcmask $0xF0C;
	vm1 =	vcmask $0x1310  }
0x4: {  	vm4 =	vcmask $0x1F10;
	vm5 =	vcmask $0x1714;
	vm6 =	vcmask $0x1B18  }
0x5: {  	v15 =	vimm.s32 $0xFFFEFDFC;
	vm7 =	vcmask $0x1F1C;
	vm8 =	vcmask $0xF00  }
0x6: {  	vm9 =	vcmask $0x2320;
	vm10 =	vcmask $0x2724;
	vm11 =	vcmask $0x2B28  }
0x7: {  	vm12 =	vcmask $0x2F2C;
	vm13 =	vcmask $0x3330;
	v1 =	vor.u32 $0x10, v0  }
0x8: {  	v2 =	vor.u32 $0x20, v0;
	v3 =	vor.u32 $0x30, v0;
	v4 =	vor.u32 $0x40, v0  }
0x9: {  	s0 =	rddreg [dreg:$0x0];
	v5 =	vor.u32 $0x50, v0;
	v6 =	vor.u32 $0x60, v0;
	v7 =	vor.u32 $0x70, v0  }
0xa: {  	s1 =	rddreg [dreg:$0x1];
	s3 =	srdreg.scid;
	v8 =	vor.u32 $0x400, v0;
	v9 =	vor.u32 $0x410, v0;
	v14 =	vsel vm0, $0x441, v14  }
0xb: {  	s4 =	stileid.u32;
	s2 =	simm.s32 $0x0;
	s16 =	simm.s32 $0x80;
	v12 =	vunpack.c.0.s8.s32 v12;
	v13 =	vunpack.c.0.s8.s32 v13;
	v14 =	vsel vm14, $0x442, v14  }
0xc: {  	s17 =	simm.s32 $0x4000;
	s18 =	simm.s32 $0x4200;
	s19 =	simm.s32 $0x4100;
	v10 =	vor.u32 $0x420, v0;
	v11 =	vor.u32 $0x430, v0;
	v14 =	vsel vm15, $0x443, v14  }
0xd: {  	s20 =	simm.s32 $0x8200;
	s21 =	simm.s32 $0x4080;
	s28 =	simm.s32 $0x18200;
	v12 =	vand.u32 $0xFF, v12;
	v13 =	vand.u32 $0xFF, v13;
	v14 =	vsel vm1, $0x444, v14  }
0xe: {  	s29 =	simm.s32 $0x2;
	s30 =	simm.s32 $0x3;
	s31 =	simm.s32 $0x4;
	v12 =	vsel vm4, v13, v12;
	v13 =	vsel vm5, $0x445, v14;
	v14 =	vimm.s32 $0xFBFAF9F8  }
0xf: {  	s3 =	sand.u32 $0x1, s3;
	s4 =	sshll.u32 s4, $0x1;
	v15 =	vunpack.c.0.s8.s32 v15;
	[smem:$0x7FF] =	sst s2;
	v21 =	vadd.s32 $0x488, v0;
	v14 =	vunpack.c.0.s8.s32 v14  }
0x10: {  	v22 =	vadd.s32 $0x498, v0;
	v23 =	vadd.s32 $0x4A8, v0;
	v24 =	vadd.s32 $0x4B8, v0;
	s5 =	ssub.s32 $0x2, s3;
	s6 =	sor.u32 s3, s4;
	_ =	strace $0x80000047  }
0x11: {  	v25 =	vor.u32 $0x100, v0;
	v26 =	vor.u32 $0x110, v0;
	s3 =	sadd.s32 $0xF42E00, s1;
	s7 =	sshrl.u32 s5, $0x1;
	s8 =	smul.u32 $0x320000, s6;
	v14 =	vand.u32 $0xFF, v14  }
0x12: {  	v27 =	vor.u32 $0x120, v0;
	v15 =	vand.u32 $0xFF, v15;
	s10 =	ssub.s32 s5, s7;
	s5 =	smul.u32 $0x6400, s6;
	s6 =	sshll.u32 s6, $0xC;
	v14 =	vnsel vm8, $0x487, v14  }
0x13: {  	v28 =	vor.u32 $0x130, v0;
	v29 =	vor.u32 $0x140, v0;
	s4 =	sadd.s32 $0xA00, s1;
	s8 =	sshrl.u32 s8, $0x3;
	s6 =	sadd.s32 s0, s6;
	v15 =	vsel vm4, v15, v14  }
0x14: {  	v30 =	vor.u32 $0x150, v0;
	v31 =	vor.u32 $0x160, v0;
	s26 =	smax.u32 s10, $0x1;
	s22 =	sadd.s32 s4, s8;
	[dreg:$0x3] =	wrdreg s6;
	v16 =	vsel vm9, $0x480, v15  }
0x15: {  	vm14 =	vcmask $0x3734;
	s7 =	sadd.s32 $0x1200, s1;
	v13 =	vsel vm6, $0x446, v13;
	[dreg:$0x8] =	wrdreg s26;
	s23 =	sadd.s32 $0x62000, s22;
	v17 =	vsel vm10, $0x481, v16  }
0x16: {  	vm15 =	vcmask $0x3B38;
	s8 =	sadd.s32 $0x800, s6;
	v13 =	vsel vm7, $0x447, v13;
	s24 =	sadd.s32 $0x62800, s22;
	[dreg:$0x4] =	wrdreg s23;
	v18 =	vsel vm11, $0x482, v17  }
0x17: {  	s9 =	sor.u32 $0x100, s5;
	s25 =	sadd.s32 $0x63000, s22;
	v12 =	vcombine.low v13, v12;
	v13 =	vadd.s32 $0x88, v0;
	[dreg:$0x5] =	wrdreg s24;
	v19 =	vsel vm12, $0x483, v18  }
0x18: {  	s26 =	simm.s32 $0x14200;
	s0 =	sadd.s32 $0x63800, s22;
	[dreg:$0x6] =	wrdreg s25;
	v14 =	vadd.s32 $0x98, v0;
	v15 =	vadd.s32 $0xA8, v0;
	v20 =	vsel vm13, $0x484, v19  }
0x19: {  	s22 =	simm.s32 $0xC200;
	[dreg:$0x7] =	wrdreg s0;
	s23 =	simm.s32 $0x4180;
	v16 =	vadd.s32 $0xB8, v0;
	v17 =	vadd.s32 $0xC8, v0;
	v20 =	vsel vm14, $0x485, v20  }
0x1a: {  	s24 =	simm.s32 $0x10200;
	s25 =	simm.s32 $0x1;
	s0 =	simm.s32 $0x0;
	v18 =	vadd.s32 $0xD8, v0;
	v19 =	vadd.s32 $0xE8, v0;
	v20 =	vsel vm15, $0x486, v20  }
.LBB2_1:
0x1b: {  	s1 =	rddreg [dreg:$0x3];
	s15 =	simm.s32 $0x5  }
0x1c: {  	[tilespmem:s2], [sflag:$0x5] =	stream.linear.gather [hbm4b:s1+s2], $0x4000, $0x38;
	[tilespmem:$0x1C200] =	vst v63  }
0x1d: {  	_ =	swait.ge [sflag:s15], $0x4000  }
0x1e: {  	[sflag:s15] =	ssyncset.done $0x0  }
0x1f: {  	[sflag:s15] =	ssyncadd.s32 $0xFFFFC000  }
0x20: {  	v32 =	vld.idx.msk [tilespmem:v0+s2+$0x0], $0xffff;
	_ =	sdelay $0x4  }
0x21: {  	[tilespmem:$0x4000] =	vst v32  }
0x22: {  	v32 =	vld.idx.msk [tilespmem:v1+s2+$0x0], $0xffff;
	_ =	sdelay $0x4  }
0x23: {  	[tilespmem:$0x4010] =	vst v32  }
0x24: {  	v32 =	vld.idx.msk [tilespmem:v2+s2+$0x0], $0xffff;
	_ =	sdelay $0x4  }
0x25: {  	[tilespmem:$0x4020] =	vst v32  }
0x26: {  	v32 =	vld.idx.msk [tilespmem:v3+s2+$0x0], $0xffff;
	_ =	sdelay $0x4  }
0x27: {  	[tilespmem:$0x4030] =	vst v32  }
0x28: {  	v32 =	vld.idx.msk [tilespmem:v4+s2+$0x0], $0xffff;
	_ =	sdelay $0x4  }
0x29: {  	[tilespmem:$0x4040] =	vst v32  }
0x2a: {  	v32 =	vld.idx.msk [tilespmem:v5+s2+$0x0], $0xffff;
	_ =	sdelay $0x4  }
0x2b: {  	[tilespmem:$0x4050] =	vst v32  }
0x2c: {  	v32 =	vld.idx.msk [tilespmem:v6+s2+$0x0], $0xffff;
	_ =	sdelay $0x4  }
0x2d: {  	[tilespmem:$0x4060] =	vst v32  }
0x2e: {  	v32 =	vld.idx.msk [tilespmem:v7+s2+$0x0], $0xffff;
	_ =	sdelay $0x4  }
0x2f: {  	[tilespmem:$0x4070] =	vst v32  }
0x30: {  	v32 =	vld.idx.msk [tilespmem:v8+s2+$0x0], $0xffff;
	_ =	sdelay $0x4  }
0x31: {  	[tilespmem:$0x4100] =	vst v32  }
0x32: {  	v32 =	vld.idx.msk [tilespmem:v9+s2+$0x0], $0xffff;
	_ =	sdelay $0x4  }
0x33: {  	[tilespmem:$0x4110] =	vst v32  }
0x34: {  	v32 =	vld.idx.msk [tilespmem:v10+s2+$0x0], $0xffff;
	_ =	sdelay $0x4  }
0x35: {  	[tilespmem:$0x4120] =	vst v32  }
0x36: {  	v32 =	vld.idx.msk [tilespmem:v11+s2+$0x0], $0xffff;
	_ =	sdelay $0x4  }
0x37: {  	[tilespmem:$0x4130] =	vst v32  }
0x38: {  	v32 =	vld.idx.msk [tilespmem:v12+s2+$0x0], $0xffff;
	_ =	sdelay $0x4  }
0x39: {  	[tilespmem:$0x4140] =	vst v32  }
0x3a: {  	v32 =	vld.idx.msk [tilespmem:v13+s2+$0x0], $0xffff;
	_ =	sdelay $0x4  }
0x3b: {  	[tilespmem:$0x4150] =	vst v32  }
0x3c: {  	v32 =	vld.idx.msk [tilespmem:v14+s2+$0x0], $0xffff;
	_ =	sdelay $0x4  }
0x3d: {  	[tilespmem:$0x4160] =	vst v32  }
0x3e: {  	v32 =	vld.idx.msk [tilespmem:v15+s2+$0x0], $0xffff;
	_ =	sdelay $0x4  }
0x3f: {  	[tilespmem:$0x4170] =	vst v32  }
0x40: {  	[tilespmem:s18], [sflag:$0x1] =	stream.indirect.gather [hbm4b:s3+s16], $0x80, s17, s16, $0xb8;
	[tilespmem:$0x1C200] =	vst v63  }
0x41: {  	_ = 	snop  }
0x42: {  	[tilespmem:s20], [sflag:$0x1] =	stream.indirect.gather [hbm4b:s3+s16], $0x80, s19, s16, $0xb8;
	[tilespmem:$0x1C200] =	vst v63  }
0x43: {  	v32 =	vld.idx.msk [tilespmem:v16+s2+$0x0], $0xffff;
	_ =	sdelay $0x4  }
0x44: {  	[tilespmem:$0x4080] =	vst v32  }
0x45: {  	v32 =	vld.idx.msk [tilespmem:v17+s2+$0x0], $0xffff;
	_ =	sdelay $0x4  }
0x46: {  	[tilespmem:$0x4090] =	vst v32  }
0x47: {  	v32 =	vld.idx.msk [tilespmem:v18+s2+$0x0], $0xffff;
	_ =	sdelay $0x4  }
0x48: {  	[tilespmem:$0x40A0] =	vst v32  }
0x49: {  	v32 =	vld.idx.msk [tilespmem:v19+s2+$0x0], $0xffff;
	_ =	sdelay $0x4  }
0x4a: {  	[tilespmem:$0x40B0] =	vst v32  }
0x4b: {  	v32 =	vld.idx.msk [tilespmem:v20+s2+$0x0], $0xffff;
	_ =	sdelay $0x4  }
0x4c: {  	[tilespmem:$0x40C0] =	vst v32  }
0x4d: {  	v32 =	vld.idx.msk [tilespmem:v21+s2+$0x0], $0xffff;
	_ =	sdelay $0x4  }
0x4e: {  	[tilespmem:$0x40D0] =	vst v32  }
0x4f: {  	v32 =	vld.idx.msk [tilespmem:v22+s2+$0x0], $0xffff;
	_ =	sdelay $0x4  }
0x50: {  	[tilespmem:$0x40E0] =	vst v32  }
0x51: {  	v32 =	vld.idx.msk [tilespmem:v23+s2+$0x0], $0xffff;
	_ =	sdelay $0x4  }
0x52: {  	[tilespmem:$0x40F0] =	vst v32  }
0x53: {  	v32 =	vld.idx.msk [tilespmem:v24+s2+$0x0], $0xffff;
	_ =	sdelay $0x4  }
0x54: {  	[tilespmem:$0x4180] =	vst v32  }
0x55: {  	v32 =	vld.idx.msk [tilespmem:v25+s2+$0x0], $0xffff;
	_ =	sdelay $0x4  }
0x56: {  	[tilespmem:$0x4190] =	vst v32  }
0x57: {  	v32 =	vld.idx.msk [tilespmem:v26+s2+$0x0], $0xffff;
	_ =	sdelay $0x4  }
0x58: {  	[tilespmem:$0x41A0] =	vst v32  }
0x59: {  	v32 =	vld.idx.msk [tilespmem:v27+s2+$0x0], $0xffff;
	_ =	sdelay $0x4  }
0x5a: {  	[tilespmem:$0x41B0] =	vst v32  }
0x5b: {  	v32 =	vld.idx.msk [tilespmem:v28+s2+$0x0], $0xffff;
	_ =	sdelay $0x4  }
0x5c: {  	[tilespmem:$0x41C0] =	vst v32  }
0x5d: {  	v32 =	vld.idx.msk [tilespmem:v29+s2+$0x0], $0xffff;
	_ =	sdelay $0x4  }
0x5e: {  	[tilespmem:$0x41D0] =	vst v32  }
0x5f: {  	v32 =	vld.idx.msk [tilespmem:v30+s2+$0x0], $0xffff;
	_ =	sdelay $0x4  }
0x60: {  	[tilespmem:$0x41E0] =	vst v32  }
0x61: {  	v32 =	vld.idx.msk [tilespmem:v31+s2+$0x0], $0xffff;
	_ =	sdelay $0x4  }
0x62: {  	[tilespmem:$0x41F0] =	vst v32  }
0x63: {  	[tilespmem:s22], [sflag:$0x2] =	stream.indirect.gather [hbm4b:s3+s16], $0x80, s21, s16, $0xb8;
	[tilespmem:$0x1C200] =	vst v63  }
0x64: {  	s1 =	simm.s32 $0x0  }
0x65: {  	[tilespmem:s24], [sflag:$0x2] =	stream.indirect.gather [hbm4b:s3+s16], $0x80, s23, s16, $0xb8;
	[tilespmem:$0x1C200] =	vst v63  }
.LBB2_2:
0x66: {  	_ =	swait.ge [sflag:s25], $0x4000  }
0x67: {  	[sflag:s25] =	ssyncset.done $0x0  }
0x68: {  	[sflag:s25] =	ssyncadd.s32 $0xFFFFC000  }
0x69: {  	_ =	swait.ge [sflag:s25], $0x4000  }
0x6a: {  	p0 =	seq.s32 s1, $0x0;
	[sflag:s25] =	ssyncset.done $0x0  }
0x6b: {  	s6 =	simm.s32 @!p0 $0x3;
	[sflag:s25] =	ssyncadd.s32 $0xFFFFC000  }
0x6c: {  	_ =	swait.ge @!p0 [sflag:s6], $0x4000  }
0x6d: {  	[sflag:s6] =	ssyncset.done @!p0 $0x0  }
0x6e: {  	s10 =	simm.s32 $0x0;
	[sflag:s6] =	ssyncadd.s32 @!p0 $0xFFFFC000  }
0x6f: {  	v32 =	vld [tilespmem:s10+$0x43B0]  }
0x70: {  	v33 =	vld [tilespmem:s10+$0x4200]  }
0x71: {  	v34 =	vld [tilespmem:s10+$0x4210]  }
0x72: {  	v35 =	vld [tilespmem:s10+$0x4220]  }
0x73: {  	v36 =	vld [tilespmem:s10+$0x4230]  }
0x74: {  	v37 =	vld [tilespmem:s10+$0x4280];
	[tilespmem:s10+$0x143B0] =	vst v32  }
0x75: {  	v59 =	vld [tilespmem:s10+$0x4290];
	[tilespmem:s10+$0x14200] =	vst v33  }
0x76: {  	v60 =	vld [tilespmem:s10+$0x42A0];
	[tilespmem:s10+$0x14210] =	vst v34  }
0x77: {  	v61 =	vld [tilespmem:s10+$0x42B0];
	[tilespmem:s10+$0x14220] =	vst v35  }
0x78: {  	v62 =	vld [tilespmem:s10+$0x4300];
	[tilespmem:s10+$0x14230] =	vst v36  }
0x79: {  	v63 =	vld [tilespmem:s10+$0x4310];
	[tilespmem:s10+$0x14280] =	vst v37  }
0x7a: {  	[tilespmem:s10+$0x14290] =	vst v59;
	v32 =	vld [tilespmem:s10+$0x4320]  }
0x7b: {  	[tilespmem:s10+$0x142A0] =	vst v60;
	v33 =	vld [tilespmem:s10+$0x4330]  }
0x7c: {  	[tilespmem:s10+$0x142B0] =	vst v61;
	v34 =	vld [tilespmem:s10+$0x4380]  }
0x7d: {  	[tilespmem:s10+$0x14300] =	vst v62;
	v35 =	vld [tilespmem:s10+$0x4390]  }
0x7e: {  	s11 =	sshll.u32 s1, $0x1;
	s13 =	simm.s32 $0x200;
	s12 =	simm.s32 $0x1000;
	[tilespmem:s10+$0x14310] =	vst v63;
	v36 =	vld [tilespmem:s10+$0x43A0]  }
.LBB2_3:
0x7f: {  	p1 =	sne.s32 s12, $0xF800;
	v37 =	vld [tilespmem:s13+$0x43B0];
	[tilespmem:s10+$0x14320] =	vst v32  }
0x80: {  	v32 =	vld [tilespmem:s13+$0x4200];
	[tilespmem:s10+$0x14330] =	vst v33  }
0x81: {  	v33 =	vld [tilespmem:s13+$0x4210];
	[tilespmem:s10+$0x14380] =	vst v34  }
0x82: {  	v34 =	vld [tilespmem:s13+$0x4220];
	[tilespmem:s10+$0x14390] =	vst v35  }
0x83: {  	v35 =	vld [tilespmem:s13+$0x4230];
	[tilespmem:s10+$0x143A0] =	vst v36;
	s10 =	smov.u32 s13  }
0x84: {  	v36 =	vld [tilespmem:s10+$0x4280];
	[tilespmem:s10+$0x143B0] =	vst v37  }
0x85: {  	[tilespmem:s10+$0x14200] =	vst v32;
	v32 =	vld [tilespmem:s10+$0x4290]  }
0x86: {  	[tilespmem:s10+$0x14210] =	vst v33;
	v33 =	vld [tilespmem:s10+$0x42A0]  }
0x87: {  	[tilespmem:s10+$0x14220] =	vst v34;
	v34 =	vld [tilespmem:s10+$0x42B0]  }
0x88: {  	[tilespmem:s10+$0x14230] =	vst v35;
	v35 =	vld [tilespmem:s10+$0x4300]  }
0x89: {  	[tilespmem:s10+$0x14280] =	vst v36;
	v36 =	vld [tilespmem:s10+$0x4310]  }
.Ltmp0:
0x8a: {  	[tilespmem:s10+$0x14290] =	vst v32;
	v32 =	vld [tilespmem:s10+$0x4320];
	(pc) =	sbr.rel @p1 .LBB2_3-.Ltmp0, $4  }
0x8b: {  	[tilespmem:s10+$0x142A0] =	vst v33;
	v33 =	vld [tilespmem:s10+$0x4330]  }
0x8c: {  	[tilespmem:s10+$0x142B0] =	vst v34;
	v34 =	vld [tilespmem:s10+$0x4380]  }
0x8d: {  	[tilespmem:s10+$0x14300] =	vst v35;
	v35 =	vld [tilespmem:s10+$0x4390]  }
0x8e: {  	s13 =	sshra.s32 s12, $0x2;
	s12 =	sadd.s32 $0x800, s12;
	[tilespmem:s10+$0x14310] =	vst v36;
	v36 =	vld [tilespmem:s10+$0x43A0]  }
0x8f: {  	v37 =	vld [tilespmem:s13+$0x43B0];
	[tilespmem:s10+$0x14320] =	vst v32  }
0x90: {  	v32 =	vld [tilespmem:s13+$0x4200];
	[tilespmem:s10+$0x14330] =	vst v33  }
0x91: {  	v33 =	vld [tilespmem:s13+$0x4210];
	[tilespmem:s10+$0x14380] =	vst v34  }
0x92: {  	v34 =	vld [tilespmem:s13+$0x4220];
	[tilespmem:s10+$0x14390] =	vst v35  }
0x93: {  	v35 =	vld [tilespmem:s13+$0x4230];
	[tilespmem:s10+$0x143A0] =	vst v36  }
0x94: {  	v36 =	vld [tilespmem:s13+$0x4280];
	[tilespmem:s13+$0x143B0] =	vst v37  }
0x95: {  	v43 =	vld [tilespmem:s13+$0x4290];
	[tilespmem:s13+$0x14200] =	vst v32  }
0x96: {  	v44 =	vld [tilespmem:s13+$0x42A0];
	[tilespmem:s13+$0x14210] =	vst v33  }
0x97: {  	v45 =	vld [tilespmem:s13+$0x42B0];
	[tilespmem:s13+$0x14220] =	vst v34  }
0x98: {  	v46 =	vld [tilespmem:s13+$0x4300];
	[tilespmem:s13+$0x14230] =	vst v35  }
0x99: {  	v47 =	vld [tilespmem:s13+$0x4310];
	[tilespmem:s13+$0x14280] =	vst v36  }
0x9a: {  	v48 =	vld [tilespmem:s13+$0x4320];
	[tilespmem:s13+$0x14290] =	vst v43  }
0x9b: {  	v49 =	vld [tilespmem:s13+$0x4330];
	[tilespmem:s13+$0x142A0] =	vst v44  }
0x9c: {  	v50 =	vld [tilespmem:s13+$0x4380];
	[tilespmem:s13+$0x142B0] =	vst v45  }
0x9d: {  	v51 =	vld [tilespmem:s13+$0x4390];
	[tilespmem:s13+$0x14300] =	vst v46  }
0x9e: {  	v52 =	vld [tilespmem:s13+$0x43A0];
	[tilespmem:s13+$0x14310] =	vst v47  }
0x9f: {  	[tilespmem:s13+$0x14320] =	vst v48  }
0xa0: {  	s10 =	sshll.u32 s1, $0x9;
	[tilespmem:s13+$0x14330] =	vst v49  }
0xa1: {  	s6 =	sadd.s32 s5, s10;
	[tilespmem:s13+$0x14380] =	vst v50  }
0xa2: {  	s12 =	sshll.u32 s6, $0x4;
	[tilespmem:s13+$0x14390] =	vst v51  }
0xa3: {  	s6 =	sadd.s32 s4, s12;
	[tilespmem:s13+$0x143A0] =	vst v52  }
0xa4: {  	[hbm4b:s6+s2] =	stream.linear.scatter [tilespmem:s26], [sflag:$0x3], $0x4000, $0x38;
	[tilespmem:$0x1C200] =	vst v63  }
0xa5: {  	s6 =	simm.s32 @!p0 $0x4  }
0xa6: {  	_ =	swait.ge @!p0 [sflag:s6], $0x4000  }
0xa7: {  	[sflag:s6] =	ssyncset.done @!p0 $0x0  }
0xa8: {  	s14 =	simm.s32 $0x0;
	[sflag:s6] =	ssyncadd.s32 @!p0 $0xFFFFC000  }
0xa9: {  	v53 =	vld [tilespmem:s14+$0x83B0]  }
0xaa: {  	v54 =	vld [tilespmem:s14+$0x8200]  }
0xab: {  	v55 =	vld [tilespmem:s14+$0x8210]  }
0xac: {  	v56 =	vld [tilespmem:s14+$0x8220]  }
0xad: {  	v57 =	vld [tilespmem:s14+$0x8230]  }
0xae: {  	v58 =	vld [tilespmem:s14+$0x8280];
	[tilespmem:s14+$0x183B0] =	vst v53  }
0xaf: {  	v59 =	vld [tilespmem:s14+$0x8290];
	[tilespmem:s14+$0x18200] =	vst v54  }
0xb0: {  	v60 =	vld [tilespmem:s14+$0x82A0];
	[tilespmem:s14+$0x18210] =	vst v55  }
0xb1: {  	v61 =	vld [tilespmem:s14+$0x82B0];
	[tilespmem:s14+$0x18220] =	vst v56  }
0xb2: {  	v62 =	vld [tilespmem:s14+$0x8300];
	[tilespmem:s14+$0x18230] =	vst v57  }
0xb3: {  	v63 =	vld [tilespmem:s14+$0x8310];
	[tilespmem:s14+$0x18280] =	vst v58  }
0xb4: {  	v32 =	vld [tilespmem:s14+$0x8320];
	[tilespmem:s14+$0x18290] =	vst v59  }
0xb5: {  	v33 =	vld [tilespmem:s14+$0x8330];
	[tilespmem:s14+$0x182A0] =	vst v60  }
0xb6: {  	v34 =	vld [tilespmem:s14+$0x8380];
	[tilespmem:s14+$0x182B0] =	vst v61  }
0xb7: {  	v35 =	vld [tilespmem:s14+$0x8390];
	[tilespmem:s14+$0x18300] =	vst v62  }
0xb8: {  	s13 =	simm.s32 $0x200;
	s6 =	simm.s32 $0x1000;
	v36 =	vld [tilespmem:s14+$0x83A0];
	[tilespmem:s14+$0x18310] =	vst v63  }
.LBB2_5:
0xb9: {  	p0 =	sne.s32 s6, $0xF800;
	v37 =	vld [tilespmem:s13+$0x83B0];
	[tilespmem:s14+$0x18320] =	vst v32  }
0xba: {  	v32 =	vld [tilespmem:s13+$0x8200];
	[tilespmem:s14+$0x18330] =	vst v33  }
0xbb: {  	v33 =	vld [tilespmem:s13+$0x8210];
	[tilespmem:s14+$0x18380] =	vst v34  }
0xbc: {  	v34 =	vld [tilespmem:s13+$0x8220];
	[tilespmem:s14+$0x18390] =	vst v35  }
0xbd: {  	v35 =	vld [tilespmem:s13+$0x8230];
	[tilespmem:s14+$0x183A0] =	vst v36;
	s14 =	smov.u32 s13  }
0xbe: {  	v36 =	vld [tilespmem:s14+$0x8280];
	[tilespmem:s14+$0x183B0] =	vst v37  }
0xbf: {  	[tilespmem:s14+$0x18200] =	vst v32;
	v32 =	vld [tilespmem:s14+$0x8290]  }
0xc0: {  	[tilespmem:s14+$0x18210] =	vst v33;
	v33 =	vld [tilespmem:s14+$0x82A0]  }
0xc1: {  	[tilespmem:s14+$0x18220] =	vst v34;
	v34 =	vld [tilespmem:s14+$0x82B0]  }
0xc2: {  	[tilespmem:s14+$0x18230] =	vst v35;
	v35 =	vld [tilespmem:s14+$0x8300]  }
0xc3: {  	[tilespmem:s14+$0x18280] =	vst v36;
	v36 =	vld [tilespmem:s14+$0x8310]  }
.Ltmp1:
0xc4: {  	[tilespmem:s14+$0x18290] =	vst v32;
	v32 =	vld [tilespmem:s14+$0x8320];
	(pc) =	sbr.rel @p0 .LBB2_5-.Ltmp1, $4  }
0xc5: {  	[tilespmem:s14+$0x182A0] =	vst v33;
	v33 =	vld [tilespmem:s14+$0x8330]  }
0xc6: {  	[tilespmem:s14+$0x182B0] =	vst v34;
	v34 =	vld [tilespmem:s14+$0x8380]  }
0xc7: {  	[tilespmem:s14+$0x18300] =	vst v35;
	v35 =	vld [tilespmem:s14+$0x8390]  }
0xc8: {  	s13 =	sshra.s32 s6, $0x2;
	s6 =	sadd.s32 $0x800, s6;
	[tilespmem:s14+$0x18310] =	vst v36;
	v36 =	vld [tilespmem:s14+$0x83A0]  }
0xc9: {  	v37 =	vld [tilespmem:s13+$0x83B0];
	[tilespmem:s14+$0x18320] =	vst v32  }
0xca: {  	v32 =	vld [tilespmem:s13+$0x8200];
	[tilespmem:s14+$0x18330] =	vst v33  }
0xcb: {  	v33 =	vld [tilespmem:s13+$0x8210];
	[tilespmem:s14+$0x18380] =	vst v34  }
0xcc: {  	v34 =	vld [tilespmem:s13+$0x8220];
	[tilespmem:s14+$0x18390] =	vst v35  }
0xcd: {  	v35 =	vld [tilespmem:s13+$0x8230];
	[tilespmem:s14+$0x183A0] =	vst v36  }
0xce: {  	v36 =	vld [tilespmem:s13+$0x8280];
	[tilespmem:s13+$0x183B0] =	vst v37  }
0xcf: {  	v46 =	vld [tilespmem:s13+$0x8290];
	[tilespmem:s13+$0x18200] =	vst v32  }
0xd0: {  	s6 =	sadd.s32 $0x2, s11;
	v47 =	vld [tilespmem:s13+$0x82A0];
	[tilespmem:s13+$0x18210] =	vst v33  }
0xd1: {  	s11 =	sshll.u32 s6, $0x8;
	v48 =	vld [tilespmem:s13+$0x82B0];
	[tilespmem:s13+$0x18220] =	vst v34  }
0xd2: {  	v51 =	vmov s11;
	v49 =	vld [tilespmem:s13+$0x8300];
	[tilespmem:s13+$0x18230] =	vst v35  }
0xd3: {  	s15 =	sor.u32 $0x10, s11;
	v50 =	vld [tilespmem:s13+$0x8310];
	v32 =	vbroadcast v51, $0x0;
	[tilespmem:s13+$0x18280] =	vst v36  }
0xd4: {  	v55 =	vmov s15;
	v52 =	vld [tilespmem:s13+$0x8320];
	[tilespmem:s13+$0x18290] =	vst v46  }
0xd5: {  	v40 =	vbroadcast v55, $0x0;
	v53 =	vld [tilespmem:s13+$0x8330];
	v38 =	vor.u32 v0, v32;
	[tilespmem:s13+$0x182A0] =	vst v47  }
0xd6: {  	v39 =	vld [tilespmem:s13+$0x8380];
	v54 =	vmulhi.u32 $0x51EB851F, v38;
	[tilespmem:s13+$0x182B0] =	vst v48  }
0xd7: {  	v41 =	vld [tilespmem:s13+$0x8390];
	v57 =	vor.u32 v0, v40;
	[tilespmem:s13+$0x18300] =	vst v49  }
0xd8: {  	p0 =	sgt.u32 s1, $0x17;
	s15 =	sor.u32 $0x20, s11;
	s14 =	simm.s32 $0x40;
	v58 =	vld [tilespmem:s13+$0x83A0];
	v59 =	vmulhi.u32 $0x51EB851F, v57;
	[tilespmem:s13+$0x18310] =	vst v50;
	v56 =	vshrl.u32 v54, $0x6  }
0xd9: {  	v43 =	vmov s15;
	s14 =	simm.s32 @!p0 $0x0;
	[tilespmem:s13+$0x18320] =	vst v52;
	v42 =	vmul.u32 $0xFFFFFF38, v56  }
0xda: {  	v44 =	vbroadcast v43, $0x0;
	v32 =	vmov s14;
	v62 =	vshrl.u32 v59, $0x6;
	[tilespmem:s13+$0x18330] =	vst v53  }
0xdb: {  	[tilespmem:s13+$0x18380] =	vst v39;
	v63 =	vmul.u32 $0xFFFFFF38, v62;
	v45 =	vsub.s32 v62, v32;
	v38 =	vadd.s32 v38, v42  }
0xdc: {  	[tilespmem:s13+$0x18390] =	vst v41;
	v46 =	vshll.u32 v59, $0x1;
	v60 =	vand.u32 $0x7F, v38;
	v38 =	vshll.u32 v38, $0x3  }
0xdd: {  	s12 =	sadd.s32 s12, s7;
	s15 =	sor.u32 $0x30, s11;
	p0 =	sne.s32 s6, $0x32;
	[tilespmem:s13+$0x183A0] =	vst v58;
	v34 =	vshll.u32 v54, $0x1;
	v35 =	vsub.s32 v56, v32;
	v61 =	vand.u32 $0x400, v38  }
0xde: {  	[hbm4b:s12+s2] =	stream.linear.scatter [tilespmem:s28], [sflag:$0x4], $0x4000, $0x38;
	v34 =	vand.u32 $0x380, v34;
	v35 =	vshll.u32 v35, $0x8;
	v33 =	vor.u32 v60, v61;
	[tilespmem:$0x1C200] =	vst v63  }
0xdf: {  	s6 =	simm.s32 @!p0 $0x0;
	v49 =	vmov s15;
	v35 =	vand.u32 $0xFFFFF800, v35;
	v33 =	vor.u32 v34, v33  }
0xe0: {  	v40 =	vbroadcast v49, $0x0;
	v36 =	vadd.s32 v57, v63;
	[tilespmem:s6], [sflag:$0x5] =	stream.linear.gather @!p0 [hbm4b:s8+s6], $0x4000, $0x38;
	v33 =	vor.u32 v35, v33;
	[tilespmem:$0x1C200] =	vst v63  }
0xe1: {  	v37 =	vand.u32 $0x7F, v36;
	v36 =	vshll.u32 v36, $0x3;
	s6 =	simm.s32 @!p0 $0x5;
	v34 =	vor.u32 v0, v44  }
0xe2: {  	s13 =	sor.u32 $0x40, s11;
	v52 =	vor.u32 v0, v40;
	v36 =	vand.u32 $0x400, v36;
	_ =	swait.ge @!p0 [sflag:s6], $0x4000;
	v47 =	vmulhi.u32 $0x51EB851F, v34  }
0xe3: {  	v54 =	vmov s13;
	v40 =	vmulhi.u32 $0x51EB851F, v52;
	v36 =	vor.u32 v37, v36;
	[sflag:s6] =	ssyncset.done @!p0 $0x0  }
0xe4: {  	s12 =	simm.s32 $0x0;
	v38 =	vand.u32 $0x380, v46;
	[sflag:s6] =	ssyncadd.s32 @!p0 $0xFFFFC000;
	v35 =	vshll.u32 v45, $0x8;
	v48 =	vshrl.u32 v47, $0x6  }
0xe5: {  	s14 =	sor.u32 $0x50, s11;
	v36 =	vor.u32 v38, v36;
	v35 =	vand.u32 $0xFFFFF800, v35;
	v50 =	vmul.u32 $0xFFFFFF38, v48;
	v33 =	vld.idx.msk [tilespmem:v33+s12+$0x0], $0xffff  }
0xe6: {  	v62 =	vmov s14;
	v42 =	vbroadcast v54, $0x0;
	v35 =	vor.u32 v35, v36  }
0xe7: {  	v63 =	vbroadcast v62, $0x0;
	v53 =	vshrl.u32 v40, $0x6;
	v34 =	vadd.s32 v34, v50  }
0xe8: {  	v57 =	vor.u32 v0, v42;
	v38 =	vand.u32 $0x7F, v34;
	v34 =	vshll.u32 v34, $0x3  }
0xe9: {  	v39 =	vshll.u32 v47, $0x1;
	v51 =	vsub.s32 v48, v32;
	v34 =	vand.u32 $0x400, v34  }
0xea: {  	v39 =	vand.u32 $0x380, v39;
	v36 =	vshll.u32 v51, $0x8;
	v34 =	vor.u32 v38, v34;
	[tilespmem:$0x4000] =	vst v33  }
0xeb: {  	s13 =	sor.u32 $0x70, s11;
	v55 =	vmul.u32 $0xFFFFFF38, v53;
	v36 =	vand.u32 $0xFFFFF800, v36;
	v34 =	vor.u32 v39, v34;
	v35 =	vld.idx.msk [tilespmem:v35+s12+$0x0], $0xffff  }
0xec: {  	v54 =	vmov s13;
	v59 =	vmulhi.u32 $0x51EB851F, v57;
	v34 =	vor.u32 v36, v34  }
0xed: {  	v40 =	vshll.u32 v40, $0x1;
	v58 =	vsub.s32 v53, v32;
	v56 =	vadd.s32 v52, v55  }
0xee: {  	v40 =	vand.u32 $0x380, v40;
	v60 =	vshrl.u32 v59, $0x6;
	v36 =	vshll.u32 v56, $0x3  }
0xef: {  	v45 =	vor.u32 v0, v63;
	v38 =	vand.u32 $0x7F, v56;
	v36 =	vand.u32 $0x400, v36  }
0xf0: {  	s15 =	sor.u32 $0x60, s11;
	v61 =	vmul.u32 $0xFFFFFF38, v60;
	v33 =	vshll.u32 v58, $0x8;
	v36 =	vor.u32 v38, v36;
	[tilespmem:$0x4010] =	vst v35  }
0xf1: {  	v47 =	vmov s15;
	v33 =	vand.u32 $0xFFFFF800, v33;
	v36 =	vor.u32 v40, v36;
	v34 =	vld.idx.msk [tilespmem:v34+s12+$0x0], $0xffff  }
0xf2: {  	v37 =	vadd.s32 v57, v61;
	v41 =	vbroadcast v47, $0x0;
	v33 =	vor.u32 v33, v36  }
0xf3: {  	v43 =	vsub.s32 v60, v32;
	v44 =	vand.u32 $0x7F, v37;
	v37 =	vshll.u32 v37, $0x3  }
0xf4: {  	v51 =	vor.u32 v0, v41;
	v39 =	vshll.u32 v59, $0x1;
	v40 =	vmulhi.u32 $0x51EB851F, v45  }
0xf5: {  	v37 =	vand.u32 $0x400, v37;
	v52 =	vmulhi.u32 $0x51EB851F, v51;
	v39 =	vand.u32 $0x380, v39  }
0xf6: {  	v36 =	vshll.u32 v43, $0x8;
	v46 =	vshrl.u32 v40, $0x6;
	v35 =	vor.u32 v44, v37;
	[tilespmem:$0x4020] =	vst v34  }
0xf7: {  	v36 =	vand.u32 $0xFFFFF800, v36;
	v48 =	vmul.u32 $0xFFFFFF38, v46;
	v35 =	vor.u32 v39, v35;
	v33 =	vld.idx.msk [tilespmem:v33+s12+$0x0], $0xffff  }
0xf8: {  	v42 =	vbroadcast v54, $0x0;
	v53 =	vshrl.u32 v52, $0x6;
	v35 =	vor.u32 v36, v35  }
0xf9: {  	v55 =	vmul.u32 $0xFFFFFF38, v53;
	v50 =	vadd.s32 v45, v48  }
0xfa: {  	v58 =	vor.u32 v0, v42;
	v40 =	vshll.u32 v40, $0x1;
	v36 =	vshll.u32 v50, $0x3  }
0xfb: {  	v49 =	vsub.s32 v46, v32;
	v38 =	vand.u32 $0x7F, v50;
	v36 =	vand.u32 $0x400, v36  }
0xfc: {  	v40 =	vand.u32 $0x380, v40;
	v36 =	vor.u32 v38, v36;
	v34 =	vshll.u32 v49, $0x8;
	[tilespmem:$0x4030] =	vst v33  }
0xfd: {  	s14 =	sor.u32 $0x80, s11;
	v60 =	vmulhi.u32 $0x51EB851F, v58;
	v36 =	vor.u32 v40, v36;
	v34 =	vand.u32 $0xFFFFF800, v34;
	v35 =	vld.idx.msk [tilespmem:v35+s12+$0x0], $0xffff  }
0xfe: {  	v63 =	vmov s14;
	v59 =	vsub.s32 v53, v32;
	v56 =	vor.u32 v34, v36  }
0xff: {  	v57 =	vadd.s32 v51, v55;
	v61 =	vshrl.u32 v60, $0x6;
	v47 =	vshll.u32 v60, $0x1  }
0x100: {  	v62 =	vmul.u32 $0xFFFFFF38, v61;
	v43 =	vbroadcast v63, $0x0;
	v34 =	vshll.u32 v57, $0x3  }
0x101: {  	v39 =	vshll.u32 v52, $0x1;
	v38 =	vand.u32 $0x7F, v57;
	v34 =	vand.u32 $0x400, v34  }
0x102: {  	v37 =	vshll.u32 v59, $0x8;
	v39 =	vand.u32 $0x380, v39;
	v34 =	vor.u32 v38, v34;
	[tilespmem:$0x4040] =	vst v35  }
0x103: {  	s15 =	sor.u32 $0x90, s11;
	v46 =	vor.u32 v0, v43;
	v37 =	vand.u32 $0xFFFFF800, v37;
	v34 =	vor.u32 v39, v34;
	v33 =	vld.idx.msk [tilespmem:v56+s12+$0x0], $0xffff  }
0x104: {  	v48 =	vmulhi.u32 $0x51EB851F, v46;
	v50 =	vmov s15;
	v34 =	vor.u32 v37, v34  }
0x105: {  	v44 =	vsub.s32 v61, v32;
	v41 =	vbroadcast v50, $0x0;
	v36 =	vadd.s32 v58, v62  }
0x106: {  	v49 =	vshrl.u32 v48, $0x6;
	v45 =	vand.u32 $0x7F, v36;
	v36 =	vshll.u32 v36, $0x3  }
0x107: {  	v55 =	vor.u32 v0, v41;
	v51 =	vmul.u32 $0xFFFFFF38, v49;
	v36 =	vand.u32 $0x400, v36  }
0x108: {  	s13 =	sor.u32 $0xA0, s11;
	v39 =	vand.u32 $0x380, v47;
	v36 =	vor.u32 v45, v36;
	v35 =	vshll.u32 v44, $0x8;
	[tilespmem:$0x4050] =	vst v33  }
0x109: {  	v58 =	vmov s13;
	v36 =	vor.u32 v39, v36;
	v35 =	vand.u32 $0xFFFFF800, v35;
	v34 =	vld.idx.msk [tilespmem:v34+s12+$0x0], $0xffff  }
0x10a: {  	v40 =	vshll.u32 v48, $0x1;
	v42 =	vbroadcast v58, $0x0;
	v52 =	vor.u32 v35, v36  }
0x10b: {  	v53 =	vsub.s32 v49, v32;
	v40 =	vand.u32 $0x380, v40;
	v54 =	vadd.s32 v46, v51  }
0x10c: {  	v63 =	vor.u32 v0, v42;
	v56 =	vmulhi.u32 $0x51EB851F, v55;
	v36 =	vshll.u32 v54, $0x3  }
0x10d: {  	v38 =	vand.u32 $0x7F, v54;
	v46 =	vmulhi.u32 $0x51EB851F, v63;
	v36 =	vand.u32 $0x400, v36  }
0x10e: {  	v35 =	vshll.u32 v53, $0x8;
	v57 =	vshrl.u32 v56, $0x6;
	v36 =	vor.u32 v38, v36;
	[tilespmem:$0x4060] =	vst v34  }
0x10f: {  	s14 =	sor.u32 $0xB0, s11;
	v60 =	vand.u32 $0xFFFFF800, v35;
	v59 =	vmul.u32 $0xFFFFFF38, v57;
	v61 =	vor.u32 v40, v36;
	v33 =	vld.idx.msk [tilespmem:v52+s12+$0x0], $0xffff  }
0x110: {  	v49 =	vmov s14;
	v34 =	vor.u32 v60, v61  }
0x111: {  	v51 =	vbroadcast v49, $0x0;
	v47 =	vshrl.u32 v46, $0x6;
	v62 =	vadd.s32 v55, v59  }
0x112: {  	v48 =	vmul.u32 $0xFFFFFF38, v47;
	v39 =	vshll.u32 v56, $0x1;
	v35 =	vshll.u32 v62, $0x3  }
0x113: {  	v45 =	vsub.s32 v57, v32;
	v38 =	vand.u32 $0x7F, v62;
	v35 =	vand.u32 $0x400, v35  }
0x114: {  	v39 =	vand.u32 $0x380, v39;
	v37 =	vshll.u32 v45, $0x8;
	v35 =	vor.u32 v38, v35;
	[tilespmem:$0x4070] =	vst v33  }
0x115: {  	s15 =	sor.u32 $0xC0, s11;
	v53 =	vshll.u32 v46, $0x1;
	v50 =	vand.u32 $0xFFFFF800, v37;
	v35 =	vor.u32 v39, v35;
	v34 =	vld.idx.msk [tilespmem:v34+s12+$0x0], $0xffff  }
0x116: {  	s13 =	sor.u32 $0xD0, s11;
	v56 =	vmov s15;
	v37 =	vor.u32 v0, v51;
	v33 =	vor.u32 v50, v35  }
0x117: {  	v36 =	vadd.s32 v63, v48;
	v45 =	vmov s13;
	v54 =	vmulhi.u32 $0x51EB851F, v37  }
0x118: {  	v59 =	vbroadcast v56, $0x0;
	v38 =	vand.u32 $0x7F, v36;
	v36 =	vshll.u32 v36, $0x3  }
0x119: {  	v55 =	vshrl.u32 v54, $0x6;
	v36 =	vand.u32 $0x400, v36;
	v52 =	vsub.s32 v47, v32  }
0x11a: {  	v39 =	vand.u32 $0x380, v53;
	v36 =	vor.u32 v38, v36;
	v35 =	vshll.u32 v52, $0x8;
	[tilespmem:$0x4100] =	vst v34  }
0x11b: {  	v58 =	vmul.u32 $0xFFFFFF38, v55;
	v57 =	vor.u32 v39, v36;
	v35 =	vand.u32 $0xFFFFF800, v35;
	v33 =	vld.idx.msk [tilespmem:v33+s12+$0x0], $0xffff  }
0x11c: {  	v48 =	vbroadcast v45, $0x0;
	v61 =	vor.u32 v0, v59;
	v34 =	vor.u32 v35, v57  }
0x11d: {  	v40 =	vshll.u32 v54, $0x1;
	v36 =	vadd.s32 v37, v58;
	v39 =	vmulhi.u32 $0x51EB851F, v61  }
0x11e: {  	v40 =	vand.u32 $0x380, v40;
	v62 =	vand.u32 $0x7F, v36;
	v36 =	vshll.u32 v36, $0x3  }
0x11f: {  	v60 =	vsub.s32 v55, v32;
	v36 =	vand.u32 $0x400, v36;
	v63 =	vshrl.u32 v39, $0x6  }
0x120: {  	v46 =	vor.u32 v62, v36;
	v39 =	vshll.u32 v39, $0x1;
	v35 =	vshll.u32 v60, $0x8;
	[tilespmem:$0x4110] =	vst v33  }
0x121: {  	v47 =	vmul.u32 $0xFFFFFF38, v63;
	v35 =	vand.u32 $0xFFFFF800, v35;
	v33 =	vor.u32 v40, v46;
	v34 =	vld.idx.msk [tilespmem:v34+s12+$0x0], $0xffff  }
0x122: {  	v51 =	vsub.s32 v63, v32;
	v39 =	vand.u32 $0x380, v39;
	v33 =	vor.u32 v35, v33  }
0x123: {  	s14 =	sor.u32 $0xE0, s11;
	v37 =	vshll.u32 v51, $0x8;
	v49 =	vadd.s32 v61, v47;
	v50 =	vor.u32 v0, v48  }
0x124: {  	v53 =	vmulhi.u32 $0x51EB851F, v50;
	v57 =	vmov s14;
	v35 =	vshll.u32 v49, $0x3  }
0x125: {  	v52 =	vand.u32 $0x7F, v49;
	v38 =	vbroadcast v57, $0x0;
	v35 =	vand.u32 $0x400, v35  }
0x126: {  	v37 =	vand.u32 $0xFFFFF800, v37;
	v54 =	vshrl.u32 v53, $0x6;
	v55 =	vor.u32 v52, v35;
	[tilespmem:$0x4120] =	vst v34  }
0x127: {  	v56 =	vmul.u32 $0xFFFFFF38, v54;
	v38 =	vor.u32 v0, v38;
	v34 =	vor.u32 v39, v55;
	v33 =	vld.idx.msk [tilespmem:v33+s12+$0x0], $0xffff  }
0x128: {  	s15 =	sor.u32 $0xF0, s11;
	v60 =	vmulhi.u32 $0x51EB851F, v38;
	v34 =	vor.u32 v37, v34  }
0x129: {  	v63 =	vmov s15;
	v59 =	vshll.u32 v53, $0x1;
	v35 =	vadd.s32 v50, v56  }
0x12a: {  	v62 =	vshrl.u32 v60, $0x6;
	v36 =	vand.u32 $0x7F, v35;
	v35 =	vshll.u32 v35, $0x3  }
0x12b: {  	v58 =	vsub.s32 v54, v32;
	v42 =	vmul.u32 $0xFFFFFF38, v62;
	v35 =	vand.u32 $0x400, v35  }
0x12c: {  	v39 =	vand.u32 $0x380, v59;
	v61 =	vor.u32 v36, v35;
	v37 =	vshll.u32 v58, $0x8;
	[tilespmem:$0x4130] =	vst v33  }
0x12d: {  	v36 =	vbroadcast v63, $0x0;
	v37 =	vand.u32 $0xFFFFF800, v37;
	v33 =	vor.u32 v39, v61;
	v34 =	vld.idx.msk [tilespmem:v34+s12+$0x0], $0xffff  }
0x12e: {  	v33 =	vor.u32 v37, v33  }
0x12f: {  	v40 =	vshll.u32 v60, $0x1;
	v43 =	vadd.s32 v38, v42;
	v36 =	vor.u32 v0, v36  }
0x130: {  	v45 =	vand.u32 $0x380, v40;
	v44 =	vmulhi.u32 $0x51EB851F, v36;
	v37 =	vshll.u32 v43, $0x3  }
0x131: {  	v38 =	vand.u32 $0x7F, v43;
	v35 =	vsub.s32 v62, v32;
	v37 =	vand.u32 $0x400, v37  }
0x132: {  	v35 =	vshll.u32 v35, $0x8;
	v46 =	vshrl.u32 v44, $0x6;
	v37 =	vor.u32 v38, v37;
	[tilespmem:$0x4140] =	vst v34  }
0x133: {  	v35 =	vand.u32 $0xFFFFF800, v35;
	v47 =	vmul.u32 $0xFFFFFF38, v46;
	v34 =	vor.u32 v45, v37;
	v33 =	vld.idx.msk [tilespmem:v33+s12+$0x0], $0xffff  }
0x134: {  	v34 =	vor.u32 v35, v34  }
0x135: {  	v48 =	vadd.s32 v36, v47  }
0x136: {  	v50 =	vshll.u32 v44, $0x1;
	v37 =	vshll.u32 v48, $0x3  }
0x137: {  	v49 =	vsub.s32 v46, v32;
	v35 =	vand.u32 $0x7F, v48;
	v37 =	vand.u32 $0x400, v37  }
0x138: {  	v52 =	vand.u32 $0x380, v50;
	v51 =	vshll.u32 v49, $0x8;
	v35 =	vor.u32 v35, v37;
	[tilespmem:$0x4150] =	vst v33  }
0x139: {  	v35 =	vor.u32 v52, v35;
	v33 =	vand.u32 $0xFFFFF800, v51;
	v34 =	vld.idx.msk [tilespmem:v34+s12+$0x0], $0xffff  }
0x13a: {  	v33 =	vor.u32 v33, v35;
	_ =	sdelay $0x3  }
0x13b: {  	[tilespmem:$0x4160] =	vst v34  }
0x13c: {  	v33 =	vld.idx.msk [tilespmem:v33+s12+$0x0], $0xffff;
	_ =	sdelay $0x4  }
0x13d: {  	[tilespmem:$0x4170] =	vst v33  }
0x13e: {  	[tilespmem:s18], [sflag:$0x1] =	stream.indirect.gather [hbm4b:s3+s16], $0x80, s17, s16, $0xb8;
	[tilespmem:$0x1C200] =	vst v63  }
0x13f: {  	_ = 	snop  }
0x140: {  	[tilespmem:s20], [sflag:$0x1] =	stream.indirect.gather [hbm4b:s3+s16], $0x80, s19, s16, $0xb8;
	[tilespmem:$0x1C200] =	vst v63  }
0x141: {  	_ =	swait.ge [sflag:s29], $0x4000  }
0x142: {  	[sflag:s29] =	ssyncset.done $0x0  }
0x143: {  	[sflag:s29] =	ssyncadd.s32 $0xFFFFC000  }
0x144: {  	_ =	swait.ge [sflag:s29], $0x4000  }
0x145: {  	[sflag:s29] =	ssyncset.done $0x0  }
0x146: {  	[sflag:s29] =	ssyncadd.s32 $0xFFFFC000  }
0x147: {  	_ =	swait.ge [sflag:s30], $0x4000  }
0x148: {  	[sflag:s30] =	ssyncset.done $0x0  }
0x149: {  	s11 =	simm.s32 $0x0;
	[sflag:s30] =	ssyncadd.s32 $0xFFFFC000  }
0x14a: {  	v53 =	vld [tilespmem:s11+$0xC3B0]  }
0x14b: {  	v54 =	vld [tilespmem:s11+$0xC200]  }
0x14c: {  	v55 =	vld [tilespmem:s11+$0xC210]  }
0x14d: {  	v56 =	vld [tilespmem:s11+$0xC220]  }
0x14e: {  	v57 =	vld [tilespmem:s11+$0xC230]  }
0x14f: {  	v58 =	vld [tilespmem:s11+$0xC280];
	[tilespmem:s11+$0x143B0] =	vst v53  }
0x150: {  	v59 =	vld [tilespmem:s11+$0xC290];
	[tilespmem:s11+$0x14200] =	vst v54  }
0x151: {  	v60 =	vld [tilespmem:s11+$0xC2A0];
	[tilespmem:s11+$0x14210] =	vst v55  }
0x152: {  	v61 =	vld [tilespmem:s11+$0xC2B0];
	[tilespmem:s11+$0x14220] =	vst v56  }
0x153: {  	v62 =	vld [tilespmem:s11+$0xC300];
	[tilespmem:s11+$0x14230] =	vst v57  }
0x154: {  	v63 =	vld [tilespmem:s11+$0xC310];
	[tilespmem:s11+$0x14280] =	vst v58  }
0x155: {  	v33 =	vld [tilespmem:s11+$0xC320];
	[tilespmem:s11+$0x14290] =	vst v59  }
0x156: {  	v34 =	vld [tilespmem:s11+$0xC330];
	[tilespmem:s11+$0x142A0] =	vst v60  }
0x157: {  	v35 =	vld [tilespmem:s11+$0xC380];
	[tilespmem:s11+$0x142B0] =	vst v61  }
0x158: {  	v36 =	vld [tilespmem:s11+$0xC390];
	[tilespmem:s11+$0x14300] =	vst v62  }
0x159: {  	s6 =	simm.s32 $0x1000;
	s12 =	simm.s32 $0x200;
	v37 =	vld [tilespmem:s11+$0xC3A0];
	[tilespmem:s11+$0x14310] =	vst v63  }
.LBB2_7:
0x15a: {  	p0 =	sne.s32 s6, $0xF800;
	v38 =	vld [tilespmem:s12+$0xC3B0];
	[tilespmem:s11+$0x14320] =	vst v33  }
0x15b: {  	v33 =	vld [tilespmem:s12+$0xC200];
	[tilespmem:s11+$0x14330] =	vst v34  }
0x15c: {  	v34 =	vld [tilespmem:s12+$0xC210];
	[tilespmem:s11+$0x14380] =	vst v35  }
0x15d: {  	v35 =	vld [tilespmem:s12+$0xC220];
	[tilespmem:s11+$0x14390] =	vst v36  }
0x15e: {  	v36 =	vld [tilespmem:s12+$0xC230];
	[tilespmem:s11+$0x143A0] =	vst v37;
	s11 =	smov.u32 s12  }
0x15f: {  	v37 =	vld [tilespmem:s11+$0xC280];
	[tilespmem:s11+$0x143B0] =	vst v38  }
0x160: {  	[tilespmem:s11+$0x14200] =	vst v33;
	v33 =	vld [tilespmem:s11+$0xC290]  }
0x161: {  	[tilespmem:s11+$0x14210] =	vst v34;
	v34 =	vld [tilespmem:s11+$0xC2A0]  }
0x162: {  	[tilespmem:s11+$0x14220] =	vst v35;
	v35 =	vld [tilespmem:s11+$0xC2B0]  }
0x163: {  	[tilespmem:s11+$0x14230] =	vst v36;
	v36 =	vld [tilespmem:s11+$0xC300]  }
0x164: {  	[tilespmem:s11+$0x14280] =	vst v37;
	v37 =	vld [tilespmem:s11+$0xC310]  }
.Ltmp2:
0x165: {  	[tilespmem:s11+$0x14290] =	vst v33;
	v33 =	vld [tilespmem:s11+$0xC320];
	(pc) =	sbr.rel @p0 .LBB2_7-.Ltmp2, $4  }
0x166: {  	[tilespmem:s11+$0x142A0] =	vst v34;
	v34 =	vld [tilespmem:s11+$0xC330]  }
0x167: {  	[tilespmem:s11+$0x142B0] =	vst v35;
	v35 =	vld [tilespmem:s11+$0xC380]  }
0x168: {  	[tilespmem:s11+$0x14300] =	vst v36;
	v36 =	vld [tilespmem:s11+$0xC390]  }
0x169: {  	s12 =	sshra.s32 s6, $0x2;
	s6 =	sadd.s32 $0x800, s6;
	[tilespmem:s11+$0x14310] =	vst v37;
	v37 =	vld [tilespmem:s11+$0xC3A0]  }
0x16a: {  	v38 =	vld [tilespmem:s12+$0xC3B0];
	[tilespmem:s11+$0x14320] =	vst v33  }
0x16b: {  	v33 =	vld [tilespmem:s12+$0xC200];
	[tilespmem:s11+$0x14330] =	vst v34  }
0x16c: {  	v34 =	vld [tilespmem:s12+$0xC210];
	[tilespmem:s11+$0x14380] =	vst v35  }
0x16d: {  	v35 =	vld [tilespmem:s12+$0xC220];
	[tilespmem:s11+$0x14390] =	vst v36  }
0x16e: {  	v36 =	vld [tilespmem:s12+$0xC230];
	[tilespmem:s11+$0x143A0] =	vst v37  }
0x16f: {  	v37 =	vld [tilespmem:s12+$0xC280];
	[tilespmem:s12+$0x143B0] =	vst v38  }
0x170: {  	v43 =	vld [tilespmem:s12+$0xC290];
	[tilespmem:s12+$0x14200] =	vst v33  }
0x171: {  	v44 =	vld [tilespmem:s12+$0xC2A0];
	[tilespmem:s12+$0x14210] =	vst v34  }
0x172: {  	v45 =	vld [tilespmem:s12+$0xC2B0];
	[tilespmem:s12+$0x14220] =	vst v35  }
0x173: {  	v46 =	vld [tilespmem:s12+$0xC300];
	[tilespmem:s12+$0x14230] =	vst v36  }
0x174: {  	v47 =	vld [tilespmem:s12+$0xC310];
	[tilespmem:s12+$0x14280] =	vst v37  }
0x175: {  	v48 =	vld [tilespmem:s12+$0xC320];
	[tilespmem:s12+$0x14290] =	vst v43  }
0x176: {  	v49 =	vld [tilespmem:s12+$0xC330];
	[tilespmem:s12+$0x142A0] =	vst v44  }
0x177: {  	v50 =	vld [tilespmem:s12+$0xC380];
	[tilespmem:s12+$0x142B0] =	vst v45  }
0x178: {  	v51 =	vld [tilespmem:s12+$0xC390];
	[tilespmem:s12+$0x14300] =	vst v46  }
0x179: {  	v52 =	vld [tilespmem:s12+$0xC3A0];
	[tilespmem:s12+$0x14310] =	vst v47  }
0x17a: {  	[tilespmem:s12+$0x14320] =	vst v48  }
0x17b: {  	[tilespmem:s12+$0x14330] =	vst v49  }
0x17c: {  	s6 =	sadd.s32 s10, s9;
	[tilespmem:s12+$0x14380] =	vst v50  }
0x17d: {  	s11 =	sshll.u32 s6, $0x4;
	[tilespmem:s12+$0x14390] =	vst v51  }
0x17e: {  	s15 =	simm.s32 $0x0;
	s6 =	sadd.s32 s4, s11;
	[tilespmem:s12+$0x143A0] =	vst v52  }
0x17f: {  	[hbm4b:s6+s15] =	stream.linear.scatter [tilespmem:s26], [sflag:$0x3], $0x4000, $0x38;
	[tilespmem:$0x1C200] =	vst v63  }
0x180: {  	_ =	swait.ge [sflag:s31], $0x4000  }
0x181: {  	[sflag:s31] =	ssyncset.done $0x0  }
0x182: {  	s13 =	simm.s32 $0x0;
	[sflag:s31] =	ssyncadd.s32 $0xFFFFC000  }
0x183: {  	v53 =	vld [tilespmem:s13+$0x103B0]  }
0x184: {  	v54 =	vld [tilespmem:s13+$0x10200]  }
0x185: {  	v55 =	vld [tilespmem:s13+$0x10210]  }
0x186: {  	v56 =	vld [tilespmem:s13+$0x10220]  }
0x187: {  	v57 =	vld [tilespmem:s13+$0x10230]  }
0x188: {  	v58 =	vld [tilespmem:s13+$0x10280];
	[tilespmem:s13+$0x183B0] =	vst v53  }
0x189: {  	v59 =	vld [tilespmem:s13+$0x10290];
	[tilespmem:s13+$0x18200] =	vst v54  }
0x18a: {  	v60 =	vld [tilespmem:s13+$0x102A0];
	[tilespmem:s13+$0x18210] =	vst v55  }
0x18b: {  	v61 =	vld [tilespmem:s13+$0x102B0];
	[tilespmem:s13+$0x18220] =	vst v56  }
0x18c: {  	v62 =	vld [tilespmem:s13+$0x10300];
	[tilespmem:s13+$0x18230] =	vst v57  }
0x18d: {  	v63 =	vld [tilespmem:s13+$0x10310];
	[tilespmem:s13+$0x18280] =	vst v58  }
0x18e: {  	v33 =	vld [tilespmem:s13+$0x10320];
	[tilespmem:s13+$0x18290] =	vst v59  }
0x18f: {  	v34 =	vld [tilespmem:s13+$0x10330];
	[tilespmem:s13+$0x182A0] =	vst v60  }
0x190: {  	v35 =	vld [tilespmem:s13+$0x10380];
	[tilespmem:s13+$0x182B0] =	vst v61  }
0x191: {  	v36 =	vld [tilespmem:s13+$0x10390];
	[tilespmem:s13+$0x18300] =	vst v62  }
0x192: {  	s12 =	simm.s32 $0x200;
	s6 =	simm.s32 $0x1000;
	v37 =	vld [tilespmem:s13+$0x103A0];
	[tilespmem:s13+$0x18310] =	vst v63  }
.LBB2_9:
0x193: {  	p0 =	sne.s32 s6, $0xF800;
	v38 =	vld [tilespmem:s12+$0x103B0];
	[tilespmem:s13+$0x18320] =	vst v33  }
0x194: {  	v33 =	vld [tilespmem:s12+$0x10200];
	[tilespmem:s13+$0x18330] =	vst v34  }
0x195: {  	v34 =	vld [tilespmem:s12+$0x10210];
	[tilespmem:s13+$0x18380] =	vst v35  }
0x196: {  	v35 =	vld [tilespmem:s12+$0x10220];
	[tilespmem:s13+$0x18390] =	vst v36  }
0x197: {  	v36 =	vld [tilespmem:s12+$0x10230];
	[tilespmem:s13+$0x183A0] =	vst v37;
	s13 =	smov.u32 s12  }
0x198: {  	v37 =	vld [tilespmem:s13+$0x10280];
	[tilespmem:s13+$0x183B0] =	vst v38  }
0x199: {  	[tilespmem:s13+$0x18200] =	vst v33;
	v33 =	vld [tilespmem:s13+$0x10290]  }
0x19a: {  	[tilespmem:s13+$0x18210] =	vst v34;
	v34 =	vld [tilespmem:s13+$0x102A0]  }
0x19b: {  	[tilespmem:s13+$0x18220] =	vst v35;
	v35 =	vld [tilespmem:s13+$0x102B0]  }
0x19c: {  	[tilespmem:s13+$0x18230] =	vst v36;
	v36 =	vld [tilespmem:s13+$0x10300]  }
0x19d: {  	[tilespmem:s13+$0x18280] =	vst v37;
	v37 =	vld [tilespmem:s13+$0x10310]  }
.Ltmp3:
0x19e: {  	[tilespmem:s13+$0x18290] =	vst v33;
	v33 =	vld [tilespmem:s13+$0x10320];
	(pc) =	sbr.rel @p0 .LBB2_9-.Ltmp3, $4  }
0x19f: {  	[tilespmem:s13+$0x182A0] =	vst v34;
	v34 =	vld [tilespmem:s13+$0x10330]  }
0x1a0: {  	[tilespmem:s13+$0x182B0] =	vst v35;
	v35 =	vld [tilespmem:s13+$0x10380]  }
0x1a1: {  	[tilespmem:s13+$0x18300] =	vst v36;
	v36 =	vld [tilespmem:s13+$0x10390]  }
0x1a2: {  	s12 =	sshra.s32 s6, $0x2;
	s6 =	sadd.s32 $0x800, s6;
	[tilespmem:s13+$0x18310] =	vst v37;
	v37 =	vld [tilespmem:s13+$0x103A0]  }
0x1a3: {  	v38 =	vld [tilespmem:s12+$0x103B0];
	[tilespmem:s13+$0x18320] =	vst v33  }
0x1a4: {  	v33 =	vld [tilespmem:s12+$0x10200];
	[tilespmem:s13+$0x18330] =	vst v34  }
0x1a5: {  	v34 =	vld [tilespmem:s12+$0x10210];
	_ =	sdelay $0x1  }
0x1a6: {  	[tilespmem:s13+$0x18380] =	vst v35  }
0x1a7: {  	s6 =	sadd.s32 $0x300, s10;
	v35 =	vld [tilespmem:s12+$0x10220];
	[tilespmem:s13+$0x18390] =	vst v36  }
0x1a8: {  	v52 =	vmov s6;
	v36 =	vld [tilespmem:s12+$0x10230];
	[tilespmem:s13+$0x183A0] =	vst v37  }
0x1a9: {  	[tilespmem:s12+$0x18210] =	vst v34;
	v34 =	vbroadcast v52, $0x0  }
0x1aa: {  	v37 =	vld [tilespmem:s12+$0x10280]  }
0x1ab: {  	s13 =	sadd.s32 $0x310, s10;
	[tilespmem:s12+$0x183B0] =	vst v38;
	v51 =	vld [tilespmem:s12+$0x10290];
	v34 =	vor.u32 v0, v34  }
0x1ac: {  	s14 =	sadd.s32 $0x320, s10;
	v54 =	vld [tilespmem:s12+$0x102B0];
	v40 =	vmov s13;
	[tilespmem:s12+$0x18200] =	vst v33;
	v55 =	vmulhi.u32 $0x51EB851F, v34  }
0x1ad: {  	v45 =	vmov s14;
	v53 =	vld [tilespmem:s12+$0x102A0];
	v40 =	vbroadcast v40, $0x0;
	[tilespmem:s12+$0x18220] =	vst v35  }
0x1ae: {  	v63 =	vbroadcast v45, $0x0;
	v39 =	vld [tilespmem:s12+$0x10300];
	[tilespmem:s12+$0x18230] =	vst v36;
	v56 =	vshrl.u32 v55, $0x6  }
0x1af: {  	v41 =	vld [tilespmem:s12+$0x10310];
	v40 =	vor.u32 v0, v40;
	[tilespmem:s12+$0x18280] =	vst v37;
	v42 =	vmul.u32 $0xFFFFFF38, v56  }
0x1b0: {  	s15 =	sadd.s32 $0x330, s10;
	v57 =	vld [tilespmem:s12+$0x10320];
	v35 =	vor.u32 v0, v63;
	v59 =	vmulhi.u32 $0x51EB851F, v40;
	[tilespmem:s12+$0x18290] =	vst v51  }
0x1b1: {  	v43 =	vld [tilespmem:s12+$0x10330];
	v49 =	vmulhi.u32 $0x51EB851F, v35;
	[tilespmem:s12+$0x182B0] =	vst v54;
	v54 =	vmov s15;
	v34 =	vadd.s32 v34, v42  }
0x1b2: {  	v44 =	vld [tilespmem:s12+$0x10380];
	[tilespmem:s12+$0x182A0] =	vst v53;
	v61 =	vshrl.u32 v59, $0x6;
	v58 =	vand.u32 $0x7F, v34;
	v34 =	vshll.u32 v34, $0x3  }
0x1b3: {  	v45 =	vld [tilespmem:s12+$0x10390];
	[tilespmem:s12+$0x18300] =	vst v39;
	v36 =	vshll.u32 v55, $0x1;
	v37 =	vsub.s32 v56, v32;
	v34 =	vand.u32 $0x400, v34  }
0x1b4: {  	v47 =	vld [tilespmem:s12+$0x103A0];
	[tilespmem:s12+$0x18310] =	vst v41;
	v60 =	vand.u32 $0x380, v36;
	v37 =	vshll.u32 v37, $0x8;
	v34 =	vor.u32 v58, v34  }
0x1b5: {  	[tilespmem:s12+$0x18320] =	vst v57;
	v62 =	vmul.u32 $0xFFFFFF38, v61;
	v37 =	vand.u32 $0xFFFFF800, v37;
	v34 =	vor.u32 v60, v34  }
0x1b6: {  	[tilespmem:s12+$0x18330] =	vst v43;
	v48 =	vshll.u32 v59, $0x1;
	v53 =	vshrl.u32 v49, $0x6;
	v34 =	vor.u32 v37, v34  }
0x1b7: {  	[tilespmem:s12+$0x18380] =	vst v44;
	v41 =	vbroadcast v54, $0x0;
	v52 =	vand.u32 $0x380, v48;
	v46 =	vadd.s32 v40, v62  }
0x1b8: {  	s13 =	sand.u32 $0x1FFFF000, s11;
	[tilespmem:s12+$0x18390] =	vst v45;
	v55 =	vmul.u32 $0xFFFFFF38, v53;
	v36 =	vsub.s32 v61, v32;
	v37 =	vshll.u32 v46, $0x3  }
0x1b9: {  	s6 =	sadd.s32 s13, s7;
	[tilespmem:s12+$0x183A0] =	vst v47;
	v36 =	vshll.u32 v36, $0x8;
	v38 =	vand.u32 $0x7F, v46;
	v51 =	vand.u32 $0x400, v37  }
0x1ba: {  	[hbm4b:s6+s2] =	stream.linear.scatter [tilespmem:s28], [sflag:$0x4], $0x4000, $0x38;
	v57 =	vor.u32 v0, v41;
	v50 =	vand.u32 $0xFFFFF800, v36;
	v36 =	vor.u32 v38, v51;
	[tilespmem:$0x1C200] =	vst v63  }
0x1bb: {  	s14 =	sadd.s32 $0x340, s10;
	v56 =	vsub.s32 v53, v32;
	v59 =	vmulhi.u32 $0x51EB851F, v57;
	v36 =	vor.u32 v52, v36;
	v34 =	vld.idx.msk [tilespmem:v34+s2+$0x0], $0xffff  }
0x1bc: {  	v35 =	vadd.s32 v35, v55;
	v62 =	vmov s14;
	v33 =	vor.u32 v50, v36  }
0x1bd: {  	v42 =	vbroadcast v62, $0x0;
	v61 =	vshrl.u32 v59, $0x6;
	v39 =	vshll.u32 v59, $0x1  }
0x1be: {  	v63 =	vmul.u32 $0xFFFFFF38, v61;
	v58 =	vand.u32 $0x7F, v35;
	v35 =	vshll.u32 v35, $0x3  }
0x1bf: {  	v45 =	vor.u32 v0, v42;
	v35 =	vand.u32 $0x400, v35;
	v60 =	vshll.u32 v49, $0x1  }
0x1c0: {  	v40 =	vand.u32 $0x380, v60;
	v35 =	vor.u32 v58, v35;
	v36 =	vshll.u32 v56, $0x8;
	[tilespmem:$0x4080] =	vst v34  }
0x1c1: {  	v47 =	vmulhi.u32 $0x51EB851F, v45;
	v35 =	vor.u32 v40, v35;
	v36 =	vand.u32 $0xFFFFF800, v36;
	v33 =	vld.idx.msk [tilespmem:v33+s2+$0x0], $0xffff  }
0x1c2: {  	v39 =	vand.u32 $0x380, v39;
	v35 =	vor.u32 v36, v35  }
0x1c3: {  	s11 =	sadd.s32 $0x360, s10;
	v44 =	vadd.s32 v57, v63;
	v46 =	vsub.s32 v61, v32;
	v48 =	vshrl.u32 v47, $0x6  }
0x1c4: {  	v58 =	vmov s11;
	v49 =	vmul.u32 $0xFFFFFF38, v48;
	v36 =	vshll.u32 v44, $0x3  }
0x1c5: {  	s15 =	sadd.s32 $0x350, s10;
	v41 =	vbroadcast v58, $0x0;
	v38 =	vand.u32 $0x7F, v44;
	v36 =	vand.u32 $0x400, v36  }
0x1c6: {  	v50 =	vmov s15;
	v36 =	vor.u32 v38, v36;
	v34 =	vshll.u32 v46, $0x8;
	[tilespmem:$0x4090] =	vst v33  }
0x1c7: {  	v51 =	vbroadcast v50, $0x0;
	v36 =	vor.u32 v39, v36;
	v34 =	vand.u32 $0xFFFFF800, v34;
	v35 =	vld.idx.msk [tilespmem:v35+s2+$0x0], $0xffff  }
0x1c8: {  	v55 =	vshll.u32 v47, $0x1;
	v52 =	vsub.s32 v48, v32;
	v34 =	vor.u32 v34, v36  }
0x1c9: {  	v37 =	vadd.s32 v45, v49;
	v62 =	vor.u32 v0, v41;
	v54 =	vor.u32 v0, v51  }
0x1ca: {  	v53 =	vand.u32 $0x7F, v37;
	v37 =	vshll.u32 v37, $0x3;
	v56 =	vmulhi.u32 $0x51EB851F, v54  }
0x1cb: {  	v63 =	vmulhi.u32 $0x51EB851F, v62;
	v37 =	vand.u32 $0x400, v37;
	v39 =	vand.u32 $0x380, v55  }
0x1cc: {  	v57 =	vshrl.u32 v56, $0x6;
	v36 =	vshll.u32 v52, $0x8;
	v33 =	vor.u32 v53, v37;
	[tilespmem:$0x40A0] =	vst v35  }
0x1cd: {  	s14 =	sadd.s32 $0x390, s10;
	v59 =	vmul.u32 $0xFFFFFF38, v57;
	v36 =	vand.u32 $0xFFFFF800, v36;
	v33 =	vor.u32 v39, v33;
	v34 =	vld.idx.msk [tilespmem:v34+s2+$0x0], $0xffff  }
0x1ce: {  	v45 =	vshrl.u32 v63, $0x6;
	v44 =	vmov s14;
	v33 =	vor.u32 v36, v33  }
0x1cf: {  	s12 =	sadd.s32 $0x370, s10;
	v47 =	vmul.u32 $0xFFFFFF38, v45;
	v51 =	vsub.s32 v45, v32;
	v61 =	vadd.s32 v54, v59  }
0x1d0: {  	v40 =	vshll.u32 v56, $0x1;
	v46 =	vmov s12;
	v36 =	vshll.u32 v61, $0x3  }
0x1d1: {  	v60 =	vsub.s32 v57, v32;
	v38 =	vand.u32 $0x7F, v61;
	v36 =	vand.u32 $0x400, v36  }
0x1d2: {  	v40 =	vand.u32 $0x380, v40;
	v36 =	vor.u32 v38, v36;
	v35 =	vshll.u32 v60, $0x8;
	[tilespmem:$0x40B0] =	vst v34  }
0x1d3: {  	s13 =	sadd.s32 $0x380, s10;
	v42 =	vbroadcast v46, $0x0;
	v36 =	vor.u32 v40, v36;
	v35 =	vand.u32 $0xFFFFF800, v35;
	v33 =	vld.idx.msk [tilespmem:v33+s2+$0x0], $0xffff  }
0x1d4: {  	v41 =	vbroadcast v44, $0x0;
	v55 =	vmov s13;
	v48 =	vor.u32 v35, v36  }
0x1d5: {  	v49 =	vadd.s32 v62, v47;
	v56 =	vbroadcast v55, $0x0;
	v50 =	vor.u32 v0, v42  }
0x1d6: {  	v52 =	vmulhi.u32 $0x51EB851F, v50;
	v37 =	vshll.u32 v51, $0x8;
	v35 =	vshll.u32 v49, $0x3  }
0x1d7: {  	v39 =	vshll.u32 v63, $0x1;
	v38 =	vand.u32 $0x7F, v49;
	v35 =	vand.u32 $0x400, v35  }
0x1d8: {  	v53 =	vshrl.u32 v52, $0x6;
	v39 =	vand.u32 $0x380, v39;
	v35 =	vor.u32 v38, v35;
	[tilespmem:$0x40C0] =	vst v33  }
0x1d9: {  	v54 =	vmul.u32 $0xFFFFFF38, v53;
	v37 =	vand.u32 $0xFFFFF800, v37;
	v35 =	vor.u32 v39, v35;
	v34 =	vld.idx.msk [tilespmem:v48+s2+$0x0], $0xffff  }
0x1da: {  	v58 =	vsub.s32 v53, v32;
	v60 =	vor.u32 v0, v56;
	v57 =	vor.u32 v37, v35  }
0x1db: {  	s15 =	sadd.s32 $0x3A0, s10;
	v61 =	vshll.u32 v52, $0x1;
	v62 =	vmulhi.u32 $0x51EB851F, v60;
	v36 =	vadd.s32 v50, v54  }
0x1dc: {  	v52 =	vmov s15;
	v59 =	vand.u32 $0x7F, v36;
	v36 =	vshll.u32 v36, $0x3  }
0x1dd: {  	v49 =	vor.u32 v0, v41;
	v63 =	vshrl.u32 v62, $0x6;
	v36 =	vand.u32 $0x400, v36  }
0x1de: {  	v39 =	vand.u32 $0x380, v61;
	v36 =	vor.u32 v59, v36;
	v35 =	vshll.u32 v58, $0x8;
	[tilespmem:$0x40D0] =	vst v34  }
0x1df: {  	v45 =	vmul.u32 $0xFFFFFF38, v63;
	v36 =	vor.u32 v39, v36;
	v35 =	vand.u32 $0xFFFFF800, v35;
	v33 =	vld.idx.msk [tilespmem:v57+s2+$0x0], $0xffff  }
0x1e0: {  	s11 =	sadd.s32 $0x3B0, s10;
	v42 =	vbroadcast v52, $0x0;
	v50 =	vmulhi.u32 $0x51EB851F, v49;
	v46 =	vor.u32 v35, v36  }
0x1e1: {  	v40 =	vshll.u32 v62, $0x1;
	v62 =	vmov s11;
	v48 =	vadd.s32 v60, v45  }
0x1e2: {  	v47 =	vsub.s32 v63, v32;
	v40 =	vand.u32 $0x380, v40;
	v36 =	vshll.u32 v48, $0x3  }
0x1e3: {  	v51 =	vshrl.u32 v50, $0x6;
	v38 =	vand.u32 $0x7F, v48;
	v36 =	vand.u32 $0x400, v36  }
0x1e4: {  	v53 =	vmul.u32 $0xFFFFFF38, v51;
	v35 =	vshll.u32 v47, $0x8;
	v36 =	vor.u32 v38, v36;
	[tilespmem:$0x40E0] =	vst v33  }
0x1e5: {  	v58 =	vsub.s32 v51, v32;
	v54 =	vand.u32 $0xFFFFF800, v35;
	v55 =	vor.u32 v40, v36;
	v34 =	vld.idx.msk [tilespmem:v46+s2+$0x0], $0xffff  }
0x1e6: {  	v39 =	vshll.u32 v50, $0x1;
	v37 =	vshll.u32 v58, $0x8;
	v33 =	vor.u32 v54, v55  }
0x1e7: {  	v39 =	vand.u32 $0x380, v39;
	v56 =	vadd.s32 v49, v53;
	v57 =	vor.u32 v0, v42  }
0x1e8: {  	s12 =	sadd.s32 $0x3C0, s10;
	v63 =	vand.u32 $0xFFFFF800, v37;
	v35 =	vshll.u32 v56, $0x3;
	v59 =	vmulhi.u32 $0x51EB851F, v57  }
0x1e9: {  	v47 =	vmov s12;
	v35 =	vand.u32 $0x400, v35;
	v38 =	vand.u32 $0x7F, v56  }
0x1ea: {  	v50 =	vbroadcast v47, $0x0;
	v35 =	vor.u32 v38, v35;
	v60 =	vshrl.u32 v59, $0x6;
	[tilespmem:$0x40F0] =	vst v34  }
0x1eb: {  	s14 =	sadd.s32 $0x3E0, s10;
	v35 =	vor.u32 v39, v35;
	v42 =	vbroadcast v62, $0x0;
	v61 =	vmul.u32 $0xFFFFFF38, v60;
	v33 =	vld.idx.msk [tilespmem:v33+s2+$0x0], $0xffff  }
0x1ec: {  	v47 =	vmov s14;
	v52 =	vor.u32 v0, v50;
	v34 =	vor.u32 v63, v35  }
0x1ed: {  	v37 =	vor.u32 v0, v42;
	v44 =	vshll.u32 v59, $0x1;
	v36 =	vadd.s32 v57, v61  }
0x1ee: {  	v45 =	vmulhi.u32 $0x51EB851F, v37;
	v38 =	vand.u32 $0x7F, v36;
	v36 =	vshll.u32 v36, $0x3  }
0x1ef: {  	v43 =	vsub.s32 v60, v32;
	v39 =	vand.u32 $0x380, v44;
	v36 =	vand.u32 $0x400, v36  }
0x1f0: {  	v46 =	vshrl.u32 v45, $0x6;
	v36 =	vor.u32 v38, v36;
	v35 =	vshll.u32 v43, $0x8;
	[tilespmem:$0x4180] =	vst v33  }
0x1f1: {  	s13 =	sadd.s32 $0x3D0, s10;
	v49 =	vmul.u32 $0xFFFFFF38, v46;
	v48 =	vor.u32 v39, v36;
	v35 =	vand.u32 $0xFFFFF800, v35;
	v34 =	vld.idx.msk [tilespmem:v34+s2+$0x0], $0xffff  }
0x1f2: {  	v40 =	vshll.u32 v45, $0x1;
	v55 =	vmov s13;
	v33 =	vor.u32 v35, v48  }
0x1f3: {  	v40 =	vand.u32 $0x380, v40;
	v58 =	vbroadcast v55, $0x0;
	v36 =	vadd.s32 v37, v49  }
0x1f4: {  	v39 =	vmulhi.u32 $0x51EB851F, v52;
	v53 =	vand.u32 $0x7F, v36;
	v36 =	vshll.u32 v36, $0x3  }
0x1f5: {  	v51 =	vsub.s32 v46, v32;
	v38 =	vbroadcast v47, $0x0;
	v36 =	vand.u32 $0x400, v36  }
0x1f6: {  	v54 =	vshrl.u32 v39, $0x6;
	v56 =	vor.u32 v53, v36;
	v35 =	vshll.u32 v51, $0x8;
	[tilespmem:$0x4190] =	vst v34  }
0x1f7: {  	v57 =	vmul.u32 $0xFFFFFF38, v54;
	v35 =	vand.u32 $0xFFFFF800, v35;
	v34 =	vor.u32 v40, v56;
	v33 =	vld.idx.msk [tilespmem:v33+s2+$0x0], $0xffff  }
0x1f8: {  	v60 =	vor.u32 v0, v58;
	v34 =	vor.u32 v35, v34  }
0x1f9: {  	v63 =	vmulhi.u32 $0x51EB851F, v60;
	v38 =	vor.u32 v0, v38;
	v59 =	vadd.s32 v52, v57  }
0x1fa: {  	v39 =	vshll.u32 v39, $0x1;
	v61 =	vsub.s32 v54, v32;
	v35 =	vshll.u32 v59, $0x3  }
0x1fb: {  	v39 =	vand.u32 $0x380, v39;
	v62 =	vand.u32 $0x7F, v59;
	v35 =	vand.u32 $0x400, v35  }
0x1fc: {  	v44 =	vshrl.u32 v63, $0x6;
	v37 =	vshll.u32 v61, $0x8;
	v45 =	vor.u32 v62, v35;
	[tilespmem:$0x41A0] =	vst v33  }
0x1fd: {  	v46 =	vmul.u32 $0xFFFFFF38, v44;
	v37 =	vand.u32 $0xFFFFF800, v37;
	v33 =	vor.u32 v39, v45;
	v34 =	vld.idx.msk [tilespmem:v34+s2+$0x0], $0xffff  }
0x1fe: {  	s15 =	sadd.s32 $0x3F0, s10;
	v50 =	vmulhi.u32 $0x51EB851F, v38;
	v33 =	vor.u32 v37, v33  }
0x1ff: {  	v49 =	vshll.u32 v63, $0x1;
	v53 =	vmov s15;
	v35 =	vadd.s32 v60, v46  }
0x200: {  	v52 =	vshrl.u32 v50, $0x6;
	v36 =	vand.u32 $0x7F, v35;
	v35 =	vshll.u32 v35, $0x3  }
0x201: {  	v54 =	vmul.u32 $0xFFFFFF38, v52;
	v48 =	vsub.s32 v44, v32;
	v35 =	vand.u32 $0x400, v35  }
0x202: {  	v39 =	vand.u32 $0x380, v49;
	v51 =	vor.u32 v36, v35;
	v37 =	vshll.u32 v48, $0x8;
	[tilespmem:$0x41B0] =	vst v34  }
0x203: {  	v36 =	vbroadcast v53, $0x0;
	v37 =	vand.u32 $0xFFFFF800, v37;
	v34 =	vor.u32 v39, v51;
	v33 =	vld.idx.msk [tilespmem:v33+s2+$0x0], $0xffff  }
0x204: {  	v55 =	vadd.s32 v38, v54;
	v34 =	vor.u32 v37, v34  }
0x205: {  	v38 =	vand.u32 $0x7F, v55;
	v36 =	vor.u32 v0, v36  }
0x206: {  	v40 =	vshll.u32 v50, $0x1;
	v56 =	vmulhi.u32 $0x51EB851F, v36;
	v37 =	vshll.u32 v55, $0x3  }
0x207: {  	v57 =	vand.u32 $0x380, v40;
	v35 =	vsub.s32 v52, v32;
	v37 =	vand.u32 $0x400, v37  }
0x208: {  	v35 =	vshll.u32 v35, $0x8;
	v58 =	vshrl.u32 v56, $0x6;
	v37 =	vor.u32 v38, v37;
	[tilespmem:$0x41C0] =	vst v33  }
0x209: {  	v35 =	vand.u32 $0xFFFFF800, v35;
	v59 =	vmul.u32 $0xFFFFFF38, v58;
	v33 =	vor.u32 v57, v37;
	v34 =	vld.idx.msk [tilespmem:v34+s2+$0x0], $0xffff  }
0x20a: {  	v33 =	vor.u32 v35, v33  }
0x20b: {  	v60 =	vadd.s32 v36, v59  }
0x20c: {  	v62 =	vshll.u32 v56, $0x1;
	v36 =	vshll.u32 v60, $0x3  }
0x20d: {  	v61 =	vsub.s32 v58, v32;
	v36 =	vand.u32 $0x400, v36;
	v35 =	vand.u32 $0x7F, v60  }
0x20e: {  	v63 =	vand.u32 $0x380, v62;
	v32 =	vshll.u32 v61, $0x8;
	v35 =	vor.u32 v35, v36;
	[tilespmem:$0x41D0] =	vst v34  }
0x20f: {  	v32 =	vand.u32 $0xFFFFF800, v32;
	v34 =	vor.u32 v63, v35;
	v33 =	vld.idx.msk [tilespmem:v33+s2+$0x0], $0xffff  }
0x210: {  	v32 =	vor.u32 v32, v34;
	_ =	sdelay $0x3  }
0x211: {  	[tilespmem:$0x41E0] =	vst v33  }
0x212: {  	v32 =	vld.idx.msk [tilespmem:v32+s2+$0x0], $0xffff;
	_ =	sdelay $0x1  }
0x213: {  	s1 =	sadd.s32 $0x1, s1  }
0x214: {  	p0 =	sne.s32 s1, $0x31  }
.Ltmp4:
0x215: {  	_ = 	snop;
	(pc) =	sbr.rel @p0 .LBB2_2-.Ltmp4, $4  }
0x216: {  	[tilespmem:$0x41F0] =	vst v32  }
0x217: {  	[tilespmem:s22], [sflag:$0x2] =	stream.indirect.gather [hbm4b:s3+s16], $0x80, s21, s16, $0xb8;
	[tilespmem:$0x1C200] =	vst v63  }
0x218: {  	_ = 	snop  }
0x219: {  	[tilespmem:s24], [sflag:$0x2] =	stream.indirect.gather [hbm4b:s3+s16], $0x80, s23, s16, $0xb8;
	[tilespmem:$0x1C200] =	vst v63  }
0x21a: {  	_ =	swait.ge [sflag:s25], $0x4000  }
0x21b: {  	[sflag:s25] =	ssyncset.done $0x0  }
0x21c: {  	[sflag:s25] =	ssyncadd.s32 $0xFFFFC000  }
0x21d: {  	_ =	swait.ge [sflag:s25], $0x4000  }
0x21e: {  	[sflag:s25] =	ssyncset.done $0x0  }
0x21f: {  	[sflag:s25] =	ssyncadd.s32 $0xFFFFC000  }
0x220: {  	_ =	swait.ge [sflag:s30], $0x4000  }
0x221: {  	[sflag:s30] =	ssyncset.done $0x0  }
0x222: {  	s1 =	simm.s32 $0x0;
	[sflag:s30] =	ssyncadd.s32 $0xFFFFC000  }
0x223: {  	v32 =	vld [tilespmem:s1+$0x43B0]  }
0x224: {  	v33 =	vld [tilespmem:s1+$0x4200]  }
0x225: {  	v34 =	vld [tilespmem:s1+$0x4210]  }
0x226: {  	v35 =	vld [tilespmem:s1+$0x4220]  }
0x227: {  	v36 =	vld [tilespmem:s1+$0x4230]  }
0x228: {  	v37 =	vld [tilespmem:s1+$0x4280];
	[tilespmem:s1+$0x143B0] =	vst v32  }
0x229: {  	v59 =	vld [tilespmem:s1+$0x4290];
	[tilespmem:s1+$0x14200] =	vst v33  }
0x22a: {  	v60 =	vld [tilespmem:s1+$0x42A0];
	[tilespmem:s1+$0x14210] =	vst v34  }
0x22b: {  	v61 =	vld [tilespmem:s1+$0x42B0];
	[tilespmem:s1+$0x14220] =	vst v35  }
0x22c: {  	v62 =	vld [tilespmem:s1+$0x4300];
	[tilespmem:s1+$0x14230] =	vst v36  }
0x22d: {  	v63 =	vld [tilespmem:s1+$0x4310];
	[tilespmem:s1+$0x14280] =	vst v37  }
0x22e: {  	[tilespmem:s1+$0x14290] =	vst v59;
	v32 =	vld [tilespmem:s1+$0x4320]  }
0x22f: {  	[tilespmem:s1+$0x142A0] =	vst v60;
	v33 =	vld [tilespmem:s1+$0x4330]  }
0x230: {  	[tilespmem:s1+$0x142B0] =	vst v61;
	v34 =	vld [tilespmem:s1+$0x4380]  }
0x231: {  	[tilespmem:s1+$0x14300] =	vst v62;
	v35 =	vld [tilespmem:s1+$0x4390]  }
0x232: {  	s10 =	simm.s32 $0x200;
	s6 =	simm.s32 $0x1000;
	[tilespmem:s1+$0x14310] =	vst v63;
	v36 =	vld [tilespmem:s1+$0x43A0]  }
.LBB2_12:
0x233: {  	p0 =	sne.s32 s6, $0xF800;
	v37 =	vld [tilespmem:s10+$0x43B0];
	[tilespmem:s1+$0x14320] =	vst v32  }
0x234: {  	v32 =	vld [tilespmem:s10+$0x4200];
	[tilespmem:s1+$0x14330] =	vst v33  }
0x235: {  	v33 =	vld [tilespmem:s10+$0x4210];
	[tilespmem:s1+$0x14380] =	vst v34  }
0x236: {  	v34 =	vld [tilespmem:s10+$0x4220];
	[tilespmem:s1+$0x14390] =	vst v35  }
0x237: {  	v35 =	vld [tilespmem:s10+$0x4230];
	[tilespmem:s1+$0x143A0] =	vst v36;
	s1 =	smov.u32 s10  }
0x238: {  	v36 =	vld [tilespmem:s1+$0x4280];
	[tilespmem:s1+$0x143B0] =	vst v37  }
0x239: {  	[tilespmem:s1+$0x14200] =	vst v32;
	v32 =	vld [tilespmem:s1+$0x4290]  }
0x23a: {  	[tilespmem:s1+$0x14210] =	vst v33;
	v33 =	vld [tilespmem:s1+$0x42A0]  }
0x23b: {  	[tilespmem:s1+$0x14220] =	vst v34;
	v34 =	vld [tilespmem:s1+$0x42B0]  }
0x23c: {  	[tilespmem:s1+$0x14230] =	vst v35;
	v35 =	vld [tilespmem:s1+$0x4300]  }
0x23d: {  	[tilespmem:s1+$0x14280] =	vst v36;
	v36 =	vld [tilespmem:s1+$0x4310]  }
.Ltmp5:
0x23e: {  	[tilespmem:s1+$0x14290] =	vst v32;
	v32 =	vld [tilespmem:s1+$0x4320];
	(pc) =	sbr.rel @p0 .LBB2_12-.Ltmp5, $4  }
0x23f: {  	[tilespmem:s1+$0x142A0] =	vst v33;
	v33 =	vld [tilespmem:s1+$0x4330]  }
0x240: {  	[tilespmem:s1+$0x142B0] =	vst v34;
	v34 =	vld [tilespmem:s1+$0x4380]  }
0x241: {  	[tilespmem:s1+$0x14300] =	vst v35;
	v35 =	vld [tilespmem:s1+$0x4390]  }
0x242: {  	s10 =	sshra.s32 s6, $0x2;
	s6 =	sadd.s32 $0x800, s6;
	[tilespmem:s1+$0x14310] =	vst v36;
	v36 =	vld [tilespmem:s1+$0x43A0]  }
0x243: {  	v37 =	vld [tilespmem:s10+$0x43B0];
	[tilespmem:s1+$0x14320] =	vst v32  }
0x244: {  	v32 =	vld [tilespmem:s10+$0x4200];
	[tilespmem:s1+$0x14330] =	vst v33  }
0x245: {  	v33 =	vld [tilespmem:s10+$0x4210];
	[tilespmem:s1+$0x14380] =	vst v34  }
0x246: {  	v34 =	vld [tilespmem:s10+$0x4220];
	[tilespmem:s1+$0x14390] =	vst v35  }
0x247: {  	v35 =	vld [tilespmem:s10+$0x4230];
	[tilespmem:s1+$0x143A0] =	vst v36  }
0x248: {  	v36 =	vld [tilespmem:s10+$0x4280];
	[tilespmem:s10+$0x143B0] =	vst v37  }
0x249: {  	v43 =	vld [tilespmem:s10+$0x4290];
	[tilespmem:s10+$0x14200] =	vst v32  }
0x24a: {  	v44 =	vld [tilespmem:s10+$0x42A0];
	[tilespmem:s10+$0x14210] =	vst v33  }
0x24b: {  	v45 =	vld [tilespmem:s10+$0x42B0];
	[tilespmem:s10+$0x14220] =	vst v34  }
0x24c: {  	v46 =	vld [tilespmem:s10+$0x4300];
	[tilespmem:s10+$0x14230] =	vst v35  }
0x24d: {  	v47 =	vld [tilespmem:s10+$0x4310];
	[tilespmem:s10+$0x14280] =	vst v36  }
0x24e: {  	v48 =	vld [tilespmem:s10+$0x4320];
	[tilespmem:s10+$0x14290] =	vst v43  }
0x24f: {  	v49 =	vld [tilespmem:s10+$0x4330];
	[tilespmem:s10+$0x142A0] =	vst v44  }
0x250: {  	v50 =	vld [tilespmem:s10+$0x4380];
	[tilespmem:s10+$0x142B0] =	vst v45  }
0x251: {  	v51 =	vld [tilespmem:s10+$0x4390];
	[tilespmem:s10+$0x14300] =	vst v46  }
0x252: {  	v52 =	vld [tilespmem:s10+$0x43A0];
	[tilespmem:s10+$0x14310] =	vst v47  }
0x253: {  	[tilespmem:s10+$0x14320] =	vst v48  }
0x254: {  	[tilespmem:s10+$0x14330] =	vst v49  }
0x255: {  	[tilespmem:s10+$0x14380] =	vst v50  }
0x256: {  	[tilespmem:s10+$0x14390] =	vst v51  }
0x257: {  	s15 =	simm.s32 $0x0;
	s6 =	rddreg [dreg:$0x4];
	[tilespmem:s10+$0x143A0] =	vst v52  }
0x258: {  	[hbm4b:s6+s15] =	stream.linear.scatter [tilespmem:s26], [sflag:$0x3], $0x4000, $0x38;
	[tilespmem:$0x1C200] =	vst v63  }
0x259: {  	_ =	swait.ge [sflag:s31], $0x4000  }
0x25a: {  	[sflag:s31] =	ssyncset.done $0x0  }
0x25b: {  	s1 =	simm.s32 $0x0;
	[sflag:s31] =	ssyncadd.s32 $0xFFFFC000  }
0x25c: {  	v53 =	vld [tilespmem:s1+$0x83B0]  }
0x25d: {  	v54 =	vld [tilespmem:s1+$0x8200]  }
0x25e: {  	v55 =	vld [tilespmem:s1+$0x8210]  }
0x25f: {  	v56 =	vld [tilespmem:s1+$0x8220]  }
0x260: {  	v57 =	vld [tilespmem:s1+$0x8230]  }
0x261: {  	v58 =	vld [tilespmem:s1+$0x8280];
	[tilespmem:s1+$0x183B0] =	vst v53  }
0x262: {  	v59 =	vld [tilespmem:s1+$0x8290];
	[tilespmem:s1+$0x18200] =	vst v54  }
0x263: {  	v60 =	vld [tilespmem:s1+$0x82A0];
	[tilespmem:s1+$0x18210] =	vst v55  }
0x264: {  	v61 =	vld [tilespmem:s1+$0x82B0];
	[tilespmem:s1+$0x18220] =	vst v56  }
0x265: {  	v62 =	vld [tilespmem:s1+$0x8300];
	[tilespmem:s1+$0x18230] =	vst v57  }
0x266: {  	v63 =	vld [tilespmem:s1+$0x8310];
	[tilespmem:s1+$0x18280] =	vst v58  }
0x267: {  	v32 =	vld [tilespmem:s1+$0x8320];
	[tilespmem:s1+$0x18290] =	vst v59  }
0x268: {  	v33 =	vld [tilespmem:s1+$0x8330];
	[tilespmem:s1+$0x182A0] =	vst v60  }
0x269: {  	v34 =	vld [tilespmem:s1+$0x8380];
	[tilespmem:s1+$0x182B0] =	vst v61  }
0x26a: {  	v35 =	vld [tilespmem:s1+$0x8390];
	[tilespmem:s1+$0x18300] =	vst v62  }
0x26b: {  	s10 =	simm.s32 $0x200;
	s6 =	simm.s32 $0x1000;
	v36 =	vld [tilespmem:s1+$0x83A0];
	[tilespmem:s1+$0x18310] =	vst v63  }
.LBB2_14:
0x26c: {  	p0 =	sne.s32 s6, $0xF800;
	v37 =	vld [tilespmem:s10+$0x83B0];
	[tilespmem:s1+$0x18320] =	vst v32  }
0x26d: {  	v32 =	vld [tilespmem:s10+$0x8200];
	[tilespmem:s1+$0x18330] =	vst v33  }
0x26e: {  	v33 =	vld [tilespmem:s10+$0x8210];
	[tilespmem:s1+$0x18380] =	vst v34  }
0x26f: {  	v34 =	vld [tilespmem:s10+$0x8220];
	[tilespmem:s1+$0x18390] =	vst v35  }
0x270: {  	v35 =	vld [tilespmem:s10+$0x8230];
	[tilespmem:s1+$0x183A0] =	vst v36;
	s1 =	smov.u32 s10  }
0x271: {  	v36 =	vld [tilespmem:s1+$0x8280];
	[tilespmem:s1+$0x183B0] =	vst v37  }
0x272: {  	[tilespmem:s1+$0x18200] =	vst v32;
	v32 =	vld [tilespmem:s1+$0x8290]  }
0x273: {  	[tilespmem:s1+$0x18210] =	vst v33;
	v33 =	vld [tilespmem:s1+$0x82A0]  }
0x274: {  	[tilespmem:s1+$0x18220] =	vst v34;
	v34 =	vld [tilespmem:s1+$0x82B0]  }
0x275: {  	[tilespmem:s1+$0x18230] =	vst v35;
	v35 =	vld [tilespmem:s1+$0x8300]  }
0x276: {  	[tilespmem:s1+$0x18280] =	vst v36;
	v36 =	vld [tilespmem:s1+$0x8310]  }
.Ltmp6:
0x277: {  	[tilespmem:s1+$0x18290] =	vst v32;
	v32 =	vld [tilespmem:s1+$0x8320];
	(pc) =	sbr.rel @p0 .LBB2_14-.Ltmp6, $4  }
0x278: {  	[tilespmem:s1+$0x182A0] =	vst v33;
	v33 =	vld [tilespmem:s1+$0x8330]  }
0x279: {  	[tilespmem:s1+$0x182B0] =	vst v34;
	v34 =	vld [tilespmem:s1+$0x8380]  }
0x27a: {  	[tilespmem:s1+$0x18300] =	vst v35;
	v35 =	vld [tilespmem:s1+$0x8390]  }
0x27b: {  	s10 =	sshra.s32 s6, $0x2;
	s6 =	sadd.s32 $0x800, s6;
	[tilespmem:s1+$0x18310] =	vst v36;
	v36 =	vld [tilespmem:s1+$0x83A0]  }
0x27c: {  	v37 =	vld [tilespmem:s10+$0x83B0];
	[tilespmem:s1+$0x18320] =	vst v32  }
0x27d: {  	v32 =	vld [tilespmem:s10+$0x8200];
	[tilespmem:s1+$0x18330] =	vst v33  }
0x27e: {  	v33 =	vld [tilespmem:s10+$0x8210];
	[tilespmem:s1+$0x18380] =	vst v34  }
0x27f: {  	v34 =	vld [tilespmem:s10+$0x8220];
	[tilespmem:s1+$0x18390] =	vst v35  }
0x280: {  	v35 =	vld [tilespmem:s10+$0x8230];
	[tilespmem:s1+$0x183A0] =	vst v36  }
0x281: {  	v36 =	vld [tilespmem:s10+$0x8280];
	[tilespmem:s10+$0x183B0] =	vst v37  }
0x282: {  	v43 =	vld [tilespmem:s10+$0x8290];
	[tilespmem:s10+$0x18200] =	vst v32  }
0x283: {  	v44 =	vld [tilespmem:s10+$0x82A0];
	[tilespmem:s10+$0x18210] =	vst v33  }
0x284: {  	v45 =	vld [tilespmem:s10+$0x82B0];
	[tilespmem:s10+$0x18220] =	vst v34  }
0x285: {  	v46 =	vld [tilespmem:s10+$0x8300];
	[tilespmem:s10+$0x18230] =	vst v35  }
0x286: {  	v47 =	vld [tilespmem:s10+$0x8310];
	[tilespmem:s10+$0x18280] =	vst v36  }
0x287: {  	v48 =	vld [tilespmem:s10+$0x8320];
	[tilespmem:s10+$0x18290] =	vst v43  }
0x288: {  	v49 =	vld [tilespmem:s10+$0x8330];
	[tilespmem:s10+$0x182A0] =	vst v44  }
0x289: {  	v50 =	vld [tilespmem:s10+$0x8380];
	[tilespmem:s10+$0x182B0] =	vst v45  }
0x28a: {  	v51 =	vld [tilespmem:s10+$0x8390];
	[tilespmem:s10+$0x18300] =	vst v46  }
0x28b: {  	v52 =	vld [tilespmem:s10+$0x83A0];
	[tilespmem:s10+$0x18310] =	vst v47  }
0x28c: {  	[tilespmem:s10+$0x18320] =	vst v48  }
0x28d: {  	[tilespmem:s10+$0x18330] =	vst v49  }
0x28e: {  	[tilespmem:s10+$0x18380] =	vst v50  }
0x28f: {  	[tilespmem:s10+$0x18390] =	vst v51  }
0x290: {  	s15 =	simm.s32 $0x0;
	s6 =	rddreg [dreg:$0x5];
	[tilespmem:s10+$0x183A0] =	vst v52  }
0x291: {  	[hbm4b:s6+s15] =	stream.linear.scatter [tilespmem:s28], [sflag:$0x4], $0x4000, $0x38;
	[tilespmem:$0x1C200] =	vst v63  }
0x292: {  	_ =	swait.ge [sflag:s29], $0x4000  }
0x293: {  	[sflag:s29] =	ssyncset.done $0x0  }
0x294: {  	[sflag:s29] =	ssyncadd.s32 $0xFFFFC000  }
0x295: {  	_ =	swait.ge [sflag:s29], $0x4000  }
0x296: {  	[sflag:s29] =	ssyncset.done $0x0  }
0x297: {  	[sflag:s29] =	ssyncadd.s32 $0xFFFFC000  }
0x298: {  	_ =	swait.ge [sflag:s30], $0x4000  }
0x299: {  	[sflag:s30] =	ssyncset.done $0x0  }
0x29a: {  	s1 =	simm.s32 $0x0;
	[sflag:s30] =	ssyncadd.s32 $0xFFFFC000  }
0x29b: {  	v53 =	vld [tilespmem:s1+$0xC3B0]  }
0x29c: {  	v54 =	vld [tilespmem:s1+$0xC200]  }
0x29d: {  	v55 =	vld [tilespmem:s1+$0xC210]  }
0x29e: {  	v56 =	vld [tilespmem:s1+$0xC220]  }
0x29f: {  	v57 =	vld [tilespmem:s1+$0xC230]  }
0x2a0: {  	v58 =	vld [tilespmem:s1+$0xC280];
	[tilespmem:s1+$0x143B0] =	vst v53  }
0x2a1: {  	v59 =	vld [tilespmem:s1+$0xC290];
	[tilespmem:s1+$0x14200] =	vst v54  }
0x2a2: {  	v60 =	vld [tilespmem:s1+$0xC2A0];
	[tilespmem:s1+$0x14210] =	vst v55  }
0x2a3: {  	v61 =	vld [tilespmem:s1+$0xC2B0];
	[tilespmem:s1+$0x14220] =	vst v56  }
0x2a4: {  	v62 =	vld [tilespmem:s1+$0xC300];
	[tilespmem:s1+$0x14230] =	vst v57  }
0x2a5: {  	v63 =	vld [tilespmem:s1+$0xC310];
	[tilespmem:s1+$0x14280] =	vst v58  }
0x2a6: {  	v32 =	vld [tilespmem:s1+$0xC320];
	[tilespmem:s1+$0x14290] =	vst v59  }
0x2a7: {  	v33 =	vld [tilespmem:s1+$0xC330];
	[tilespmem:s1+$0x142A0] =	vst v60  }
0x2a8: {  	v34 =	vld [tilespmem:s1+$0xC380];
	[tilespmem:s1+$0x142B0] =	vst v61  }
0x2a9: {  	v35 =	vld [tilespmem:s1+$0xC390];
	[tilespmem:s1+$0x14300] =	vst v62  }
0x2aa: {  	s10 =	simm.s32 $0x200;
	s6 =	simm.s32 $0x1000;
	v36 =	vld [tilespmem:s1+$0xC3A0];
	[tilespmem:s1+$0x14310] =	vst v63  }
.LBB2_16:
0x2ab: {  	p0 =	sne.s32 s6, $0xF800;
	v37 =	vld [tilespmem:s10+$0xC3B0];
	[tilespmem:s1+$0x14320] =	vst v32  }
0x2ac: {  	v32 =	vld [tilespmem:s10+$0xC200];
	[tilespmem:s1+$0x14330] =	vst v33  }
0x2ad: {  	v33 =	vld [tilespmem:s10+$0xC210];
	[tilespmem:s1+$0x14380] =	vst v34  }
0x2ae: {  	v34 =	vld [tilespmem:s10+$0xC220];
	[tilespmem:s1+$0x14390] =	vst v35  }
0x2af: {  	v35 =	vld [tilespmem:s10+$0xC230];
	[tilespmem:s1+$0x143A0] =	vst v36;
	s1 =	smov.u32 s10  }
0x2b0: {  	v36 =	vld [tilespmem:s1+$0xC280];
	[tilespmem:s1+$0x143B0] =	vst v37  }
0x2b1: {  	[tilespmem:s1+$0x14200] =	vst v32;
	v32 =	vld [tilespmem:s1+$0xC290]  }
0x2b2: {  	[tilespmem:s1+$0x14210] =	vst v33;
	v33 =	vld [tilespmem:s1+$0xC2A0]  }
0x2b3: {  	[tilespmem:s1+$0x14220] =	vst v34;
	v34 =	vld [tilespmem:s1+$0xC2B0]  }
0x2b4: {  	[tilespmem:s1+$0x14230] =	vst v35;
	v35 =	vld [tilespmem:s1+$0xC300]  }
0x2b5: {  	[tilespmem:s1+$0x14280] =	vst v36;
	v36 =	vld [tilespmem:s1+$0xC310]  }
.Ltmp7:
0x2b6: {  	[tilespmem:s1+$0x14290] =	vst v32;
	v32 =	vld [tilespmem:s1+$0xC320];
	(pc) =	sbr.rel @p0 .LBB2_16-.Ltmp7, $4  }
0x2b7: {  	[tilespmem:s1+$0x142A0] =	vst v33;
	v33 =	vld [tilespmem:s1+$0xC330]  }
0x2b8: {  	[tilespmem:s1+$0x142B0] =	vst v34;
	v34 =	vld [tilespmem:s1+$0xC380]  }
0x2b9: {  	[tilespmem:s1+$0x14300] =	vst v35;
	v35 =	vld [tilespmem:s1+$0xC390]  }
0x2ba: {  	s10 =	sshra.s32 s6, $0x2;
	s6 =	sadd.s32 $0x800, s6;
	[tilespmem:s1+$0x14310] =	vst v36;
	v36 =	vld [tilespmem:s1+$0xC3A0]  }
0x2bb: {  	v37 =	vld [tilespmem:s10+$0xC3B0];
	[tilespmem:s1+$0x14320] =	vst v32  }
0x2bc: {  	v32 =	vld [tilespmem:s10+$0xC200];
	[tilespmem:s1+$0x14330] =	vst v33  }
0x2bd: {  	v33 =	vld [tilespmem:s10+$0xC210];
	[tilespmem:s1+$0x14380] =	vst v34  }
0x2be: {  	v34 =	vld [tilespmem:s10+$0xC220];
	[tilespmem:s1+$0x14390] =	vst v35  }
0x2bf: {  	v35 =	vld [tilespmem:s10+$0xC230];
	[tilespmem:s1+$0x143A0] =	vst v36  }
0x2c0: {  	v36 =	vld [tilespmem:s10+$0xC280];
	[tilespmem:s10+$0x143B0] =	vst v37  }
0x2c1: {  	v43 =	vld [tilespmem:s10+$0xC290];
	[tilespmem:s10+$0x14200] =	vst v32  }
0x2c2: {  	v44 =	vld [tilespmem:s10+$0xC2A0];
	[tilespmem:s10+$0x14210] =	vst v33  }
0x2c3: {  	v45 =	vld [tilespmem:s10+$0xC2B0];
	[tilespmem:s10+$0x14220] =	vst v34  }
0x2c4: {  	v46 =	vld [tilespmem:s10+$0xC300];
	[tilespmem:s10+$0x14230] =	vst v35  }
0x2c5: {  	v47 =	vld [tilespmem:s10+$0xC310];
	[tilespmem:s10+$0x14280] =	vst v36  }
0x2c6: {  	v48 =	vld [tilespmem:s10+$0xC320];
	[tilespmem:s10+$0x14290] =	vst v43  }
0x2c7: {  	v49 =	vld [tilespmem:s10+$0xC330];
	[tilespmem:s10+$0x142A0] =	vst v44  }
0x2c8: {  	v50 =	vld [tilespmem:s10+$0xC380];
	[tilespmem:s10+$0x142B0] =	vst v45  }
0x2c9: {  	v51 =	vld [tilespmem:s10+$0xC390];
	[tilespmem:s10+$0x14300] =	vst v46  }
0x2ca: {  	v52 =	vld [tilespmem:s10+$0xC3A0];
	[tilespmem:s10+$0x14310] =	vst v47  }
0x2cb: {  	[tilespmem:s10+$0x14320] =	vst v48  }
0x2cc: {  	[tilespmem:s10+$0x14330] =	vst v49  }
0x2cd: {  	[tilespmem:s10+$0x14380] =	vst v50  }
0x2ce: {  	[tilespmem:s10+$0x14390] =	vst v51  }
0x2cf: {  	s15 =	simm.s32 $0x0;
	s6 =	rddreg [dreg:$0x6];
	[tilespmem:s10+$0x143A0] =	vst v52  }
0x2d0: {  	[hbm4b:s6+s15] =	stream.linear.scatter [tilespmem:s26], [sflag:$0x3], $0x4000, $0x38;
	[tilespmem:$0x1C200] =	vst v63  }
0x2d1: {  	_ =	swait.ge [sflag:s31], $0x4000  }
0x2d2: {  	[sflag:s31] =	ssyncset.done $0x0  }
0x2d3: {  	s1 =	simm.s32 $0x0;
	[sflag:s31] =	ssyncadd.s32 $0xFFFFC000  }
0x2d4: {  	v53 =	vld [tilespmem:s1+$0x103B0]  }
0x2d5: {  	v54 =	vld [tilespmem:s1+$0x10200]  }
0x2d6: {  	v55 =	vld [tilespmem:s1+$0x10210]  }
0x2d7: {  	v56 =	vld [tilespmem:s1+$0x10220]  }
0x2d8: {  	v57 =	vld [tilespmem:s1+$0x10230]  }
0x2d9: {  	v58 =	vld [tilespmem:s1+$0x10280];
	[tilespmem:s1+$0x183B0] =	vst v53  }
0x2da: {  	v59 =	vld [tilespmem:s1+$0x10290];
	[tilespmem:s1+$0x18200] =	vst v54  }
0x2db: {  	v60 =	vld [tilespmem:s1+$0x102A0];
	[tilespmem:s1+$0x18210] =	vst v55  }
0x2dc: {  	v61 =	vld [tilespmem:s1+$0x102B0];
	[tilespmem:s1+$0x18220] =	vst v56  }
0x2dd: {  	v62 =	vld [tilespmem:s1+$0x10300];
	[tilespmem:s1+$0x18230] =	vst v57  }
0x2de: {  	v63 =	vld [tilespmem:s1+$0x10310];
	[tilespmem:s1+$0x18280] =	vst v58  }
0x2df: {  	v32 =	vld [tilespmem:s1+$0x10320];
	[tilespmem:s1+$0x18290] =	vst v59  }
0x2e0: {  	v33 =	vld [tilespmem:s1+$0x10330];
	[tilespmem:s1+$0x182A0] =	vst v60  }
0x2e1: {  	v34 =	vld [tilespmem:s1+$0x10380];
	[tilespmem:s1+$0x182B0] =	vst v61  }
0x2e2: {  	v35 =	vld [tilespmem:s1+$0x10390];
	[tilespmem:s1+$0x18300] =	vst v62  }
0x2e3: {  	s10 =	simm.s32 $0x200;
	s6 =	simm.s32 $0x1000;
	v36 =	vld [tilespmem:s1+$0x103A0];
	[tilespmem:s1+$0x18310] =	vst v63  }
.LBB2_18:
0x2e4: {  	p0 =	sne.s32 s6, $0xF800;
	v37 =	vld [tilespmem:s10+$0x103B0];
	[tilespmem:s1+$0x18320] =	vst v32  }
0x2e5: {  	v32 =	vld [tilespmem:s10+$0x10200];
	[tilespmem:s1+$0x18330] =	vst v33  }
0x2e6: {  	v33 =	vld [tilespmem:s10+$0x10210];
	[tilespmem:s1+$0x18380] =	vst v34  }
0x2e7: {  	v34 =	vld [tilespmem:s10+$0x10220];
	[tilespmem:s1+$0x18390] =	vst v35  }
0x2e8: {  	v35 =	vld [tilespmem:s10+$0x10230];
	[tilespmem:s1+$0x183A0] =	vst v36;
	s1 =	smov.u32 s10  }
0x2e9: {  	v36 =	vld [tilespmem:s1+$0x10280];
	[tilespmem:s1+$0x183B0] =	vst v37  }
0x2ea: {  	[tilespmem:s1+$0x18200] =	vst v32;
	v32 =	vld [tilespmem:s1+$0x10290]  }
0x2eb: {  	[tilespmem:s1+$0x18210] =	vst v33;
	v33 =	vld [tilespmem:s1+$0x102A0]  }
0x2ec: {  	[tilespmem:s1+$0x18220] =	vst v34;
	v34 =	vld [tilespmem:s1+$0x102B0]  }
0x2ed: {  	[tilespmem:s1+$0x18230] =	vst v35;
	v35 =	vld [tilespmem:s1+$0x10300]  }
0x2ee: {  	[tilespmem:s1+$0x18280] =	vst v36;
	v36 =	vld [tilespmem:s1+$0x10310]  }
.Ltmp8:
0x2ef: {  	[tilespmem:s1+$0x18290] =	vst v32;
	v32 =	vld [tilespmem:s1+$0x10320];
	(pc) =	sbr.rel @p0 .LBB2_18-.Ltmp8, $4  }
0x2f0: {  	[tilespmem:s1+$0x182A0] =	vst v33;
	v33 =	vld [tilespmem:s1+$0x10330]  }
0x2f1: {  	[tilespmem:s1+$0x182B0] =	vst v34;
	v34 =	vld [tilespmem:s1+$0x10380]  }
0x2f2: {  	[tilespmem:s1+$0x18300] =	vst v35;
	v35 =	vld [tilespmem:s1+$0x10390]  }
0x2f3: {  	s10 =	sshra.s32 s6, $0x2;
	s6 =	sadd.s32 $0x800, s6;
	[tilespmem:s1+$0x18310] =	vst v36;
	v36 =	vld [tilespmem:s1+$0x103A0]  }
0x2f4: {  	v37 =	vld [tilespmem:s10+$0x103B0];
	[tilespmem:s1+$0x18320] =	vst v32  }
0x2f5: {  	v32 =	vld [tilespmem:s10+$0x10200];
	[tilespmem:s1+$0x18330] =	vst v33  }
0x2f6: {  	v33 =	vld [tilespmem:s10+$0x10210];
	[tilespmem:s1+$0x18380] =	vst v34  }
0x2f7: {  	v34 =	vld [tilespmem:s10+$0x10220];
	[tilespmem:s1+$0x18390] =	vst v35  }
0x2f8: {  	v35 =	vld [tilespmem:s10+$0x10230];
	[tilespmem:s1+$0x183A0] =	vst v36  }
0x2f9: {  	v36 =	vld [tilespmem:s10+$0x10280];
	[tilespmem:s10+$0x183B0] =	vst v37  }
0x2fa: {  	v54 =	vld [tilespmem:s10+$0x10290];
	[tilespmem:s10+$0x18200] =	vst v32  }
0x2fb: {  	v55 =	vld [tilespmem:s10+$0x102A0];
	[tilespmem:s10+$0x18210] =	vst v33  }
0x2fc: {  	v56 =	vld [tilespmem:s10+$0x102B0];
	[tilespmem:s10+$0x18220] =	vst v34  }
0x2fd: {  	v57 =	vld [tilespmem:s10+$0x10300];
	[tilespmem:s10+$0x18230] =	vst v35  }
0x2fe: {  	v58 =	vld [tilespmem:s10+$0x10310];
	[tilespmem:s10+$0x18280] =	vst v36  }
0x2ff: {  	v59 =	vld [tilespmem:s10+$0x10320];
	[tilespmem:s10+$0x18290] =	vst v54  }
0x300: {  	v60 =	vld [tilespmem:s10+$0x10330];
	[tilespmem:s10+$0x182A0] =	vst v55  }
0x301: {  	v61 =	vld [tilespmem:s10+$0x10380];
	[tilespmem:s10+$0x182B0] =	vst v56  }
0x302: {  	v62 =	vld [tilespmem:s10+$0x10390];
	[tilespmem:s10+$0x18300] =	vst v57  }
0x303: {  	v63 =	vld [tilespmem:s10+$0x103A0];
	[tilespmem:s10+$0x18310] =	vst v58  }
0x304: {  	[tilespmem:s10+$0x18320] =	vst v59  }
0x305: {  	[tilespmem:s10+$0x18330] =	vst v60  }
0x306: {  	[tilespmem:s10+$0x18380] =	vst v61  }
0x307: {  	[tilespmem:s10+$0x18390] =	vst v62  }
0x308: {  	s14 =	rddreg [dreg:$0x7];
	[tilespmem:s10+$0x183A0] =	vst v63  }
0x309: {  	[hbm4b:s14+s2] =	stream.linear.scatter [tilespmem:s28], [sflag:$0x4], $0x4000, $0x38;
	[tilespmem:$0x1C200] =	vst v63  }
0x30a: {  	_ =	swait.ge [sflag:s30], $0x4000  }
0x30b: {  	[sflag:s30] =	ssyncset.done $0x0  }
0x30c: {  	[sflag:s30] =	ssyncadd.s32 $0xFFFFC000  }
0x30d: {  	_ =	swait.ge [sflag:s31], $0x4000  }
0x30e: {  	s0 =	sadd.s32 $0x1, s0;
	s15 =	rddreg [dreg:$0x8]  }
0x30f: {  	p0 =	sne.s32 s0, s15  }
.Ltmp9:
0x310: {  	_ = 	snop;
	(pc) =	sbr.rel @p0 .LBB2_1-.Ltmp9, $3  }
0x311: {  	_ =	sdelay $0x1  }
0x312: {  	[sflag:s31] =	ssyncset.done $0x0  }
0x313: {  	[sflag:s31] =	ssyncadd.s32 $0xFFFFC000  }
0x314: {  	_ =	sfence.sel $0x180000  }
0x315: {  	[bflag:$0x0] =	sbarrier.arrive $0xFFFF  }
0x316: {  	_ =	strace $0x90000047  }
0x317: {  	s0 =	stileid.u32;
	[bflag:$0x2] =	sbarrier.arrive $0xFFFF  }
0x318: {  	p0 =	sne.s32 s0, $0x0;
	s0 =	rddreg [dreg:$0x2]  }
0x319: {  	s0 =	sadd.s32 @!p0 $0x100000, s0  }
0x31a: {  	[sflag:s0] =	ssyncadd.tile.s32 @!p0 $0x1;
	_ =	shalt  }
.Lfunc_end2:
_tile_overlayer_lowered:
.L_overlay_start_2:
0x31b: {  	(tag) =	ssettag $0x2  }
0x31c: {  	s0 =	rddreg [dreg:$0x0];
	s2 =	stileid.u32  }
0x31d: {  	s1 =	rddreg [dreg:$0x1];
	p0 =	sne.s32 s2, $0x0  }
0x31e: {  	s3 =	rddreg [dreg:$0x2];
	[bflag:$0x3] =	sbarrier.arrive $0xFFFF;
	s2 =	simm.s32 @!p0 $0x1C05  }
0x31f: {  	[timem:s3], [sflag:s2] =	dma.local @!p0 [hbm:s0], s1  }
0x320: {  	s0 =	simm.s32 @!p0 $0x5  }
0x321: {  	_ =	swait.ge @!p0 [sflag:s0], s1  }
0x322: {  	s1 =	ssub.s32 @!p0 $0x0, s1;
	[sflag:s0] =	ssyncset.done @!p0 $0x0  }
0x323: {  	[sflag:s0] =	ssyncadd.s32 @!p0 s1  }
0x324: {  	[bflag:$0x3] =	sbarrier.arrive $0xFFFF  }
0x325: {  	_ =	shalt  }

// kernel: sparse-core-data-format-call.cloned.1.call-start
scs
called_computation_lowered:
.L_overlay_start_0:
0x0: {  	s2 =	sld [smem:$0x3FD9]  }
0x1: {  	s3 =	sld [smem:$0x3FFE];
	_ =	sdelay $0x1  }
0x2: {  	s1 =	srdreg.scid  }
0x3: {  	s0 =	sand.u32 $0x1, s1  }
0x4: {  	s18 =	sshll.u32 s0, $0xA;
	s2 =	sadd.s32 s3, s2  }
0x5: {  	s2 =	sadd.s32 s2, s18  }
0x6: {  	[smem:$0x3FC6] =	sst s2  }
0x7: {  	_ = 	snop  }
0x8: {  	s2 =	sld [smem:$0x3FD0];
	(tm) =	ssettm $0x1  }
0x9: {  	s19 =	sld [smem:$0x3FFB];
	_ =	sdelay $0x3  }
0xa: {  	_ =	strace s19  }
0xb: {  	s3 =	sld [smem:$0x3FFC];
	_ =	sdelay $0x3  }
0xc: {  	_ =	strace s3  }
0xd: {  	s3 =	sld [smem:$0x3FFD];
	_ =	sdelay $0x3  }
0xe: {  	_ =	strace s3  }
0xf: {  	_ =	strace $0x8FFFFFFF  }
0x10: {  	s20 =	sld [smem:$0x3FDB];
	_ =	sdelay $0x1  }
0x11: {  	s4 =	simm.s32 $_scs_section_size  }
0x12: {  	s5 =	simm.s32 $_size__tile_overlayer_lowered;
	s6 =	simm.s32 $_tile_overlayer_lowered  }
0x13: {  	s23 =	simm.s32 $0x1BFF;
	s22 =	sshll.u32 s6, $0x1;
	s3 =	sadd.s32 s4, s20  }
0x14: {  	s7 =	simm.s32 $0x0;
	s21 =	sshll.u32 s5, $0x1;
	s5 =	sadd.s32 s22, s3  }
0x15: {  	[timem:s7], [sflag:s23] =	dma.local [hbm:s5], s21  }
0x16: {  	_ =	swait.ge [sflag:s23], s21  }
0x17: {  	s4 =	ssub.s32 $0x0, s21;
	[sflag:s23] =	ssyncset.done $0x0  }
0x18: {  	[sflag:s23] =	ssyncadd.s32 s4;
	_ =	sdelay $0x1  }
0x19: {  	s24 =	simm.s32 $0x1B8B  }
0x1a: {  	_ =	swait.ge [sflag:s24], $0x1  }
0x1b: {  	[sflag:s24] =	ssyncset.done $0x0  }
0x1c: {  	s26 =	simm.s32 $0x1B8E;
	s25 =	sld [smem:$0x3FFE];
	[sflag:s24] =	ssyncadd.s32 $0xFFFFFFFF  }
0x1d: {  	s27 =	simm.s32 $execute0_lowered;
	[smem:$0x3FD2] =	sst s26  }
0x1e: {  	s5 =	sshll.u32 s27, $0x1;
	_ =	strace $0x80000049;
	[dreg:$0x1] =	wrdreg $0xFFFFFFFF  }
0x1f: {  	s28 =	simm.s32 $_size_execute0_lowered;
	s3 =	sadd.s32 s3, s5;
	[dreg:$0x0] =	wrdreg $0x0  }
0x20: {  	s5 =	sshll.u32 s28, $0x1;
	[dreg:$0x2] =	wrdreg s3  }
0x21: {  	[dreg:$0x3] =	wrdreg s5  }
0x22: {  	[dreg:$0x4] =	wrdreg $0xC0  }
0x23: {  	_ =	task [dreg:s7], $0x5FFFF  }
0x24: {  	[dreg:$0x1] =	wrdreg $0xFFFFFFFF  }
0x25: {  	[dreg:$0x0] =	wrdreg $0x60  }
0x26: {  	[dreg:$0x2] =	wrdreg s25  }
0x27: {  	[dreg:$0x3] =	wrdreg s2  }
0x28: {  	[dreg:$0x4] =	wrdreg $0x9  }
0x29: {  	_ =	task.clear_ibuf [dreg:s7], $0x5FFFF;
	_ =	strace $0x90000049  }
0x2a: {  	s29 =	simm.s32 $0x9;
	_ =	strace $0x8000004B  }
0x2b: {  	_ =	swait.ge [sflag:s29], $0x1  }
0x2c: {  	[sflag:s29] =	ssyncadd.s32 $0xFFFFFFFF  }
0x2d: {  	_ =	strace $0x9000004B  }
0x2e: {  	_ =	sfence  }
0x2f: {  	s30 =	sld [smem:$0x0];
	_ =	sdelay $0x2  }
0x30: {  	s31 =	sshll.u32 s1, $0xD;
	s1 =	sshrl.u32 s1, $0x2  }
0x31: {  	s3 =	sand.u32 $0x4000, s31;
	s1 =	sadd.s32 s1, s30  }
0x32: {  	s0 =	sor.u32 s3, s0;
	s1 =	sshll.u32 s1, $0x11  }
0x33: {  	s0 =	sor.u32 s1, s0  }
0x34: {  	s0 =	sadd.s32 $0x8F2B, s0  }
0x35: {  	[sflag:s0] =	ssyncadd.remote.s32 $0x1  }
0x36: {  	_ =	sfence.sel $0xFFFF  }
0x37: {  	[dreg:$0x0] =	wrdreg $0xFFFFFFFF;
	(pc) =	sbr.abs _section_cstart, $3  }
0x38: {  	[dreg:$0x1] =	wrdreg $0xFFFFFFFF  }
0x39: {  	_ =	task.clear_ibuf [dreg:s7], $0x2FFFF;
	_ =	strace $0x9FFFFFFF  }
0x3a: {  	(tm) =	ssettm $0x7FFFFFFF  }
0x3b: {  	_ =	shalt  }
tec
execute0_lowered:
.L_overlay_start_1:
0x0: {  	(tag) =	ssettag $0x1  }
0x1: {  	s0 =	srdreg.scid  }
0x2: {  	s1 =	sshll.u32 s0, $0x4  }
0x3: {  	s0 =	stileid.u32;
	s1 =	sand.u32 $0x10, s1  }
0x4: {  	s1 =	sor.u32 s0, s1  }
0x5: {  	s6 =	rddreg [dreg:$0x0];
	s4 =	simm.s32 $0x1;
	s2 =	sshll.u32 s1, $0x7  }
0x6: {  	s7 =	simm.s32 $0x2;
	s12 =	simm.s32 $0x0;
	s1 =	ssub.s32 $0x1000, s2  }
0x7: {  	s8 =	simm.s32 $0x8000;
	s13 =	simm.s32 $0x0;
	s3 =	sand.u32 $0xF80, s1  }
0x8: {  	s9 =	simm.s32 $0x0;
	s5 =	sshrl.u32 s1, $0xC;
	p0 =	sne.s32 s3, $0x0  }
.Ltmp0:
0x9: {  	s1 =	rddreg [dreg:$0x2];
	s4 =	simm.s32 @!p0 $0x0;
	(pc) =	sbr.rel .LBB1_1-.Ltmp0, $4  }
0xa: {  	s11 =	simm.s32 $0x0;
	s3 =	rddreg [dreg:$0x1];
	s5 =	sadd.s32 s4, s5  }
0xb: {  	_ =	strace $0x8000004A;
	s4 =	simm.s32 $0x1;
	s5 =	smul.u32 $0xC8, s5  }
0xc: {  	s6 =	sadd.s32 $0xA00, s6;
	s10 =	smov.u32 s2;
	[sflag:s4] =	ssyncpa.u1 $0x0  }
0xd: {  	p0 =	por $0x0, $0x0;
	[sflag:s7] =	ssyncpa.u1 $0x0;
	s7 =	sor.u32 $0x1, s5  }
.LBB1_4:
0xe: {  	s16 =	sshll.u32 s13, $0x3;
	s17 =	sand.u32 $0x78, s13  }
0xf: {  	s30 =	sand.u32 $0x7E00, s13;
	s12 =	sshll.u32 s12, $0xF;
	s16 =	sand.u32 $0xC00, s16  }
0x10: {  	[tilespmem:s15+$0x810 ss:$0x81] =	vst.msk $0xffff, v2;
	s31 =	sand.u32 $0x7, s13;
	s16 =	sor.u32 s17, s16;
	s17 =	sadd.s32 s3, s30  }
0x11: {  	[tilespmem:s15+$0x1020 ss:$0x81] =	vst.msk $0xffff, v0;
	s13 =	sshll.u32 s31, $0x12;
	s12 =	sadd.s32 s12, s17;
	s16 =	sshrl.u32 s16, $0x3  }
0x12: {  	[tilespmem:s15+$0x0 ss:$0x81] =	vst.msk $0xffff, v1;
	s13 =	sor.u32 $0x400, s13;
	s12 =	sadd.s32 s16, s12  }
0x13: {  	[hbm4b:s12+s13] =	stream.strided.scatter [tilespmem:s14], [sflag:$0x2], $0x2000, s8, s13, $0x20;
	[tilespmem:$0x8080] =	vst v63  }
.LBB1_5:
0x14: {  	s14 =	sadd.s32 $0x1, s9  }
0x15: {  	s12 =	sadd.s32 $0x1000, s10;
	s16 =	smov.u32 s10;
	p2 =	sgt.s32 s14, $0xC7  }
0x16: {  	s16 =	smov.u32 @p2 s12  }
0x17: {  	s14 =	simm.s32 @p2 $0x0;
	p2 =	sgt.s32 s16, $0xFFF  }
0x18: {  	s16 =	smov.u32 @p2 s2;
	p2 =	sne.s32 s11, s7  }
.Ltmp1:
0x19: {  	p1 =	slt.u32 s11, $0x2;
	(pc) =	sbr.rel @!p2 .LBB1_6-.Ltmp1, $4  }
0x1a: {  	s15 =	simm.s32 @!p1 $0x2  }
0x1b: {  	s13 =	smov.u32 s10;
	p0 =	por !p0, !p0;
	_ =	swait.ge @!p1 [sflag:s15], $0x2000  }
0x1c: {  	s12 =	smov.u32 s9;
	[sflag:s15] =	ssyncset.done @!p1 $0x0;
	s9 =	smov.u32 s14  }
0x1d: {  	s11 =	sadd.s32 $0x1, s11;
	[sflag:s15] =	ssyncadd.s32 @!p1 $0xFFFFE000;
	s10 =	smov.u32 s16  }
.LBB1_1:
0x1e: {  	p1 =	sge.u32 s11, s5  }
0x1f: {  	s14 =	sand.u32 @!p1 $0x1FFFFFF, s9  }
0x20: {  	s15 =	smulhi.u32 @!p1 $0x147AE15, s14;
	_ =	sdelay $0x1  }
0x21: {  	s15 =	smul.u32 @!p1 $0xC8, s15  }
0x22: {  	s16 =	sxor.u32 @!p1 $0xFFFFFFFF, s11;
	s17 =	smul.u32 @!p1 $0xC80, s10  }
0x23: {  	s31 =	sadd.s32 $0xFFFFFFFF, s11;
	s16 =	sshll.u32 @!p1 s16, $0xD;
	s14 =	ssub.s32 @!p1 s14, s15  }
0x24: {  	s15 =	sand.u32 @!p1 $0x2000, s16;
	s16 =	sadd.s32 @!p1 s6, s17;
	s14 =	sshll.u32 @!p1 s14, $0x4  }
0x25: {  	s17 =	simm.s32 @!p1 $0x6400;
	s14 =	sadd.s32 @!p1 s14, s16;
	s16 =	simm.s32 @!p1 $0x40  }
0x26: {  	[tilespmem:s15], [sflag:$0x1] =	stream.strided.gather @!p1 [hbm4b:s14+s16], $0x2000, s17, s16, $0x38;
	[tilespmem:$0x8080] =	vst v63  }
0x27: {  	p1 =	sge.u32 s31, s5  }
.Ltmp2:
0x28: {  	_ = 	snop;
	(pc) =	sbr.rel @p1 .LBB1_5-.Ltmp2, $1  }
0x29: {  	_ =	sdelay $0x3  }
0x2a: {  	s14 =	simm.s32 $0x1  }
0x2b: {  	_ =	swait.ge [sflag:s4], $0x2000;
	s14 =	simm.s32 @!p0 $0x0  }
0x2c: {  	[sflag:s4] =	ssyncset.done $0x0;
	s15 =	sshll.u32 s14, $0xD  }
0x2d: {  	[sflag:s4] =	ssyncadd.s32 $0xFFFFE000;
	s18 =	sor.u32 $0x20, s15  }
0x2e: {  	s14 =	smul.u32 $0x8100, s14;
	v3 =	vld [tilespmem:s18+$0x10]  }
0x2f: {  	s30 =	sand.u32 $0x1, s11;
	v2 =	vld [tilespmem:s18+$0xFFFFFFF0]  }
0x30: {  	s15 =	smul.u32 $0x8100, s30;
	s14 =	sshrl.u32 s14, $0x2;
	v0 =	vld [tilespmem:s18+$0x0]  }
0x31: {  	v1 =	vld [tilespmem:s18+$0xFFFFFFE0];
	s16 =	sor.u32 $0x4000, s14  }
0x32: {  	s31 =	sshrl.u32 s15, $0x2;
	s15 =	sadd.s32 $0x0, s16  }
0x33: {  	s17 =	simm.s32 $0x4;
	s18 =	sadd.s32 $0x40, s18;
	s14 =	sor.u32 $0x4000, s31;
	[tilespmem:s15+$0x1830 ss:$0x81] =	vst.msk $0xffff, v3  }
.LBB1_3:
0x34: {  	v3 =	vld [tilespmem:s18+$0x10];
	p1 =	sne.s32 s17, $0x1FC;
	[tilespmem:s15+$0x810 ss:$0x81] =	vst.msk $0xffff, v2;
	s19 =	smov.u32 s17;
	s17 =	sadd.s32 $0x4, s17  }
.Ltmp3:
0x35: {  	v2 =	vld [tilespmem:s18+$0xFFFFFFF0];
	[tilespmem:s15+$0x1020 ss:$0x81] =	vst.msk $0xffff, v0;
	(pc) =	sbr.rel @p1 .LBB1_3-.Ltmp3, $4  }
0x36: {  	v0 =	vld [tilespmem:s18+$0x0];
	[tilespmem:s15+$0x0 ss:$0x81] =	vst.msk $0xffff, v1  }
0x37: {  	s15 =	sshra.s32 s19, $0x2;
	v1 =	vld [tilespmem:s18+$0xFFFFFFE0]  }
0x38: {  	s15 =	sadd.s32 s15, s16  }
0x39: {  	s18 =	sadd.s32 $0x40, s18;
	[tilespmem:s15+$0x1830 ss:$0x81] =	vst.msk $0xffff, v3  }
.Ltmp4:
0x3a: {  	_ = 	snop;
	(pc) =	sbr.rel .LBB1_4-.Ltmp4, $1  }
0x3b: {  	_ =	sdelay $0x3  }
.LBB1_6:
0x3c: {  	_ =	sfence.sel $0x180000  }
0x3d: {  	s2 =	simm.s32 $0x1;
	[bflag:$0x0] =	sbarrier.arrive $0xFFFF  }
0x3e: {  	s31 =	simm.s32 $0x2;
	[sflag:s2] =	ssyncpa.u1 $0x1  }
0x3f: {  	[sflag:s31] =	ssyncpa.u1 $0x1  }
0x40: {  	p0 =	sne.s32 s0, $0x0;
	_ =	strace $0x9000004A  }
0x41: {  	s0 =	sadd.s32 @!p0 $0x100000, s1;
	[bflag:$0x2] =	sbarrier.arrive $0xFFFF  }
0x42: {  	[sflag:s0] =	ssyncadd.tile.s32 @!p0 $0x1;
	_ =	shalt  }
.Lfunc_end1:
_tile_overlayer_lowered:
.L_overlay_start_2:
0x43: {  	(tag) =	ssettag $0x2  }
0x44: {  	s0 =	rddreg [dreg:$0x0];
	s2 =	stileid.u32  }
0x45: {  	s1 =	rddreg [dreg:$0x1];
	p0 =	sne.s32 s2, $0x0  }
0x46: {  	s3 =	rddreg [dreg:$0x2];
	[bflag:$0x3] =	sbarrier.arrive $0xFFFF;
	s2 =	simm.s32 @!p0 $0x1C01  }
0x47: {  	[timem:s3], [sflag:s2] =	dma.local @!p0 [hbm:s0], s1  }
0x48: {  	s0 =	simm.s32 @!p0 $0x1  }
0x49: {  	_ =	swait.ge @!p0 [sflag:s0], s1  }
0x4a: {  	s1 =	ssub.s32 @!p0 $0x0, s1;
	[sflag:s0] =	ssyncset.done @!p0 $0x0  }
0x4b: {  	[sflag:s0] =	ssyncadd.s32 @!p0 s1  }
0x4c: {  	[bflag:$0x3] =	sbarrier.arrive $0xFFFF  }
0x4d: {  	_ =	shalt  }

</sc_bundles>
